<compile_context>
chip_gen: v7x
topology: tpu7x:2x2x1
jax: 0.10.2.dev20260603
libtpu: 0.0.44.dev20260713+nightly
codegen_flags: <defaults>
</compile_context>

<pallas_src>
import functools

import jax
import jax.numpy as jnp
from jax import lax
from jax.experimental import pallas as pl
from jax.experimental.pallas import tpu as pltpu
from jax.experimental.pallas import tpu_sc as plsc

N_EMB = 100000
EMB_DIM = 128
N_HASHES = 4
B = 1024
L = 200

N_TOK = B * L
NC, NS, LANES = 2, 16, 16
NW = NC * NS
BB = B // 128
NGRP = L * BB
GRP_PER_W = NGRP // NW
T = 32
Q = 128 // T
NBUF = 4
ZROWS_PER_W = GRP_PER_W * N_HASHES


@functools.partial(
    pl.kernel,
    out_type=jax.ShapeDtypeStruct((N_TOK, EMB_DIM), jnp.float32),
    mesh=plsc.VectorSubcoreMesh(
        core_axis_name="c", subcore_axis_name="s", num_cores=NC,
        num_subcores=NS),
    scratch_types=[
        pltpu.VMEM((ZROWS_PER_W, 128), jnp.int32),
        pltpu.VMEM((NBUF, N_HASHES * T, EMB_DIM), jnp.float32),
        pltpu.VMEM((NBUF, T, EMB_DIM), jnp.float32),
        pltpu.VMEM((NBUF, T), jnp.int32),
        pltpu.SemaphoreType.DMA,
        pltpu.SemaphoreType.DMA,
        pltpu.SemaphoreType.DMA,
        pltpu.SemaphoreType.DMA,
        pltpu.SemaphoreType.DMA,
        pltpu.SemaphoreType.DMA,
        pltpu.SemaphoreType.DMA,
        pltpu.SemaphoreType.DMA,
    ],
)
def _bloom_sum(z_hbm, table_hbm, out_hbm, idx_v, rows_v, out_v, offs_v,
               g0s, g1s, g2s, g3s, s0s, s1s, s2s, s3s):
    wid = lax.axis_index("s") * NC + lax.axis_index("c")
    pltpu.sync_copy(z_hbm.at[pl.ds(wid * ZROWS_PER_W, ZROWS_PER_W)], idx_v)
    g0 = wid * GRP_PER_W
    gsems = [g0s, g1s, g2s, g3s]
    ssems = [s0s, s1s, s2s, s3s]

    def issue_gather(gl, q, b):
        for h in range(N_HASHES):
            pltpu.async_copy(
                table_hbm.at[idx_v.at[gl * N_HASHES + h, pl.ds(q * T, T)]],
                rows_v.at[b].at[pl.ds(h * T, T)], gsems[b])

    def wait_gather(b):
        for h in range(N_HASHES):
            pltpu.make_async_copy(
                table_hbm.at[idx_v.at[h, pl.ds(0, T)]],
                rows_v.at[b].at[pl.ds(h * T, T)], gsems[b]).wait()

    def wait_store(b):
        pltpu.make_async_copy(
            out_v.at[b], out_hbm.at[offs_v.at[b]], ssems[b]).wait()

    issue_gather(0, 0, 0)
    issue_gather(0, 1, 1)
    issue_gather(0, 2, 2)

    def grp_body(gl, carry):
        g = g0 + gl
        l = g // BB
        bb = g - l * BB
        for q in range(Q):
            b = q
            s = gl * Q + q

            qn = (q + 3) % Q
            gn = gl + (q + 3) // Q

            @pl.when(gn < GRP_PER_W)
            def _():
                issue_gather(gn, qn, qn)

            wait_gather(b)

            @pl.when(s >= NBUF)
            def _():
                wait_store(b)

            def tok_body(t, tc):
                ngroups = EMB_DIM // LANES

                def loads(d):
                    return [rows_v[b, h * T + t, pl.ds(d * LANES, LANES)]
                            for h in range(N_HASHES)]

                pipe = [loads(0), loads(1), loads(2)]
                for d in range(ngroups):
                    if d + 3 < ngroups:
                        pipe.append(loads(d + 3))
                    v0, v1, v2, v3 = pipe.pop(0)
                    out_v[b, t, pl.ds(d * LANES, LANES)] = (
                        (v0 + v1) + (v2 + v3))
                return tc

            lax.fori_loop(0, T, tok_body, 0, unroll=2)

            base = (bb * 128 + q * T) * L + l
            for jb in range(T // LANES):
                offs_v[b, pl.ds(jb * LANES, LANES)] = (
                    base + (jb * LANES + lax.iota(jnp.int32, 16)) * L)
            pltpu.async_copy(
                out_v.at[b], out_hbm.at[offs_v.at[b]], ssems[b])
        return carry

    lax.fori_loop(0, GRP_PER_W, grp_body, 0, unroll=False)
    for b in range(NBUF):
        wait_store(b)


def kernel(x, table):
    xz = (x.reshape(BB, 128, L, N_HASHES)
          .transpose(2, 0, 3, 1)
          .reshape(L * BB * N_HASHES, 128))
    out = _bloom_sum(xz, table)
    return out.reshape(B, L, EMB_DIM)

# --- scband reference (transcript-rebuilt; emitter-appended) ---
"""Pipeline reference for scband-bloom-embedding-86371792323014 (READ-ONLY COPY).

The authoritative reference and input builder live on the scoring server;
editing this copy changes nothing except your own understanding.
"""

import jax, jax.numpy as jnp
import numpy as np

N_EMB = 100000
EMB_DIM = 128
N_HASHES = 4
B = 1024
L = 200

def setup_inputs(seed: int = 0) -> dict:
    key = jax.random.key(seed)
    k1, k2 = jax.random.split(key)
    # pre-hashed indices: (bs, seq_len, n_hashes), values in [0, n_emb)
    x = jax.random.randint(k1, (B, L, N_HASHES), 0, N_EMB, dtype=jnp.int32)
    # embedding table with truncated-normal-like init (std=0.01), padding row 0 zeroed
    table = (jax.random.normal(k2, (N_EMB, EMB_DIM), dtype=jnp.float32) * 0.01)
    table = jnp.clip(table, -0.02, 0.02)  # approx trunc_normal fmod(2)*std behavior
    table = table.at[0].set(0.0)  # padding_idx=0 row is zeros
    return {"x": x, "table": table}

def reference(x, table):
    # pre_hashed=True: process_fn is identity; forward = emb(hashed).sum(-2)
    gathered = jnp.take(table, x, axis=0)  # (B, L, N_HASHES, EMB_DIM)
    return gathered.sum(axis=-2)           # (B, L, EMB_DIM)

if __name__ == "__main__":
    import jax
    _d = setup_inputs()
    print(jax.jit(kernel)(*tuple(_d.values())))

</pallas_src>

<mosaic_0001>
#map = affine_map<(d0, d1) -> (0, 0)>
module attributes {stable_mosaic.version = 14 : i64} {
  func.func @_bloom_sum(%arg0: i32, %arg1: i32, %arg2: memref<6400x128xi32, #tpu.memory_space<hbm>>, %arg3: memref<100000x128xf32, #tpu.memory_space<hbm>>, %arg4: memref<204800x128xf32, #tpu.memory_space<hbm>>, %arg5: memref<200x128xi32, #tpu.memory_space<vmem>>, %arg6: memref<4x128x128xf32, #tpu.memory_space<vmem>>, %arg7: memref<4x32x128xf32, #tpu.memory_space<vmem>>, %arg8: memref<4x32xi32, #tpu.memory_space<vmem>>, %arg9: memref<!tpu.dma_semaphore, #tpu.memory_space<semaphore_mem>>, %arg10: memref<!tpu.dma_semaphore, #tpu.memory_space<semaphore_mem>>, %arg11: memref<!tpu.dma_semaphore, #tpu.memory_space<semaphore_mem>>, %arg12: memref<!tpu.dma_semaphore, #tpu.memory_space<semaphore_mem>>, %arg13: memref<!tpu.dma_semaphore, #tpu.memory_space<semaphore_mem>>, %arg14: memref<!tpu.dma_semaphore, #tpu.memory_space<semaphore_mem>>, %arg15: memref<!tpu.dma_semaphore, #tpu.memory_space<semaphore_mem>>, %arg16: memref<!tpu.dma_semaphore, #tpu.memory_space<semaphore_mem>>) attributes {dimension_semantics = [#tpu.dimension_semantics<core_parallel>, #tpu.dimension_semantics<subcore_parallel>], iteration_bounds = array<i64: 2, 16>, scalar_prefetch = 0 : i64, scratch_operands = 12 : i64, tpu.core_type = #tpu.core_type<sc_vector_subcore>, window_params = [{transform_indices = #map}, {transform_indices = #map}, {transform_indices = #map}]} {
    %mul3A = arith.constant 2 : i32
    %mul3A_0 = arith.muli %arg1, %mul3A : i32
    %add3A = arith.addi %mul3A_0, %arg0 : i32
    %mul3A_1 = arith.constant 200 : i32
    %mul3A_2 = arith.muli %add3A, %mul3A_1 : i32
    "tpu.region"() ({
      %run_scoped3A = tpu.sem_alloc : memref<!tpu.dma_semaphore, #tpu.memory_space<semaphore_mem>>
      %dma_start3A_236 = arith.constant 0 : i32
      %dma_start3A_237 = tpu.memref_slice %arg2[%mul3A_2, %dma_start3A_236] : memref<6400x128xi32, #tpu.memory_space<hbm>> -> memref<200x128xi32, #tpu.memory_space<hbm>>
      %dma_start3A_238 = arith.constant 0 : i32
      %dma_start3A_239 = tpu.memref_slice %arg2[%mul3A_2, %dma_start3A_238] : memref<6400x128xi32, #tpu.memory_space<hbm>> -> memref<200x128xi32, #tpu.memory_space<hbm>>
      tpu.enqueue_dma source(%dma_start3A_239 : memref<200x128xi32, #tpu.memory_space<hbm>>) target(%arg5 : memref<200x128xi32, #tpu.memory_space<vmem>>) target_semaphore(%run_scoped3A : memref<!tpu.dma_semaphore, #tpu.memory_space<semaphore_mem>>)
      %dma_wait3A_240 = arith.constant 0 : i32
      %dma_wait3A_241 = tpu.memref_slice %arg2[%mul3A_2, %dma_wait3A_240] : memref<6400x128xi32, #tpu.memory_space<hbm>> -> memref<200x128xi32, #tpu.memory_space<hbm>>
      %dma_wait3A_242 = arith.constant 0 : i32
      %dma_wait3A_243 = tpu.memref_slice %arg2[%mul3A_2, %dma_wait3A_242] : memref<6400x128xi32, #tpu.memory_space<hbm>> -> memref<200x128xi32, #tpu.memory_space<hbm>>
      tpu.wait_dma2 semaphore(%run_scoped3A : memref<!tpu.dma_semaphore, #tpu.memory_space<semaphore_mem>>) src(%dma_wait3A_243 : memref<200x128xi32, #tpu.memory_space<hbm>>) dst(%arg5 : memref<200x128xi32, #tpu.memory_space<vmem>>)
      tpu.yield
    }) : () -> ()
    %mul3A_3 = arith.constant 50 : i32
    %mul3A_4 = arith.muli %add3A, %mul3A_3 : i32
    %dma_start3A = arith.constant 0 : i32
    %dma_start3A_5 = arith.constant 0 : i32
    %dma_start3A_6 = arith.constant 0 : i32
    %dma_start3A_7 = arith.constant 0 : i32
    %dma_start3A_8 = tpu.memref_slice %arg6[%dma_start3A_5, %dma_start3A_6, %dma_start3A_7] : memref<4x128x128xf32, #tpu.memory_space<vmem>> -> memref<1x128x128xf32, #tpu.memory_space<vmem>>
    %dma_start3A_9 = tpu.memref_squeeze %dma_start3A_8 : memref<1x128x128xf32, #tpu.memory_space<vmem>> -> memref<128x128xf32, #tpu.memory_space<vmem>>
    %dma_start3A_10 = arith.constant 0 : i32
    %dma_start3A_11 = arith.constant 0 : i32
    %dma_start3A_12 = tpu.memref_slice %dma_start3A_9[%dma_start3A_10, %dma_start3A_11] : memref<128x128xf32, #tpu.memory_space<vmem>> -> memref<32x128xf32, #tpu.memory_space<vmem>>
    %dma_start3A_13 = arith.constant 0 : i32
    %dma_start3A_14 = tpu.memref_slice %arg5[%dma_start3A, %dma_start3A_13] : memref<200x128xi32, #tpu.memory_space<vmem>> -> memref<1x32xi32, #tpu.memory_space<vmem>>
    %dma_start3A_15 = tpu.memref_squeeze %dma_start3A_14 : memref<1x32xi32, #tpu.memory_space<vmem>> -> memref<32xi32, #tpu.memory_space<vmem>>
    %dma_start3A_16 = arith.constant 0 : i32
    %dma_start3A_17 = arith.constant 0 : i32
    %dma_start3A_18 = tpu.memref_slice %arg3[%dma_start3A_16, %dma_start3A_17] : memref<100000x128xf32, #tpu.memory_space<hbm>> -> memref<100000x128xf32, #tpu.memory_space<hbm>>
    tpu.enqueue_indirect_dma source(%dma_start3A_18 : memref<100000x128xf32, #tpu.memory_space<hbm>>) target(%dma_start3A_12 : memref<32x128xf32, #tpu.memory_space<vmem>>) offsets(%dma_start3A_15 : memref<32xi32, #tpu.memory_space<vmem>>) semaphore(%arg9 : memref<!tpu.dma_semaphore, #tpu.memory_space<semaphore_mem>>)
    %dma_start3A_19 = arith.constant 1 : i32
    %dma_start3A_20 = arith.constant 0 : i32
    %dma_start3A_21 = arith.constant 0 : i32
    %dma_start3A_22 = arith.constant 0 : i32
    %dma_start3A_23 = tpu.memref_slice %arg6[%dma_start3A_20, %dma_start3A_21, %dma_start3A_22] : memref<4x128x128xf32, #tpu.memory_space<vmem>> -> memref<1x128x128xf32, #tpu.memory_space<vmem>>
    %dma_start3A_24 = tpu.memref_squeeze %dma_start3A_23 : memref<1x128x128xf32, #tpu.memory_space<vmem>> -> memref<128x128xf32, #tpu.memory_space<vmem>>
    %dma_start3A_25 = arith.constant 32 : i32
    %dma_start3A_26 = arith.constant 0 : i32
    %dma_start3A_27 = tpu.memref_slice %dma_start3A_24[%dma_start3A_25, %dma_start3A_26] : memref<128x128xf32, #tpu.memory_space<vmem>> -> memref<32x128xf32, #tpu.memory_space<vmem>>
    %dma_start3A_28 = arith.constant 0 : i32
    %dma_start3A_29 = tpu.memref_slice %arg5[%dma_start3A_19, %dma_start3A_28] : memref<200x128xi32, #tpu.memory_space<vmem>> -> memref<1x32xi32, #tpu.memory_space<vmem>>
    %dma_start3A_30 = tpu.memref_squeeze %dma_start3A_29 : memref<1x32xi32, #tpu.memory_space<vmem>> -> memref<32xi32, #tpu.memory_space<vmem>>
    %dma_start3A_31 = arith.constant 0 : i32
    %dma_start3A_32 = arith.constant 0 : i32
    %dma_start3A_33 = tpu.memref_slice %arg3[%dma_start3A_31, %dma_start3A_32] : memref<100000x128xf32, #tpu.memory_space<hbm>> -> memref<100000x128xf32, #tpu.memory_space<hbm>>
    tpu.enqueue_indirect_dma source(%dma_start3A_33 : memref<100000x128xf32, #tpu.memory_space<hbm>>) target(%dma_start3A_27 : memref<32x128xf32, #tpu.memory_space<vmem>>) offsets(%dma_start3A_30 : memref<32xi32, #tpu.memory_space<vmem>>) semaphore(%arg9 : memref<!tpu.dma_semaphore, #tpu.memory_space<semaphore_mem>>)
    %dma_start3A_34 = arith.constant 2 : i32
    %dma_start3A_35 = arith.constant 0 : i32
    %dma_start3A_36 = arith.constant 0 : i32
    %dma_start3A_37 = arith.constant 0 : i32
    %dma_start3A_38 = tpu.memref_slice %arg6[%dma_start3A_35, %dma_start3A_36, %dma_start3A_37] : memref<4x128x128xf32, #tpu.memory_space<vmem>> -> memref<1x128x128xf32, #tpu.memory_space<vmem>>
    %dma_start3A_39 = tpu.memref_squeeze %dma_start3A_38 : memref<1x128x128xf32, #tpu.memory_space<vmem>> -> memref<128x128xf32, #tpu.memory_space<vmem>>
    %dma_start3A_40 = arith.constant 64 : i32
    %dma_start3A_41 = arith.constant 0 : i32
    %dma_start3A_42 = tpu.memref_slice %dma_start3A_39[%dma_start3A_40, %dma_start3A_41] : memref<128x128xf32, #tpu.memory_space<vmem>> -> memref<32x128xf32, #tpu.memory_space<vmem>>
    %dma_start3A_43 = arith.constant 0 : i32
    %dma_start3A_44 = tpu.memref_slice %arg5[%dma_start3A_34, %dma_start3A_43] : memref<200x128xi32, #tpu.memory_space<vmem>> -> memref<1x32xi32, #tpu.memory_space<vmem>>
    %dma_start3A_45 = tpu.memref_squeeze %dma_start3A_44 : memref<1x32xi32, #tpu.memory_space<vmem>> -> memref<32xi32, #tpu.memory_space<vmem>>
    %dma_start3A_46 = arith.constant 0 : i32
    %dma_start3A_47 = arith.constant 0 : i32
    %dma_start3A_48 = tpu.memref_slice %arg3[%dma_start3A_46, %dma_start3A_47] : memref<100000x128xf32, #tpu.memory_space<hbm>> -> memref<100000x128xf32, #tpu.memory_space<hbm>>
    tpu.enqueue_indirect_dma source(%dma_start3A_48 : memref<100000x128xf32, #tpu.memory_space<hbm>>) target(%dma_start3A_42 : memref<32x128xf32, #tpu.memory_space<vmem>>) offsets(%dma_start3A_45 : memref<32xi32, #tpu.memory_space<vmem>>) semaphore(%arg9 : memref<!tpu.dma_semaphore, #tpu.memory_space<semaphore_mem>>)
    %dma_start3A_49 = arith.constant 3 : i32
    %dma_start3A_50 = arith.constant 0 : i32
    %dma_start3A_51 = arith.constant 0 : i32
    %dma_start3A_52 = arith.constant 0 : i32
    %dma_start3A_53 = tpu.memref_slice %arg6[%dma_start3A_50, %dma_start3A_51, %dma_start3A_52] : memref<4x128x128xf32, #tpu.memory_space<vmem>> -> memref<1x128x128xf32, #tpu.memory_space<vmem>>
    %dma_start3A_54 = tpu.memref_squeeze %dma_start3A_53 : memref<1x128x128xf32, #tpu.memory_space<vmem>> -> memref<128x128xf32, #tpu.memory_space<vmem>>
    %dma_start3A_55 = arith.constant 96 : i32
    %dma_start3A_56 = arith.constant 0 : i32
    %dma_start3A_57 = tpu.memref_slice %dma_start3A_54[%dma_start3A_55, %dma_start3A_56] : memref<128x128xf32, #tpu.memory_space<vmem>> -> memref<32x128xf32, #tpu.memory_space<vmem>>
    %dma_start3A_58 = arith.constant 0 : i32
    %dma_start3A_59 = tpu.memref_slice %arg5[%dma_start3A_49, %dma_start3A_58] : memref<200x128xi32, #tpu.memory_space<vmem>> -> memref<1x32xi32, #tpu.memory_space<vmem>>
    %dma_start3A_60 = tpu.memref_squeeze %dma_start3A_59 : memref<1x32xi32, #tpu.memory_space<vmem>> -> memref<32xi32, #tpu.memory_space<vmem>>
    %dma_start3A_61 = arith.constant 0 : i32
    %dma_start3A_62 = arith.constant 0 : i32
    %dma_start3A_63 = tpu.memref_slice %arg3[%dma_start3A_61, %dma_start3A_62] : memref<100000x128xf32, #tpu.memory_space<hbm>> -> memref<100000x128xf32, #tpu.memory_space<hbm>>
    tpu.enqueue_indirect_dma source(%dma_start3A_63 : memref<100000x128xf32, #tpu.memory_space<hbm>>) target(%dma_start3A_57 : memref<32x128xf32, #tpu.memory_space<vmem>>) offsets(%dma_start3A_60 : memref<32xi32, #tpu.memory_space<vmem>>) semaphore(%arg9 : memref<!tpu.dma_semaphore, #tpu.memory_space<semaphore_mem>>)
    %dma_start3A_64 = arith.constant 0 : i32
    %dma_start3A_65 = arith.constant 1 : i32
    %dma_start3A_66 = arith.constant 0 : i32
    %dma_start3A_67 = arith.constant 0 : i32
    %dma_start3A_68 = tpu.memref_slice %arg6[%dma_start3A_65, %dma_start3A_66, %dma_start3A_67] : memref<4x128x128xf32, #tpu.memory_space<vmem>> -> memref<1x128x128xf32, #tpu.memory_space<vmem>>
    %dma_start3A_69 = tpu.memref_squeeze %dma_start3A_68 : memref<1x128x128xf32, #tpu.memory_space<vmem>> -> memref<128x128xf32, #tpu.memory_space<vmem>>
    %dma_start3A_70 = arith.constant 0 : i32
    %dma_start3A_71 = arith.constant 0 : i32
    %dma_start3A_72 = tpu.memref_slice %dma_start3A_69[%dma_start3A_70, %dma_start3A_71] : memref<128x128xf32, #tpu.memory_space<vmem>> -> memref<32x128xf32, #tpu.memory_space<vmem>>
    %dma_start3A_73 = arith.constant 32 : i32
    %dma_start3A_74 = tpu.memref_slice %arg5[%dma_start3A_64, %dma_start3A_73] : memref<200x128xi32, #tpu.memory_space<vmem>> -> memref<1x32xi32, #tpu.memory_space<vmem>>
    %dma_start3A_75 = tpu.memref_squeeze %dma_start3A_74 : memref<1x32xi32, #tpu.memory_space<vmem>> -> memref<32xi32, #tpu.memory_space<vmem>>
    %dma_start3A_76 = arith.constant 0 : i32
    %dma_start3A_77 = arith.constant 0 : i32
    %dma_start3A_78 = tpu.memref_slice %arg3[%dma_start3A_76, %dma_start3A_77] : memref<100000x128xf32, #tpu.memory_space<hbm>> -> memref<100000x128xf32, #tpu.memory_space<hbm>>
    tpu.enqueue_indirect_dma source(%dma_start3A_78 : memref<100000x128xf32, #tpu.memory_space<hbm>>) target(%dma_start3A_72 : memref<32x128xf32, #tpu.memory_space<vmem>>) offsets(%dma_start3A_75 : memref<32xi32, #tpu.memory_space<vmem>>) semaphore(%arg10 : memref<!tpu.dma_semaphore, #tpu.memory_space<semaphore_mem>>)
    %dma_start3A_79 = arith.constant 1 : i32
    %dma_start3A_80 = arith.constant 1 : i32
    %dma_start3A_81 = arith.constant 0 : i32
    %dma_start3A_82 = arith.constant 0 : i32
    %dma_start3A_83 = tpu.memref_slice %arg6[%dma_start3A_80, %dma_start3A_81, %dma_start3A_82] : memref<4x128x128xf32, #tpu.memory_space<vmem>> -> memref<1x128x128xf32, #tpu.memory_space<vmem>>
    %dma_start3A_84 = tpu.memref_squeeze %dma_start3A_83 : memref<1x128x128xf32, #tpu.memory_space<vmem>> -> memref<128x128xf32, #tpu.memory_space<vmem>>
    %dma_start3A_85 = arith.constant 32 : i32
    %dma_start3A_86 = arith.constant 0 : i32
    %dma_start3A_87 = tpu.memref_slice %dma_start3A_84[%dma_start3A_85, %dma_start3A_86] : memref<128x128xf32, #tpu.memory_space<vmem>> -> memref<32x128xf32, #tpu.memory_space<vmem>>
    %dma_start3A_88 = arith.constant 32 : i32
    %dma_start3A_89 = tpu.memref_slice %arg5[%dma_start3A_79, %dma_start3A_88] : memref<200x128xi32, #tpu.memory_space<vmem>> -> memref<1x32xi32, #tpu.memory_space<vmem>>
    %dma_start3A_90 = tpu.memref_squeeze %dma_start3A_89 : memref<1x32xi32, #tpu.memory_space<vmem>> -> memref<32xi32, #tpu.memory_space<vmem>>
    %dma_start3A_91 = arith.constant 0 : i32
    %dma_start3A_92 = arith.constant 0 : i32
    %dma_start3A_93 = tpu.memref_slice %arg3[%dma_start3A_91, %dma_start3A_92] : memref<100000x128xf32, #tpu.memory_space<hbm>> -> memref<100000x128xf32, #tpu.memory_space<hbm>>
    tpu.enqueue_indirect_dma source(%dma_start3A_93 : memref<100000x128xf32, #tpu.memory_space<hbm>>) target(%dma_start3A_87 : memref<32x128xf32, #tpu.memory_space<vmem>>) offsets(%dma_start3A_90 : memref<32xi32, #tpu.memory_space<vmem>>) semaphore(%arg10 : memref<!tpu.dma_semaphore, #tpu.memory_space<semaphore_mem>>)
    %dma_start3A_94 = arith.constant 2 : i32
    %dma_start3A_95 = arith.constant 1 : i32
    %dma_start3A_96 = arith.constant 0 : i32
    %dma_start3A_97 = arith.constant 0 : i32
    %dma_start3A_98 = tpu.memref_slice %arg6[%dma_start3A_95, %dma_start3A_96, %dma_start3A_97] : memref<4x128x128xf32, #tpu.memory_space<vmem>> -> memref<1x128x128xf32, #tpu.memory_space<vmem>>
    %dma_start3A_99 = tpu.memref_squeeze %dma_start3A_98 : memref<1x128x128xf32, #tpu.memory_space<vmem>> -> memref<128x128xf32, #tpu.memory_space<vmem>>
    %dma_start3A_100 = arith.constant 64 : i32
    %dma_start3A_101 = arith.constant 0 : i32
    %dma_start3A_102 = tpu.memref_slice %dma_start3A_99[%dma_start3A_100, %dma_start3A_101] : memref<128x128xf32, #tpu.memory_space<vmem>> -> memref<32x128xf32, #tpu.memory_space<vmem>>
    %dma_start3A_103 = arith.constant 32 : i32
    %dma_start3A_104 = tpu.memref_slice %arg5[%dma_start3A_94, %dma_start3A_103] : memref<200x128xi32, #tpu.memory_space<vmem>> -> memref<1x32xi32, #tpu.memory_space<vmem>>
    %dma_start3A_105 = tpu.memref_squeeze %dma_start3A_104 : memref<1x32xi32, #tpu.memory_space<vmem>> -> memref<32xi32, #tpu.memory_space<vmem>>
    %dma_start3A_106 = arith.constant 0 : i32
    %dma_start3A_107 = arith.constant 0 : i32
    %dma_start3A_108 = tpu.memref_slice %arg3[%dma_start3A_106, %dma_start3A_107] : memref<100000x128xf32, #tpu.memory_space<hbm>> -> memref<100000x128xf32, #tpu.memory_space<hbm>>
    tpu.enqueue_indirect_dma source(%dma_start3A_108 : memref<100000x128xf32, #tpu.memory_space<hbm>>) target(%dma_start3A_102 : memref<32x128xf32, #tpu.memory_space<vmem>>) offsets(%dma_start3A_105 : memref<32xi32, #tpu.memory_space<vmem>>) semaphore(%arg10 : memref<!tpu.dma_semaphore, #tpu.memory_space<semaphore_mem>>)
    %dma_start3A_109 = arith.constant 3 : i32
    %dma_start3A_110 = arith.constant 1 : i32
    %dma_start3A_111 = arith.constant 0 : i32
    %dma_start3A_112 = arith.constant 0 : i32
    %dma_start3A_113 = tpu.memref_slice %arg6[%dma_start3A_110, %dma_start3A_111, %dma_start3A_112] : memref<4x128x128xf32, #tpu.memory_space<vmem>> -> memref<1x128x128xf32, #tpu.memory_space<vmem>>
    %dma_start3A_114 = tpu.memref_squeeze %dma_start3A_113 : memref<1x128x128xf32, #tpu.memory_space<vmem>> -> memref<128x128xf32, #tpu.memory_space<vmem>>
    %dma_start3A_115 = arith.constant 96 : i32
    %dma_start3A_116 = arith.constant 0 : i32
    %dma_start3A_117 = tpu.memref_slice %dma_start3A_114[%dma_start3A_115, %dma_start3A_116] : memref<128x128xf32, #tpu.memory_space<vmem>> -> memref<32x128xf32, #tpu.memory_space<vmem>>
    %dma_start3A_118 = arith.constant 32 : i32
    %dma_start3A_119 = tpu.memref_slice %arg5[%dma_start3A_109, %dma_start3A_118] : memref<200x128xi32, #tpu.memory_space<vmem>> -> memref<1x32xi32, #tpu.memory_space<vmem>>
    %dma_start3A_120 = tpu.memref_squeeze %dma_start3A_119 : memref<1x32xi32, #tpu.memory_space<vmem>> -> memref<32xi32, #tpu.memory_space<vmem>>
    %dma_start3A_121 = arith.constant 0 : i32
    %dma_start3A_122 = arith.constant 0 : i32
    %dma_start3A_123 = tpu.memref_slice %arg3[%dma_start3A_121, %dma_start3A_122] : memref<100000x128xf32, #tpu.memory_space<hbm>> -> memref<100000x128xf32, #tpu.memory_space<hbm>>
    tpu.enqueue_indirect_dma source(%dma_start3A_123 : memref<100000x128xf32, #tpu.memory_space<hbm>>) target(%dma_start3A_117 : memref<32x128xf32, #tpu.memory_space<vmem>>) offsets(%dma_start3A_120 : memref<32xi32, #tpu.memory_space<vmem>>) semaphore(%arg10 : memref<!tpu.dma_semaphore, #tpu.memory_space<semaphore_mem>>)
    %dma_start3A_124 = arith.constant 0 : i32
    %dma_start3A_125 = arith.constant 2 : i32
    %dma_start3A_126 = arith.constant 0 : i32
    %dma_start3A_127 = arith.constant 0 : i32
    %dma_start3A_128 = tpu.memref_slice %arg6[%dma_start3A_125, %dma_start3A_126, %dma_start3A_127] : memref<4x128x128xf32, #tpu.memory_space<vmem>> -> memref<1x128x128xf32, #tpu.memory_space<vmem>>
    %dma_start3A_129 = tpu.memref_squeeze %dma_start3A_128 : memref<1x128x128xf32, #tpu.memory_space<vmem>> -> memref<128x128xf32, #tpu.memory_space<vmem>>
    %dma_start3A_130 = arith.constant 0 : i32
    %dma_start3A_131 = arith.constant 0 : i32
    %dma_start3A_132 = tpu.memref_slice %dma_start3A_129[%dma_start3A_130, %dma_start3A_131] : memref<128x128xf32, #tpu.memory_space<vmem>> -> memref<32x128xf32, #tpu.memory_space<vmem>>
    %dma_start3A_133 = arith.constant 64 : i32
    %dma_start3A_134 = tpu.memref_slice %arg5[%dma_start3A_124, %dma_start3A_133] : memref<200x128xi32, #tpu.memory_space<vmem>> -> memref<1x32xi32, #tpu.memory_space<vmem>>
    %dma_start3A_135 = tpu.memref_squeeze %dma_start3A_134 : memref<1x32xi32, #tpu.memory_space<vmem>> -> memref<32xi32, #tpu.memory_space<vmem>>
    %dma_start3A_136 = arith.constant 0 : i32
    %dma_start3A_137 = arith.constant 0 : i32
    %dma_start3A_138 = tpu.memref_slice %arg3[%dma_start3A_136, %dma_start3A_137] : memref<100000x128xf32, #tpu.memory_space<hbm>> -> memref<100000x128xf32, #tpu.memory_space<hbm>>
    tpu.enqueue_indirect_dma source(%dma_start3A_138 : memref<100000x128xf32, #tpu.memory_space<hbm>>) target(%dma_start3A_132 : memref<32x128xf32, #tpu.memory_space<vmem>>) offsets(%dma_start3A_135 : memref<32xi32, #tpu.memory_space<vmem>>) semaphore(%arg11 : memref<!tpu.dma_semaphore, #tpu.memory_space<semaphore_mem>>)
    %dma_start3A_139 = arith.constant 1 : i32
    %dma_start3A_140 = arith.constant 2 : i32
    %dma_start3A_141 = arith.constant 0 : i32
    %dma_start3A_142 = arith.constant 0 : i32
    %dma_start3A_143 = tpu.memref_slice %arg6[%dma_start3A_140, %dma_start3A_141, %dma_start3A_142] : memref<4x128x128xf32, #tpu.memory_space<vmem>> -> memref<1x128x128xf32, #tpu.memory_space<vmem>>
    %dma_start3A_144 = tpu.memref_squeeze %dma_start3A_143 : memref<1x128x128xf32, #tpu.memory_space<vmem>> -> memref<128x128xf32, #tpu.memory_space<vmem>>
    %dma_start3A_145 = arith.constant 32 : i32
    %dma_start3A_146 = arith.constant 0 : i32
    %dma_start3A_147 = tpu.memref_slice %dma_start3A_144[%dma_start3A_145, %dma_start3A_146] : memref<128x128xf32, #tpu.memory_space<vmem>> -> memref<32x128xf32, #tpu.memory_space<vmem>>
    %dma_start3A_148 = arith.constant 64 : i32
    %dma_start3A_149 = tpu.memref_slice %arg5[%dma_start3A_139, %dma_start3A_148] : memref<200x128xi32, #tpu.memory_space<vmem>> -> memref<1x32xi32, #tpu.memory_space<vmem>>
    %dma_start3A_150 = tpu.memref_squeeze %dma_start3A_149 : memref<1x32xi32, #tpu.memory_space<vmem>> -> memref<32xi32, #tpu.memory_space<vmem>>
    %dma_start3A_151 = arith.constant 0 : i32
    %dma_start3A_152 = arith.constant 0 : i32
    %dma_start3A_153 = tpu.memref_slice %arg3[%dma_start3A_151, %dma_start3A_152] : memref<100000x128xf32, #tpu.memory_space<hbm>> -> memref<100000x128xf32, #tpu.memory_space<hbm>>
    tpu.enqueue_indirect_dma source(%dma_start3A_153 : memref<100000x128xf32, #tpu.memory_space<hbm>>) target(%dma_start3A_147 : memref<32x128xf32, #tpu.memory_space<vmem>>) offsets(%dma_start3A_150 : memref<32xi32, #tpu.memory_space<vmem>>) semaphore(%arg11 : memref<!tpu.dma_semaphore, #tpu.memory_space<semaphore_mem>>)
    %dma_start3A_154 = arith.constant 2 : i32
    %dma_start3A_155 = arith.constant 2 : i32
    %dma_start3A_156 = arith.constant 0 : i32
    %dma_start3A_157 = arith.constant 0 : i32
    %dma_start3A_158 = tpu.memref_slice %arg6[%dma_start3A_155, %dma_start3A_156, %dma_start3A_157] : memref<4x128x128xf32, #tpu.memory_space<vmem>> -> memref<1x128x128xf32, #tpu.memory_space<vmem>>
    %dma_start3A_159 = tpu.memref_squeeze %dma_start3A_158 : memref<1x128x128xf32, #tpu.memory_space<vmem>> -> memref<128x128xf32, #tpu.memory_space<vmem>>
    %dma_start3A_160 = arith.constant 64 : i32
    %dma_start3A_161 = arith.constant 0 : i32
    %dma_start3A_162 = tpu.memref_slice %dma_start3A_159[%dma_start3A_160, %dma_start3A_161] : memref<128x128xf32, #tpu.memory_space<vmem>> -> memref<32x128xf32, #tpu.memory_space<vmem>>
    %dma_start3A_163 = arith.constant 64 : i32
    %dma_start3A_164 = tpu.memref_slice %arg5[%dma_start3A_154, %dma_start3A_163] : memref<200x128xi32, #tpu.memory_space<vmem>> -> memref<1x32xi32, #tpu.memory_space<vmem>>
    %dma_start3A_165 = tpu.memref_squeeze %dma_start3A_164 : memref<1x32xi32, #tpu.memory_space<vmem>> -> memref<32xi32, #tpu.memory_space<vmem>>
    %dma_start3A_166 = arith.constant 0 : i32
    %dma_start3A_167 = arith.constant 0 : i32
    %dma_start3A_168 = tpu.memref_slice %arg3[%dma_start3A_166, %dma_start3A_167] : memref<100000x128xf32, #tpu.memory_space<hbm>> -> memref<100000x128xf32, #tpu.memory_space<hbm>>
    tpu.enqueue_indirect_dma source(%dma_start3A_168 : memref<100000x128xf32, #tpu.memory_space<hbm>>) target(%dma_start3A_162 : memref<32x128xf32, #tpu.memory_space<vmem>>) offsets(%dma_start3A_165 : memref<32xi32, #tpu.memory_space<vmem>>) semaphore(%arg11 : memref<!tpu.dma_semaphore, #tpu.memory_space<semaphore_mem>>)
    %dma_start3A_169 = arith.constant 3 : i32
    %dma_start3A_170 = arith.constant 2 : i32
    %dma_start3A_171 = arith.constant 0 : i32
    %dma_start3A_172 = arith.constant 0 : i32
    %dma_start3A_173 = tpu.memref_slice %arg6[%dma_start3A_170, %dma_start3A_171, %dma_start3A_172] : memref<4x128x128xf32, #tpu.memory_space<vmem>> -> memref<1x128x128xf32, #tpu.memory_space<vmem>>
    %dma_start3A_174 = tpu.memref_squeeze %dma_start3A_173 : memref<1x128x128xf32, #tpu.memory_space<vmem>> -> memref<128x128xf32, #tpu.memory_space<vmem>>
    %dma_start3A_175 = arith.constant 96 : i32
    %dma_start3A_176 = arith.constant 0 : i32
    %dma_start3A_177 = tpu.memref_slice %dma_start3A_174[%dma_start3A_175, %dma_start3A_176] : memref<128x128xf32, #tpu.memory_space<vmem>> -> memref<32x128xf32, #tpu.memory_space<vmem>>
    %dma_start3A_178 = arith.constant 64 : i32
    %dma_start3A_179 = tpu.memref_slice %arg5[%dma_start3A_169, %dma_start3A_178] : memref<200x128xi32, #tpu.memory_space<vmem>> -> memref<1x32xi32, #tpu.memory_space<vmem>>
    %dma_start3A_180 = tpu.memref_squeeze %dma_start3A_179 : memref<1x32xi32, #tpu.memory_space<vmem>> -> memref<32xi32, #tpu.memory_space<vmem>>
    %dma_start3A_181 = arith.constant 0 : i32
    %dma_start3A_182 = arith.constant 0 : i32
    %dma_start3A_183 = tpu.memref_slice %arg3[%dma_start3A_181, %dma_start3A_182] : memref<100000x128xf32, #tpu.memory_space<hbm>> -> memref<100000x128xf32, #tpu.memory_space<hbm>>
    tpu.enqueue_indirect_dma source(%dma_start3A_183 : memref<100000x128xf32, #tpu.memory_space<hbm>>) target(%dma_start3A_177 : memref<32x128xf32, #tpu.memory_space<vmem>>) offsets(%dma_start3A_180 : memref<32xi32, #tpu.memory_space<vmem>>) semaphore(%arg11 : memref<!tpu.dma_semaphore, #tpu.memory_space<semaphore_mem>>)
    %scan3A = arith.constant 0 : i32
    %scan3A_184 = arith.constant 0 : i32
    %scan3A_185 = arith.constant 50 : i32
    %scan3A_186 = arith.addi %scan3A_184, %scan3A_185 : i32
    %scan3A_187 = arith.constant 1 : i32
    scf.for %scan3A_236 = %scan3A_184 to %scan3A_186 step %scan3A_187  : i32 {
      %add3A_237 = arith.addi %mul3A_4, %scan3A_236 : i32
      %jit3A = arith.constant 8 : i32
      %div3A = arith.divsi %add3A_237, %jit3A : i32
      %sign3A = arith.constant 0 : i32
      %sign3A_238 = arith.cmpi sgt, %add3A_237, %sign3A : i32
      %sign3A_239 = arith.extui %sign3A_238 : i1 to i32
      %sign3A_240 = arith.constant 0 : i32
      %sign3A_241 = arith.cmpi slt, %add3A_237, %sign3A_240 : i32
      %sign3A_242 = arith.extui %sign3A_241 : i1 to i32
      %sign3A_243 = arith.subi %sign3A_239, %sign3A_242 : i32
      %sign3A_244 = arith.constant 0 : i32
      %sign3A_245 = arith.cmpi sgt, %jit3A, %sign3A_244 : i32
      %sign3A_246 = arith.extui %sign3A_245 : i1 to i32
      %sign3A_247 = arith.constant 0 : i32
      %sign3A_248 = arith.cmpi slt, %jit3A, %sign3A_247 : i32
      %sign3A_249 = arith.extui %sign3A_248 : i1 to i32
      %sign3A_250 = arith.subi %sign3A_246, %sign3A_249 : i32
      %ne3A = arith.cmpi ne, %sign3A_243, %sign3A_250 : i32
      %rem3A = arith.remsi %add3A_237, %jit3A : i32
      %ne3A_251 = arith.constant 0 : i32
      %ne3A_252 = arith.cmpi ne, %rem3A, %ne3A_251 : i32
      %and3A = arith.andi %ne3A, %ne3A_252 : i1
      %sub3A = arith.constant 1 : i32
      %sub3A_253 = arith.subi %div3A, %sub3A : i32
      %select_n3A = arith.select %and3A, %sub3A_253, %div3A : i32
      %mul3A_254 = arith.constant 8 : i32
      %mul3A_255 = arith.muli %select_n3A, %mul3A_254 : i32
      %sub3A_256 = arith.subi %add3A_237, %mul3A_255 : i32
      %mul3A_257 = arith.constant 4 : i32
      %mul3A_258 = arith.muli %scan3A_236, %mul3A_257 : i32
      %add3A_259 = arith.constant 0 : i32
      %add3A_260 = arith.addi %mul3A_258, %add3A_259 : i32
      %add3A_261 = arith.constant 0 : i32
      %add3A_262 = arith.addi %scan3A_236, %add3A_261 : i32
      %lt3A = arith.constant 50 : i32
      %lt3A_263 = arith.cmpi slt, %add3A_262, %lt3A : i32
      %convert_element_type3A = arith.extui %lt3A_263 : i1 to i32
      %cond3A = arith.constant 0 : i32
      %cond3A_264 = arith.cmpi ne, %convert_element_type3A, %cond3A : i32
      scf.if %cond3A_264 {
        %mul3A_775 = arith.constant 4 : i32
        %mul3A_776 = arith.muli %add3A_262, %mul3A_775 : i32
        %add3A_777 = arith.constant 0 : i32
        %add3A_778 = arith.addi %mul3A_776, %add3A_777 : i32
        %dma_start3A_779 = arith.constant 3 : i32
        %dma_start3A_780 = arith.constant 0 : i32
        %dma_start3A_781 = arith.constant 0 : i32
        %dma_start3A_782 = tpu.memref_slice %arg6[%dma_start3A_779, %dma_start3A_780, %dma_start3A_781] : memref<4x128x128xf32, #tpu.memory_space<vmem>> -> memref<1x128x128xf32, #tpu.memory_space<vmem>>
        %dma_start3A_783 = tpu.memref_squeeze %dma_start3A_782 : memref<1x128x128xf32, #tpu.memory_space<vmem>> -> memref<128x128xf32, #tpu.memory_space<vmem>>
        %dma_start3A_784 = arith.constant 0 : i32
        %dma_start3A_785 = arith.constant 0 : i32
        %dma_start3A_786 = tpu.memref_slice %dma_start3A_783[%dma_start3A_784, %dma_start3A_785] : memref<128x128xf32, #tpu.memory_space<vmem>> -> memref<32x128xf32, #tpu.memory_space<vmem>>
        %dma_start3A_787 = arith.constant 96 : i32
        %dma_start3A_788 = tpu.memref_slice %arg5[%add3A_778, %dma_start3A_787] : memref<200x128xi32, #tpu.memory_space<vmem>> -> memref<1x32xi32, #tpu.memory_space<vmem>>
        %dma_start3A_789 = tpu.memref_squeeze %dma_start3A_788 : memref<1x32xi32, #tpu.memory_space<vmem>> -> memref<32xi32, #tpu.memory_space<vmem>>
        %dma_start3A_790 = arith.constant 0 : i32
        %dma_start3A_791 = arith.constant 0 : i32
        %dma_start3A_792 = tpu.memref_slice %arg3[%dma_start3A_790, %dma_start3A_791] : memref<100000x128xf32, #tpu.memory_space<hbm>> -> memref<100000x128xf32, #tpu.memory_space<hbm>>
        tpu.enqueue_indirect_dma source(%dma_start3A_792 : memref<100000x128xf32, #tpu.memory_space<hbm>>) target(%dma_start3A_786 : memref<32x128xf32, #tpu.memory_space<vmem>>) offsets(%dma_start3A_789 : memref<32xi32, #tpu.memory_space<vmem>>) semaphore(%arg12 : memref<!tpu.dma_semaphore, #tpu.memory_space<semaphore_mem>>)
        %mul3A_793 = arith.constant 4 : i32
        %mul3A_794 = arith.muli %add3A_262, %mul3A_793 : i32
        %add3A_795 = arith.constant 1 : i32
        %add3A_796 = arith.addi %mul3A_794, %add3A_795 : i32
        %dma_start3A_797 = arith.constant 3 : i32
        %dma_start3A_798 = arith.constant 0 : i32
        %dma_start3A_799 = arith.constant 0 : i32
        %dma_start3A_800 = tpu.memref_slice %arg6[%dma_start3A_797, %dma_start3A_798, %dma_start3A_799] : memref<4x128x128xf32, #tpu.memory_space<vmem>> -> memref<1x128x128xf32, #tpu.memory_space<vmem>>
        %dma_start3A_801 = tpu.memref_squeeze %dma_start3A_800 : memref<1x128x128xf32, #tpu.memory_space<vmem>> -> memref<128x128xf32, #tpu.memory_space<vmem>>
        %dma_start3A_802 = arith.constant 32 : i32
        %dma_start3A_803 = arith.constant 0 : i32
        %dma_start3A_804 = tpu.memref_slice %dma_start3A_801[%dma_start3A_802, %dma_start3A_803] : memref<128x128xf32, #tpu.memory_space<vmem>> -> memref<32x128xf32, #tpu.memory_space<vmem>>
        %dma_start3A_805 = arith.constant 96 : i32
        %dma_start3A_806 = tpu.memref_slice %arg5[%add3A_796, %dma_start3A_805] : memref<200x128xi32, #tpu.memory_space<vmem>> -> memref<1x32xi32, #tpu.memory_space<vmem>>
        %dma_start3A_807 = tpu.memref_squeeze %dma_start3A_806 : memref<1x32xi32, #tpu.memory_space<vmem>> -> memref<32xi32, #tpu.memory_space<vmem>>
        %dma_start3A_808 = arith.constant 0 : i32
        %dma_start3A_809 = arith.constant 0 : i32
        %dma_start3A_810 = tpu.memref_slice %arg3[%dma_start3A_808, %dma_start3A_809] : memref<100000x128xf32, #tpu.memory_space<hbm>> -> memref<100000x128xf32, #tpu.memory_space<hbm>>
        tpu.enqueue_indirect_dma source(%dma_start3A_810 : memref<100000x128xf32, #tpu.memory_space<hbm>>) target(%dma_start3A_804 : memref<32x128xf32, #tpu.memory_space<vmem>>) offsets(%dma_start3A_807 : memref<32xi32, #tpu.memory_space<vmem>>) semaphore(%arg12 : memref<!tpu.dma_semaphore, #tpu.memory_space<semaphore_mem>>)
        %mul3A_811 = arith.constant 4 : i32
        %mul3A_812 = arith.muli %add3A_262, %mul3A_811 : i32
        %add3A_813 = arith.constant 2 : i32
        %add3A_814 = arith.addi %mul3A_812, %add3A_813 : i32
        %dma_start3A_815 = arith.constant 3 : i32
        %dma_start3A_816 = arith.constant 0 : i32
        %dma_start3A_817 = arith.constant 0 : i32
        %dma_start3A_818 = tpu.memref_slice %arg6[%dma_start3A_815, %dma_start3A_816, %dma_start3A_817] : memref<4x128x128xf32, #tpu.memory_space<vmem>> -> memref<1x128x128xf32, #tpu.memory_space<vmem>>
        %dma_start3A_819 = tpu.memref_squeeze %dma_start3A_818 : memref<1x128x128xf32, #tpu.memory_space<vmem>> -> memref<128x128xf32, #tpu.memory_space<vmem>>
        %dma_start3A_820 = arith.constant 64 : i32
        %dma_start3A_821 = arith.constant 0 : i32
        %dma_start3A_822 = tpu.memref_slice %dma_start3A_819[%dma_start3A_820, %dma_start3A_821] : memref<128x128xf32, #tpu.memory_space<vmem>> -> memref<32x128xf32, #tpu.memory_space<vmem>>
        %dma_start3A_823 = arith.constant 96 : i32
        %dma_start3A_824 = tpu.memref_slice %arg5[%add3A_814, %dma_start3A_823] : memref<200x128xi32, #tpu.memory_space<vmem>> -> memref<1x32xi32, #tpu.memory_space<vmem>>
        %dma_start3A_825 = tpu.memref_squeeze %dma_start3A_824 : memref<1x32xi32, #tpu.memory_space<vmem>> -> memref<32xi32, #tpu.memory_space<vmem>>
        %dma_start3A_826 = arith.constant 0 : i32
        %dma_start3A_827 = arith.constant 0 : i32
        %dma_start3A_828 = tpu.memref_slice %arg3[%dma_start3A_826, %dma_start3A_827] : memref<100000x128xf32, #tpu.memory_space<hbm>> -> memref<100000x128xf32, #tpu.memory_space<hbm>>
        tpu.enqueue_indirect_dma source(%dma_start3A_828 : memref<100000x128xf32, #tpu.memory_space<hbm>>) target(%dma_start3A_822 : memref<32x128xf32, #tpu.memory_space<vmem>>) offsets(%dma_start3A_825 : memref<32xi32, #tpu.memory_space<vmem>>) semaphore(%arg12 : memref<!tpu.dma_semaphore, #tpu.memory_space<semaphore_mem>>)
        %mul3A_829 = arith.constant 4 : i32
        %mul3A_830 = arith.muli %add3A_262, %mul3A_829 : i32
        %add3A_831 = arith.constant 3 : i32
        %add3A_832 = arith.addi %mul3A_830, %add3A_831 : i32
        %dma_start3A_833 = arith.constant 3 : i32
        %dma_start3A_834 = arith.constant 0 : i32
        %dma_start3A_835 = arith.constant 0 : i32
        %dma_start3A_836 = tpu.memref_slice %arg6[%dma_start3A_833, %dma_start3A_834, %dma_start3A_835] : memref<4x128x128xf32, #tpu.memory_space<vmem>> -> memref<1x128x128xf32, #tpu.memory_space<vmem>>
        %dma_start3A_837 = tpu.memref_squeeze %dma_start3A_836 : memref<1x128x128xf32, #tpu.memory_space<vmem>> -> memref<128x128xf32, #tpu.memory_space<vmem>>
        %dma_start3A_838 = arith.constant 96 : i32
        %dma_start3A_839 = arith.constant 0 : i32
        %dma_start3A_840 = tpu.memref_slice %dma_start3A_837[%dma_start3A_838, %dma_start3A_839] : memref<128x128xf32, #tpu.memory_space<vmem>> -> memref<32x128xf32, #tpu.memory_space<vmem>>
        %dma_start3A_841 = arith.constant 96 : i32
        %dma_start3A_842 = tpu.memref_slice %arg5[%add3A_832, %dma_start3A_841] : memref<200x128xi32, #tpu.memory_space<vmem>> -> memref<1x32xi32, #tpu.memory_space<vmem>>
        %dma_start3A_843 = tpu.memref_squeeze %dma_start3A_842 : memref<1x32xi32, #tpu.memory_space<vmem>> -> memref<32xi32, #tpu.memory_space<vmem>>
        %dma_start3A_844 = arith.constant 0 : i32
        %dma_start3A_845 = arith.constant 0 : i32
        %dma_start3A_846 = tpu.memref_slice %arg3[%dma_start3A_844, %dma_start3A_845] : memref<100000x128xf32, #tpu.memory_space<hbm>> -> memref<100000x128xf32, #tpu.memory_space<hbm>>
        tpu.enqueue_indirect_dma source(%dma_start3A_846 : memref<100000x128xf32, #tpu.memory_space<hbm>>) target(%dma_start3A_840 : memref<32x128xf32, #tpu.memory_space<vmem>>) offsets(%dma_start3A_843 : memref<32xi32, #tpu.memory_space<vmem>>) semaphore(%arg12 : memref<!tpu.dma_semaphore, #tpu.memory_space<semaphore_mem>>)
      } else {
      }
      %dma_wait3A_265 = arith.constant 0 : i32
      %dma_wait3A_266 = arith.constant 0 : i32
      %dma_wait3A_267 = arith.constant 0 : i32
      %dma_wait3A_268 = arith.constant 0 : i32
      %dma_wait3A_269 = tpu.memref_slice %arg6[%dma_wait3A_266, %dma_wait3A_267, %dma_wait3A_268] : memref<4x128x128xf32, #tpu.memory_space<vmem>> -> memref<1x128x128xf32, #tpu.memory_space<vmem>>
      %dma_wait3A_270 = tpu.memref_squeeze %dma_wait3A_269 : memref<1x128x128xf32, #tpu.memory_space<vmem>> -> memref<128x128xf32, #tpu.memory_space<vmem>>
      %dma_wait3A_271 = arith.constant 0 : i32
      %dma_wait3A_272 = arith.constant 0 : i32
      %dma_wait3A_273 = tpu.memref_slice %dma_wait3A_270[%dma_wait3A_271, %dma_wait3A_272] : memref<128x128xf32, #tpu.memory_space<vmem>> -> memref<32x128xf32, #tpu.memory_space<vmem>>
      %dma_wait3A_274 = arith.constant 0 : i32
      %dma_wait3A_275 = tpu.memref_slice %arg5[%dma_wait3A_265, %dma_wait3A_274] : memref<200x128xi32, #tpu.memory_space<vmem>> -> memref<1x32xi32, #tpu.memory_space<vmem>>
      %dma_wait3A_276 = tpu.memref_squeeze %dma_wait3A_275 : memref<1x32xi32, #tpu.memory_space<vmem>> -> memref<32xi32, #tpu.memory_space<vmem>>
      %dma_wait3A_277 = arith.constant 0 : i32
      %dma_wait3A_278 = arith.constant 0 : i32
      %dma_wait3A_279 = tpu.memref_slice %arg3[%dma_wait3A_277, %dma_wait3A_278] : memref<100000x128xf32, #tpu.memory_space<hbm>> -> memref<100000x128xf32, #tpu.memory_space<hbm>>
      tpu.wait_indirect_dma semaphore(%arg9 : memref<!tpu.dma_semaphore, #tpu.memory_space<semaphore_mem>>) src(%dma_wait3A_279 : memref<100000x128xf32, #tpu.memory_space<hbm>>) dst(%dma_wait3A_273 : memref<32x128xf32, #tpu.memory_space<vmem>>)
      %dma_wait3A_280 = arith.constant 1 : i32
      %dma_wait3A_281 = arith.constant 0 : i32
      %dma_wait3A_282 = arith.constant 0 : i32
      %dma_wait3A_283 = arith.constant 0 : i32
      %dma_wait3A_284 = tpu.memref_slice %arg6[%dma_wait3A_281, %dma_wait3A_282, %dma_wait3A_283] : memref<4x128x128xf32, #tpu.memory_space<vmem>> -> memref<1x128x128xf32, #tpu.memory_space<vmem>>
      %dma_wait3A_285 = tpu.memref_squeeze %dma_wait3A_284 : memref<1x128x128xf32, #tpu.memory_space<vmem>> -> memref<128x128xf32, #tpu.memory_space<vmem>>
      %dma_wait3A_286 = arith.constant 32 : i32
      %dma_wait3A_287 = arith.constant 0 : i32
      %dma_wait3A_288 = tpu.memref_slice %dma_wait3A_285[%dma_wait3A_286, %dma_wait3A_287] : memref<128x128xf32, #tpu.memory_space<vmem>> -> memref<32x128xf32, #tpu.memory_space<vmem>>
      %dma_wait3A_289 = arith.constant 0 : i32
      %dma_wait3A_290 = tpu.memref_slice %arg5[%dma_wait3A_280, %dma_wait3A_289] : memref<200x128xi32, #tpu.memory_space<vmem>> -> memref<1x32xi32, #tpu.memory_space<vmem>>
      %dma_wait3A_291 = tpu.memref_squeeze %dma_wait3A_290 : memref<1x32xi32, #tpu.memory_space<vmem>> -> memref<32xi32, #tpu.memory_space<vmem>>
      %dma_wait3A_292 = arith.constant 0 : i32
      %dma_wait3A_293 = arith.constant 0 : i32
      %dma_wait3A_294 = tpu.memref_slice %arg3[%dma_wait3A_292, %dma_wait3A_293] : memref<100000x128xf32, #tpu.memory_space<hbm>> -> memref<100000x128xf32, #tpu.memory_space<hbm>>
      tpu.wait_indirect_dma semaphore(%arg9 : memref<!tpu.dma_semaphore, #tpu.memory_space<semaphore_mem>>) src(%dma_wait3A_294 : memref<100000x128xf32, #tpu.memory_space<hbm>>) dst(%dma_wait3A_288 : memref<32x128xf32, #tpu.memory_space<vmem>>)
      %dma_wait3A_295 = arith.constant 2 : i32
      %dma_wait3A_296 = arith.constant 0 : i32
      %dma_wait3A_297 = arith.constant 0 : i32
      %dma_wait3A_298 = arith.constant 0 : i32
      %dma_wait3A_299 = tpu.memref_slice %arg6[%dma_wait3A_296, %dma_wait3A_297, %dma_wait3A_298] : memref<4x128x128xf32, #tpu.memory_space<vmem>> -> memref<1x128x128xf32, #tpu.memory_space<vmem>>
      %dma_wait3A_300 = tpu.memref_squeeze %dma_wait3A_299 : memref<1x128x128xf32, #tpu.memory_space<vmem>> -> memref<128x128xf32, #tpu.memory_space<vmem>>
      %dma_wait3A_301 = arith.constant 64 : i32
      %dma_wait3A_302 = arith.constant 0 : i32
      %dma_wait3A_303 = tpu.memref_slice %dma_wait3A_300[%dma_wait3A_301, %dma_wait3A_302] : memref<128x128xf32, #tpu.memory_space<vmem>> -> memref<32x128xf32, #tpu.memory_space<vmem>>
      %dma_wait3A_304 = arith.constant 0 : i32
      %dma_wait3A_305 = tpu.memref_slice %arg5[%dma_wait3A_295, %dma_wait3A_304] : memref<200x128xi32, #tpu.memory_space<vmem>> -> memref<1x32xi32, #tpu.memory_space<vmem>>
      %dma_wait3A_306 = tpu.memref_squeeze %dma_wait3A_305 : memref<1x32xi32, #tpu.memory_space<vmem>> -> memref<32xi32, #tpu.memory_space<vmem>>
      %dma_wait3A_307 = arith.constant 0 : i32
      %dma_wait3A_308 = arith.constant 0 : i32
      %dma_wait3A_309 = tpu.memref_slice %arg3[%dma_wait3A_307, %dma_wait3A_308] : memref<100000x128xf32, #tpu.memory_space<hbm>> -> memref<100000x128xf32, #tpu.memory_space<hbm>>
      tpu.wait_indirect_dma semaphore(%arg9 : memref<!tpu.dma_semaphore, #tpu.memory_space<semaphore_mem>>) src(%dma_wait3A_309 : memref<100000x128xf32, #tpu.memory_space<hbm>>) dst(%dma_wait3A_303 : memref<32x128xf32, #tpu.memory_space<vmem>>)
      %dma_wait3A_310 = arith.constant 3 : i32
      %dma_wait3A_311 = arith.constant 0 : i32
      %dma_wait3A_312 = arith.constant 0 : i32
      %dma_wait3A_313 = arith.constant 0 : i32
      %dma_wait3A_314 = tpu.memref_slice %arg6[%dma_wait3A_311, %dma_wait3A_312, %dma_wait3A_313] : memref<4x128x128xf32, #tpu.memory_space<vmem>> -> memref<1x128x128xf32, #tpu.memory_space<vmem>>
      %dma_wait3A_315 = tpu.memref_squeeze %dma_wait3A_314 : memref<1x128x128xf32, #tpu.memory_space<vmem>> -> memref<128x128xf32, #tpu.memory_space<vmem>>
      %dma_wait3A_316 = arith.constant 96 : i32
      %dma_wait3A_317 = arith.constant 0 : i32
      %dma_wait3A_318 = tpu.memref_slice %dma_wait3A_315[%dma_wait3A_316, %dma_wait3A_317] : memref<128x128xf32, #tpu.memory_space<vmem>> -> memref<32x128xf32, #tpu.memory_space<vmem>>
      %dma_wait3A_319 = arith.constant 0 : i32
      %dma_wait3A_320 = tpu.memref_slice %arg5[%dma_wait3A_310, %dma_wait3A_319] : memref<200x128xi32, #tpu.memory_space<vmem>> -> memref<1x32xi32, #tpu.memory_space<vmem>>
      %dma_wait3A_321 = tpu.memref_squeeze %dma_wait3A_320 : memref<1x32xi32, #tpu.memory_space<vmem>> -> memref<32xi32, #tpu.memory_space<vmem>>
      %dma_wait3A_322 = arith.constant 0 : i32
      %dma_wait3A_323 = arith.constant 0 : i32
      %dma_wait3A_324 = tpu.memref_slice %arg3[%dma_wait3A_322, %dma_wait3A_323] : memref<100000x128xf32, #tpu.memory_space<hbm>> -> memref<100000x128xf32, #tpu.memory_space<hbm>>
      tpu.wait_indirect_dma semaphore(%arg9 : memref<!tpu.dma_semaphore, #tpu.memory_space<semaphore_mem>>) src(%dma_wait3A_324 : memref<100000x128xf32, #tpu.memory_space<hbm>>) dst(%dma_wait3A_318 : memref<32x128xf32, #tpu.memory_space<vmem>>)
      %ge3A = arith.constant 4 : i32
      %ge3A_325 = arith.cmpi sge, %add3A_260, %ge3A : i32
      %convert_element_type3A_326 = arith.extui %ge3A_325 : i1 to i32
      %cond3A_327 = arith.constant 0 : i32
      %cond3A_328 = arith.cmpi ne, %convert_element_type3A_326, %cond3A_327 : i32
      scf.if %cond3A_328 {
        %dma_wait3A_775 = arith.constant 0 : i32
        %dma_wait3A_776 = arith.constant 0 : i32
        %dma_wait3A_777 = arith.constant 0 : i32
        %dma_wait3A_778 = arith.constant 0 : i32
        %dma_wait3A_779 = tpu.memref_slice %arg7[%dma_wait3A_775, %dma_wait3A_777, %dma_wait3A_778] : memref<4x32x128xf32, #tpu.memory_space<vmem>> -> memref<1x32x128xf32, #tpu.memory_space<vmem>>
        %dma_wait3A_780 = tpu.memref_squeeze %dma_wait3A_779 : memref<1x32x128xf32, #tpu.memory_space<vmem>> -> memref<32x128xf32, #tpu.memory_space<vmem>>
        %dma_wait3A_781 = arith.constant 0 : i32
        %dma_wait3A_782 = tpu.memref_slice %arg8[%dma_wait3A_776, %dma_wait3A_781] : memref<4x32xi32, #tpu.memory_space<vmem>> -> memref<1x32xi32, #tpu.memory_space<vmem>>
        %dma_wait3A_783 = tpu.memref_squeeze %dma_wait3A_782 : memref<1x32xi32, #tpu.memory_space<vmem>> -> memref<32xi32, #tpu.memory_space<vmem>>
        %dma_wait3A_784 = arith.constant 0 : i32
        %dma_wait3A_785 = arith.constant 0 : i32
        %dma_wait3A_786 = tpu.memref_slice %arg4[%dma_wait3A_784, %dma_wait3A_785] : memref<204800x128xf32, #tpu.memory_space<hbm>> -> memref<204800x128xf32, #tpu.memory_space<hbm>>
        tpu.wait_indirect_dma semaphore(%arg13 : memref<!tpu.dma_semaphore, #tpu.memory_space<semaphore_mem>>) src(%dma_wait3A_780 : memref<32x128xf32, #tpu.memory_space<vmem>>) dst(%dma_wait3A_786 : memref<204800x128xf32, #tpu.memory_space<hbm>>)
      } else {
      }
      %scan3A_329 = arith.constant 0 : i32
      %scan3A_330 = arith.constant 0 : i32
      %scan3A_331 = arith.constant 32 : i32
      %scan3A_332 = arith.addi %scan3A_330, %scan3A_331 : i32
      %scan3A_333 = arith.constant 2 : i32
      scf.for %scan3A_775 = %scan3A_330 to %scan3A_332 step %scan3A_333  : i32 {
        %add3A_776 = arith.constant 0 : i32
        %add3A_777 = arith.addi %add3A_776, %scan3A_775 : i32
        %get3A = arith.constant 0 : i32
        %get3A_778 = arith.index_cast %get3A : i32 to index
        %get3A_779 = arith.index_cast %add3A_777 : i32 to index
        %get3A_780 = arith.constant 0 : index
        %get3A_781 = tpu.vector_load %arg6[%get3A_778, %get3A_779, %get3A_780] {strides = array<i32>} : memref<4x128x128xf32, #tpu.memory_space<vmem>>, vector<1x1x16xf32>,
        %get3A_782 = vector.shape_cast %get3A_781 : vector<1x1x16xf32> to vector<16xf32>
        %add3A_783 = arith.constant 32 : i32
        %add3A_784 = arith.addi %add3A_783, %scan3A_775 : i32
        %get3A_785 = arith.constant 0 : i32
        %get3A_786 = arith.index_cast %get3A_785 : i32 to index
        %get3A_787 = arith.index_cast %add3A_784 : i32 to index
        %get3A_788 = arith.constant 0 : index
        %get3A_789 = tpu.vector_load %arg6[%get3A_786, %get3A_787, %get3A_788] {strides = array<i32>} : memref<4x128x128xf32, #tpu.memory_space<vmem>>, vector<1x1x16xf32>,
        %get3A_790 = vector.shape_cast %get3A_789 : vector<1x1x16xf32> to vector<16xf32>
        %add3A_791 = arith.constant 64 : i32
        %add3A_792 = arith.addi %add3A_791, %scan3A_775 : i32
        %get3A_793 = arith.constant 0 : i32
        %get3A_794 = arith.index_cast %get3A_793 : i32 to index
        %get3A_795 = arith.index_cast %add3A_792 : i32 to index
        %get3A_796 = arith.constant 0 : index
        %get3A_797 = tpu.vector_load %arg6[%get3A_794, %get3A_795, %get3A_796] {strides = array<i32>} : memref<4x128x128xf32, #tpu.memory_space<vmem>>, vector<1x1x16xf32>,
        %get3A_798 = vector.shape_cast %get3A_797 : vector<1x1x16xf32> to vector<16xf32>
        %add3A_799 = arith.constant 96 : i32
        %add3A_800 = arith.addi %add3A_799, %scan3A_775 : i32
        %get3A_801 = arith.constant 0 : i32
        %get3A_802 = arith.index_cast %get3A_801 : i32 to index
        %get3A_803 = arith.index_cast %add3A_800 : i32 to index
        %get3A_804 = arith.constant 0 : index
        %get3A_805 = tpu.vector_load %arg6[%get3A_802, %get3A_803, %get3A_804] {strides = array<i32>} : memref<4x128x128xf32, #tpu.memory_space<vmem>>, vector<1x1x16xf32>,
        %get3A_806 = vector.shape_cast %get3A_805 : vector<1x1x16xf32> to vector<16xf32>
        %add3A_807 = arith.constant 0 : i32
        %add3A_808 = arith.addi %add3A_807, %scan3A_775 : i32
        %get3A_809 = arith.constant 0 : i32
        %get3A_810 = arith.index_cast %get3A_809 : i32 to index
        %get3A_811 = arith.index_cast %add3A_808 : i32 to index
        %get3A_812 = arith.constant 16 : index
        %get3A_813 = tpu.vector_load %arg6[%get3A_810, %get3A_811, %get3A_812] {strides = array<i32>} : memref<4x128x128xf32, #tpu.memory_space<vmem>>, vector<1x1x16xf32>,
        %get3A_814 = vector.shape_cast %get3A_813 : vector<1x1x16xf32> to vector<16xf32>
        %add3A_815 = arith.constant 32 : i32
        %add3A_816 = arith.addi %add3A_815, %scan3A_775 : i32
        %get3A_817 = arith.constant 0 : i32
        %get3A_818 = arith.index_cast %get3A_817 : i32 to index
        %get3A_819 = arith.index_cast %add3A_816 : i32 to index
        %get3A_820 = arith.constant 16 : index
        %get3A_821 = tpu.vector_load %arg6[%get3A_818, %get3A_819, %get3A_820] {strides = array<i32>} : memref<4x128x128xf32, #tpu.memory_space<vmem>>, vector<1x1x16xf32>,
        %get3A_822 = vector.shape_cast %get3A_821 : vector<1x1x16xf32> to vector<16xf32>
        %add3A_823 = arith.constant 64 : i32
        %add3A_824 = arith.addi %add3A_823, %scan3A_775 : i32
        %get3A_825 = arith.constant 0 : i32
        %get3A_826 = arith.index_cast %get3A_825 : i32 to index
        %get3A_827 = arith.index_cast %add3A_824 : i32 to index
        %get3A_828 = arith.constant 16 : index
        %get3A_829 = tpu.vector_load %arg6[%get3A_826, %get3A_827, %get3A_828] {strides = array<i32>} : memref<4x128x128xf32, #tpu.memory_space<vmem>>, vector<1x1x16xf32>,
        %get3A_830 = vector.shape_cast %get3A_829 : vector<1x1x16xf32> to vector<16xf32>
        %add3A_831 = arith.constant 96 : i32
        %add3A_832 = arith.addi %add3A_831, %scan3A_775 : i32
        %get3A_833 = arith.constant 0 : i32
        %get3A_834 = arith.index_cast %get3A_833 : i32 to index
        %get3A_835 = arith.index_cast %add3A_832 : i32 to index
        %get3A_836 = arith.constant 16 : index
        %get3A_837 = tpu.vector_load %arg6[%get3A_834, %get3A_835, %get3A_836] {strides = array<i32>} : memref<4x128x128xf32, #tpu.memory_space<vmem>>, vector<1x1x16xf32>,
        %get3A_838 = vector.shape_cast %get3A_837 : vector<1x1x16xf32> to vector<16xf32>
        %add3A_839 = arith.constant 0 : i32
        %add3A_840 = arith.addi %add3A_839, %scan3A_775 : i32
        %get3A_841 = arith.constant 0 : i32
        %get3A_842 = arith.index_cast %get3A_841 : i32 to index
        %get3A_843 = arith.index_cast %add3A_840 : i32 to index
        %get3A_844 = arith.constant 32 : index
        %get3A_845 = tpu.vector_load %arg6[%get3A_842, %get3A_843, %get3A_844] {strides = array<i32>} : memref<4x128x128xf32, #tpu.memory_space<vmem>>, vector<1x1x16xf32>,
        %get3A_846 = vector.shape_cast %get3A_845 : vector<1x1x16xf32> to vector<16xf32>
        %add3A_847 = arith.constant 32 : i32
        %add3A_848 = arith.addi %add3A_847, %scan3A_775 : i32
        %get3A_849 = arith.constant 0 : i32
        %get3A_850 = arith.index_cast %get3A_849 : i32 to index
        %get3A_851 = arith.index_cast %add3A_848 : i32 to index
        %get3A_852 = arith.constant 32 : index
        %get3A_853 = tpu.vector_load %arg6[%get3A_850, %get3A_851, %get3A_852] {strides = array<i32>} : memref<4x128x128xf32, #tpu.memory_space<vmem>>, vector<1x1x16xf32>,
        %get3A_854 = vector.shape_cast %get3A_853 : vector<1x1x16xf32> to vector<16xf32>
        %add3A_855 = arith.constant 64 : i32
        %add3A_856 = arith.addi %add3A_855, %scan3A_775 : i32
        %get3A_857 = arith.constant 0 : i32
        %get3A_858 = arith.index_cast %get3A_857 : i32 to index
        %get3A_859 = arith.index_cast %add3A_856 : i32 to index
        %get3A_860 = arith.constant 32 : index
        %get3A_861 = tpu.vector_load %arg6[%get3A_858, %get3A_859, %get3A_860] {strides = array<i32>} : memref<4x128x128xf32, #tpu.memory_space<vmem>>, vector<1x1x16xf32>,
        %get3A_862 = vector.shape_cast %get3A_861 : vector<1x1x16xf32> to vector<16xf32>
        %add3A_863 = arith.constant 96 : i32
        %add3A_864 = arith.addi %add3A_863, %scan3A_775 : i32
        %get3A_865 = arith.constant 0 : i32
        %get3A_866 = arith.index_cast %get3A_865 : i32 to index
        %get3A_867 = arith.index_cast %add3A_864 : i32 to index
        %get3A_868 = arith.constant 32 : index
        %get3A_869 = tpu.vector_load %arg6[%get3A_866, %get3A_867, %get3A_868] {strides = array<i32>} : memref<4x128x128xf32, #tpu.memory_space<vmem>>, vector<1x1x16xf32>,
        %get3A_870 = vector.shape_cast %get3A_869 : vector<1x1x16xf32> to vector<16xf32>
        %add3A_871 = arith.constant 0 : i32
        %add3A_872 = arith.addi %add3A_871, %scan3A_775 : i32
        %get3A_873 = arith.constant 0 : i32
        %get3A_874 = arith.index_cast %get3A_873 : i32 to index
        %get3A_875 = arith.index_cast %add3A_872 : i32 to index
        %get3A_876 = arith.constant 48 : index
        %get3A_877 = tpu.vector_load %arg6[%get3A_874, %get3A_875, %get3A_876] {strides = array<i32>} : memref<4x128x128xf32, #tpu.memory_space<vmem>>, vector<1x1x16xf32>,
        %get3A_878 = vector.shape_cast %get3A_877 : vector<1x1x16xf32> to vector<16xf32>
        %add3A_879 = arith.constant 32 : i32
        %add3A_880 = arith.addi %add3A_879, %scan3A_775 : i32
        %get3A_881 = arith.constant 0 : i32
        %get3A_882 = arith.index_cast %get3A_881 : i32 to index
        %get3A_883 = arith.index_cast %add3A_880 : i32 to index
        %get3A_884 = arith.constant 48 : index
        %get3A_885 = tpu.vector_load %arg6[%get3A_882, %get3A_883, %get3A_884] {strides = array<i32>} : memref<4x128x128xf32, #tpu.memory_space<vmem>>, vector<1x1x16xf32>,
        %get3A_886 = vector.shape_cast %get3A_885 : vector<1x1x16xf32> to vector<16xf32>
        %add3A_887 = arith.constant 64 : i32
        %add3A_888 = arith.addi %add3A_887, %scan3A_775 : i32
        %get3A_889 = arith.constant 0 : i32
        %get3A_890 = arith.index_cast %get3A_889 : i32 to index
        %get3A_891 = arith.index_cast %add3A_888 : i32 to index
        %get3A_892 = arith.constant 48 : index
        %get3A_893 = tpu.vector_load %arg6[%get3A_890, %get3A_891, %get3A_892] {strides = array<i32>} : memref<4x128x128xf32, #tpu.memory_space<vmem>>, vector<1x1x16xf32>,
        %get3A_894 = vector.shape_cast %get3A_893 : vector<1x1x16xf32> to vector<16xf32>
        %add3A_895 = arith.constant 96 : i32
        %add3A_896 = arith.addi %add3A_895, %scan3A_775 : i32
        %get3A_897 = arith.constant 0 : i32
        %get3A_898 = arith.index_cast %get3A_897 : i32 to index
        %get3A_899 = arith.index_cast %add3A_896 : i32 to index
        %get3A_900 = arith.constant 48 : index
        %get3A_901 = tpu.vector_load %arg6[%get3A_898, %get3A_899, %get3A_900] {strides = array<i32>} : memref<4x128x128xf32, #tpu.memory_space<vmem>>, vector<1x1x16xf32>,
        %get3A_902 = vector.shape_cast %get3A_901 : vector<1x1x16xf32> to vector<16xf32>
        %add3A_903 = arith.addf %get3A_782, %get3A_790 : vector<16xf32>
        %add3A_904 = arith.addf %get3A_798, %get3A_806 : vector<16xf32>
        %add3A_905 = arith.addf %add3A_903, %add3A_904 : vector<16xf32>
        %swap3A_906 = arith.constant 0 : i32
        %swap3A_907 = arith.index_cast %swap3A_906 : i32 to index
        %swap3A_908 = arith.index_cast %scan3A_775 : i32 to index
        %swap3A_909 = arith.constant 0 : index
        %swap3A_910 = tpu.vector_load %arg7[%swap3A_907, %swap3A_908, %swap3A_909] {strides = array<i32>} : memref<4x32x128xf32, #tpu.memory_space<vmem>>, vector<1x1x16xf32>,
        %swap3A_911 = vector.shape_cast %swap3A_910 : vector<1x1x16xf32> to vector<16xf32>
        %swap3A_912 = vector.shape_cast %add3A_905 : vector<16xf32> to vector<1x1x16xf32>
        tpu.vector_store %arg7[%swap3A_907, %swap3A_908, %swap3A_909], %swap3A_912 {strides = array<i32>} : memref<4x32x128xf32, #tpu.memory_space<vmem>>, vector<1x1x16xf32>,
        %add3A_913 = arith.constant 0 : i32
        %add3A_914 = arith.addi %add3A_913, %scan3A_775 : i32
        %get3A_915 = arith.constant 0 : i32
        %get3A_916 = arith.index_cast %get3A_915 : i32 to index
        %get3A_917 = arith.index_cast %add3A_914 : i32 to index
        %get3A_918 = arith.constant 64 : index
        %get3A_919 = tpu.vector_load %arg6[%get3A_916, %get3A_917, %get3A_918] {strides = array<i32>} : memref<4x128x128xf32, #tpu.memory_space<vmem>>, vector<1x1x16xf32>,
        %get3A_920 = vector.shape_cast %get3A_919 : vector<1x1x16xf32> to vector<16xf32>
        %add3A_921 = arith.constant 32 : i32
        %add3A_922 = arith.addi %add3A_921, %scan3A_775 : i32
        %get3A_923 = arith.constant 0 : i32
        %get3A_924 = arith.index_cast %get3A_923 : i32 to index
        %get3A_925 = arith.index_cast %add3A_922 : i32 to index
        %get3A_926 = arith.constant 64 : index
        %get3A_927 = tpu.vector_load %arg6[%get3A_924, %get3A_925, %get3A_926] {strides = array<i32>} : memref<4x128x128xf32, #tpu.memory_space<vmem>>, vector<1x1x16xf32>,
        %get3A_928 = vector.shape_cast %get3A_927 : vector<1x1x16xf32> to vector<16xf32>
        %add3A_929 = arith.constant 64 : i32
        %add3A_930 = arith.addi %add3A_929, %scan3A_775 : i32
        %get3A_931 = arith.constant 0 : i32
        %get3A_932 = arith.index_cast %get3A_931 : i32 to index
        %get3A_933 = arith.index_cast %add3A_930 : i32 to index
        %get3A_934 = arith.constant 64 : index
        %get3A_935 = tpu.vector_load %arg6[%get3A_932, %get3A_933, %get3A_934] {strides = array<i32>} : memref<4x128x128xf32, #tpu.memory_space<vmem>>, vector<1x1x16xf32>,
        %get3A_936 = vector.shape_cast %get3A_935 : vector<1x1x16xf32> to vector<16xf32>
        %add3A_937 = arith.constant 96 : i32
        %add3A_938 = arith.addi %add3A_937, %scan3A_775 : i32
        %get3A_939 = arith.constant 0 : i32
        %get3A_940 = arith.index_cast %get3A_939 : i32 to index
        %get3A_941 = arith.index_cast %add3A_938 : i32 to index
        %get3A_942 = arith.constant 64 : index
        %get3A_943 = tpu.vector_load %arg6[%get3A_940, %get3A_941, %get3A_942] {strides = array<i32>} : memref<4x128x128xf32, #tpu.memory_space<vmem>>, vector<1x1x16xf32>,
        %get3A_944 = vector.shape_cast %get3A_943 : vector<1x1x16xf32> to vector<16xf32>
        %add3A_945 = arith.addf %get3A_814, %get3A_822 : vector<16xf32>
        %add3A_946 = arith.addf %get3A_830, %get3A_838 : vector<16xf32>
        %add3A_947 = arith.addf %add3A_945, %add3A_946 : vector<16xf32>
        %swap3A_948 = arith.constant 0 : i32
        %swap3A_949 = arith.index_cast %swap3A_948 : i32 to index
        %swap3A_950 = arith.index_cast %scan3A_775 : i32 to index
        %swap3A_951 = arith.constant 16 : index
        %swap3A_952 = tpu.vector_load %arg7[%swap3A_949, %swap3A_950, %swap3A_951] {strides = array<i32>} : memref<4x32x128xf32, #tpu.memory_space<vmem>>, vector<1x1x16xf32>,
        %swap3A_953 = vector.shape_cast %swap3A_952 : vector<1x1x16xf32> to vector<16xf32>
        %swap3A_954 = vector.shape_cast %add3A_947 : vector<16xf32> to vector<1x1x16xf32>
        tpu.vector_store %arg7[%swap3A_949, %swap3A_950, %swap3A_951], %swap3A_954 {strides = array<i32>} : memref<4x32x128xf32, #tpu.memory_space<vmem>>, vector<1x1x16xf32>,
        %add3A_955 = arith.constant 0 : i32
        %add3A_956 = arith.addi %add3A_955, %scan3A_775 : i32
        %get3A_957 = arith.constant 0 : i32
        %get3A_958 = arith.index_cast %get3A_957 : i32 to index
        %get3A_959 = arith.index_cast %add3A_956 : i32 to index
        %get3A_960 = arith.constant 80 : index
        %get3A_961 = tpu.vector_load %arg6[%get3A_958, %get3A_959, %get3A_960] {strides = array<i32>} : memref<4x128x128xf32, #tpu.memory_space<vmem>>, vector<1x1x16xf32>,
        %get3A_962 = vector.shape_cast %get3A_961 : vector<1x1x16xf32> to vector<16xf32>
        %add3A_963 = arith.constant 32 : i32
        %add3A_964 = arith.addi %add3A_963, %scan3A_775 : i32
        %get3A_965 = arith.constant 0 : i32
        %get3A_966 = arith.index_cast %get3A_965 : i32 to index
        %get3A_967 = arith.index_cast %add3A_964 : i32 to index
        %get3A_968 = arith.constant 80 : index
        %get3A_969 = tpu.vector_load %arg6[%get3A_966, %get3A_967, %get3A_968] {strides = array<i32>} : memref<4x128x128xf32, #tpu.memory_space<vmem>>, vector<1x1x16xf32>,
        %get3A_970 = vector.shape_cast %get3A_969 : vector<1x1x16xf32> to vector<16xf32>
        %add3A_971 = arith.constant 64 : i32
        %add3A_972 = arith.addi %add3A_971, %scan3A_775 : i32
        %get3A_973 = arith.constant 0 : i32
        %get3A_974 = arith.index_cast %get3A_973 : i32 to index
        %get3A_975 = arith.index_cast %add3A_972 : i32 to index
        %get3A_976 = arith.constant 80 : index
        %get3A_977 = tpu.vector_load %arg6[%get3A_974, %get3A_975, %get3A_976] {strides = array<i32>} : memref<4x128x128xf32, #tpu.memory_space<vmem>>, vector<1x1x16xf32>,
        %get3A_978 = vector.shape_cast %get3A_977 : vector<1x1x16xf32> to vector<16xf32>
        %add3A_979 = arith.constant 96 : i32
        %add3A_980 = arith.addi %add3A_979, %scan3A_775 : i32
        %get3A_981 = arith.constant 0 : i32
        %get3A_982 = arith.index_cast %get3A_981 : i32 to index
        %get3A_983 = arith.index_cast %add3A_980 : i32 to index
        %get3A_984 = arith.constant 80 : index
        %get3A_985 = tpu.vector_load %arg6[%get3A_982, %get3A_983, %get3A_984] {strides = array<i32>} : memref<4x128x128xf32, #tpu.memory_space<vmem>>, vector<1x1x16xf32>,
        %get3A_986 = vector.shape_cast %get3A_985 : vector<1x1x16xf32> to vector<16xf32>
        %add3A_987 = arith.addf %get3A_846, %get3A_854 : vector<16xf32>
        %add3A_988 = arith.addf %get3A_862, %get3A_870 : vector<16xf32>
        %add3A_989 = arith.addf %add3A_987, %add3A_988 : vector<16xf32>
        %swap3A_990 = arith.constant 0 : i32
        %swap3A_991 = arith.index_cast %swap3A_990 : i32 to index
        %swap3A_992 = arith.index_cast %scan3A_775 : i32 to index
        %swap3A_993 = arith.constant 32 : index
        %swap3A_994 = tpu.vector_load %arg7[%swap3A_991, %swap3A_992, %swap3A_993] {strides = array<i32>} : memref<4x32x128xf32, #tpu.memory_space<vmem>>, vector<1x1x16xf32>,
        %swap3A_995 = vector.shape_cast %swap3A_994 : vector<1x1x16xf32> to vector<16xf32>
        %swap3A_996 = vector.shape_cast %add3A_989 : vector<16xf32> to vector<1x1x16xf32>
        tpu.vector_store %arg7[%swap3A_991, %swap3A_992, %swap3A_993], %swap3A_996 {strides = array<i32>} : memref<4x32x128xf32, #tpu.memory_space<vmem>>, vector<1x1x16xf32>,
        %add3A_997 = arith.constant 0 : i32
        %add3A_998 = arith.addi %add3A_997, %scan3A_775 : i32
        %get3A_999 = arith.constant 0 : i32
        %get3A_1000 = arith.index_cast %get3A_999 : i32 to index
        %get3A_1001 = arith.index_cast %add3A_998 : i32 to index
        %get3A_1002 = arith.constant 96 : index
        %get3A_1003 = tpu.vector_load %arg6[%get3A_1000, %get3A_1001, %get3A_1002] {strides = array<i32>} : memref<4x128x128xf32, #tpu.memory_space<vmem>>, vector<1x1x16xf32>,
        %get3A_1004 = vector.shape_cast %get3A_1003 : vector<1x1x16xf32> to vector<16xf32>
        %add3A_1005 = arith.constant 32 : i32
        %add3A_1006 = arith.addi %add3A_1005, %scan3A_775 : i32
        %get3A_1007 = arith.constant 0 : i32
        %get3A_1008 = arith.index_cast %get3A_1007 : i32 to index
        %get3A_1009 = arith.index_cast %add3A_1006 : i32 to index
        %get3A_1010 = arith.constant 96 : index
        %get3A_1011 = tpu.vector_load %arg6[%get3A_1008, %get3A_1009, %get3A_1010] {strides = array<i32>} : memref<4x128x128xf32, #tpu.memory_space<vmem>>, vector<1x1x16xf32>,
        %get3A_1012 = vector.shape_cast %get3A_1011 : vector<1x1x16xf32> to vector<16xf32>
        %add3A_1013 = arith.constant 64 : i32
        %add3A_1014 = arith.addi %add3A_1013, %scan3A_775 : i32
        %get3A_1015 = arith.constant 0 : i32
        %get3A_1016 = arith.index_cast %get3A_1015 : i32 to index
        %get3A_1017 = arith.index_cast %add3A_1014 : i32 to index
        %get3A_1018 = arith.constant 96 : index
        %get3A_1019 = tpu.vector_load %arg6[%get3A_1016, %get3A_1017, %get3A_1018] {strides = array<i32>} : memref<4x128x128xf32, #tpu.memory_space<vmem>>, vector<1x1x16xf32>,
        %get3A_1020 = vector.shape_cast %get3A_1019 : vector<1x1x16xf32> to vector<16xf32>
        %add3A_1021 = arith.constant 96 : i32
        %add3A_1022 = arith.addi %add3A_1021, %scan3A_775 : i32
        %get3A_1023 = arith.constant 0 : i32
        %get3A_1024 = arith.index_cast %get3A_1023 : i32 to index
        %get3A_1025 = arith.index_cast %add3A_1022 : i32 to index
        %get3A_1026 = arith.constant 96 : index
        %get3A_1027 = tpu.vector_load %arg6[%get3A_1024, %get3A_1025, %get3A_1026] {strides = array<i32>} : memref<4x128x128xf32, #tpu.memory_space<vmem>>, vector<1x1x16xf32>,
        %get3A_1028 = vector.shape_cast %get3A_1027 : vector<1x1x16xf32> to vector<16xf32>
        %add3A_1029 = arith.addf %get3A_878, %get3A_886 : vector<16xf32>
        %add3A_1030 = arith.addf %get3A_894, %get3A_902 : vector<16xf32>
        %add3A_1031 = arith.addf %add3A_1029, %add3A_1030 : vector<16xf32>
        %swap3A_1032 = arith.constant 0 : i32
        %swap3A_1033 = arith.index_cast %swap3A_1032 : i32 to index
        %swap3A_1034 = arith.index_cast %scan3A_775 : i32 to index
        %swap3A_1035 = arith.constant 48 : index
        %swap3A_1036 = tpu.vector_load %arg7[%swap3A_1033, %swap3A_1034, %swap3A_1035] {strides = array<i32>} : memref<4x32x128xf32, #tpu.memory_space<vmem>>, vector<1x1x16xf32>,
        %swap3A_1037 = vector.shape_cast %swap3A_1036 : vector<1x1x16xf32> to vector<16xf32>
        %swap3A_1038 = vector.shape_cast %add3A_1031 : vector<16xf32> to vector<1x1x16xf32>
        tpu.vector_store %arg7[%swap3A_1033, %swap3A_1034, %swap3A_1035], %swap3A_1038 {strides = array<i32>} : memref<4x32x128xf32, #tpu.memory_space<vmem>>, vector<1x1x16xf32>,
        %add3A_1039 = arith.constant 0 : i32
        %add3A_1040 = arith.addi %add3A_1039, %scan3A_775 : i32
        %get3A_1041 = arith.constant 0 : i32
        %get3A_1042 = arith.index_cast %get3A_1041 : i32 to index
        %get3A_1043 = arith.index_cast %add3A_1040 : i32 to index
        %get3A_1044 = arith.constant 112 : index
        %get3A_1045 = tpu.vector_load %arg6[%get3A_1042, %get3A_1043, %get3A_1044] {strides = array<i32>} : memref<4x128x128xf32, #tpu.memory_space<vmem>>, vector<1x1x16xf32>,
        %get3A_1046 = vector.shape_cast %get3A_1045 : vector<1x1x16xf32> to vector<16xf32>
        %add3A_1047 = arith.constant 32 : i32
        %add3A_1048 = arith.addi %add3A_1047, %scan3A_775 : i32
        %get3A_1049 = arith.constant 0 : i32
        %get3A_1050 = arith.index_cast %get3A_1049 : i32 to index
        %get3A_1051 = arith.index_cast %add3A_1048 : i32 to index
        %get3A_1052 = arith.constant 112 : index
        %get3A_1053 = tpu.vector_load %arg6[%get3A_1050, %get3A_1051, %get3A_1052] {strides = array<i32>} : memref<4x128x128xf32, #tpu.memory_space<vmem>>, vector<1x1x16xf32>,
        %get3A_1054 = vector.shape_cast %get3A_1053 : vector<1x1x16xf32> to vector<16xf32>
        %add3A_1055 = arith.constant 64 : i32
        %add3A_1056 = arith.addi %add3A_1055, %scan3A_775 : i32
        %get3A_1057 = arith.constant 0 : i32
        %get3A_1058 = arith.index_cast %get3A_1057 : i32 to index
        %get3A_1059 = arith.index_cast %add3A_1056 : i32 to index
        %get3A_1060 = arith.constant 112 : index
        %get3A_1061 = tpu.vector_load %arg6[%get3A_1058, %get3A_1059, %get3A_1060] {strides = array<i32>} : memref<4x128x128xf32, #tpu.memory_space<vmem>>, vector<1x1x16xf32>,
        %get3A_1062 = vector.shape_cast %get3A_1061 : vector<1x1x16xf32> to vector<16xf32>
        %add3A_1063 = arith.constant 96 : i32
        %add3A_1064 = arith.addi %add3A_1063, %scan3A_775 : i32
        %get3A_1065 = arith.constant 0 : i32
        %get3A_1066 = arith.index_cast %get3A_1065 : i32 to index
        %get3A_1067 = arith.index_cast %add3A_1064 : i32 to index
        %get3A_1068 = arith.constant 112 : index
        %get3A_1069 = tpu.vector_load %arg6[%get3A_1066, %get3A_1067, %get3A_1068] {strides = array<i32>} : memref<4x128x128xf32, #tpu.memory_space<vmem>>, vector<1x1x16xf32>,
        %get3A_1070 = vector.shape_cast %get3A_1069 : vector<1x1x16xf32> to vector<16xf32>
        %add3A_1071 = arith.addf %get3A_920, %get3A_928 : vector<16xf32>
        %add3A_1072 = arith.addf %get3A_936, %get3A_944 : vector<16xf32>
        %add3A_1073 = arith.addf %add3A_1071, %add3A_1072 : vector<16xf32>
        %swap3A_1074 = arith.constant 0 : i32
        %swap3A_1075 = arith.index_cast %swap3A_1074 : i32 to index
        %swap3A_1076 = arith.index_cast %scan3A_775 : i32 to index
        %swap3A_1077 = arith.constant 64 : index
        %swap3A_1078 = tpu.vector_load %arg7[%swap3A_1075, %swap3A_1076, %swap3A_1077] {strides = array<i32>} : memref<4x32x128xf32, #tpu.memory_space<vmem>>, vector<1x1x16xf32>,
        %swap3A_1079 = vector.shape_cast %swap3A_1078 : vector<1x1x16xf32> to vector<16xf32>
        %swap3A_1080 = vector.shape_cast %add3A_1073 : vector<16xf32> to vector<1x1x16xf32>
        tpu.vector_store %arg7[%swap3A_1075, %swap3A_1076, %swap3A_1077], %swap3A_1080 {strides = array<i32>} : memref<4x32x128xf32, #tpu.memory_space<vmem>>, vector<1x1x16xf32>,
        %add3A_1081 = arith.addf %get3A_962, %get3A_970 : vector<16xf32>
        %add3A_1082 = arith.addf %get3A_978, %get3A_986 : vector<16xf32>
        %add3A_1083 = arith.addf %add3A_1081, %add3A_1082 : vector<16xf32>
        %swap3A_1084 = arith.constant 0 : i32
        %swap3A_1085 = arith.index_cast %swap3A_1084 : i32 to index
        %swap3A_1086 = arith.index_cast %scan3A_775 : i32 to index
        %swap3A_1087 = arith.constant 80 : index
        %swap3A_1088 = tpu.vector_load %arg7[%swap3A_1085, %swap3A_1086, %swap3A_1087] {strides = array<i32>} : memref<4x32x128xf32, #tpu.memory_space<vmem>>, vector<1x1x16xf32>,
        %swap3A_1089 = vector.shape_cast %swap3A_1088 : vector<1x1x16xf32> to vector<16xf32>
        %swap3A_1090 = vector.shape_cast %add3A_1083 : vector<16xf32> to vector<1x1x16xf32>
        tpu.vector_store %arg7[%swap3A_1085, %swap3A_1086, %swap3A_1087], %swap3A_1090 {strides = array<i32>} : memref<4x32x128xf32, #tpu.memory_space<vmem>>, vector<1x1x16xf32>,
        %add3A_1091 = arith.addf %get3A_1004, %get3A_1012 : vector<16xf32>
        %add3A_1092 = arith.addf %get3A_1020, %get3A_1028 : vector<16xf32>
        %add3A_1093 = arith.addf %add3A_1091, %add3A_1092 : vector<16xf32>
        %swap3A_1094 = arith.constant 0 : i32
        %swap3A_1095 = arith.index_cast %swap3A_1094 : i32 to index
        %swap3A_1096 = arith.index_cast %scan3A_775 : i32 to index
        %swap3A_1097 = arith.constant 96 : index
        %swap3A_1098 = tpu.vector_load %arg7[%swap3A_1095, %swap3A_1096, %swap3A_1097] {strides = array<i32>} : memref<4x32x128xf32, #tpu.memory_space<vmem>>, vector<1x1x16xf32>,
        %swap3A_1099 = vector.shape_cast %swap3A_1098 : vector<1x1x16xf32> to vector<16xf32>
        %swap3A_1100 = vector.shape_cast %add3A_1093 : vector<16xf32> to vector<1x1x16xf32>
        tpu.vector_store %arg7[%swap3A_1095, %swap3A_1096, %swap3A_1097], %swap3A_1100 {strides = array<i32>} : memref<4x32x128xf32, #tpu.memory_space<vmem>>, vector<1x1x16xf32>,
        %add3A_1101 = arith.addf %get3A_1046, %get3A_1054 : vector<16xf32>
        %add3A_1102 = arith.addf %get3A_1062, %get3A_1070 : vector<16xf32>
        %add3A_1103 = arith.addf %add3A_1101, %add3A_1102 : vector<16xf32>
        %swap3A_1104 = arith.constant 0 : i32
        %swap3A_1105 = arith.index_cast %swap3A_1104 : i32 to index
        %swap3A_1106 = arith.index_cast %scan3A_775 : i32 to index
        %swap3A_1107 = arith.constant 112 : index
        %swap3A_1108 = tpu.vector_load %arg7[%swap3A_1105, %swap3A_1106, %swap3A_1107] {strides = array<i32>} : memref<4x32x128xf32, #tpu.memory_space<vmem>>, vector<1x1x16xf32>,
        %swap3A_1109 = vector.shape_cast %swap3A_1108 : vector<1x1x16xf32> to vector<16xf32>
        %swap3A_1110 = vector.shape_cast %add3A_1103 : vector<16xf32> to vector<1x1x16xf32>
        tpu.vector_store %arg7[%swap3A_1105, %swap3A_1106, %swap3A_1107], %swap3A_1110 {strides = array<i32>} : memref<4x32x128xf32, #tpu.memory_space<vmem>>, vector<1x1x16xf32>,
        %scan3A_1111 = arith.constant 1 : i32
        %scan3A_1112 = arith.addi %scan3A_775, %scan3A_1111 : i32
        %add3A_1113 = arith.constant 0 : i32
        %add3A_1114 = arith.addi %add3A_1113, %scan3A_1112 : i32
        %get3A_1115 = arith.constant 0 : i32
        %get3A_1116 = arith.index_cast %get3A_1115 : i32 to index
        %get3A_1117 = arith.index_cast %add3A_1114 : i32 to index
        %get3A_1118 = arith.constant 0 : index
        %get3A_1119 = tpu.vector_load %arg6[%get3A_1116, %get3A_1117, %get3A_1118] {strides = array<i32>} : memref<4x128x128xf32, #tpu.memory_space<vmem>>, vector<1x1x16xf32>,
        %get3A_1120 = vector.shape_cast %get3A_1119 : vector<1x1x16xf32> to vector<16xf32>
        %add3A_1121 = arith.constant 32 : i32
        %add3A_1122 = arith.addi %add3A_1121, %scan3A_1112 : i32
        %get3A_1123 = arith.constant 0 : i32
        %get3A_1124 = arith.index_cast %get3A_1123 : i32 to index
        %get3A_1125 = arith.index_cast %add3A_1122 : i32 to index
        %get3A_1126 = arith.constant 0 : index
        %get3A_1127 = tpu.vector_load %arg6[%get3A_1124, %get3A_1125, %get3A_1126] {strides = array<i32>} : memref<4x128x128xf32, #tpu.memory_space<vmem>>, vector<1x1x16xf32>,
        %get3A_1128 = vector.shape_cast %get3A_1127 : vector<1x1x16xf32> to vector<16xf32>
        %add3A_1129 = arith.constant 64 : i32
        %add3A_1130 = arith.addi %add3A_1129, %scan3A_1112 : i32
        %get3A_1131 = arith.constant 0 : i32
        %get3A_1132 = arith.index_cast %get3A_1131 : i32 to index
        %get3A_1133 = arith.index_cast %add3A_1130 : i32 to index
        %get3A_1134 = arith.constant 0 : index
        %get3A_1135 = tpu.vector_load %arg6[%get3A_1132, %get3A_1133, %get3A_1134] {strides = array<i32>} : memref<4x128x128xf32, #tpu.memory_space<vmem>>, vector<1x1x16xf32>,
        %get3A_1136 = vector.shape_cast %get3A_1135 : vector<1x1x16xf32> to vector<16xf32>
        %add3A_1137 = arith.constant 96 : i32
        %add3A_1138 = arith.addi %add3A_1137, %scan3A_1112 : i32
        %get3A_1139 = arith.constant 0 : i32
        %get3A_1140 = arith.index_cast %get3A_1139 : i32 to index
        %get3A_1141 = arith.index_cast %add3A_1138 : i32 to index
        %get3A_1142 = arith.constant 0 : index
        %get3A_1143 = tpu.vector_load %arg6[%get3A_1140, %get3A_1141, %get3A_1142] {strides = array<i32>} : memref<4x128x128xf32, #tpu.memory_space<vmem>>, vector<1x1x16xf32>,
        %get3A_1144 = vector.shape_cast %get3A_1143 : vector<1x1x16xf32> to vector<16xf32>
        %add3A_1145 = arith.constant 0 : i32
        %add3A_1146 = arith.addi %add3A_1145, %scan3A_1112 : i32
        %get3A_1147 = arith.constant 0 : i32
        %get3A_1148 = arith.index_cast %get3A_1147 : i32 to index
        %get3A_1149 = arith.index_cast %add3A_1146 : i32 to index
        %get3A_1150 = arith.constant 16 : index
        %get3A_1151 = tpu.vector_load %arg6[%get3A_1148, %get3A_1149, %get3A_1150] {strides = array<i32>} : memref<4x128x128xf32, #tpu.memory_space<vmem>>, vector<1x1x16xf32>,
        %get3A_1152 = vector.shape_cast %get3A_1151 : vector<1x1x16xf32> to vector<16xf32>
        %add3A_1153 = arith.constant 32 : i32
        %add3A_1154 = arith.addi %add3A_1153, %scan3A_1112 : i32
        %get3A_1155 = arith.constant 0 : i32
        %get3A_1156 = arith.index_cast %get3A_1155 : i32 to index
        %get3A_1157 = arith.index_cast %add3A_1154 : i32 to index
        %get3A_1158 = arith.constant 16 : index
        %get3A_1159 = tpu.vector_load %arg6[%get3A_1156, %get3A_1157, %get3A_1158] {strides = array<i32>} : memref<4x128x128xf32, #tpu.memory_space<vmem>>, vector<1x1x16xf32>,
        %get3A_1160 = vector.shape_cast %get3A_1159 : vector<1x1x16xf32> to vector<16xf32>
        %add3A_1161 = arith.constant 64 : i32
        %add3A_1162 = arith.addi %add3A_1161, %scan3A_1112 : i32
        %get3A_1163 = arith.constant 0 : i32
        %get3A_1164 = arith.index_cast %get3A_1163 : i32 to index
        %get3A_1165 = arith.index_cast %add3A_1162 : i32 to index
        %get3A_1166 = arith.constant 16 : index
        %get3A_1167 = tpu.vector_load %arg6[%get3A_1164, %get3A_1165, %get3A_1166] {strides = array<i32>} : memref<4x128x128xf32, #tpu.memory_space<vmem>>, vector<1x1x16xf32>,
        %get3A_1168 = vector.shape_cast %get3A_1167 : vector<1x1x16xf32> to vector<16xf32>
        %add3A_1169 = arith.constant 96 : i32
        %add3A_1170 = arith.addi %add3A_1169, %scan3A_1112 : i32
        %get3A_1171 = arith.constant 0 : i32
        %get3A_1172 = arith.index_cast %get3A_1171 : i32 to index
        %get3A_1173 = arith.index_cast %add3A_1170 : i32 to index
        %get3A_1174 = arith.constant 16 : index
        %get3A_1175 = tpu.vector_load %arg6[%get3A_1172, %get3A_1173, %get3A_1174] {strides = array<i32>} : memref<4x128x128xf32, #tpu.memory_space<vmem>>, vector<1x1x16xf32>,
        %get3A_1176 = vector.shape_cast %get3A_1175 : vector<1x1x16xf32> to vector<16xf32>
        %add3A_1177 = arith.constant 0 : i32
        %add3A_1178 = arith.addi %add3A_1177, %scan3A_1112 : i32
        %get3A_1179 = arith.constant 0 : i32
        %get3A_1180 = arith.index_cast %get3A_1179 : i32 to index
        %get3A_1181 = arith.index_cast %add3A_1178 : i32 to index
        %get3A_1182 = arith.constant 32 : index
        %get3A_1183 = tpu.vector_load %arg6[%get3A_1180, %get3A_1181, %get3A_1182] {strides = array<i32>} : memref<4x128x128xf32, #tpu.memory_space<vmem>>, vector<1x1x16xf32>,
        %get3A_1184 = vector.shape_cast %get3A_1183 : vector<1x1x16xf32> to vector<16xf32>
        %add3A_1185 = arith.constant 32 : i32
        %add3A_1186 = arith.addi %add3A_1185, %scan3A_1112 : i32
        %get3A_1187 = arith.constant 0 : i32
        %get3A_1188 = arith.index_cast %get3A_1187 : i32 to index
        %get3A_1189 = arith.index_cast %add3A_1186 : i32 to index
        %get3A_1190 = arith.constant 32 : index
        %get3A_1191 = tpu.vector_load %arg6[%get3A_1188, %get3A_1189, %get3A_1190] {strides = array<i32>} : memref<4x128x128xf32, #tpu.memory_space<vmem>>, vector<1x1x16xf32>,
        %get3A_1192 = vector.shape_cast %get3A_1191 : vector<1x1x16xf32> to vector<16xf32>
        %add3A_1193 = arith.constant 64 : i32
        %add3A_1194 = arith.addi %add3A_1193, %scan3A_1112 : i32
        %get3A_1195 = arith.constant 0 : i32
        %get3A_1196 = arith.index_cast %get3A_1195 : i32 to index
        %get3A_1197 = arith.index_cast %add3A_1194 : i32 to index
        %get3A_1198 = arith.constant 32 : index
        %get3A_1199 = tpu.vector_load %arg6[%get3A_1196, %get3A_1197, %get3A_1198] {strides = array<i32>} : memref<4x128x128xf32, #tpu.memory_space<vmem>>, vector<1x1x16xf32>,
        %get3A_1200 = vector.shape_cast %get3A_1199 : vector<1x1x16xf32> to vector<16xf32>
        %add3A_1201 = arith.constant 96 : i32
        %add3A_1202 = arith.addi %add3A_1201, %scan3A_1112 : i32
        %get3A_1203 = arith.constant 0 : i32
        %get3A_1204 = arith.index_cast %get3A_1203 : i32 to index
        %get3A_1205 = arith.index_cast %add3A_1202 : i32 to index
        %get3A_1206 = arith.constant 32 : index
        %get3A_1207 = tpu.vector_load %arg6[%get3A_1204, %get3A_1205, %get3A_1206] {strides = array<i32>} : memref<4x128x128xf32, #tpu.memory_space<vmem>>, vector<1x1x16xf32>,
        %get3A_1208 = vector.shape_cast %get3A_1207 : vector<1x1x16xf32> to vector<16xf32>
        %add3A_1209 = arith.constant 0 : i32
        %add3A_1210 = arith.addi %add3A_1209, %scan3A_1112 : i32
        %get3A_1211 = arith.constant 0 : i32
        %get3A_1212 = arith.index_cast %get3A_1211 : i32 to index
        %get3A_1213 = arith.index_cast %add3A_1210 : i32 to index
        %get3A_1214 = arith.constant 48 : index
        %get3A_1215 = tpu.vector_load %arg6[%get3A_1212, %get3A_1213, %get3A_1214] {strides = array<i32>} : memref<4x128x128xf32, #tpu.memory_space<vmem>>, vector<1x1x16xf32>,
        %get3A_1216 = vector.shape_cast %get3A_1215 : vector<1x1x16xf32> to vector<16xf32>
        %add3A_1217 = arith.constant 32 : i32
        %add3A_1218 = arith.addi %add3A_1217, %scan3A_1112 : i32
        %get3A_1219 = arith.constant 0 : i32
        %get3A_1220 = arith.index_cast %get3A_1219 : i32 to index
        %get3A_1221 = arith.index_cast %add3A_1218 : i32 to index
        %get3A_1222 = arith.constant 48 : index
        %get3A_1223 = tpu.vector_load %arg6[%get3A_1220, %get3A_1221, %get3A_1222] {strides = array<i32>} : memref<4x128x128xf32, #tpu.memory_space<vmem>>, vector<1x1x16xf32>,
        %get3A_1224 = vector.shape_cast %get3A_1223 : vector<1x1x16xf32> to vector<16xf32>
        %add3A_1225 = arith.constant 64 : i32
        %add3A_1226 = arith.addi %add3A_1225, %scan3A_1112 : i32
        %get3A_1227 = arith.constant 0 : i32
        %get3A_1228 = arith.index_cast %get3A_1227 : i32 to index
        %get3A_1229 = arith.index_cast %add3A_1226 : i32 to index
        %get3A_1230 = arith.constant 48 : index
        %get3A_1231 = tpu.vector_load %arg6[%get3A_1228, %get3A_1229, %get3A_1230] {strides = array<i32>} : memref<4x128x128xf32, #tpu.memory_space<vmem>>, vector<1x1x16xf32>,
        %get3A_1232 = vector.shape_cast %get3A_1231 : vector<1x1x16xf32> to vector<16xf32>
        %add3A_1233 = arith.constant 96 : i32
        %add3A_1234 = arith.addi %add3A_1233, %scan3A_1112 : i32
        %get3A_1235 = arith.constant 0 : i32
        %get3A_1236 = arith.index_cast %get3A_1235 : i32 to index
        %get3A_1237 = arith.index_cast %add3A_1234 : i32 to index
        %get3A_1238 = arith.constant 48 : index
        %get3A_1239 = tpu.vector_load %arg6[%get3A_1236, %get3A_1237, %get3A_1238] {strides = array<i32>} : memref<4x128x128xf32, #tpu.memory_space<vmem>>, vector<1x1x16xf32>,
        %get3A_1240 = vector.shape_cast %get3A_1239 : vector<1x1x16xf32> to vector<16xf32>
        %add3A_1241 = arith.addf %get3A_1120, %get3A_1128 : vector<16xf32>
        %add3A_1242 = arith.addf %get3A_1136, %get3A_1144 : vector<16xf32>
        %add3A_1243 = arith.addf %add3A_1241, %add3A_1242 : vector<16xf32>
        %swap3A_1244 = arith.constant 0 : i32
        %swap3A_1245 = arith.index_cast %swap3A_1244 : i32 to index
        %swap3A_1246 = arith.index_cast %scan3A_1112 : i32 to index
        %swap3A_1247 = arith.constant 0 : index
        %swap3A_1248 = tpu.vector_load %arg7[%swap3A_1245, %swap3A_1246, %swap3A_1247] {strides = array<i32>} : memref<4x32x128xf32, #tpu.memory_space<vmem>>, vector<1x1x16xf32>,
        %swap3A_1249 = vector.shape_cast %swap3A_1248 : vector<1x1x16xf32> to vector<16xf32>
        %swap3A_1250 = vector.shape_cast %add3A_1243 : vector<16xf32> to vector<1x1x16xf32>
        tpu.vector_store %arg7[%swap3A_1245, %swap3A_1246, %swap3A_1247], %swap3A_1250 {strides = array<i32>} : memref<4x32x128xf32, #tpu.memory_space<vmem>>, vector<1x1x16xf32>,
        %add3A_1251 = arith.constant 0 : i32
        %add3A_1252 = arith.addi %add3A_1251, %scan3A_1112 : i32
        %get3A_1253 = arith.constant 0 : i32
        %get3A_1254 = arith.index_cast %get3A_1253 : i32 to index
        %get3A_1255 = arith.index_cast %add3A_1252 : i32 to index
        %get3A_1256 = arith.constant 64 : index
        %get3A_1257 = tpu.vector_load %arg6[%get3A_1254, %get3A_1255, %get3A_1256] {strides = array<i32>} : memref<4x128x128xf32, #tpu.memory_space<vmem>>, vector<1x1x16xf32>,
        %get3A_1258 = vector.shape_cast %get3A_1257 : vector<1x1x16xf32> to vector<16xf32>
        %add3A_1259 = arith.constant 32 : i32
        %add3A_1260 = arith.addi %add3A_1259, %scan3A_1112 : i32
        %get3A_1261 = arith.constant 0 : i32
        %get3A_1262 = arith.index_cast %get3A_1261 : i32 to index
        %get3A_1263 = arith.index_cast %add3A_1260 : i32 to index
        %get3A_1264 = arith.constant 64 : index
        %get3A_1265 = tpu.vector_load %arg6[%get3A_1262, %get3A_1263, %get3A_1264] {strides = array<i32>} : memref<4x128x128xf32, #tpu.memory_space<vmem>>, vector<1x1x16xf32>,
        %get3A_1266 = vector.shape_cast %get3A_1265 : vector<1x1x16xf32> to vector<16xf32>
        %add3A_1267 = arith.constant 64 : i32
        %add3A_1268 = arith.addi %add3A_1267, %scan3A_1112 : i32
        %get3A_1269 = arith.constant 0 : i32
        %get3A_1270 = arith.index_cast %get3A_1269 : i32 to index
        %get3A_1271 = arith.index_cast %add3A_1268 : i32 to index
        %get3A_1272 = arith.constant 64 : index
        %get3A_1273 = tpu.vector_load %arg6[%get3A_1270, %get3A_1271, %get3A_1272] {strides = array<i32>} : memref<4x128x128xf32, #tpu.memory_space<vmem>>, vector<1x1x16xf32>,
        %get3A_1274 = vector.shape_cast %get3A_1273 : vector<1x1x16xf32> to vector<16xf32>
        %add3A_1275 = arith.constant 96 : i32
        %add3A_1276 = arith.addi %add3A_1275, %scan3A_1112 : i32
        %get3A_1277 = arith.constant 0 : i32
        %get3A_1278 = arith.index_cast %get3A_1277 : i32 to index
        %get3A_1279 = arith.index_cast %add3A_1276 : i32 to index
        %get3A_1280 = arith.constant 64 : index
        %get3A_1281 = tpu.vector_load %arg6[%get3A_1278, %get3A_1279, %get3A_1280] {strides = array<i32>} : memref<4x128x128xf32, #tpu.memory_space<vmem>>, vector<1x1x16xf32>,
        %get3A_1282 = vector.shape_cast %get3A_1281 : vector<1x1x16xf32> to vector<16xf32>
        %add3A_1283 = arith.addf %get3A_1152, %get3A_1160 : vector<16xf32>
        %add3A_1284 = arith.addf %get3A_1168, %get3A_1176 : vector<16xf32>
        %add3A_1285 = arith.addf %add3A_1283, %add3A_1284 : vector<16xf32>
        %swap3A_1286 = arith.constant 0 : i32
        %swap3A_1287 = arith.index_cast %swap3A_1286 : i32 to index
        %swap3A_1288 = arith.index_cast %scan3A_1112 : i32 to index
        %swap3A_1289 = arith.constant 16 : index
        %swap3A_1290 = tpu.vector_load %arg7[%swap3A_1287, %swap3A_1288, %swap3A_1289] {strides = array<i32>} : memref<4x32x128xf32, #tpu.memory_space<vmem>>, vector<1x1x16xf32>,
        %swap3A_1291 = vector.shape_cast %swap3A_1290 : vector<1x1x16xf32> to vector<16xf32>
        %swap3A_1292 = vector.shape_cast %add3A_1285 : vector<16xf32> to vector<1x1x16xf32>
        tpu.vector_store %arg7[%swap3A_1287, %swap3A_1288, %swap3A_1289], %swap3A_1292 {strides = array<i32>} : memref<4x32x128xf32, #tpu.memory_space<vmem>>, vector<1x1x16xf32>,
        %add3A_1293 = arith.constant 0 : i32
        %add3A_1294 = arith.addi %add3A_1293, %scan3A_1112 : i32
        %get3A_1295 = arith.constant 0 : i32
        %get3A_1296 = arith.index_cast %get3A_1295 : i32 to index
        %get3A_1297 = arith.index_cast %add3A_1294 : i32 to index
        %get3A_1298 = arith.constant 80 : index
        %get3A_1299 = tpu.vector_load %arg6[%get3A_1296, %get3A_1297, %get3A_1298] {strides = array<i32>} : memref<4x128x128xf32, #tpu.memory_space<vmem>>, vector<1x1x16xf32>,
        %get3A_1300 = vector.shape_cast %get3A_1299 : vector<1x1x16xf32> to vector<16xf32>
        %add3A_1301 = arith.constant 32 : i32
        %add3A_1302 = arith.addi %add3A_1301, %scan3A_1112 : i32
        %get3A_1303 = arith.constant 0 : i32
        %get3A_1304 = arith.index_cast %get3A_1303 : i32 to index
        %get3A_1305 = arith.index_cast %add3A_1302 : i32 to index
        %get3A_1306 = arith.constant 80 : index
        %get3A_1307 = tpu.vector_load %arg6[%get3A_1304, %get3A_1305, %get3A_1306] {strides = array<i32>} : memref<4x128x128xf32, #tpu.memory_space<vmem>>, vector<1x1x16xf32>,
        %get3A_1308 = vector.shape_cast %get3A_1307 : vector<1x1x16xf32> to vector<16xf32>
        %add3A_1309 = arith.constant 64 : i32
        %add3A_1310 = arith.addi %add3A_1309, %scan3A_1112 : i32
        %get3A_1311 = arith.constant 0 : i32
        %get3A_1312 = arith.index_cast %get3A_1311 : i32 to index
        %get3A_1313 = arith.index_cast %add3A_1310 : i32 to index
        %get3A_1314 = arith.constant 80 : index
        %get3A_1315 = tpu.vector_load %arg6[%get3A_1312, %get3A_1313, %get3A_1314] {strides = array<i32>} : memref<4x128x128xf32, #tpu.memory_space<vmem>>, vector<1x1x16xf32>,
        %get3A_1316 = vector.shape_cast %get3A_1315 : vector<1x1x16xf32> to vector<16xf32>
        %add3A_1317 = arith.constant 96 : i32
        %add3A_1318 = arith.addi %add3A_1317, %scan3A_1112 : i32
        %get3A_1319 = arith.constant 0 : i32
        %get3A_1320 = arith.index_cast %get3A_1319 : i32 to index
        %get3A_1321 = arith.index_cast %add3A_1318 : i32 to index
        %get3A_1322 = arith.constant 80 : index
        %get3A_1323 = tpu.vector_load %arg6[%get3A_1320, %get3A_1321, %get3A_1322] {strides = array<i32>} : memref<4x128x128xf32, #tpu.memory_space<vmem>>, vector<1x1x16xf32>,
        %get3A_1324 = vector.shape_cast %get3A_1323 : vector<1x1x16xf32> to vector<16xf32>
        %add3A_1325 = arith.addf %get3A_1184, %get3A_1192 : vector<16xf32>
        %add3A_1326 = arith.addf %get3A_1200, %get3A_1208 : vector<16xf32>
        %add3A_1327 = arith.addf %add3A_1325, %add3A_1326 : vector<16xf32>
        %swap3A_1328 = arith.constant 0 : i32
        %swap3A_1329 = arith.index_cast %swap3A_1328 : i32 to index
        %swap3A_1330 = arith.index_cast %scan3A_1112 : i32 to index
        %swap3A_1331 = arith.constant 32 : index
        %swap3A_1332 = tpu.vector_load %arg7[%swap3A_1329, %swap3A_1330, %swap3A_1331] {strides = array<i32>} : memref<4x32x128xf32, #tpu.memory_space<vmem>>, vector<1x1x16xf32>,
        %swap3A_1333 = vector.shape_cast %swap3A_1332 : vector<1x1x16xf32> to vector<16xf32>
        %swap3A_1334 = vector.shape_cast %add3A_1327 : vector<16xf32> to vector<1x1x16xf32>
        tpu.vector_store %arg7[%swap3A_1329, %swap3A_1330, %swap3A_1331], %swap3A_1334 {strides = array<i32>} : memref<4x32x128xf32, #tpu.memory_space<vmem>>, vector<1x1x16xf32>,
        %add3A_1335 = arith.constant 0 : i32
        %add3A_1336 = arith.addi %add3A_1335, %scan3A_1112 : i32
        %get3A_1337 = arith.constant 0 : i32
        %get3A_1338 = arith.index_cast %get3A_1337 : i32 to index
        %get3A_1339 = arith.index_cast %add3A_1336 : i32 to index
        %get3A_1340 = arith.constant 96 : index
        %get3A_1341 = tpu.vector_load %arg6[%get3A_1338, %get3A_1339, %get3A_1340] {strides = array<i32>} : memref<4x128x128xf32, #tpu.memory_space<vmem>>, vector<1x1x16xf32>,
        %get3A_1342 = vector.shape_cast %get3A_1341 : vector<1x1x16xf32> to vector<16xf32>
        %add3A_1343 = arith.constant 32 : i32
        %add3A_1344 = arith.addi %add3A_1343, %scan3A_1112 : i32
        %get3A_1345 = arith.constant 0 : i32
        %get3A_1346 = arith.index_cast %get3A_1345 : i32 to index
        %get3A_1347 = arith.index_cast %add3A_1344 : i32 to index
        %get3A_1348 = arith.constant 96 : index
        %get3A_1349 = tpu.vector_load %arg6[%get3A_1346, %get3A_1347, %get3A_1348] {strides = array<i32>} : memref<4x128x128xf32, #tpu.memory_space<vmem>>, vector<1x1x16xf32>,
        %get3A_1350 = vector.shape_cast %get3A_1349 : vector<1x1x16xf32> to vector<16xf32>
        %add3A_1351 = arith.constant 64 : i32
        %add3A_1352 = arith.addi %add3A_1351, %scan3A_1112 : i32
        %get3A_1353 = arith.constant 0 : i32
        %get3A_1354 = arith.index_cast %get3A_1353 : i32 to index
        %get3A_1355 = arith.index_cast %add3A_1352 : i32 to index
        %get3A_1356 = arith.constant 96 : index
        %get3A_1357 = tpu.vector_load %arg6[%get3A_1354, %get3A_1355, %get3A_1356] {strides = array<i32>} : memref<4x128x128xf32, #tpu.memory_space<vmem>>, vector<1x1x16xf32>,
        %get3A_1358 = vector.shape_cast %get3A_1357 : vector<1x1x16xf32> to vector<16xf32>
        %add3A_1359 = arith.constant 96 : i32
        %add3A_1360 = arith.addi %add3A_1359, %scan3A_1112 : i32
        %get3A_1361 = arith.constant 0 : i32
        %get3A_1362 = arith.index_cast %get3A_1361 : i32 to index
        %get3A_1363 = arith.index_cast %add3A_1360 : i32 to index
        %get3A_1364 = arith.constant 96 : index
        %get3A_1365 = tpu.vector_load %arg6[%get3A_1362, %get3A_1363, %get3A_1364] {strides = array<i32>} : memref<4x128x128xf32, #tpu.memory_space<vmem>>, vector<1x1x16xf32>,
        %get3A_1366 = vector.shape_cast %get3A_1365 : vector<1x1x16xf32> to vector<16xf32>
        %add3A_1367 = arith.addf %get3A_1216, %get3A_1224 : vector<16xf32>
        %add3A_1368 = arith.addf %get3A_1232, %get3A_1240 : vector<16xf32>
        %add3A_1369 = arith.addf %add3A_1367, %add3A_1368 : vector<16xf32>
        %swap3A_1370 = arith.constant 0 : i32
        %swap3A_1371 = arith.index_cast %swap3A_1370 : i32 to index
        %swap3A_1372 = arith.index_cast %scan3A_1112 : i32 to index
        %swap3A_1373 = arith.constant 48 : index
        %swap3A_1374 = tpu.vector_load %arg7[%swap3A_1371, %swap3A_1372, %swap3A_1373] {strides = array<i32>} : memref<4x32x128xf32, #tpu.memory_space<vmem>>, vector<1x1x16xf32>,
        %swap3A_1375 = vector.shape_cast %swap3A_1374 : vector<1x1x16xf32> to vector<16xf32>
        %swap3A_1376 = vector.shape_cast %add3A_1369 : vector<16xf32> to vector<1x1x16xf32>
        tpu.vector_store %arg7[%swap3A_1371, %swap3A_1372, %swap3A_1373], %swap3A_1376 {strides = array<i32>} : memref<4x32x128xf32, #tpu.memory_space<vmem>>, vector<1x1x16xf32>,
        %add3A_1377 = arith.constant 0 : i32
        %add3A_1378 = arith.addi %add3A_1377, %scan3A_1112 : i32
        %get3A_1379 = arith.constant 0 : i32
        %get3A_1380 = arith.index_cast %get3A_1379 : i32 to index
        %get3A_1381 = arith.index_cast %add3A_1378 : i32 to index
        %get3A_1382 = arith.constant 112 : index
        %get3A_1383 = tpu.vector_load %arg6[%get3A_1380, %get3A_1381, %get3A_1382] {strides = array<i32>} : memref<4x128x128xf32, #tpu.memory_space<vmem>>, vector<1x1x16xf32>,
        %get3A_1384 = vector.shape_cast %get3A_1383 : vector<1x1x16xf32> to vector<16xf32>
        %add3A_1385 = arith.constant 32 : i32
        %add3A_1386 = arith.addi %add3A_1385, %scan3A_1112 : i32
        %get3A_1387 = arith.constant 0 : i32
        %get3A_1388 = arith.index_cast %get3A_1387 : i32 to index
        %get3A_1389 = arith.index_cast %add3A_1386 : i32 to index
        %get3A_1390 = arith.constant 112 : index
        %get3A_1391 = tpu.vector_load %arg6[%get3A_1388, %get3A_1389, %get3A_1390] {strides = array<i32>} : memref<4x128x128xf32, #tpu.memory_space<vmem>>, vector<1x1x16xf32>,
        %get3A_1392 = vector.shape_cast %get3A_1391 : vector<1x1x16xf32> to vector<16xf32>
        %add3A_1393 = arith.constant 64 : i32
        %add3A_1394 = arith.addi %add3A_1393, %scan3A_1112 : i32
        %get3A_1395 = arith.constant 0 : i32
        %get3A_1396 = arith.index_cast %get3A_1395 : i32 to index
        %get3A_1397 = arith.index_cast %add3A_1394 : i32 to index
        %get3A_1398 = arith.constant 112 : index
        %get3A_1399 = tpu.vector_load %arg6[%get3A_1396, %get3A_1397, %get3A_1398] {strides = array<i32>} : memref<4x128x128xf32, #tpu.memory_space<vmem>>, vector<1x1x16xf32>,
        %get3A_1400 = vector.shape_cast %get3A_1399 : vector<1x1x16xf32> to vector<16xf32>
        %add3A_1401 = arith.constant 96 : i32
        %add3A_1402 = arith.addi %add3A_1401, %scan3A_1112 : i32
        %get3A_1403 = arith.constant 0 : i32
        %get3A_1404 = arith.index_cast %get3A_1403 : i32 to index
        %get3A_1405 = arith.index_cast %add3A_1402 : i32 to index
        %get3A_1406 = arith.constant 112 : index
        %get3A_1407 = tpu.vector_load %arg6[%get3A_1404, %get3A_1405, %get3A_1406] {strides = array<i32>} : memref<4x128x128xf32, #tpu.memory_space<vmem>>, vector<1x1x16xf32>,
        %get3A_1408 = vector.shape_cast %get3A_1407 : vector<1x1x16xf32> to vector<16xf32>
        %add3A_1409 = arith.addf %get3A_1258, %get3A_1266 : vector<16xf32>
        %add3A_1410 = arith.addf %get3A_1274, %get3A_1282 : vector<16xf32>
        %add3A_1411 = arith.addf %add3A_1409, %add3A_1410 : vector<16xf32>
        %swap3A_1412 = arith.constant 0 : i32
        %swap3A_1413 = arith.index_cast %swap3A_1412 : i32 to index
        %swap3A_1414 = arith.index_cast %scan3A_1112 : i32 to index
        %swap3A_1415 = arith.constant 64 : index
        %swap3A_1416 = tpu.vector_load %arg7[%swap3A_1413, %swap3A_1414, %swap3A_1415] {strides = array<i32>} : memref<4x32x128xf32, #tpu.memory_space<vmem>>, vector<1x1x16xf32>,
        %swap3A_1417 = vector.shape_cast %swap3A_1416 : vector<1x1x16xf32> to vector<16xf32>
        %swap3A_1418 = vector.shape_cast %add3A_1411 : vector<16xf32> to vector<1x1x16xf32>
        tpu.vector_store %arg7[%swap3A_1413, %swap3A_1414, %swap3A_1415], %swap3A_1418 {strides = array<i32>} : memref<4x32x128xf32, #tpu.memory_space<vmem>>, vector<1x1x16xf32>,
        %add3A_1419 = arith.addf %get3A_1300, %get3A_1308 : vector<16xf32>
        %add3A_1420 = arith.addf %get3A_1316, %get3A_1324 : vector<16xf32>
        %add3A_1421 = arith.addf %add3A_1419, %add3A_1420 : vector<16xf32>
        %swap3A_1422 = arith.constant 0 : i32
        %swap3A_1423 = arith.index_cast %swap3A_1422 : i32 to index
        %swap3A_1424 = arith.index_cast %scan3A_1112 : i32 to index
        %swap3A_1425 = arith.constant 80 : index
        %swap3A_1426 = tpu.vector_load %arg7[%swap3A_1423, %swap3A_1424, %swap3A_1425] {strides = array<i32>} : memref<4x32x128xf32, #tpu.memory_space<vmem>>, vector<1x1x16xf32>,
        %swap3A_1427 = vector.shape_cast %swap3A_1426 : vector<1x1x16xf32> to vector<16xf32>
        %swap3A_1428 = vector.shape_cast %add3A_1421 : vector<16xf32> to vector<1x1x16xf32>
        tpu.vector_store %arg7[%swap3A_1423, %swap3A_1424, %swap3A_1425], %swap3A_1428 {strides = array<i32>} : memref<4x32x128xf32, #tpu.memory_space<vmem>>, vector<1x1x16xf32>,
        %add3A_1429 = arith.addf %get3A_1342, %get3A_1350 : vector<16xf32>
        %add3A_1430 = arith.addf %get3A_1358, %get3A_1366 : vector<16xf32>
        %add3A_1431 = arith.addf %add3A_1429, %add3A_1430 : vector<16xf32>
        %swap3A_1432 = arith.constant 0 : i32
        %swap3A_1433 = arith.index_cast %swap3A_1432 : i32 to index
        %swap3A_1434 = arith.index_cast %scan3A_1112 : i32 to index
        %swap3A_1435 = arith.constant 96 : index
        %swap3A_1436 = tpu.vector_load %arg7[%swap3A_1433, %swap3A_1434, %swap3A_1435] {strides = array<i32>} : memref<4x32x128xf32, #tpu.memory_space<vmem>>, vector<1x1x16xf32>,
        %swap3A_1437 = vector.shape_cast %swap3A_1436 : vector<1x1x16xf32> to vector<16xf32>
        %swap3A_1438 = vector.shape_cast %add3A_1431 : vector<16xf32> to vector<1x1x16xf32>
        tpu.vector_store %arg7[%swap3A_1433, %swap3A_1434, %swap3A_1435], %swap3A_1438 {strides = array<i32>} : memref<4x32x128xf32, #tpu.memory_space<vmem>>, vector<1x1x16xf32>,
        %add3A_1439 = arith.addf %get3A_1384, %get3A_1392 : vector<16xf32>
        %add3A_1440 = arith.addf %get3A_1400, %get3A_1408 : vector<16xf32>
        %add3A_1441 = arith.addf %add3A_1439, %add3A_1440 : vector<16xf32>
        %swap3A_1442 = arith.constant 0 : i32
        %swap3A_1443 = arith.index_cast %swap3A_1442 : i32 to index
        %swap3A_1444 = arith.index_cast %scan3A_1112 : i32 to index
        %swap3A_1445 = arith.constant 112 : index
        %swap3A_1446 = tpu.vector_load %arg7[%swap3A_1443, %swap3A_1444, %swap3A_1445] {strides = array<i32>} : memref<4x32x128xf32, #tpu.memory_space<vmem>>, vector<1x1x16xf32>,
        %swap3A_1447 = vector.shape_cast %swap3A_1446 : vector<1x1x16xf32> to vector<16xf32>
        %swap3A_1448 = vector.shape_cast %add3A_1441 : vector<16xf32> to vector<1x1x16xf32>
        tpu.vector_store %arg7[%swap3A_1443, %swap3A_1444, %swap3A_1445], %swap3A_1448 {strides = array<i32>} : memref<4x32x128xf32, #tpu.memory_space<vmem>>, vector<1x1x16xf32>,
      }
      %scan3A_334 = arith.constant 32 : i32
      %mul3A_335 = arith.constant 128 : i32
      %mul3A_336 = arith.muli %sub3A_256, %mul3A_335 : i32
      %add3A_337 = arith.constant 0 : i32
      %add3A_338 = arith.addi %mul3A_336, %add3A_337 : i32
      %mul3A_339 = arith.constant 200 : i32
      %mul3A_340 = arith.muli %add3A_338, %mul3A_339 : i32
      %add3A_341 = arith.addi %mul3A_340, %select_n3A : i32
      %iota3A = tpu.iota {dimensions = array<i32: 0>} : vector<16xi32>
      %add3A_342 = arith.constant 0 : i32
      %add3A_343 = vector.broadcast %add3A_342 : i32 to vector<16xi32>
      %add3A_344 = arith.addi %add3A_343, %iota3A : vector<16xi32>
      %mul3A_345 = arith.constant 200 : i32
      %mul3A_346 = vector.broadcast %mul3A_345 : i32 to vector<16xi32>
      %mul3A_347 = arith.muli %add3A_344, %mul3A_346 : vector<16xi32>
      %add3A_348 = vector.broadcast %add3A_341 : i32 to vector<16xi32>
      %add3A_349 = arith.addi %add3A_348, %mul3A_347 : vector<16xi32>
      %swap3A = arith.constant 0 : i32
      %swap3A_350 = arith.index_cast %swap3A : i32 to index
      %swap3A_351 = arith.constant 0 : index
      %swap3A_352 = tpu.vector_load %arg8[%swap3A_350, %swap3A_351] {strides = array<i32>} : memref<4x32xi32, #tpu.memory_space<vmem>>, vector<1x16xi32>,
      %swap3A_353 = vector.shape_cast %swap3A_352 : vector<1x16xi32> to vector<16xi32>
      %swap3A_354 = vector.shape_cast %add3A_349 : vector<16xi32> to vector<1x16xi32>
      tpu.vector_store %arg8[%swap3A_350, %swap3A_351], %swap3A_354 {strides = array<i32>} : memref<4x32xi32, #tpu.memory_space<vmem>>, vector<1x16xi32>,
      %iota3A_355 = tpu.iota {dimensions = array<i32: 0>} : vector<16xi32>
      %add3A_356 = arith.constant 16 : i32
      %add3A_357 = vector.broadcast %add3A_356 : i32 to vector<16xi32>
      %add3A_358 = arith.addi %add3A_357, %iota3A_355 : vector<16xi32>
      %mul3A_359 = arith.constant 200 : i32
      %mul3A_360 = vector.broadcast %mul3A_359 : i32 to vector<16xi32>
      %mul3A_361 = arith.muli %add3A_358, %mul3A_360 : vector<16xi32>
      %add3A_362 = vector.broadcast %add3A_341 : i32 to vector<16xi32>
      %add3A_363 = arith.addi %add3A_362, %mul3A_361 : vector<16xi32>
      %swap3A_364 = arith.constant 0 : i32
      %swap3A_365 = arith.index_cast %swap3A_364 : i32 to index
      %swap3A_366 = arith.constant 16 : index
      %swap3A_367 = tpu.vector_load %arg8[%swap3A_365, %swap3A_366] {strides = array<i32>} : memref<4x32xi32, #tpu.memory_space<vmem>>, vector<1x16xi32>,
      %swap3A_368 = vector.shape_cast %swap3A_367 : vector<1x16xi32> to vector<16xi32>
      %swap3A_369 = vector.shape_cast %add3A_363 : vector<16xi32> to vector<1x16xi32>
      tpu.vector_store %arg8[%swap3A_365, %swap3A_366], %swap3A_369 {strides = array<i32>} : memref<4x32xi32, #tpu.memory_space<vmem>>, vector<1x16xi32>,
      %dma_start3A_370 = arith.constant 0 : i32
      %dma_start3A_371 = arith.constant 0 : i32
      %dma_start3A_372 = arith.constant 0 : i32
      %dma_start3A_373 = arith.constant 0 : i32
      %dma_start3A_374 = tpu.memref_slice %arg7[%dma_start3A_370, %dma_start3A_372, %dma_start3A_373] : memref<4x32x128xf32, #tpu.memory_space<vmem>> -> memref<1x32x128xf32, #tpu.memory_space<vmem>>
      %dma_start3A_375 = tpu.memref_squeeze %dma_start3A_374 : memref<1x32x128xf32, #tpu.memory_space<vmem>> -> memref<32x128xf32, #tpu.memory_space<vmem>>
      %dma_start3A_376 = arith.constant 0 : i32
      %dma_start3A_377 = tpu.memref_slice %arg8[%dma_start3A_371, %dma_start3A_376] : memref<4x32xi32, #tpu.memory_space<vmem>> -> memref<1x32xi32, #tpu.memory_space<vmem>>
      %dma_start3A_378 = tpu.memref_squeeze %dma_start3A_377 : memref<1x32xi32, #tpu.memory_space<vmem>> -> memref<32xi32, #tpu.memory_space<vmem>>
      %dma_start3A_379 = arith.constant 0 : i32
      %dma_start3A_380 = arith.constant 0 : i32
      %dma_start3A_381 = tpu.memref_slice %arg4[%dma_start3A_379, %dma_start3A_380] : memref<204800x128xf32, #tpu.memory_space<hbm>> -> memref<204800x128xf32, #tpu.memory_space<hbm>>
      tpu.enqueue_indirect_dma source(%dma_start3A_375 : memref<32x128xf32, #tpu.memory_space<vmem>>) target(%dma_start3A_381 : memref<204800x128xf32, #tpu.memory_space<hbm>>) offsets(%dma_start3A_378 : memref<32xi32, #tpu.memory_space<vmem>>) semaphore(%arg13 : memref<!tpu.dma_semaphore, #tpu.memory_space<semaphore_mem>>)
      %mul3A_382 = arith.constant 4 : i32
      %mul3A_383 = arith.muli %scan3A_236, %mul3A_382 : i32
      %add3A_384 = arith.constant 1 : i32
      %add3A_385 = arith.addi %mul3A_383, %add3A_384 : i32
      %add3A_386 = arith.constant 1 : i32
      %add3A_387 = arith.addi %scan3A_236, %add3A_386 : i32
      %lt3A_388 = arith.constant 50 : i32
      %lt3A_389 = arith.cmpi slt, %add3A_387, %lt3A_388 : i32
      %convert_element_type3A_390 = arith.extui %lt3A_389 : i1 to i32
      %cond3A_391 = arith.constant 0 : i32
      %cond3A_392 = arith.cmpi ne, %convert_element_type3A_390, %cond3A_391 : i32
      scf.if %cond3A_392 {
        %mul3A_775 = arith.constant 4 : i32
        %mul3A_776 = arith.muli %add3A_387, %mul3A_775 : i32
        %add3A_777 = arith.constant 0 : i32
        %add3A_778 = arith.addi %mul3A_776, %add3A_777 : i32
        %dma_start3A_779 = arith.constant 0 : i32
        %dma_start3A_780 = arith.constant 0 : i32
        %dma_start3A_781 = arith.constant 0 : i32
        %dma_start3A_782 = tpu.memref_slice %arg6[%dma_start3A_779, %dma_start3A_780, %dma_start3A_781] : memref<4x128x128xf32, #tpu.memory_space<vmem>> -> memref<1x128x128xf32, #tpu.memory_space<vmem>>
        %dma_start3A_783 = tpu.memref_squeeze %dma_start3A_782 : memref<1x128x128xf32, #tpu.memory_space<vmem>> -> memref<128x128xf32, #tpu.memory_space<vmem>>
        %dma_start3A_784 = arith.constant 0 : i32
        %dma_start3A_785 = arith.constant 0 : i32
        %dma_start3A_786 = tpu.memref_slice %dma_start3A_783[%dma_start3A_784, %dma_start3A_785] : memref<128x128xf32, #tpu.memory_space<vmem>> -> memref<32x128xf32, #tpu.memory_space<vmem>>
        %dma_start3A_787 = arith.constant 0 : i32
        %dma_start3A_788 = tpu.memref_slice %arg5[%add3A_778, %dma_start3A_787] : memref<200x128xi32, #tpu.memory_space<vmem>> -> memref<1x32xi32, #tpu.memory_space<vmem>>
        %dma_start3A_789 = tpu.memref_squeeze %dma_start3A_788 : memref<1x32xi32, #tpu.memory_space<vmem>> -> memref<32xi32, #tpu.memory_space<vmem>>
        %dma_start3A_790 = arith.constant 0 : i32
        %dma_start3A_791 = arith.constant 0 : i32
        %dma_start3A_792 = tpu.memref_slice %arg3[%dma_start3A_790, %dma_start3A_791] : memref<100000x128xf32, #tpu.memory_space<hbm>> -> memref<100000x128xf32, #tpu.memory_space<hbm>>
        tpu.enqueue_indirect_dma source(%dma_start3A_792 : memref<100000x128xf32, #tpu.memory_space<hbm>>) target(%dma_start3A_786 : memref<32x128xf32, #tpu.memory_space<vmem>>) offsets(%dma_start3A_789 : memref<32xi32, #tpu.memory_space<vmem>>) semaphore(%arg9 : memref<!tpu.dma_semaphore, #tpu.memory_space<semaphore_mem>>)
        %mul3A_793 = arith.constant 4 : i32
        %mul3A_794 = arith.muli %add3A_387, %mul3A_793 : i32
        %add3A_795 = arith.constant 1 : i32
        %add3A_796 = arith.addi %mul3A_794, %add3A_795 : i32
        %dma_start3A_797 = arith.constant 0 : i32
        %dma_start3A_798 = arith.constant 0 : i32
        %dma_start3A_799 = arith.constant 0 : i32
        %dma_start3A_800 = tpu.memref_slice %arg6[%dma_start3A_797, %dma_start3A_798, %dma_start3A_799] : memref<4x128x128xf32, #tpu.memory_space<vmem>> -> memref<1x128x128xf32, #tpu.memory_space<vmem>>
        %dma_start3A_801 = tpu.memref_squeeze %dma_start3A_800 : memref<1x128x128xf32, #tpu.memory_space<vmem>> -> memref<128x128xf32, #tpu.memory_space<vmem>>
        %dma_start3A_802 = arith.constant 32 : i32
        %dma_start3A_803 = arith.constant 0 : i32
        %dma_start3A_804 = tpu.memref_slice %dma_start3A_801[%dma_start3A_802, %dma_start3A_803] : memref<128x128xf32, #tpu.memory_space<vmem>> -> memref<32x128xf32, #tpu.memory_space<vmem>>
        %dma_start3A_805 = arith.constant 0 : i32
        %dma_start3A_806 = tpu.memref_slice %arg5[%add3A_796, %dma_start3A_805] : memref<200x128xi32, #tpu.memory_space<vmem>> -> memref<1x32xi32, #tpu.memory_space<vmem>>
        %dma_start3A_807 = tpu.memref_squeeze %dma_start3A_806 : memref<1x32xi32, #tpu.memory_space<vmem>> -> memref<32xi32, #tpu.memory_space<vmem>>
        %dma_start3A_808 = arith.constant 0 : i32
        %dma_start3A_809 = arith.constant 0 : i32
        %dma_start3A_810 = tpu.memref_slice %arg3[%dma_start3A_808, %dma_start3A_809] : memref<100000x128xf32, #tpu.memory_space<hbm>> -> memref<100000x128xf32, #tpu.memory_space<hbm>>
        tpu.enqueue_indirect_dma source(%dma_start3A_810 : memref<100000x128xf32, #tpu.memory_space<hbm>>) target(%dma_start3A_804 : memref<32x128xf32, #tpu.memory_space<vmem>>) offsets(%dma_start3A_807 : memref<32xi32, #tpu.memory_space<vmem>>) semaphore(%arg9 : memref<!tpu.dma_semaphore, #tpu.memory_space<semaphore_mem>>)
        %mul3A_811 = arith.constant 4 : i32
        %mul3A_812 = arith.muli %add3A_387, %mul3A_811 : i32
        %add3A_813 = arith.constant 2 : i32
        %add3A_814 = arith.addi %mul3A_812, %add3A_813 : i32
        %dma_start3A_815 = arith.constant 0 : i32
        %dma_start3A_816 = arith.constant 0 : i32
        %dma_start3A_817 = arith.constant 0 : i32
        %dma_start3A_818 = tpu.memref_slice %arg6[%dma_start3A_815, %dma_start3A_816, %dma_start3A_817] : memref<4x128x128xf32, #tpu.memory_space<vmem>> -> memref<1x128x128xf32, #tpu.memory_space<vmem>>
        %dma_start3A_819 = tpu.memref_squeeze %dma_start3A_818 : memref<1x128x128xf32, #tpu.memory_space<vmem>> -> memref<128x128xf32, #tpu.memory_space<vmem>>
        %dma_start3A_820 = arith.constant 64 : i32
        %dma_start3A_821 = arith.constant 0 : i32
        %dma_start3A_822 = tpu.memref_slice %dma_start3A_819[%dma_start3A_820, %dma_start3A_821] : memref<128x128xf32, #tpu.memory_space<vmem>> -> memref<32x128xf32, #tpu.memory_space<vmem>>
        %dma_start3A_823 = arith.constant 0 : i32
        %dma_start3A_824 = tpu.memref_slice %arg5[%add3A_814, %dma_start3A_823] : memref<200x128xi32, #tpu.memory_space<vmem>> -> memref<1x32xi32, #tpu.memory_space<vmem>>
        %dma_start3A_825 = tpu.memref_squeeze %dma_start3A_824 : memref<1x32xi32, #tpu.memory_space<vmem>> -> memref<32xi32, #tpu.memory_space<vmem>>
        %dma_start3A_826 = arith.constant 0 : i32
        %dma_start3A_827 = arith.constant 0 : i32
        %dma_start3A_828 = tpu.memref_slice %arg3[%dma_start3A_826, %dma_start3A_827] : memref<100000x128xf32, #tpu.memory_space<hbm>> -> memref<100000x128xf32, #tpu.memory_space<hbm>>
        tpu.enqueue_indirect_dma source(%dma_start3A_828 : memref<100000x128xf32, #tpu.memory_space<hbm>>) target(%dma_start3A_822 : memref<32x128xf32, #tpu.memory_space<vmem>>) offsets(%dma_start3A_825 : memref<32xi32, #tpu.memory_space<vmem>>) semaphore(%arg9 : memref<!tpu.dma_semaphore, #tpu.memory_space<semaphore_mem>>)
        %mul3A_829 = arith.constant 4 : i32
        %mul3A_830 = arith.muli %add3A_387, %mul3A_829 : i32
        %add3A_831 = arith.constant 3 : i32
        %add3A_832 = arith.addi %mul3A_830, %add3A_831 : i32
        %dma_start3A_833 = arith.constant 0 : i32
        %dma_start3A_834 = arith.constant 0 : i32
        %dma_start3A_835 = arith.constant 0 : i32
        %dma_start3A_836 = tpu.memref_slice %arg6[%dma_start3A_833, %dma_start3A_834, %dma_start3A_835] : memref<4x128x128xf32, #tpu.memory_space<vmem>> -> memref<1x128x128xf32, #tpu.memory_space<vmem>>
        %dma_start3A_837 = tpu.memref_squeeze %dma_start3A_836 : memref<1x128x128xf32, #tpu.memory_space<vmem>> -> memref<128x128xf32, #tpu.memory_space<vmem>>
        %dma_start3A_838 = arith.constant 96 : i32
        %dma_start3A_839 = arith.constant 0 : i32
        %dma_start3A_840 = tpu.memref_slice %dma_start3A_837[%dma_start3A_838, %dma_start3A_839] : memref<128x128xf32, #tpu.memory_space<vmem>> -> memref<32x128xf32, #tpu.memory_space<vmem>>
        %dma_start3A_841 = arith.constant 0 : i32
        %dma_start3A_842 = tpu.memref_slice %arg5[%add3A_832, %dma_start3A_841] : memref<200x128xi32, #tpu.memory_space<vmem>> -> memref<1x32xi32, #tpu.memory_space<vmem>>
        %dma_start3A_843 = tpu.memref_squeeze %dma_start3A_842 : memref<1x32xi32, #tpu.memory_space<vmem>> -> memref<32xi32, #tpu.memory_space<vmem>>
        %dma_start3A_844 = arith.constant 0 : i32
        %dma_start3A_845 = arith.constant 0 : i32
        %dma_start3A_846 = tpu.memref_slice %arg3[%dma_start3A_844, %dma_start3A_845] : memref<100000x128xf32, #tpu.memory_space<hbm>> -> memref<100000x128xf32, #tpu.memory_space<hbm>>
        tpu.enqueue_indirect_dma source(%dma_start3A_846 : memref<100000x128xf32, #tpu.memory_space<hbm>>) target(%dma_start3A_840 : memref<32x128xf32, #tpu.memory_space<vmem>>) offsets(%dma_start3A_843 : memref<32xi32, #tpu.memory_space<vmem>>) semaphore(%arg9 : memref<!tpu.dma_semaphore, #tpu.memory_space<semaphore_mem>>)
      } else {
      }
      %dma_wait3A_393 = arith.constant 0 : i32
      %dma_wait3A_394 = arith.constant 1 : i32
      %dma_wait3A_395 = arith.constant 0 : i32
      %dma_wait3A_396 = arith.constant 0 : i32
      %dma_wait3A_397 = tpu.memref_slice %arg6[%dma_wait3A_394, %dma_wait3A_395, %dma_wait3A_396] : memref<4x128x128xf32, #tpu.memory_space<vmem>> -> memref<1x128x128xf32, #tpu.memory_space<vmem>>
      %dma_wait3A_398 = tpu.memref_squeeze %dma_wait3A_397 : memref<1x128x128xf32, #tpu.memory_space<vmem>> -> memref<128x128xf32, #tpu.memory_space<vmem>>
      %dma_wait3A_399 = arith.constant 0 : i32
      %dma_wait3A_400 = arith.constant 0 : i32
      %dma_wait3A_401 = tpu.memref_slice %dma_wait3A_398[%dma_wait3A_399, %dma_wait3A_400] : memref<128x128xf32, #tpu.memory_space<vmem>> -> memref<32x128xf32, #tpu.memory_space<vmem>>
      %dma_wait3A_402 = arith.constant 0 : i32
      %dma_wait3A_403 = tpu.memref_slice %arg5[%dma_wait3A_393, %dma_wait3A_402] : memref<200x128xi32, #tpu.memory_space<vmem>> -> memref<1x32xi32, #tpu.memory_space<vmem>>
      %dma_wait3A_404 = tpu.memref_squeeze %dma_wait3A_403 : memref<1x32xi32, #tpu.memory_space<vmem>> -> memref<32xi32, #tpu.memory_space<vmem>>
      %dma_wait3A_405 = arith.constant 0 : i32
      %dma_wait3A_406 = arith.constant 0 : i32
      %dma_wait3A_407 = tpu.memref_slice %arg3[%dma_wait3A_405, %dma_wait3A_406] : memref<100000x128xf32, #tpu.memory_space<hbm>> -> memref<100000x128xf32, #tpu.memory_space<hbm>>
      tpu.wait_indirect_dma semaphore(%arg10 : memref<!tpu.dma_semaphore, #tpu.memory_space<semaphore_mem>>) src(%dma_wait3A_407 : memref<100000x128xf32, #tpu.memory_space<hbm>>) dst(%dma_wait3A_401 : memref<32x128xf32, #tpu.memory_space<vmem>>)
      %dma_wait3A_408 = arith.constant 1 : i32
      %dma_wait3A_409 = arith.constant 1 : i32
      %dma_wait3A_410 = arith.constant 0 : i32
      %dma_wait3A_411 = arith.constant 0 : i32
      %dma_wait3A_412 = tpu.memref_slice %arg6[%dma_wait3A_409, %dma_wait3A_410, %dma_wait3A_411] : memref<4x128x128xf32, #tpu.memory_space<vmem>> -> memref<1x128x128xf32, #tpu.memory_space<vmem>>
      %dma_wait3A_413 = tpu.memref_squeeze %dma_wait3A_412 : memref<1x128x128xf32, #tpu.memory_space<vmem>> -> memref<128x128xf32, #tpu.memory_space<vmem>>
      %dma_wait3A_414 = arith.constant 32 : i32
      %dma_wait3A_415 = arith.constant 0 : i32
      %dma_wait3A_416 = tpu.memref_slice %dma_wait3A_413[%dma_wait3A_414, %dma_wait3A_415] : memref<128x128xf32, #tpu.memory_space<vmem>> -> memref<32x128xf32, #tpu.memory_space<vmem>>
      %dma_wait3A_417 = arith.constant 0 : i32
      %dma_wait3A_418 = tpu.memref_slice %arg5[%dma_wait3A_408, %dma_wait3A_417] : memref<200x128xi32, #tpu.memory_space<vmem>> -> memref<1x32xi32, #tpu.memory_space<vmem>>
      %dma_wait3A_419 = tpu.memref_squeeze %dma_wait3A_418 : memref<1x32xi32, #tpu.memory_space<vmem>> -> memref<32xi32, #tpu.memory_space<vmem>>
      %dma_wait3A_420 = arith.constant 0 : i32
      %dma_wait3A_421 = arith.constant 0 : i32
      %dma_wait3A_422 = tpu.memref_slice %arg3[%dma_wait3A_420, %dma_wait3A_421] : memref<100000x128xf32, #tpu.memory_space<hbm>> -> memref<100000x128xf32, #tpu.memory_space<hbm>>
      tpu.wait_indirect_dma semaphore(%arg10 : memref<!tpu.dma_semaphore, #tpu.memory_space<semaphore_mem>>) src(%dma_wait3A_422 : memref<100000x128xf32, #tpu.memory_space<hbm>>) dst(%dma_wait3A_416 : memref<32x128xf32, #tpu.memory_space<vmem>>)
      %dma_wait3A_423 = arith.constant 2 : i32
      %dma_wait3A_424 = arith.constant 1 : i32
      %dma_wait3A_425 = arith.constant 0 : i32
      %dma_wait3A_426 = arith.constant 0 : i32
      %dma_wait3A_427 = tpu.memref_slice %arg6[%dma_wait3A_424, %dma_wait3A_425, %dma_wait3A_426] : memref<4x128x128xf32, #tpu.memory_space<vmem>> -> memref<1x128x128xf32, #tpu.memory_space<vmem>>
      %dma_wait3A_428 = tpu.memref_squeeze %dma_wait3A_427 : memref<1x128x128xf32, #tpu.memory_space<vmem>> -> memref<128x128xf32, #tpu.memory_space<vmem>>
      %dma_wait3A_429 = arith.constant 64 : i32
      %dma_wait3A_430 = arith.constant 0 : i32
      %dma_wait3A_431 = tpu.memref_slice %dma_wait3A_428[%dma_wait3A_429, %dma_wait3A_430] : memref<128x128xf32, #tpu.memory_space<vmem>> -> memref<32x128xf32, #tpu.memory_space<vmem>>
      %dma_wait3A_432 = arith.constant 0 : i32
      %dma_wait3A_433 = tpu.memref_slice %arg5[%dma_wait3A_423, %dma_wait3A_432] : memref<200x128xi32, #tpu.memory_space<vmem>> -> memref<1x32xi32, #tpu.memory_space<vmem>>
      %dma_wait3A_434 = tpu.memref_squeeze %dma_wait3A_433 : memref<1x32xi32, #tpu.memory_space<vmem>> -> memref<32xi32, #tpu.memory_space<vmem>>
      %dma_wait3A_435 = arith.constant 0 : i32
      %dma_wait3A_436 = arith.constant 0 : i32
      %dma_wait3A_437 = tpu.memref_slice %arg3[%dma_wait3A_435, %dma_wait3A_436] : memref<100000x128xf32, #tpu.memory_space<hbm>> -> memref<100000x128xf32, #tpu.memory_space<hbm>>
      tpu.wait_indirect_dma semaphore(%arg10 : memref<!tpu.dma_semaphore, #tpu.memory_space<semaphore_mem>>) src(%dma_wait3A_437 : memref<100000x128xf32, #tpu.memory_space<hbm>>) dst(%dma_wait3A_431 : memref<32x128xf32, #tpu.memory_space<vmem>>)
      %dma_wait3A_438 = arith.constant 3 : i32
      %dma_wait3A_439 = arith.constant 1 : i32
      %dma_wait3A_440 = arith.constant 0 : i32
      %dma_wait3A_441 = arith.constant 0 : i32
      %dma_wait3A_442 = tpu.memref_slice %arg6[%dma_wait3A_439, %dma_wait3A_440, %dma_wait3A_441] : memref<4x128x128xf32, #tpu.memory_space<vmem>> -> memref<1x128x128xf32, #tpu.memory_space<vmem>>
      %dma_wait3A_443 = tpu.memref_squeeze %dma_wait3A_442 : memref<1x128x128xf32, #tpu.memory_space<vmem>> -> memref<128x128xf32, #tpu.memory_space<vmem>>
      %dma_wait3A_444 = arith.constant 96 : i32
      %dma_wait3A_445 = arith.constant 0 : i32
      %dma_wait3A_446 = tpu.memref_slice %dma_wait3A_443[%dma_wait3A_444, %dma_wait3A_445] : memref<128x128xf32, #tpu.memory_space<vmem>> -> memref<32x128xf32, #tpu.memory_space<vmem>>
      %dma_wait3A_447 = arith.constant 0 : i32
      %dma_wait3A_448 = tpu.memref_slice %arg5[%dma_wait3A_438, %dma_wait3A_447] : memref<200x128xi32, #tpu.memory_space<vmem>> -> memref<1x32xi32, #tpu.memory_space<vmem>>
      %dma_wait3A_449 = tpu.memref_squeeze %dma_wait3A_448 : memref<1x32xi32, #tpu.memory_space<vmem>> -> memref<32xi32, #tpu.memory_space<vmem>>
      %dma_wait3A_450 = arith.constant 0 : i32
      %dma_wait3A_451 = arith.constant 0 : i32
      %dma_wait3A_452 = tpu.memref_slice %arg3[%dma_wait3A_450, %dma_wait3A_451] : memref<100000x128xf32, #tpu.memory_space<hbm>> -> memref<100000x128xf32, #tpu.memory_space<hbm>>
      tpu.wait_indirect_dma semaphore(%arg10 : memref<!tpu.dma_semaphore, #tpu.memory_space<semaphore_mem>>) src(%dma_wait3A_452 : memref<100000x128xf32, #tpu.memory_space<hbm>>) dst(%dma_wait3A_446 : memref<32x128xf32, #tpu.memory_space<vmem>>)
      %ge3A_453 = arith.constant 4 : i32
      %ge3A_454 = arith.cmpi sge, %add3A_385, %ge3A_453 : i32
      %convert_element_type3A_455 = arith.extui %ge3A_454 : i1 to i32
      %cond3A_456 = arith.constant 0 : i32
      %cond3A_457 = arith.cmpi ne, %convert_element_type3A_455, %cond3A_456 : i32
      scf.if %cond3A_457 {
        %dma_wait3A_775 = arith.constant 1 : i32
        %dma_wait3A_776 = arith.constant 1 : i32
        %dma_wait3A_777 = arith.constant 0 : i32
        %dma_wait3A_778 = arith.constant 0 : i32
        %dma_wait3A_779 = tpu.memref_slice %arg7[%dma_wait3A_775, %dma_wait3A_777, %dma_wait3A_778] : memref<4x32x128xf32, #tpu.memory_space<vmem>> -> memref<1x32x128xf32, #tpu.memory_space<vmem>>
        %dma_wait3A_780 = tpu.memref_squeeze %dma_wait3A_779 : memref<1x32x128xf32, #tpu.memory_space<vmem>> -> memref<32x128xf32, #tpu.memory_space<vmem>>
        %dma_wait3A_781 = arith.constant 0 : i32
        %dma_wait3A_782 = tpu.memref_slice %arg8[%dma_wait3A_776, %dma_wait3A_781] : memref<4x32xi32, #tpu.memory_space<vmem>> -> memref<1x32xi32, #tpu.memory_space<vmem>>
        %dma_wait3A_783 = tpu.memref_squeeze %dma_wait3A_782 : memref<1x32xi32, #tpu.memory_space<vmem>> -> memref<32xi32, #tpu.memory_space<vmem>>
        %dma_wait3A_784 = arith.constant 0 : i32
        %dma_wait3A_785 = arith.constant 0 : i32
        %dma_wait3A_786 = tpu.memref_slice %arg4[%dma_wait3A_784, %dma_wait3A_785] : memref<204800x128xf32, #tpu.memory_space<hbm>> -> memref<204800x128xf32, #tpu.memory_space<hbm>>
        tpu.wait_indirect_dma semaphore(%arg14 : memref<!tpu.dma_semaphore, #tpu.memory_space<semaphore_mem>>) src(%dma_wait3A_780 : memref<32x128xf32, #tpu.memory_space<vmem>>) dst(%dma_wait3A_786 : memref<204800x128xf32, #tpu.memory_space<hbm>>)
      } else {
      }
      %scan3A_458 = arith.constant 0 : i32
      %scan3A_459 = arith.constant 0 : i32
      %scan3A_460 = arith.constant 32 : i32
      %scan3A_461 = arith.addi %scan3A_459, %scan3A_460 : i32
      %scan3A_462 = arith.constant 2 : i32
      scf.for %scan3A_775 = %scan3A_459 to %scan3A_461 step %scan3A_462  : i32 {
        %add3A_776 = arith.constant 0 : i32
        %add3A_777 = arith.addi %add3A_776, %scan3A_775 : i32
        %get3A = arith.constant 1 : i32
        %get3A_778 = arith.index_cast %get3A : i32 to index
        %get3A_779 = arith.index_cast %add3A_777 : i32 to index
        %get3A_780 = arith.constant 0 : index
        %get3A_781 = tpu.vector_load %arg6[%get3A_778, %get3A_779, %get3A_780] {strides = array<i32>} : memref<4x128x128xf32, #tpu.memory_space<vmem>>, vector<1x1x16xf32>,
        %get3A_782 = vector.shape_cast %get3A_781 : vector<1x1x16xf32> to vector<16xf32>
        %add3A_783 = arith.constant 32 : i32
        %add3A_784 = arith.addi %add3A_783, %scan3A_775 : i32
        %get3A_785 = arith.constant 1 : i32
        %get3A_786 = arith.index_cast %get3A_785 : i32 to index
        %get3A_787 = arith.index_cast %add3A_784 : i32 to index
        %get3A_788 = arith.constant 0 : index
        %get3A_789 = tpu.vector_load %arg6[%get3A_786, %get3A_787, %get3A_788] {strides = array<i32>} : memref<4x128x128xf32, #tpu.memory_space<vmem>>, vector<1x1x16xf32>,
        %get3A_790 = vector.shape_cast %get3A_789 : vector<1x1x16xf32> to vector<16xf32>
        %add3A_791 = arith.constant 64 : i32
        %add3A_792 = arith.addi %add3A_791, %scan3A_775 : i32
        %get3A_793 = arith.constant 1 : i32
        %get3A_794 = arith.index_cast %get3A_793 : i32 to index
        %get3A_795 = arith.index_cast %add3A_792 : i32 to index
        %get3A_796 = arith.constant 0 : index
        %get3A_797 = tpu.vector_load %arg6[%get3A_794, %get3A_795, %get3A_796] {strides = array<i32>} : memref<4x128x128xf32, #tpu.memory_space<vmem>>, vector<1x1x16xf32>,
        %get3A_798 = vector.shape_cast %get3A_797 : vector<1x1x16xf32> to vector<16xf32>
        %add3A_799 = arith.constant 96 : i32
        %add3A_800 = arith.addi %add3A_799, %scan3A_775 : i32
        %get3A_801 = arith.constant 1 : i32
        %get3A_802 = arith.index_cast %get3A_801 : i32 to index
        %get3A_803 = arith.index_cast %add3A_800 : i32 to index
        %get3A_804 = arith.constant 0 : index
        %get3A_805 = tpu.vector_load %arg6[%get3A_802, %get3A_803, %get3A_804] {strides = array<i32>} : memref<4x128x128xf32, #tpu.memory_space<vmem>>, vector<1x1x16xf32>,
        %get3A_806 = vector.shape_cast %get3A_805 : vector<1x1x16xf32> to vector<16xf32>
        %add3A_807 = arith.constant 0 : i32
        %add3A_808 = arith.addi %add3A_807, %scan3A_775 : i32
        %get3A_809 = arith.constant 1 : i32
        %get3A_810 = arith.index_cast %get3A_809 : i32 to index
        %get3A_811 = arith.index_cast %add3A_808 : i32 to index
        %get3A_812 = arith.constant 16 : index
        %get3A_813 = tpu.vector_load %arg6[%get3A_810, %get3A_811, %get3A_812] {strides = array<i32>} : memref<4x128x128xf32, #tpu.memory_space<vmem>>, vector<1x1x16xf32>,
        %get3A_814 = vector.shape_cast %get3A_813 : vector<1x1x16xf32> to vector<16xf32>
        %add3A_815 = arith.constant 32 : i32
        %add3A_816 = arith.addi %add3A_815, %scan3A_775 : i32
        %get3A_817 = arith.constant 1 : i32
        %get3A_818 = arith.index_cast %get3A_817 : i32 to index
        %get3A_819 = arith.index_cast %add3A_816 : i32 to index
        %get3A_820 = arith.constant 16 : index
        %get3A_821 = tpu.vector_load %arg6[%get3A_818, %get3A_819, %get3A_820] {strides = array<i32>} : memref<4x128x128xf32, #tpu.memory_space<vmem>>, vector<1x1x16xf32>,
        %get3A_822 = vector.shape_cast %get3A_821 : vector<1x1x16xf32> to vector<16xf32>
        %add3A_823 = arith.constant 64 : i32
        %add3A_824 = arith.addi %add3A_823, %scan3A_775 : i32
        %get3A_825 = arith.constant 1 : i32
        %get3A_826 = arith.index_cast %get3A_825 : i32 to index
        %get3A_827 = arith.index_cast %add3A_824 : i32 to index
        %get3A_828 = arith.constant 16 : index
        %get3A_829 = tpu.vector_load %arg6[%get3A_826, %get3A_827, %get3A_828] {strides = array<i32>} : memref<4x128x128xf32, #tpu.memory_space<vmem>>, vector<1x1x16xf32>,
        %get3A_830 = vector.shape_cast %get3A_829 : vector<1x1x16xf32> to vector<16xf32>
        %add3A_831 = arith.constant 96 : i32
        %add3A_832 = arith.addi %add3A_831, %scan3A_775 : i32
        %get3A_833 = arith.constant 1 : i32
        %get3A_834 = arith.index_cast %get3A_833 : i32 to index
        %get3A_835 = arith.index_cast %add3A_832 : i32 to index
        %get3A_836 = arith.constant 16 : index
        %get3A_837 = tpu.vector_load %arg6[%get3A_834, %get3A_835, %get3A_836] {strides = array<i32>} : memref<4x128x128xf32, #tpu.memory_space<vmem>>, vector<1x1x16xf32>,
        %get3A_838 = vector.shape_cast %get3A_837 : vector<1x1x16xf32> to vector<16xf32>
        %add3A_839 = arith.constant 0 : i32
        %add3A_840 = arith.addi %add3A_839, %scan3A_775 : i32
        %get3A_841 = arith.constant 1 : i32
        %get3A_842 = arith.index_cast %get3A_841 : i32 to index
        %get3A_843 = arith.index_cast %add3A_840 : i32 to index
        %get3A_844 = arith.constant 32 : index
        %get3A_845 = tpu.vector_load %arg6[%get3A_842, %get3A_843, %get3A_844] {strides = array<i32>} : memref<4x128x128xf32, #tpu.memory_space<vmem>>, vector<1x1x16xf32>,
        %get3A_846 = vector.shape_cast %get3A_845 : vector<1x1x16xf32> to vector<16xf32>
        %add3A_847 = arith.constant 32 : i32
        %add3A_848 = arith.addi %add3A_847, %scan3A_775 : i32
        %get3A_849 = arith.constant 1 : i32
        %get3A_850 = arith.index_cast %get3A_849 : i32 to index
        %get3A_851 = arith.index_cast %add3A_848 : i32 to index
        %get3A_852 = arith.constant 32 : index
        %get3A_853 = tpu.vector_load %arg6[%get3A_850, %get3A_851, %get3A_852] {strides = array<i32>} : memref<4x128x128xf32, #tpu.memory_space<vmem>>, vector<1x1x16xf32>,
        %get3A_854 = vector.shape_cast %get3A_853 : vector<1x1x16xf32> to vector<16xf32>
        %add3A_855 = arith.constant 64 : i32
        %add3A_856 = arith.addi %add3A_855, %scan3A_775 : i32
        %get3A_857 = arith.constant 1 : i32
        %get3A_858 = arith.index_cast %get3A_857 : i32 to index
        %get3A_859 = arith.index_cast %add3A_856 : i32 to index
        %get3A_860 = arith.constant 32 : index
        %get3A_861 = tpu.vector_load %arg6[%get3A_858, %get3A_859, %get3A_860] {strides = array<i32>} : memref<4x128x128xf32, #tpu.memory_space<vmem>>, vector<1x1x16xf32>,
        %get3A_862 = vector.shape_cast %get3A_861 : vector<1x1x16xf32> to vector<16xf32>
        %add3A_863 = arith.constant 96 : i32
        %add3A_864 = arith.addi %add3A_863, %scan3A_775 : i32
        %get3A_865 = arith.constant 1 : i32
        %get3A_866 = arith.index_cast %get3A_865 : i32 to index
        %get3A_867 = arith.index_cast %add3A_864 : i32 to index
        %get3A_868 = arith.constant 32 : index
        %get3A_869 = tpu.vector_load %arg6[%get3A_866, %get3A_867, %get3A_868] {strides = array<i32>} : memref<4x128x128xf32, #tpu.memory_space<vmem>>, vector<1x1x16xf32>,
        %get3A_870 = vector.shape_cast %get3A_869 : vector<1x1x16xf32> to vector<16xf32>
        %add3A_871 = arith.constant 0 : i32
        %add3A_872 = arith.addi %add3A_871, %scan3A_775 : i32
        %get3A_873 = arith.constant 1 : i32
        %get3A_874 = arith.index_cast %get3A_873 : i32 to index
        %get3A_875 = arith.index_cast %add3A_872 : i32 to index
        %get3A_876 = arith.constant 48 : index
        %get3A_877 = tpu.vector_load %arg6[%get3A_874, %get3A_875, %get3A_876] {strides = array<i32>} : memref<4x128x128xf32, #tpu.memory_space<vmem>>, vector<1x1x16xf32>,
        %get3A_878 = vector.shape_cast %get3A_877 : vector<1x1x16xf32> to vector<16xf32>
        %add3A_879 = arith.constant 32 : i32
        %add3A_880 = arith.addi %add3A_879, %scan3A_775 : i32
        %get3A_881 = arith.constant 1 : i32
        %get3A_882 = arith.index_cast %get3A_881 : i32 to index
        %get3A_883 = arith.index_cast %add3A_880 : i32 to index
        %get3A_884 = arith.constant 48 : index
        %get3A_885 = tpu.vector_load %arg6[%get3A_882, %get3A_883, %get3A_884] {strides = array<i32>} : memref<4x128x128xf32, #tpu.memory_space<vmem>>, vector<1x1x16xf32>,
        %get3A_886 = vector.shape_cast %get3A_885 : vector<1x1x16xf32> to vector<16xf32>
        %add3A_887 = arith.constant 64 : i32
        %add3A_888 = arith.addi %add3A_887, %scan3A_775 : i32
        %get3A_889 = arith.constant 1 : i32
        %get3A_890 = arith.index_cast %get3A_889 : i32 to index
        %get3A_891 = arith.index_cast %add3A_888 : i32 to index
        %get3A_892 = arith.constant 48 : index
        %get3A_893 = tpu.vector_load %arg6[%get3A_890, %get3A_891, %get3A_892] {strides = array<i32>} : memref<4x128x128xf32, #tpu.memory_space<vmem>>, vector<1x1x16xf32>,
        %get3A_894 = vector.shape_cast %get3A_893 : vector<1x1x16xf32> to vector<16xf32>
        %add3A_895 = arith.constant 96 : i32
        %add3A_896 = arith.addi %add3A_895, %scan3A_775 : i32
        %get3A_897 = arith.constant 1 : i32
        %get3A_898 = arith.index_cast %get3A_897 : i32 to index
        %get3A_899 = arith.index_cast %add3A_896 : i32 to index
        %get3A_900 = arith.constant 48 : index
        %get3A_901 = tpu.vector_load %arg6[%get3A_898, %get3A_899, %get3A_900] {strides = array<i32>} : memref<4x128x128xf32, #tpu.memory_space<vmem>>, vector<1x1x16xf32>,
        %get3A_902 = vector.shape_cast %get3A_901 : vector<1x1x16xf32> to vector<16xf32>
        %add3A_903 = arith.addf %get3A_782, %get3A_790 : vector<16xf32>
        %add3A_904 = arith.addf %get3A_798, %get3A_806 : vector<16xf32>
        %add3A_905 = arith.addf %add3A_903, %add3A_904 : vector<16xf32>
        %swap3A_906 = arith.constant 1 : i32
        %swap3A_907 = arith.index_cast %swap3A_906 : i32 to index
        %swap3A_908 = arith.index_cast %scan3A_775 : i32 to index
        %swap3A_909 = arith.constant 0 : index
        %swap3A_910 = tpu.vector_load %arg7[%swap3A_907, %swap3A_908, %swap3A_909] {strides = array<i32>} : memref<4x32x128xf32, #tpu.memory_space<vmem>>, vector<1x1x16xf32>,
        %swap3A_911 = vector.shape_cast %swap3A_910 : vector<1x1x16xf32> to vector<16xf32>
        %swap3A_912 = vector.shape_cast %add3A_905 : vector<16xf32> to vector<1x1x16xf32>
        tpu.vector_store %arg7[%swap3A_907, %swap3A_908, %swap3A_909], %swap3A_912 {strides = array<i32>} : memref<4x32x128xf32, #tpu.memory_space<vmem>>, vector<1x1x16xf32>,
        %add3A_913 = arith.constant 0 : i32
        %add3A_914 = arith.addi %add3A_913, %scan3A_775 : i32
        %get3A_915 = arith.constant 1 : i32
        %get3A_916 = arith.index_cast %get3A_915 : i32 to index
        %get3A_917 = arith.index_cast %add3A_914 : i32 to index
        %get3A_918 = arith.constant 64 : index
        %get3A_919 = tpu.vector_load %arg6[%get3A_916, %get3A_917, %get3A_918] {strides = array<i32>} : memref<4x128x128xf32, #tpu.memory_space<vmem>>, vector<1x1x16xf32>,
        %get3A_920 = vector.shape_cast %get3A_919 : vector<1x1x16xf32> to vector<16xf32>
        %add3A_921 = arith.constant 32 : i32
        %add3A_922 = arith.addi %add3A_921, %scan3A_775 : i32
        %get3A_923 = arith.constant 1 : i32
        %get3A_924 = arith.index_cast %get3A_923 : i32 to index
        %get3A_925 = arith.index_cast %add3A_922 : i32 to index
        %get3A_926 = arith.constant 64 : index
        %get3A_927 = tpu.vector_load %arg6[%get3A_924, %get3A_925, %get3A_926] {strides = array<i32>} : memref<4x128x128xf32, #tpu.memory_space<vmem>>, vector<1x1x16xf32>,
        %get3A_928 = vector.shape_cast %get3A_927 : vector<1x1x16xf32> to vector<16xf32>
        %add3A_929 = arith.constant 64 : i32
        %add3A_930 = arith.addi %add3A_929, %scan3A_775 : i32
        %get3A_931 = arith.constant 1 : i32
        %get3A_932 = arith.index_cast %get3A_931 : i32 to index
        %get3A_933 = arith.index_cast %add3A_930 : i32 to index
        %get3A_934 = arith.constant 64 : index
        %get3A_935 = tpu.vector_load %arg6[%get3A_932, %get3A_933, %get3A_934] {strides = array<i32>} : memref<4x128x128xf32, #tpu.memory_space<vmem>>, vector<1x1x16xf32>,
        %get3A_936 = vector.shape_cast %get3A_935 : vector<1x1x16xf32> to vector<16xf32>
        %add3A_937 = arith.constant 96 : i32
        %add3A_938 = arith.addi %add3A_937, %scan3A_775 : i32
        %get3A_939 = arith.constant 1 : i32
        %get3A_940 = arith.index_cast %get3A_939 : i32 to index
        %get3A_941 = arith.index_cast %add3A_938 : i32 to index
        %get3A_942 = arith.constant 64 : index
        %get3A_943 = tpu.vector_load %arg6[%get3A_940, %get3A_941, %get3A_942] {strides = array<i32>} : memref<4x128x128xf32, #tpu.memory_space<vmem>>, vector<1x1x16xf32>,
        %get3A_944 = vector.shape_cast %get3A_943 : vector<1x1x16xf32> to vector<16xf32>
        %add3A_945 = arith.addf %get3A_814, %get3A_822 : vector<16xf32>
        %add3A_946 = arith.addf %get3A_830, %get3A_838 : vector<16xf32>
        %add3A_947 = arith.addf %add3A_945, %add3A_946 : vector<16xf32>
        %swap3A_948 = arith.constant 1 : i32
        %swap3A_949 = arith.index_cast %swap3A_948 : i32 to index
        %swap3A_950 = arith.index_cast %scan3A_775 : i32 to index
        %swap3A_951 = arith.constant 16 : index
        %swap3A_952 = tpu.vector_load %arg7[%swap3A_949, %swap3A_950, %swap3A_951] {strides = array<i32>} : memref<4x32x128xf32, #tpu.memory_space<vmem>>, vector<1x1x16xf32>,
        %swap3A_953 = vector.shape_cast %swap3A_952 : vector<1x1x16xf32> to vector<16xf32>
        %swap3A_954 = vector.shape_cast %add3A_947 : vector<16xf32> to vector<1x1x16xf32>
        tpu.vector_store %arg7[%swap3A_949, %swap3A_950, %swap3A_951], %swap3A_954 {strides = array<i32>} : memref<4x32x128xf32, #tpu.memory_space<vmem>>, vector<1x1x16xf32>,
        %add3A_955 = arith.constant 0 : i32
        %add3A_956 = arith.addi %add3A_955, %scan3A_775 : i32
        %get3A_957 = arith.constant 1 : i32
        %get3A_958 = arith.index_cast %get3A_957 : i32 to index
        %get3A_959 = arith.index_cast %add3A_956 : i32 to index
        %get3A_960 = arith.constant 80 : index
        %get3A_961 = tpu.vector_load %arg6[%get3A_958, %get3A_959, %get3A_960] {strides = array<i32>} : memref<4x128x128xf32, #tpu.memory_space<vmem>>, vector<1x1x16xf32>,
        %get3A_962 = vector.shape_cast %get3A_961 : vector<1x1x16xf32> to vector<16xf32>
        %add3A_963 = arith.constant 32 : i32
        %add3A_964 = arith.addi %add3A_963, %scan3A_775 : i32
        %get3A_965 = arith.constant 1 : i32
        %get3A_966 = arith.index_cast %get3A_965 : i32 to index
        %get3A_967 = arith.index_cast %add3A_964 : i32 to index
        %get3A_968 = arith.constant 80 : index
        %get3A_969 = tpu.vector_load %arg6[%get3A_966, %get3A_967, %get3A_968] {strides = array<i32>} : memref<4x128x128xf32, #tpu.memory_space<vmem>>, vector<1x1x16xf32>,
        %get3A_970 = vector.shape_cast %get3A_969 : vector<1x1x16xf32> to vector<16xf32>
        %add3A_971 = arith.constant 64 : i32
        %add3A_972 = arith.addi %add3A_971, %scan3A_775 : i32
        %get3A_973 = arith.constant 1 : i32
        %get3A_974 = arith.index_cast %get3A_973 : i32 to index
        %get3A_975 = arith.index_cast %add3A_972 : i32 to index
        %get3A_976 = arith.constant 80 : index
        %get3A_977 = tpu.vector_load %arg6[%get3A_974, %get3A_975, %get3A_976] {strides = array<i32>} : memref<4x128x128xf32, #tpu.memory_space<vmem>>, vector<1x1x16xf32>,
        %get3A_978 = vector.shape_cast %get3A_977 : vector<1x1x16xf32> to vector<16xf32>
        %add3A_979 = arith.constant 96 : i32
        %add3A_980 = arith.addi %add3A_979, %scan3A_775 : i32
        %get3A_981 = arith.constant 1 : i32
        %get3A_982 = arith.index_cast %get3A_981 : i32 to index
        %get3A_983 = arith.index_cast %add3A_980 : i32 to index
        %get3A_984 = arith.constant 80 : index
        %get3A_985 = tpu.vector_load %arg6[%get3A_982, %get3A_983, %get3A_984] {strides = array<i32>} : memref<4x128x128xf32, #tpu.memory_space<vmem>>, vector<1x1x16xf32>,
        %get3A_986 = vector.shape_cast %get3A_985 : vector<1x1x16xf32> to vector<16xf32>
        %add3A_987 = arith.addf %get3A_846, %get3A_854 : vector<16xf32>
        %add3A_988 = arith.addf %get3A_862, %get3A_870 : vector<16xf32>
        %add3A_989 = arith.addf %add3A_987, %add3A_988 : vector<16xf32>
        %swap3A_990 = arith.constant 1 : i32
        %swap3A_991 = arith.index_cast %swap3A_990 : i32 to index
        %swap3A_992 = arith.index_cast %scan3A_775 : i32 to index
        %swap3A_993 = arith.constant 32 : index
        %swap3A_994 = tpu.vector_load %arg7[%swap3A_991, %swap3A_992, %swap3A_993] {strides = array<i32>} : memref<4x32x128xf32, #tpu.memory_space<vmem>>, vector<1x1x16xf32>,
        %swap3A_995 = vector.shape_cast %swap3A_994 : vector<1x1x16xf32> to vector<16xf32>
        %swap3A_996 = vector.shape_cast %add3A_989 : vector<16xf32> to vector<1x1x16xf32>
        tpu.vector_store %arg7[%swap3A_991, %swap3A_992, %swap3A_993], %swap3A_996 {strides = array<i32>} : memref<4x32x128xf32, #tpu.memory_space<vmem>>, vector<1x1x16xf32>,
        %add3A_997 = arith.constant 0 : i32
        %add3A_998 = arith.addi %add3A_997, %scan3A_775 : i32
        %get3A_999 = arith.constant 1 : i32
        %get3A_1000 = arith.index_cast %get3A_999 : i32 to index
        %get3A_1001 = arith.index_cast %add3A_998 : i32 to index
        %get3A_1002 = arith.constant 96 : index
        %get3A_1003 = tpu.vector_load %arg6[%get3A_1000, %get3A_1001, %get3A_1002] {strides = array<i32>} : memref<4x128x128xf32, #tpu.memory_space<vmem>>, vector<1x1x16xf32>,
        %get3A_1004 = vector.shape_cast %get3A_1003 : vector<1x1x16xf32> to vector<16xf32>
        %add3A_1005 = arith.constant 32 : i32
        %add3A_1006 = arith.addi %add3A_1005, %scan3A_775 : i32
        %get3A_1007 = arith.constant 1 : i32
        %get3A_1008 = arith.index_cast %get3A_1007 : i32 to index
        %get3A_1009 = arith.index_cast %add3A_1006 : i32 to index
        %get3A_1010 = arith.constant 96 : index
        %get3A_1011 = tpu.vector_load %arg6[%get3A_1008, %get3A_1009, %get3A_1010] {strides = array<i32>} : memref<4x128x128xf32, #tpu.memory_space<vmem>>, vector<1x1x16xf32>,
        %get3A_1012 = vector.shape_cast %get3A_1011 : vector<1x1x16xf32> to vector<16xf32>
        %add3A_1013 = arith.constant 64 : i32
        %add3A_1014 = arith.addi %add3A_1013, %scan3A_775 : i32
        %get3A_1015 = arith.constant 1 : i32
        %get3A_1016 = arith.index_cast %get3A_1015 : i32 to index
        %get3A_1017 = arith.index_cast %add3A_1014 : i32 to index
        %get3A_1018 = arith.constant 96 : index
        %get3A_1019 = tpu.vector_load %arg6[%get3A_1016, %get3A_1017, %get3A_1018] {strides = array<i32>} : memref<4x128x128xf32, #tpu.memory_space<vmem>>, vector<1x1x16xf32>,
        %get3A_1020 = vector.shape_cast %get3A_1019 : vector<1x1x16xf32> to vector<16xf32>
        %add3A_1021 = arith.constant 96 : i32
        %add3A_1022 = arith.addi %add3A_1021, %scan3A_775 : i32
        %get3A_1023 = arith.constant 1 : i32
        %get3A_1024 = arith.index_cast %get3A_1023 : i32 to index
        %get3A_1025 = arith.index_cast %add3A_1022 : i32 to index
        %get3A_1026 = arith.constant 96 : index
        %get3A_1027 = tpu.vector_load %arg6[%get3A_1024, %get3A_1025, %get3A_1026] {strides = array<i32>} : memref<4x128x128xf32, #tpu.memory_space<vmem>>, vector<1x1x16xf32>,
        %get3A_1028 = vector.shape_cast %get3A_1027 : vector<1x1x16xf32> to vector<16xf32>
        %add3A_1029 = arith.addf %get3A_878, %get3A_886 : vector<16xf32>
        %add3A_1030 = arith.addf %get3A_894, %get3A_902 : vector<16xf32>
        %add3A_1031 = arith.addf %add3A_1029, %add3A_1030 : vector<16xf32>
        %swap3A_1032 = arith.constant 1 : i32
        %swap3A_1033 = arith.index_cast %swap3A_1032 : i32 to index
        %swap3A_1034 = arith.index_cast %scan3A_775 : i32 to index
        %swap3A_1035 = arith.constant 48 : index
        %swap3A_1036 = tpu.vector_load %arg7[%swap3A_1033, %swap3A_1034, %swap3A_1035] {strides = array<i32>} : memref<4x32x128xf32, #tpu.memory_space<vmem>>, vector<1x1x16xf32>,
        %swap3A_1037 = vector.shape_cast %swap3A_1036 : vector<1x1x16xf32> to vector<16xf32>
        %swap3A_1038 = vector.shape_cast %add3A_1031 : vector<16xf32> to vector<1x1x16xf32>
        tpu.vector_store %arg7[%swap3A_1033, %swap3A_1034, %swap3A_1035], %swap3A_1038 {strides = array<i32>} : memref<4x32x128xf32, #tpu.memory_space<vmem>>, vector<1x1x16xf32>,
        %add3A_1039 = arith.constant 0 : i32
        %add3A_1040 = arith.addi %add3A_1039, %scan3A_775 : i32
        %get3A_1041 = arith.constant 1 : i32
        %get3A_1042 = arith.index_cast %get3A_1041 : i32 to index
        %get3A_1043 = arith.index_cast %add3A_1040 : i32 to index
        %get3A_1044 = arith.constant 112 : index
        %get3A_1045 = tpu.vector_load %arg6[%get3A_1042, %get3A_1043, %get3A_1044] {strides = array<i32>} : memref<4x128x128xf32, #tpu.memory_space<vmem>>, vector<1x1x16xf32>,
        %get3A_1046 = vector.shape_cast %get3A_1045 : vector<1x1x16xf32> to vector<16xf32>
        %add3A_1047 = arith.constant 32 : i32
        %add3A_1048 = arith.addi %add3A_1047, %scan3A_775 : i32
        %get3A_1049 = arith.constant 1 : i32
        %get3A_1050 = arith.index_cast %get3A_1049 : i32 to index
        %get3A_1051 = arith.index_cast %add3A_1048 : i32 to index
        %get3A_1052 = arith.constant 112 : index
        %get3A_1053 = tpu.vector_load %arg6[%get3A_1050, %get3A_1051, %get3A_1052] {strides = array<i32>} : memref<4x128x128xf32, #tpu.memory_space<vmem>>, vector<1x1x16xf32>,
        %get3A_1054 = vector.shape_cast %get3A_1053 : vector<1x1x16xf32> to vector<16xf32>
        %add3A_1055 = arith.constant 64 : i32
        %add3A_1056 = arith.addi %add3A_1055, %scan3A_775 : i32
        %get3A_1057 = arith.constant 1 : i32
        %get3A_1058 = arith.index_cast %get3A_1057 : i32 to index
        %get3A_1059 = arith.index_cast %add3A_1056 : i32 to index
        %get3A_1060 = arith.constant 112 : index
        %get3A_1061 = tpu.vector_load %arg6[%get3A_1058, %get3A_1059, %get3A_1060] {strides = array<i32>} : memref<4x128x128xf32, #tpu.memory_space<vmem>>, vector<1x1x16xf32>,
        %get3A_1062 = vector.shape_cast %get3A_1061 : vector<1x1x16xf32> to vector<16xf32>
        %add3A_1063 = arith.constant 96 : i32
        %add3A_1064 = arith.addi %add3A_1063, %scan3A_775 : i32
        %get3A_1065 = arith.constant 1 : i32
        %get3A_1066 = arith.index_cast %get3A_1065 : i32 to index
        %get3A_1067 = arith.index_cast %add3A_1064 : i32 to index
        %get3A_1068 = arith.constant 112 : index
        %get3A_1069 = tpu.vector_load %arg6[%get3A_1066, %get3A_1067, %get3A_1068] {strides = array<i32>} : memref<4x128x128xf32, #tpu.memory_space<vmem>>, vector<1x1x16xf32>,
        %get3A_1070 = vector.shape_cast %get3A_1069 : vector<1x1x16xf32> to vector<16xf32>
        %add3A_1071 = arith.addf %get3A_920, %get3A_928 : vector<16xf32>
        %add3A_1072 = arith.addf %get3A_936, %get3A_944 : vector<16xf32>
        %add3A_1073 = arith.addf %add3A_1071, %add3A_1072 : vector<16xf32>
        %swap3A_1074 = arith.constant 1 : i32
        %swap3A_1075 = arith.index_cast %swap3A_1074 : i32 to index
        %swap3A_1076 = arith.index_cast %scan3A_775 : i32 to index
        %swap3A_1077 = arith.constant 64 : index
        %swap3A_1078 = tpu.vector_load %arg7[%swap3A_1075, %swap3A_1076, %swap3A_1077] {strides = array<i32>} : memref<4x32x128xf32, #tpu.memory_space<vmem>>, vector<1x1x16xf32>,
        %swap3A_1079 = vector.shape_cast %swap3A_1078 : vector<1x1x16xf32> to vector<16xf32>
        %swap3A_1080 = vector.shape_cast %add3A_1073 : vector<16xf32> to vector<1x1x16xf32>
        tpu.vector_store %arg7[%swap3A_1075, %swap3A_1076, %swap3A_1077], %swap3A_1080 {strides = array<i32>} : memref<4x32x128xf32, #tpu.memory_space<vmem>>, vector<1x1x16xf32>,
        %add3A_1081 = arith.addf %get3A_962, %get3A_970 : vector<16xf32>
        %add3A_1082 = arith.addf %get3A_978, %get3A_986 : vector<16xf32>
        %add3A_1083 = arith.addf %add3A_1081, %add3A_1082 : vector<16xf32>
        %swap3A_1084 = arith.constant 1 : i32
        %swap3A_1085 = arith.index_cast %swap3A_1084 : i32 to index
        %swap3A_1086 = arith.index_cast %scan3A_775 : i32 to index
        %swap3A_1087 = arith.constant 80 : index
        %swap3A_1088 = tpu.vector_load %arg7[%swap3A_1085, %swap3A_1086, %swap3A_1087] {strides = array<i32>} : memref<4x32x128xf32, #tpu.memory_space<vmem>>, vector<1x1x16xf32>,
        %swap3A_1089 = vector.shape_cast %swap3A_1088 : vector<1x1x16xf32> to vector<16xf32>
        %swap3A_1090 = vector.shape_cast %add3A_1083 : vector<16xf32> to vector<1x1x16xf32>
        tpu.vector_store %arg7[%swap3A_1085, %swap3A_1086, %swap3A_1087], %swap3A_1090 {strides = array<i32>} : memref<4x32x128xf32, #tpu.memory_space<vmem>>, vector<1x1x16xf32>,
        %add3A_1091 = arith.addf %get3A_1004, %get3A_1012 : vector<16xf32>
        %add3A_1092 = arith.addf %get3A_1020, %get3A_1028 : vector<16xf32>
        %add3A_1093 = arith.addf %add3A_1091, %add3A_1092 : vector<16xf32>
        %swap3A_1094 = arith.constant 1 : i32
        %swap3A_1095 = arith.index_cast %swap3A_1094 : i32 to index
        %swap3A_1096 = arith.index_cast %scan3A_775 : i32 to index
        %swap3A_1097 = arith.constant 96 : index
        %swap3A_1098 = tpu.vector_load %arg7[%swap3A_1095, %swap3A_1096, %swap3A_1097] {strides = array<i32>} : memref<4x32x128xf32, #tpu.memory_space<vmem>>, vector<1x1x16xf32>,
        %swap3A_1099 = vector.shape_cast %swap3A_1098 : vector<1x1x16xf32> to vector<16xf32>
        %swap3A_1100 = vector.shape_cast %add3A_1093 : vector<16xf32> to vector<1x1x16xf32>
        tpu.vector_store %arg7[%swap3A_1095, %swap3A_1096, %swap3A_1097], %swap3A_1100 {strides = array<i32>} : memref<4x32x128xf32, #tpu.memory_space<vmem>>, vector<1x1x16xf32>,
        %add3A_1101 = arith.addf %get3A_1046, %get3A_1054 : vector<16xf32>
        %add3A_1102 = arith.addf %get3A_1062, %get3A_1070 : vector<16xf32>
        %add3A_1103 = arith.addf %add3A_1101, %add3A_1102 : vector<16xf32>
        %swap3A_1104 = arith.constant 1 : i32
        %swap3A_1105 = arith.index_cast %swap3A_1104 : i32 to index
        %swap3A_1106 = arith.index_cast %scan3A_775 : i32 to index
        %swap3A_1107 = arith.constant 112 : index
        %swap3A_1108 = tpu.vector_load %arg7[%swap3A_1105, %swap3A_1106, %swap3A_1107] {strides = array<i32>} : memref<4x32x128xf32, #tpu.memory_space<vmem>>, vector<1x1x16xf32>,
        %swap3A_1109 = vector.shape_cast %swap3A_1108 : vector<1x1x16xf32> to vector<16xf32>
        %swap3A_1110 = vector.shape_cast %add3A_1103 : vector<16xf32> to vector<1x1x16xf32>
        tpu.vector_store %arg7[%swap3A_1105, %swap3A_1106, %swap3A_1107], %swap3A_1110 {strides = array<i32>} : memref<4x32x128xf32, #tpu.memory_space<vmem>>, vector<1x1x16xf32>,
        %scan3A_1111 = arith.constant 1 : i32
        %scan3A_1112 = arith.addi %scan3A_775, %scan3A_1111 : i32
        %add3A_1113 = arith.constant 0 : i32
        %add3A_1114 = arith.addi %add3A_1113, %scan3A_1112 : i32
        %get3A_1115 = arith.constant 1 : i32
        %get3A_1116 = arith.index_cast %get3A_1115 : i32 to index
        %get3A_1117 = arith.index_cast %add3A_1114 : i32 to index
        %get3A_1118 = arith.constant 0 : index
        %get3A_1119 = tpu.vector_load %arg6[%get3A_1116, %get3A_1117, %get3A_1118] {strides = array<i32>} : memref<4x128x128xf32, #tpu.memory_space<vmem>>, vector<1x1x16xf32>,
        %get3A_1120 = vector.shape_cast %get3A_1119 : vector<1x1x16xf32> to vector<16xf32>
        %add3A_1121 = arith.constant 32 : i32
        %add3A_1122 = arith.addi %add3A_1121, %scan3A_1112 : i32
        %get3A_1123 = arith.constant 1 : i32
        %get3A_1124 = arith.index_cast %get3A_1123 : i32 to index
        %get3A_1125 = arith.index_cast %add3A_1122 : i32 to index
        %get3A_1126 = arith.constant 0 : index
        %get3A_1127 = tpu.vector_load %arg6[%get3A_1124, %get3A_1125, %get3A_1126] {strides = array<i32>} : memref<4x128x128xf32, #tpu.memory_space<vmem>>, vector<1x1x16xf32>,
        %get3A_1128 = vector.shape_cast %get3A_1127 : vector<1x1x16xf32> to vector<16xf32>
        %add3A_1129 = arith.constant 64 : i32
        %add3A_1130 = arith.addi %add3A_1129, %scan3A_1112 : i32
        %get3A_1131 = arith.constant 1 : i32
        %get3A_1132 = arith.index_cast %get3A_1131 : i32 to index
        %get3A_1133 = arith.index_cast %add3A_1130 : i32 to index
        %get3A_1134 = arith.constant 0 : index
        %get3A_1135 = tpu.vector_load %arg6[%get3A_1132, %get3A_1133, %get3A_1134] {strides = array<i32>} : memref<4x128x128xf32, #tpu.memory_space<vmem>>, vector<1x1x16xf32>,
        %get3A_1136 = vector.shape_cast %get3A_1135 : vector<1x1x16xf32> to vector<16xf32>
        %add3A_1137 = arith.constant 96 : i32
        %add3A_1138 = arith.addi %add3A_1137, %scan3A_1112 : i32
        %get3A_1139 = arith.constant 1 : i32
        %get3A_1140 = arith.index_cast %get3A_1139 : i32 to index
        %get3A_1141 = arith.index_cast %add3A_1138 : i32 to index
        %get3A_1142 = arith.constant 0 : index
        %get3A_1143 = tpu.vector_load %arg6[%get3A_1140, %get3A_1141, %get3A_1142] {strides = array<i32>} : memref<4x128x128xf32, #tpu.memory_space<vmem>>, vector<1x1x16xf32>,
        %get3A_1144 = vector.shape_cast %get3A_1143 : vector<1x1x16xf32> to vector<16xf32>
        %add3A_1145 = arith.constant 0 : i32
        %add3A_1146 = arith.addi %add3A_1145, %scan3A_1112 : i32
        %get3A_1147 = arith.constant 1 : i32
        %get3A_1148 = arith.index_cast %get3A_1147 : i32 to index
        %get3A_1149 = arith.index_cast %add3A_1146 : i32 to index
        %get3A_1150 = arith.constant 16 : index
        %get3A_1151 = tpu.vector_load %arg6[%get3A_1148, %get3A_1149, %get3A_1150] {strides = array<i32>} : memref<4x128x128xf32, #tpu.memory_space<vmem>>, vector<1x1x16xf32>,
        %get3A_1152 = vector.shape_cast %get3A_1151 : vector<1x1x16xf32> to vector<16xf32>
        %add3A_1153 = arith.constant 32 : i32
        %add3A_1154 = arith.addi %add3A_1153, %scan3A_1112 : i32
        %get3A_1155 = arith.constant 1 : i32
        %get3A_1156 = arith.index_cast %get3A_1155 : i32 to index
        %get3A_1157 = arith.index_cast %add3A_1154 : i32 to index
        %get3A_1158 = arith.constant 16 : index
        %get3A_1159 = tpu.vector_load %arg6[%get3A_1156, %get3A_1157, %get3A_1158] {strides = array<i32>} : memref<4x128x128xf32, #tpu.memory_space<vmem>>, vector<1x1x16xf32>,
        %get3A_1160 = vector.shape_cast %get3A_1159 : vector<1x1x16xf32> to vector<16xf32>
        %add3A_1161 = arith.constant 64 : i32
        %add3A_1162 = arith.addi %add3A_1161, %scan3A_1112 : i32
        %get3A_1163 = arith.constant 1 : i32
        %get3A_1164 = arith.index_cast %get3A_1163 : i32 to index
        %get3A_1165 = arith.index_cast %add3A_1162 : i32 to index
        %get3A_1166 = arith.constant 16 : index
        %get3A_1167 = tpu.vector_load %arg6[%get3A_1164, %get3A_1165, %get3A_1166] {strides = array<i32>} : memref<4x128x128xf32, #tpu.memory_space<vmem>>, vector<1x1x16xf32>,
        %get3A_1168 = vector.shape_cast %get3A_1167 : vector<1x1x16xf32> to vector<16xf32>
        %add3A_1169 = arith.constant 96 : i32
        %add3A_1170 = arith.addi %add3A_1169, %scan3A_1112 : i32
        %get3A_1171 = arith.constant 1 : i32
        %get3A_1172 = arith.index_cast %get3A_1171 : i32 to index
        %get3A_1173 = arith.index_cast %add3A_1170 : i32 to index
        %get3A_1174 = arith.constant 16 : index
        %get3A_1175 = tpu.vector_load %arg6[%get3A_1172, %get3A_1173, %get3A_1174] {strides = array<i32>} : memref<4x128x128xf32, #tpu.memory_space<vmem>>, vector<1x1x16xf32>,
        %get3A_1176 = vector.shape_cast %get3A_1175 : vector<1x1x16xf32> to vector<16xf32>
        %add3A_1177 = arith.constant 0 : i32
        %add3A_1178 = arith.addi %add3A_1177, %scan3A_1112 : i32
        %get3A_1179 = arith.constant 1 : i32
        %get3A_1180 = arith.index_cast %get3A_1179 : i32 to index
        %get3A_1181 = arith.index_cast %add3A_1178 : i32 to index
        %get3A_1182 = arith.constant 32 : index
        %get3A_1183 = tpu.vector_load %arg6[%get3A_1180, %get3A_1181, %get3A_1182] {strides = array<i32>} : memref<4x128x128xf32, #tpu.memory_space<vmem>>, vector<1x1x16xf32>,
        %get3A_1184 = vector.shape_cast %get3A_1183 : vector<1x1x16xf32> to vector<16xf32>
        %add3A_1185 = arith.constant 32 : i32
        %add3A_1186 = arith.addi %add3A_1185, %scan3A_1112 : i32
        %get3A_1187 = arith.constant 1 : i32
        %get3A_1188 = arith.index_cast %get3A_1187 : i32 to index
        %get3A_1189 = arith.index_cast %add3A_1186 : i32 to index
        %get3A_1190 = arith.constant 32 : index
        %get3A_1191 = tpu.vector_load %arg6[%get3A_1188, %get3A_1189, %get3A_1190] {strides = array<i32>} : memref<4x128x128xf32, #tpu.memory_space<vmem>>, vector<1x1x16xf32>,
        %get3A_1192 = vector.shape_cast %get3A_1191 : vector<1x1x16xf32> to vector<16xf32>
        %add3A_1193 = arith.constant 64 : i32
        %add3A_1194 = arith.addi %add3A_1193, %scan3A_1112 : i32
        %get3A_1195 = arith.constant 1 : i32
        %get3A_1196 = arith.index_cast %get3A_1195 : i32 to index
        %get3A_1197 = arith.index_cast %add3A_1194 : i32 to index
        %get3A_1198 = arith.constant 32 : index
        %get3A_1199 = tpu.vector_load %arg6[%get3A_1196, %get3A_1197, %get3A_1198] {strides = array<i32>} : memref<4x128x128xf32, #tpu.memory_space<vmem>>, vector<1x1x16xf32>,
        %get3A_1200 = vector.shape_cast %get3A_1199 : vector<1x1x16xf32> to vector<16xf32>
        %add3A_1201 = arith.constant 96 : i32
        %add3A_1202 = arith.addi %add3A_1201, %scan3A_1112 : i32
        %get3A_1203 = arith.constant 1 : i32
        %get3A_1204 = arith.index_cast %get3A_1203 : i32 to index
        %get3A_1205 = arith.index_cast %add3A_1202 : i32 to index
        %get3A_1206 = arith.constant 32 : index
        %get3A_1207 = tpu.vector_load %arg6[%get3A_1204, %get3A_1205, %get3A_1206] {strides = array<i32>} : memref<4x128x128xf32, #tpu.memory_space<vmem>>, vector<1x1x16xf32>,
        %get3A_1208 = vector.shape_cast %get3A_1207 : vector<1x1x16xf32> to vector<16xf32>
        %add3A_1209 = arith.constant 0 : i32
        %add3A_1210 = arith.addi %add3A_1209, %scan3A_1112 : i32
        %get3A_1211 = arith.constant 1 : i32
        %get3A_1212 = arith.index_cast %get3A_1211 : i32 to index
        %get3A_1213 = arith.index_cast %add3A_1210 : i32 to index
        %get3A_1214 = arith.constant 48 : index
        %get3A_1215 = tpu.vector_load %arg6[%get3A_1212, %get3A_1213, %get3A_1214] {strides = array<i32>} : memref<4x128x128xf32, #tpu.memory_space<vmem>>, vector<1x1x16xf32>,
        %get3A_1216 = vector.shape_cast %get3A_1215 : vector<1x1x16xf32> to vector<16xf32>
        %add3A_1217 = arith.constant 32 : i32
        %add3A_1218 = arith.addi %add3A_1217, %scan3A_1112 : i32
        %get3A_1219 = arith.constant 1 : i32
        %get3A_1220 = arith.index_cast %get3A_1219 : i32 to index
        %get3A_1221 = arith.index_cast %add3A_1218 : i32 to index
        %get3A_1222 = arith.constant 48 : index
        %get3A_1223 = tpu.vector_load %arg6[%get3A_1220, %get3A_1221, %get3A_1222] {strides = array<i32>} : memref<4x128x128xf32, #tpu.memory_space<vmem>>, vector<1x1x16xf32>,
        %get3A_1224 = vector.shape_cast %get3A_1223 : vector<1x1x16xf32> to vector<16xf32>
        %add3A_1225 = arith.constant 64 : i32
        %add3A_1226 = arith.addi %add3A_1225, %scan3A_1112 : i32
        %get3A_1227 = arith.constant 1 : i32
        %get3A_1228 = arith.index_cast %get3A_1227 : i32 to index
        %get3A_1229 = arith.index_cast %add3A_1226 : i32 to index
        %get3A_1230 = arith.constant 48 : index
        %get3A_1231 = tpu.vector_load %arg6[%get3A_1228, %get3A_1229, %get3A_1230] {strides = array<i32>} : memref<4x128x128xf32, #tpu.memory_space<vmem>>, vector<1x1x16xf32>,
        %get3A_1232 = vector.shape_cast %get3A_1231 : vector<1x1x16xf32> to vector<16xf32>
        %add3A_1233 = arith.constant 96 : i32
        %add3A_1234 = arith.addi %add3A_1233, %scan3A_1112 : i32
        %get3A_1235 = arith.constant 1 : i32
        %get3A_1236 = arith.index_cast %get3A_1235 : i32 to index
        %get3A_1237 = arith.index_cast %add3A_1234 : i32 to index
        %get3A_1238 = arith.constant 48 : index
        %get3A_1239 = tpu.vector_load %arg6[%get3A_1236, %get3A_1237, %get3A_1238] {strides = array<i32>} : memref<4x128x128xf32, #tpu.memory_space<vmem>>, vector<1x1x16xf32>,
        %get3A_1240 = vector.shape_cast %get3A_1239 : vector<1x1x16xf32> to vector<16xf32>
        %add3A_1241 = arith.addf %get3A_1120, %get3A_1128 : vector<16xf32>
        %add3A_1242 = arith.addf %get3A_1136, %get3A_1144 : vector<16xf32>
        %add3A_1243 = arith.addf %add3A_1241, %add3A_1242 : vector<16xf32>
        %swap3A_1244 = arith.constant 1 : i32
        %swap3A_1245 = arith.index_cast %swap3A_1244 : i32 to index
        %swap3A_1246 = arith.index_cast %scan3A_1112 : i32 to index
        %swap3A_1247 = arith.constant 0 : index
        %swap3A_1248 = tpu.vector_load %arg7[%swap3A_1245, %swap3A_1246, %swap3A_1247] {strides = array<i32>} : memref<4x32x128xf32, #tpu.memory_space<vmem>>, vector<1x1x16xf32>,
        %swap3A_1249 = vector.shape_cast %swap3A_1248 : vector<1x1x16xf32> to vector<16xf32>
        %swap3A_1250 = vector.shape_cast %add3A_1243 : vector<16xf32> to vector<1x1x16xf32>
        tpu.vector_store %arg7[%swap3A_1245, %swap3A_1246, %swap3A_1247], %swap3A_1250 {strides = array<i32>} : memref<4x32x128xf32, #tpu.memory_space<vmem>>, vector<1x1x16xf32>,
        %add3A_1251 = arith.constant 0 : i32
        %add3A_1252 = arith.addi %add3A_1251, %scan3A_1112 : i32
        %get3A_1253 = arith.constant 1 : i32
        %get3A_1254 = arith.index_cast %get3A_1253 : i32 to index
        %get3A_1255 = arith.index_cast %add3A_1252 : i32 to index
        %get3A_1256 = arith.constant 64 : index
        %get3A_1257 = tpu.vector_load %arg6[%get3A_1254, %get3A_1255, %get3A_1256] {strides = array<i32>} : memref<4x128x128xf32, #tpu.memory_space<vmem>>, vector<1x1x16xf32>,
        %get3A_1258 = vector.shape_cast %get3A_1257 : vector<1x1x16xf32> to vector<16xf32>
        %add3A_1259 = arith.constant 32 : i32
        %add3A_1260 = arith.addi %add3A_1259, %scan3A_1112 : i32
        %get3A_1261 = arith.constant 1 : i32
        %get3A_1262 = arith.index_cast %get3A_1261 : i32 to index
        %get3A_1263 = arith.index_cast %add3A_1260 : i32 to index
        %get3A_1264 = arith.constant 64 : index
        %get3A_1265 = tpu.vector_load %arg6[%get3A_1262, %get3A_1263, %get3A_1264] {strides = array<i32>} : memref<4x128x128xf32, #tpu.memory_space<vmem>>, vector<1x1x16xf32>,
        %get3A_1266 = vector.shape_cast %get3A_1265 : vector<1x1x16xf32> to vector<16xf32>
        %add3A_1267 = arith.constant 64 : i32
        %add3A_1268 = arith.addi %add3A_1267, %scan3A_1112 : i32
        %get3A_1269 = arith.constant 1 : i32
        %get3A_1270 = arith.index_cast %get3A_1269 : i32 to index
        %get3A_1271 = arith.index_cast %add3A_1268 : i32 to index
        %get3A_1272 = arith.constant 64 : index
        %get3A_1273 = tpu.vector_load %arg6[%get3A_1270, %get3A_1271, %get3A_1272] {strides = array<i32>} : memref<4x128x128xf32, #tpu.memory_space<vmem>>, vector<1x1x16xf32>,
        %get3A_1274 = vector.shape_cast %get3A_1273 : vector<1x1x16xf32> to vector<16xf32>
        %add3A_1275 = arith.constant 96 : i32
        %add3A_1276 = arith.addi %add3A_1275, %scan3A_1112 : i32
        %get3A_1277 = arith.constant 1 : i32
        %get3A_1278 = arith.index_cast %get3A_1277 : i32 to index
        %get3A_1279 = arith.index_cast %add3A_1276 : i32 to index
        %get3A_1280 = arith.constant 64 : index
        %get3A_1281 = tpu.vector_load %arg6[%get3A_1278, %get3A_1279, %get3A_1280] {strides = array<i32>} : memref<4x128x128xf32, #tpu.memory_space<vmem>>, vector<1x1x16xf32>,
        %get3A_1282 = vector.shape_cast %get3A_1281 : vector<1x1x16xf32> to vector<16xf32>
        %add3A_1283 = arith.addf %get3A_1152, %get3A_1160 : vector<16xf32>
        %add3A_1284 = arith.addf %get3A_1168, %get3A_1176 : vector<16xf32>
        %add3A_1285 = arith.addf %add3A_1283, %add3A_1284 : vector<16xf32>
        %swap3A_1286 = arith.constant 1 : i32
        %swap3A_1287 = arith.index_cast %swap3A_1286 : i32 to index
        %swap3A_1288 = arith.index_cast %scan3A_1112 : i32 to index
        %swap3A_1289 = arith.constant 16 : index
        %swap3A_1290 = tpu.vector_load %arg7[%swap3A_1287, %swap3A_1288, %swap3A_1289] {strides = array<i32>} : memref<4x32x128xf32, #tpu.memory_space<vmem>>, vector<1x1x16xf32>,
        %swap3A_1291 = vector.shape_cast %swap3A_1290 : vector<1x1x16xf32> to vector<16xf32>
        %swap3A_1292 = vector.shape_cast %add3A_1285 : vector<16xf32> to vector<1x1x16xf32>
        tpu.vector_store %arg7[%swap3A_1287, %swap3A_1288, %swap3A_1289], %swap3A_1292 {strides = array<i32>} : memref<4x32x128xf32, #tpu.memory_space<vmem>>, vector<1x1x16xf32>,
        %add3A_1293 = arith.constant 0 : i32
        %add3A_1294 = arith.addi %add3A_1293, %scan3A_1112 : i32
        %get3A_1295 = arith.constant 1 : i32
        %get3A_1296 = arith.index_cast %get3A_1295 : i32 to index
        %get3A_1297 = arith.index_cast %add3A_1294 : i32 to index
        %get3A_1298 = arith.constant 80 : index
        %get3A_1299 = tpu.vector_load %arg6[%get3A_1296, %get3A_1297, %get3A_1298] {strides = array<i32>} : memref<4x128x128xf32, #tpu.memory_space<vmem>>, vector<1x1x16xf32>,
        %get3A_1300 = vector.shape_cast %get3A_1299 : vector<1x1x16xf32> to vector<16xf32>
        %add3A_1301 = arith.constant 32 : i32
        %add3A_1302 = arith.addi %add3A_1301, %scan3A_1112 : i32
        %get3A_1303 = arith.constant 1 : i32
        %get3A_1304 = arith.index_cast %get3A_1303 : i32 to index
        %get3A_1305 = arith.index_cast %add3A_1302 : i32 to index
        %get3A_1306 = arith.constant 80 : index
        %get3A_1307 = tpu.vector_load %arg6[%get3A_1304, %get3A_1305, %get3A_1306] {strides = array<i32>} : memref<4x128x128xf32, #tpu.memory_space<vmem>>, vector<1x1x16xf32>,
        %get3A_1308 = vector.shape_cast %get3A_1307 : vector<1x1x16xf32> to vector<16xf32>
        %add3A_1309 = arith.constant 64 : i32
        %add3A_1310 = arith.addi %add3A_1309, %scan3A_1112 : i32
        %get3A_1311 = arith.constant 1 : i32
        %get3A_1312 = arith.index_cast %get3A_1311 : i32 to index
        %get3A_1313 = arith.index_cast %add3A_1310 : i32 to index
        %get3A_1314 = arith.constant 80 : index
        %get3A_1315 = tpu.vector_load %arg6[%get3A_1312, %get3A_1313, %get3A_1314] {strides = array<i32>} : memref<4x128x128xf32, #tpu.memory_space<vmem>>, vector<1x1x16xf32>,
        %get3A_1316 = vector.shape_cast %get3A_1315 : vector<1x1x16xf32> to vector<16xf32>
        %add3A_1317 = arith.constant 96 : i32
        %add3A_1318 = arith.addi %add3A_1317, %scan3A_1112 : i32
        %get3A_1319 = arith.constant 1 : i32
        %get3A_1320 = arith.index_cast %get3A_1319 : i32 to index
        %get3A_1321 = arith.index_cast %add3A_1318 : i32 to index
        %get3A_1322 = arith.constant 80 : index
        %get3A_1323 = tpu.vector_load %arg6[%get3A_1320, %get3A_1321, %get3A_1322] {strides = array<i32>} : memref<4x128x128xf32, #tpu.memory_space<vmem>>, vector<1x1x16xf32>,
        %get3A_1324 = vector.shape_cast %get3A_1323 : vector<1x1x16xf32> to vector<16xf32>
        %add3A_1325 = arith.addf %get3A_1184, %get3A_1192 : vector<16xf32>
        %add3A_1326 = arith.addf %get3A_1200, %get3A_1208 : vector<16xf32>
        %add3A_1327 = arith.addf %add3A_1325, %add3A_1326 : vector<16xf32>
        %swap3A_1328 = arith.constant 1 : i32
        %swap3A_1329 = arith.index_cast %swap3A_1328 : i32 to index
        %swap3A_1330 = arith.index_cast %scan3A_1112 : i32 to index
        %swap3A_1331 = arith.constant 32 : index
        %swap3A_1332 = tpu.vector_load %arg7[%swap3A_1329, %swap3A_1330, %swap3A_1331] {strides = array<i32>} : memref<4x32x128xf32, #tpu.memory_space<vmem>>, vector<1x1x16xf32>,
        %swap3A_1333 = vector.shape_cast %swap3A_1332 : vector<1x1x16xf32> to vector<16xf32>
        %swap3A_1334 = vector.shape_cast %add3A_1327 : vector<16xf32> to vector<1x1x16xf32>
        tpu.vector_store %arg7[%swap3A_1329, %swap3A_1330, %swap3A_1331], %swap3A_1334 {strides = array<i32>} : memref<4x32x128xf32, #tpu.memory_space<vmem>>, vector<1x1x16xf32>,
        %add3A_1335 = arith.constant 0 : i32
        %add3A_1336 = arith.addi %add3A_1335, %scan3A_1112 : i32
        %get3A_1337 = arith.constant 1 : i32
        %get3A_1338 = arith.index_cast %get3A_1337 : i32 to index
        %get3A_1339 = arith.index_cast %add3A_1336 : i32 to index
        %get3A_1340 = arith.constant 96 : index
        %get3A_1341 = tpu.vector_load %arg6[%get3A_1338, %get3A_1339, %get3A_1340] {strides = array<i32>} : memref<4x128x128xf32, #tpu.memory_space<vmem>>, vector<1x1x16xf32>,
        %get3A_1342 = vector.shape_cast %get3A_1341 : vector<1x1x16xf32> to vector<16xf32>
        %add3A_1343 = arith.constant 32 : i32
        %add3A_1344 = arith.addi %add3A_1343, %scan3A_1112 : i32
        %get3A_1345 = arith.constant 1 : i32
        %get3A_1346 = arith.index_cast %get3A_1345 : i32 to index
        %get3A_1347 = arith.index_cast %add3A_1344 : i32 to index
        %get3A_1348 = arith.constant 96 : index
        %get3A_1349 = tpu.vector_load %arg6[%get3A_1346, %get3A_1347, %get3A_1348] {strides = array<i32>} : memref<4x128x128xf32, #tpu.memory_space<vmem>>, vector<1x1x16xf32>,
        %get3A_1350 = vector.shape_cast %get3A_1349 : vector<1x1x16xf32> to vector<16xf32>
        %add3A_1351 = arith.constant 64 : i32
        %add3A_1352 = arith.addi %add3A_1351, %scan3A_1112 : i32
        %get3A_1353 = arith.constant 1 : i32
        %get3A_1354 = arith.index_cast %get3A_1353 : i32 to index
        %get3A_1355 = arith.index_cast %add3A_1352 : i32 to index
        %get3A_1356 = arith.constant 96 : index
        %get3A_1357 = tpu.vector_load %arg6[%get3A_1354, %get3A_1355, %get3A_1356] {strides = array<i32>} : memref<4x128x128xf32, #tpu.memory_space<vmem>>, vector<1x1x16xf32>,
        %get3A_1358 = vector.shape_cast %get3A_1357 : vector<1x1x16xf32> to vector<16xf32>
        %add3A_1359 = arith.constant 96 : i32
        %add3A_1360 = arith.addi %add3A_1359, %scan3A_1112 : i32
        %get3A_1361 = arith.constant 1 : i32
        %get3A_1362 = arith.index_cast %get3A_1361 : i32 to index
        %get3A_1363 = arith.index_cast %add3A_1360 : i32 to index
        %get3A_1364 = arith.constant 96 : index
        %get3A_1365 = tpu.vector_load %arg6[%get3A_1362, %get3A_1363, %get3A_1364] {strides = array<i32>} : memref<4x128x128xf32, #tpu.memory_space<vmem>>, vector<1x1x16xf32>,
        %get3A_1366 = vector.shape_cast %get3A_1365 : vector<1x1x16xf32> to vector<16xf32>
        %add3A_1367 = arith.addf %get3A_1216, %get3A_1224 : vector<16xf32>
        %add3A_1368 = arith.addf %get3A_1232, %get3A_1240 : vector<16xf32>
        %add3A_1369 = arith.addf %add3A_1367, %add3A_1368 : vector<16xf32>
        %swap3A_1370 = arith.constant 1 : i32
        %swap3A_1371 = arith.index_cast %swap3A_1370 : i32 to index
        %swap3A_1372 = arith.index_cast %scan3A_1112 : i32 to index
        %swap3A_1373 = arith.constant 48 : index
        %swap3A_1374 = tpu.vector_load %arg7[%swap3A_1371, %swap3A_1372, %swap3A_1373] {strides = array<i32>} : memref<4x32x128xf32, #tpu.memory_space<vmem>>, vector<1x1x16xf32>,
        %swap3A_1375 = vector.shape_cast %swap3A_1374 : vector<1x1x16xf32> to vector<16xf32>
        %swap3A_1376 = vector.shape_cast %add3A_1369 : vector<16xf32> to vector<1x1x16xf32>
        tpu.vector_store %arg7[%swap3A_1371, %swap3A_1372, %swap3A_1373], %swap3A_1376 {strides = array<i32>} : memref<4x32x128xf32, #tpu.memory_space<vmem>>, vector<1x1x16xf32>,
        %add3A_1377 = arith.constant 0 : i32
        %add3A_1378 = arith.addi %add3A_1377, %scan3A_1112 : i32
        %get3A_1379 = arith.constant 1 : i32
        %get3A_1380 = arith.index_cast %get3A_1379 : i32 to index
        %get3A_1381 = arith.index_cast %add3A_1378 : i32 to index
        %get3A_1382 = arith.constant 112 : index
        %get3A_1383 = tpu.vector_load %arg6[%get3A_1380, %get3A_1381, %get3A_1382] {strides = array<i32>} : memref<4x128x128xf32, #tpu.memory_space<vmem>>, vector<1x1x16xf32>,
        %get3A_1384 = vector.shape_cast %get3A_1383 : vector<1x1x16xf32> to vector<16xf32>
        %add3A_1385 = arith.constant 32 : i32
        %add3A_1386 = arith.addi %add3A_1385, %scan3A_1112 : i32
        %get3A_1387 = arith.constant 1 : i32
        %get3A_1388 = arith.index_cast %get3A_1387 : i32 to index
        %get3A_1389 = arith.index_cast %add3A_1386 : i32 to index
        %get3A_1390 = arith.constant 112 : index
        %get3A_1391 = tpu.vector_load %arg6[%get3A_1388, %get3A_1389, %get3A_1390] {strides = array<i32>} : memref<4x128x128xf32, #tpu.memory_space<vmem>>, vector<1x1x16xf32>,
        %get3A_1392 = vector.shape_cast %get3A_1391 : vector<1x1x16xf32> to vector<16xf32>
        %add3A_1393 = arith.constant 64 : i32
        %add3A_1394 = arith.addi %add3A_1393, %scan3A_1112 : i32
        %get3A_1395 = arith.constant 1 : i32
        %get3A_1396 = arith.index_cast %get3A_1395 : i32 to index
        %get3A_1397 = arith.index_cast %add3A_1394 : i32 to index
        %get3A_1398 = arith.constant 112 : index
        %get3A_1399 = tpu.vector_load %arg6[%get3A_1396, %get3A_1397, %get3A_1398] {strides = array<i32>} : memref<4x128x128xf32, #tpu.memory_space<vmem>>, vector<1x1x16xf32>,
        %get3A_1400 = vector.shape_cast %get3A_1399 : vector<1x1x16xf32> to vector<16xf32>
        %add3A_1401 = arith.constant 96 : i32
        %add3A_1402 = arith.addi %add3A_1401, %scan3A_1112 : i32
        %get3A_1403 = arith.constant 1 : i32
        %get3A_1404 = arith.index_cast %get3A_1403 : i32 to index
        %get3A_1405 = arith.index_cast %add3A_1402 : i32 to index
        %get3A_1406 = arith.constant 112 : index
        %get3A_1407 = tpu.vector_load %arg6[%get3A_1404, %get3A_1405, %get3A_1406] {strides = array<i32>} : memref<4x128x128xf32, #tpu.memory_space<vmem>>, vector<1x1x16xf32>,
        %get3A_1408 = vector.shape_cast %get3A_1407 : vector<1x1x16xf32> to vector<16xf32>
        %add3A_1409 = arith.addf %get3A_1258, %get3A_1266 : vector<16xf32>
        %add3A_1410 = arith.addf %get3A_1274, %get3A_1282 : vector<16xf32>
        %add3A_1411 = arith.addf %add3A_1409, %add3A_1410 : vector<16xf32>
        %swap3A_1412 = arith.constant 1 : i32
        %swap3A_1413 = arith.index_cast %swap3A_1412 : i32 to index
        %swap3A_1414 = arith.index_cast %scan3A_1112 : i32 to index
        %swap3A_1415 = arith.constant 64 : index
        %swap3A_1416 = tpu.vector_load %arg7[%swap3A_1413, %swap3A_1414, %swap3A_1415] {strides = array<i32>} : memref<4x32x128xf32, #tpu.memory_space<vmem>>, vector<1x1x16xf32>,
        %swap3A_1417 = vector.shape_cast %swap3A_1416 : vector<1x1x16xf32> to vector<16xf32>
        %swap3A_1418 = vector.shape_cast %add3A_1411 : vector<16xf32> to vector<1x1x16xf32>
        tpu.vector_store %arg7[%swap3A_1413, %swap3A_1414, %swap3A_1415], %swap3A_1418 {strides = array<i32>} : memref<4x32x128xf32, #tpu.memory_space<vmem>>, vector<1x1x16xf32>,
        %add3A_1419 = arith.addf %get3A_1300, %get3A_1308 : vector<16xf32>
        %add3A_1420 = arith.addf %get3A_1316, %get3A_1324 : vector<16xf32>
        %add3A_1421 = arith.addf %add3A_1419, %add3A_1420 : vector<16xf32>
        %swap3A_1422 = arith.constant 1 : i32
        %swap3A_1423 = arith.index_cast %swap3A_1422 : i32 to index
        %swap3A_1424 = arith.index_cast %scan3A_1112 : i32 to index
        %swap3A_1425 = arith.constant 80 : index
        %swap3A_1426 = tpu.vector_load %arg7[%swap3A_1423, %swap3A_1424, %swap3A_1425] {strides = array<i32>} : memref<4x32x128xf32, #tpu.memory_space<vmem>>, vector<1x1x16xf32>,
        %swap3A_1427 = vector.shape_cast %swap3A_1426 : vector<1x1x16xf32> to vector<16xf32>
        %swap3A_1428 = vector.shape_cast %add3A_1421 : vector<16xf32> to vector<1x1x16xf32>
        tpu.vector_store %arg7[%swap3A_1423, %swap3A_1424, %swap3A_1425], %swap3A_1428 {strides = array<i32>} : memref<4x32x128xf32, #tpu.memory_space<vmem>>, vector<1x1x16xf32>,
        %add3A_1429 = arith.addf %get3A_1342, %get3A_1350 : vector<16xf32>
        %add3A_1430 = arith.addf %get3A_1358, %get3A_1366 : vector<16xf32>
        %add3A_1431 = arith.addf %add3A_1429, %add3A_1430 : vector<16xf32>
        %swap3A_1432 = arith.constant 1 : i32
        %swap3A_1433 = arith.index_cast %swap3A_1432 : i32 to index
        %swap3A_1434 = arith.index_cast %scan3A_1112 : i32 to index
        %swap3A_1435 = arith.constant 96 : index
        %swap3A_1436 = tpu.vector_load %arg7[%swap3A_1433, %swap3A_1434, %swap3A_1435] {strides = array<i32>} : memref<4x32x128xf32, #tpu.memory_space<vmem>>, vector<1x1x16xf32>,
        %swap3A_1437 = vector.shape_cast %swap3A_1436 : vector<1x1x16xf32> to vector<16xf32>
        %swap3A_1438 = vector.shape_cast %add3A_1431 : vector<16xf32> to vector<1x1x16xf32>
        tpu.vector_store %arg7[%swap3A_1433, %swap3A_1434, %swap3A_1435], %swap3A_1438 {strides = array<i32>} : memref<4x32x128xf32, #tpu.memory_space<vmem>>, vector<1x1x16xf32>,
        %add3A_1439 = arith.addf %get3A_1384, %get3A_1392 : vector<16xf32>
        %add3A_1440 = arith.addf %get3A_1400, %get3A_1408 : vector<16xf32>
        %add3A_1441 = arith.addf %add3A_1439, %add3A_1440 : vector<16xf32>
        %swap3A_1442 = arith.constant 1 : i32
        %swap3A_1443 = arith.index_cast %swap3A_1442 : i32 to index
        %swap3A_1444 = arith.index_cast %scan3A_1112 : i32 to index
        %swap3A_1445 = arith.constant 112 : index
        %swap3A_1446 = tpu.vector_load %arg7[%swap3A_1443, %swap3A_1444, %swap3A_1445] {strides = array<i32>} : memref<4x32x128xf32, #tpu.memory_space<vmem>>, vector<1x1x16xf32>,
        %swap3A_1447 = vector.shape_cast %swap3A_1446 : vector<1x1x16xf32> to vector<16xf32>
        %swap3A_1448 = vector.shape_cast %add3A_1441 : vector<16xf32> to vector<1x1x16xf32>
        tpu.vector_store %arg7[%swap3A_1443, %swap3A_1444, %swap3A_1445], %swap3A_1448 {strides = array<i32>} : memref<4x32x128xf32, #tpu.memory_space<vmem>>, vector<1x1x16xf32>,
      }
      %scan3A_463 = arith.constant 32 : i32
      %mul3A_464 = arith.constant 128 : i32
      %mul3A_465 = arith.muli %sub3A_256, %mul3A_464 : i32
      %add3A_466 = arith.constant 32 : i32
      %add3A_467 = arith.addi %mul3A_465, %add3A_466 : i32
      %mul3A_468 = arith.constant 200 : i32
      %mul3A_469 = arith.muli %add3A_467, %mul3A_468 : i32
      %add3A_470 = arith.addi %mul3A_469, %select_n3A : i32
      %iota3A_471 = tpu.iota {dimensions = array<i32: 0>} : vector<16xi32>
      %add3A_472 = arith.constant 0 : i32
      %add3A_473 = vector.broadcast %add3A_472 : i32 to vector<16xi32>
      %add3A_474 = arith.addi %add3A_473, %iota3A_471 : vector<16xi32>
      %mul3A_475 = arith.constant 200 : i32
      %mul3A_476 = vector.broadcast %mul3A_475 : i32 to vector<16xi32>
      %mul3A_477 = arith.muli %add3A_474, %mul3A_476 : vector<16xi32>
      %add3A_478 = vector.broadcast %add3A_470 : i32 to vector<16xi32>
      %add3A_479 = arith.addi %add3A_478, %mul3A_477 : vector<16xi32>
      %swap3A_480 = arith.constant 1 : i32
      %swap3A_481 = arith.index_cast %swap3A_480 : i32 to index
      %swap3A_482 = arith.constant 0 : index
      %swap3A_483 = tpu.vector_load %arg8[%swap3A_481, %swap3A_482] {strides = array<i32>} : memref<4x32xi32, #tpu.memory_space<vmem>>, vector<1x16xi32>,
      %swap3A_484 = vector.shape_cast %swap3A_483 : vector<1x16xi32> to vector<16xi32>
      %swap3A_485 = vector.shape_cast %add3A_479 : vector<16xi32> to vector<1x16xi32>
      tpu.vector_store %arg8[%swap3A_481, %swap3A_482], %swap3A_485 {strides = array<i32>} : memref<4x32xi32, #tpu.memory_space<vmem>>, vector<1x16xi32>,
      %iota3A_486 = tpu.iota {dimensions = array<i32: 0>} : vector<16xi32>
      %add3A_487 = arith.constant 16 : i32
      %add3A_488 = vector.broadcast %add3A_487 : i32 to vector<16xi32>
      %add3A_489 = arith.addi %add3A_488, %iota3A_486 : vector<16xi32>
      %mul3A_490 = arith.constant 200 : i32
      %mul3A_491 = vector.broadcast %mul3A_490 : i32 to vector<16xi32>
      %mul3A_492 = arith.muli %add3A_489, %mul3A_491 : vector<16xi32>
      %add3A_493 = vector.broadcast %add3A_470 : i32 to vector<16xi32>
      %add3A_494 = arith.addi %add3A_493, %mul3A_492 : vector<16xi32>
      %swap3A_495 = arith.constant 1 : i32
      %swap3A_496 = arith.index_cast %swap3A_495 : i32 to index
      %swap3A_497 = arith.constant 16 : index
      %swap3A_498 = tpu.vector_load %arg8[%swap3A_496, %swap3A_497] {strides = array<i32>} : memref<4x32xi32, #tpu.memory_space<vmem>>, vector<1x16xi32>,
      %swap3A_499 = vector.shape_cast %swap3A_498 : vector<1x16xi32> to vector<16xi32>
      %swap3A_500 = vector.shape_cast %add3A_494 : vector<16xi32> to vector<1x16xi32>
      tpu.vector_store %arg8[%swap3A_496, %swap3A_497], %swap3A_500 {strides = array<i32>} : memref<4x32xi32, #tpu.memory_space<vmem>>, vector<1x16xi32>,
      %dma_start3A_501 = arith.constant 1 : i32
      %dma_start3A_502 = arith.constant 1 : i32
      %dma_start3A_503 = arith.constant 0 : i32
      %dma_start3A_504 = arith.constant 0 : i32
      %dma_start3A_505 = tpu.memref_slice %arg7[%dma_start3A_501, %dma_start3A_503, %dma_start3A_504] : memref<4x32x128xf32, #tpu.memory_space<vmem>> -> memref<1x32x128xf32, #tpu.memory_space<vmem>>
      %dma_start3A_506 = tpu.memref_squeeze %dma_start3A_505 : memref<1x32x128xf32, #tpu.memory_space<vmem>> -> memref<32x128xf32, #tpu.memory_space<vmem>>
      %dma_start3A_507 = arith.constant 0 : i32
      %dma_start3A_508 = tpu.memref_slice %arg8[%dma_start3A_502, %dma_start3A_507] : memref<4x32xi32, #tpu.memory_space<vmem>> -> memref<1x32xi32, #tpu.memory_space<vmem>>
      %dma_start3A_509 = tpu.memref_squeeze %dma_start3A_508 : memref<1x32xi32, #tpu.memory_space<vmem>> -> memref<32xi32, #tpu.memory_space<vmem>>
      %dma_start3A_510 = arith.constant 0 : i32
      %dma_start3A_511 = arith.constant 0 : i32
      %dma_start3A_512 = tpu.memref_slice %arg4[%dma_start3A_510, %dma_start3A_511] : memref<204800x128xf32, #tpu.memory_space<hbm>> -> memref<204800x128xf32, #tpu.memory_space<hbm>>
      tpu.enqueue_indirect_dma source(%dma_start3A_506 : memref<32x128xf32, #tpu.memory_space<vmem>>) target(%dma_start3A_512 : memref<204800x128xf32, #tpu.memory_space<hbm>>) offsets(%dma_start3A_509 : memref<32xi32, #tpu.memory_space<vmem>>) semaphore(%arg14 : memref<!tpu.dma_semaphore, #tpu.memory_space<semaphore_mem>>)
      %mul3A_513 = arith.constant 4 : i32
      %mul3A_514 = arith.muli %scan3A_236, %mul3A_513 : i32
      %add3A_515 = arith.constant 2 : i32
      %add3A_516 = arith.addi %mul3A_514, %add3A_515 : i32
      %add3A_517 = arith.constant 1 : i32
      %add3A_518 = arith.addi %scan3A_236, %add3A_517 : i32
      %lt3A_519 = arith.constant 50 : i32
      %lt3A_520 = arith.cmpi slt, %add3A_518, %lt3A_519 : i32
      %convert_element_type3A_521 = arith.extui %lt3A_520 : i1 to i32
      %cond3A_522 = arith.constant 0 : i32
      %cond3A_523 = arith.cmpi ne, %convert_element_type3A_521, %cond3A_522 : i32
      scf.if %cond3A_523 {
        %mul3A_775 = arith.constant 4 : i32
        %mul3A_776 = arith.muli %add3A_518, %mul3A_775 : i32
        %add3A_777 = arith.constant 0 : i32
        %add3A_778 = arith.addi %mul3A_776, %add3A_777 : i32
        %dma_start3A_779 = arith.constant 1 : i32
        %dma_start3A_780 = arith.constant 0 : i32
        %dma_start3A_781 = arith.constant 0 : i32
        %dma_start3A_782 = tpu.memref_slice %arg6[%dma_start3A_779, %dma_start3A_780, %dma_start3A_781] : memref<4x128x128xf32, #tpu.memory_space<vmem>> -> memref<1x128x128xf32, #tpu.memory_space<vmem>>
        %dma_start3A_783 = tpu.memref_squeeze %dma_start3A_782 : memref<1x128x128xf32, #tpu.memory_space<vmem>> -> memref<128x128xf32, #tpu.memory_space<vmem>>
        %dma_start3A_784 = arith.constant 0 : i32
        %dma_start3A_785 = arith.constant 0 : i32
        %dma_start3A_786 = tpu.memref_slice %dma_start3A_783[%dma_start3A_784, %dma_start3A_785] : memref<128x128xf32, #tpu.memory_space<vmem>> -> memref<32x128xf32, #tpu.memory_space<vmem>>
        %dma_start3A_787 = arith.constant 32 : i32
        %dma_start3A_788 = tpu.memref_slice %arg5[%add3A_778, %dma_start3A_787] : memref<200x128xi32, #tpu.memory_space<vmem>> -> memref<1x32xi32, #tpu.memory_space<vmem>>
        %dma_start3A_789 = tpu.memref_squeeze %dma_start3A_788 : memref<1x32xi32, #tpu.memory_space<vmem>> -> memref<32xi32, #tpu.memory_space<vmem>>
        %dma_start3A_790 = arith.constant 0 : i32
        %dma_start3A_791 = arith.constant 0 : i32
        %dma_start3A_792 = tpu.memref_slice %arg3[%dma_start3A_790, %dma_start3A_791] : memref<100000x128xf32, #tpu.memory_space<hbm>> -> memref<100000x128xf32, #tpu.memory_space<hbm>>
        tpu.enqueue_indirect_dma source(%dma_start3A_792 : memref<100000x128xf32, #tpu.memory_space<hbm>>) target(%dma_start3A_786 : memref<32x128xf32, #tpu.memory_space<vmem>>) offsets(%dma_start3A_789 : memref<32xi32, #tpu.memory_space<vmem>>) semaphore(%arg10 : memref<!tpu.dma_semaphore, #tpu.memory_space<semaphore_mem>>)
        %mul3A_793 = arith.constant 4 : i32
        %mul3A_794 = arith.muli %add3A_518, %mul3A_793 : i32
        %add3A_795 = arith.constant 1 : i32
        %add3A_796 = arith.addi %mul3A_794, %add3A_795 : i32
        %dma_start3A_797 = arith.constant 1 : i32
        %dma_start3A_798 = arith.constant 0 : i32
        %dma_start3A_799 = arith.constant 0 : i32
        %dma_start3A_800 = tpu.memref_slice %arg6[%dma_start3A_797, %dma_start3A_798, %dma_start3A_799] : memref<4x128x128xf32, #tpu.memory_space<vmem>> -> memref<1x128x128xf32, #tpu.memory_space<vmem>>
        %dma_start3A_801 = tpu.memref_squeeze %dma_start3A_800 : memref<1x128x128xf32, #tpu.memory_space<vmem>> -> memref<128x128xf32, #tpu.memory_space<vmem>>
        %dma_start3A_802 = arith.constant 32 : i32
        %dma_start3A_803 = arith.constant 0 : i32
        %dma_start3A_804 = tpu.memref_slice %dma_start3A_801[%dma_start3A_802, %dma_start3A_803] : memref<128x128xf32, #tpu.memory_space<vmem>> -> memref<32x128xf32, #tpu.memory_space<vmem>>
        %dma_start3A_805 = arith.constant 32 : i32
        %dma_start3A_806 = tpu.memref_slice %arg5[%add3A_796, %dma_start3A_805] : memref<200x128xi32, #tpu.memory_space<vmem>> -> memref<1x32xi32, #tpu.memory_space<vmem>>
        %dma_start3A_807 = tpu.memref_squeeze %dma_start3A_806 : memref<1x32xi32, #tpu.memory_space<vmem>> -> memref<32xi32, #tpu.memory_space<vmem>>
        %dma_start3A_808 = arith.constant 0 : i32
        %dma_start3A_809 = arith.constant 0 : i32
        %dma_start3A_810 = tpu.memref_slice %arg3[%dma_start3A_808, %dma_start3A_809] : memref<100000x128xf32, #tpu.memory_space<hbm>> -> memref<100000x128xf32, #tpu.memory_space<hbm>>
        tpu.enqueue_indirect_dma source(%dma_start3A_810 : memref<100000x128xf32, #tpu.memory_space<hbm>>) target(%dma_start3A_804 : memref<32x128xf32, #tpu.memory_space<vmem>>) offsets(%dma_start3A_807 : memref<32xi32, #tpu.memory_space<vmem>>) semaphore(%arg10 : memref<!tpu.dma_semaphore, #tpu.memory_space<semaphore_mem>>)
        %mul3A_811 = arith.constant 4 : i32
        %mul3A_812 = arith.muli %add3A_518, %mul3A_811 : i32
        %add3A_813 = arith.constant 2 : i32
        %add3A_814 = arith.addi %mul3A_812, %add3A_813 : i32
        %dma_start3A_815 = arith.constant 1 : i32
        %dma_start3A_816 = arith.constant 0 : i32
        %dma_start3A_817 = arith.constant 0 : i32
        %dma_start3A_818 = tpu.memref_slice %arg6[%dma_start3A_815, %dma_start3A_816, %dma_start3A_817] : memref<4x128x128xf32, #tpu.memory_space<vmem>> -> memref<1x128x128xf32, #tpu.memory_space<vmem>>
        %dma_start3A_819 = tpu.memref_squeeze %dma_start3A_818 : memref<1x128x128xf32, #tpu.memory_space<vmem>> -> memref<128x128xf32, #tpu.memory_space<vmem>>
        %dma_start3A_820 = arith.constant 64 : i32
        %dma_start3A_821 = arith.constant 0 : i32
        %dma_start3A_822 = tpu.memref_slice %dma_start3A_819[%dma_start3A_820, %dma_start3A_821] : memref<128x128xf32, #tpu.memory_space<vmem>> -> memref<32x128xf32, #tpu.memory_space<vmem>>
        %dma_start3A_823 = arith.constant 32 : i32
        %dma_start3A_824 = tpu.memref_slice %arg5[%add3A_814, %dma_start3A_823] : memref<200x128xi32, #tpu.memory_space<vmem>> -> memref<1x32xi32, #tpu.memory_space<vmem>>
        %dma_start3A_825 = tpu.memref_squeeze %dma_start3A_824 : memref<1x32xi32, #tpu.memory_space<vmem>> -> memref<32xi32, #tpu.memory_space<vmem>>
        %dma_start3A_826 = arith.constant 0 : i32
        %dma_start3A_827 = arith.constant 0 : i32
        %dma_start3A_828 = tpu.memref_slice %arg3[%dma_start3A_826, %dma_start3A_827] : memref<100000x128xf32, #tpu.memory_space<hbm>> -> memref<100000x128xf32, #tpu.memory_space<hbm>>
        tpu.enqueue_indirect_dma source(%dma_start3A_828 : memref<100000x128xf32, #tpu.memory_space<hbm>>) target(%dma_start3A_822 : memref<32x128xf32, #tpu.memory_space<vmem>>) offsets(%dma_start3A_825 : memref<32xi32, #tpu.memory_space<vmem>>) semaphore(%arg10 : memref<!tpu.dma_semaphore, #tpu.memory_space<semaphore_mem>>)
        %mul3A_829 = arith.constant 4 : i32
        %mul3A_830 = arith.muli %add3A_518, %mul3A_829 : i32
        %add3A_831 = arith.constant 3 : i32
        %add3A_832 = arith.addi %mul3A_830, %add3A_831 : i32
        %dma_start3A_833 = arith.constant 1 : i32
        %dma_start3A_834 = arith.constant 0 : i32
        %dma_start3A_835 = arith.constant 0 : i32
        %dma_start3A_836 = tpu.memref_slice %arg6[%dma_start3A_833, %dma_start3A_834, %dma_start3A_835] : memref<4x128x128xf32, #tpu.memory_space<vmem>> -> memref<1x128x128xf32, #tpu.memory_space<vmem>>
        %dma_start3A_837 = tpu.memref_squeeze %dma_start3A_836 : memref<1x128x128xf32, #tpu.memory_space<vmem>> -> memref<128x128xf32, #tpu.memory_space<vmem>>
        %dma_start3A_838 = arith.constant 96 : i32
        %dma_start3A_839 = arith.constant 0 : i32
        %dma_start3A_840 = tpu.memref_slice %dma_start3A_837[%dma_start3A_838, %dma_start3A_839] : memref<128x128xf32, #tpu.memory_space<vmem>> -> memref<32x128xf32, #tpu.memory_space<vmem>>
        %dma_start3A_841 = arith.constant 32 : i32
        %dma_start3A_842 = tpu.memref_slice %arg5[%add3A_832, %dma_start3A_841] : memref<200x128xi32, #tpu.memory_space<vmem>> -> memref<1x32xi32, #tpu.memory_space<vmem>>
        %dma_start3A_843 = tpu.memref_squeeze %dma_start3A_842 : memref<1x32xi32, #tpu.memory_space<vmem>> -> memref<32xi32, #tpu.memory_space<vmem>>
        %dma_start3A_844 = arith.constant 0 : i32
        %dma_start3A_845 = arith.constant 0 : i32
        %dma_start3A_846 = tpu.memref_slice %arg3[%dma_start3A_844, %dma_start3A_845] : memref<100000x128xf32, #tpu.memory_space<hbm>> -> memref<100000x128xf32, #tpu.memory_space<hbm>>
        tpu.enqueue_indirect_dma source(%dma_start3A_846 : memref<100000x128xf32, #tpu.memory_space<hbm>>) target(%dma_start3A_840 : memref<32x128xf32, #tpu.memory_space<vmem>>) offsets(%dma_start3A_843 : memref<32xi32, #tpu.memory_space<vmem>>) semaphore(%arg10 : memref<!tpu.dma_semaphore, #tpu.memory_space<semaphore_mem>>)
      } else {
      }
      %dma_wait3A_524 = arith.constant 0 : i32
      %dma_wait3A_525 = arith.constant 2 : i32
      %dma_wait3A_526 = arith.constant 0 : i32
      %dma_wait3A_527 = arith.constant 0 : i32
      %dma_wait3A_528 = tpu.memref_slice %arg6[%dma_wait3A_525, %dma_wait3A_526, %dma_wait3A_527] : memref<4x128x128xf32, #tpu.memory_space<vmem>> -> memref<1x128x128xf32, #tpu.memory_space<vmem>>
      %dma_wait3A_529 = tpu.memref_squeeze %dma_wait3A_528 : memref<1x128x128xf32, #tpu.memory_space<vmem>> -> memref<128x128xf32, #tpu.memory_space<vmem>>
      %dma_wait3A_530 = arith.constant 0 : i32
      %dma_wait3A_531 = arith.constant 0 : i32
      %dma_wait3A_532 = tpu.memref_slice %dma_wait3A_529[%dma_wait3A_530, %dma_wait3A_531] : memref<128x128xf32, #tpu.memory_space<vmem>> -> memref<32x128xf32, #tpu.memory_space<vmem>>
      %dma_wait3A_533 = arith.constant 0 : i32
      %dma_wait3A_534 = tpu.memref_slice %arg5[%dma_wait3A_524, %dma_wait3A_533] : memref<200x128xi32, #tpu.memory_space<vmem>> -> memref<1x32xi32, #tpu.memory_space<vmem>>
      %dma_wait3A_535 = tpu.memref_squeeze %dma_wait3A_534 : memref<1x32xi32, #tpu.memory_space<vmem>> -> memref<32xi32, #tpu.memory_space<vmem>>
      %dma_wait3A_536 = arith.constant 0 : i32
      %dma_wait3A_537 = arith.constant 0 : i32
      %dma_wait3A_538 = tpu.memref_slice %arg3[%dma_wait3A_536, %dma_wait3A_537] : memref<100000x128xf32, #tpu.memory_space<hbm>> -> memref<100000x128xf32, #tpu.memory_space<hbm>>
      tpu.wait_indirect_dma semaphore(%arg11 : memref<!tpu.dma_semaphore, #tpu.memory_space<semaphore_mem>>) src(%dma_wait3A_538 : memref<100000x128xf32, #tpu.memory_space<hbm>>) dst(%dma_wait3A_532 : memref<32x128xf32, #tpu.memory_space<vmem>>)
      %dma_wait3A_539 = arith.constant 1 : i32
      %dma_wait3A_540 = arith.constant 2 : i32
      %dma_wait3A_541 = arith.constant 0 : i32
      %dma_wait3A_542 = arith.constant 0 : i32
      %dma_wait3A_543 = tpu.memref_slice %arg6[%dma_wait3A_540, %dma_wait3A_541, %dma_wait3A_542] : memref<4x128x128xf32, #tpu.memory_space<vmem>> -> memref<1x128x128xf32, #tpu.memory_space<vmem>>
      %dma_wait3A_544 = tpu.memref_squeeze %dma_wait3A_543 : memref<1x128x128xf32, #tpu.memory_space<vmem>> -> memref<128x128xf32, #tpu.memory_space<vmem>>
      %dma_wait3A_545 = arith.constant 32 : i32
      %dma_wait3A_546 = arith.constant 0 : i32
      %dma_wait3A_547 = tpu.memref_slice %dma_wait3A_544[%dma_wait3A_545, %dma_wait3A_546] : memref<128x128xf32, #tpu.memory_space<vmem>> -> memref<32x128xf32, #tpu.memory_space<vmem>>
      %dma_wait3A_548 = arith.constant 0 : i32
      %dma_wait3A_549 = tpu.memref_slice %arg5[%dma_wait3A_539, %dma_wait3A_548] : memref<200x128xi32, #tpu.memory_space<vmem>> -> memref<1x32xi32, #tpu.memory_space<vmem>>
      %dma_wait3A_550 = tpu.memref_squeeze %dma_wait3A_549 : memref<1x32xi32, #tpu.memory_space<vmem>> -> memref<32xi32, #tpu.memory_space<vmem>>
      %dma_wait3A_551 = arith.constant 0 : i32
      %dma_wait3A_552 = arith.constant 0 : i32
      %dma_wait3A_553 = tpu.memref_slice %arg3[%dma_wait3A_551, %dma_wait3A_552] : memref<100000x128xf32, #tpu.memory_space<hbm>> -> memref<100000x128xf32, #tpu.memory_space<hbm>>
      tpu.wait_indirect_dma semaphore(%arg11 : memref<!tpu.dma_semaphore, #tpu.memory_space<semaphore_mem>>) src(%dma_wait3A_553 : memref<100000x128xf32, #tpu.memory_space<hbm>>) dst(%dma_wait3A_547 : memref<32x128xf32, #tpu.memory_space<vmem>>)
      %dma_wait3A_554 = arith.constant 2 : i32
      %dma_wait3A_555 = arith.constant 2 : i32
      %dma_wait3A_556 = arith.constant 0 : i32
      %dma_wait3A_557 = arith.constant 0 : i32
      %dma_wait3A_558 = tpu.memref_slice %arg6[%dma_wait3A_555, %dma_wait3A_556, %dma_wait3A_557] : memref<4x128x128xf32, #tpu.memory_space<vmem>> -> memref<1x128x128xf32, #tpu.memory_space<vmem>>
      %dma_wait3A_559 = tpu.memref_squeeze %dma_wait3A_558 : memref<1x128x128xf32, #tpu.memory_space<vmem>> -> memref<128x128xf32, #tpu.memory_space<vmem>>
      %dma_wait3A_560 = arith.constant 64 : i32
      %dma_wait3A_561 = arith.constant 0 : i32
      %dma_wait3A_562 = tpu.memref_slice %dma_wait3A_559[%dma_wait3A_560, %dma_wait3A_561] : memref<128x128xf32, #tpu.memory_space<vmem>> -> memref<32x128xf32, #tpu.memory_space<vmem>>
      %dma_wait3A_563 = arith.constant 0 : i32
      %dma_wait3A_564 = tpu.memref_slice %arg5[%dma_wait3A_554, %dma_wait3A_563] : memref<200x128xi32, #tpu.memory_space<vmem>> -> memref<1x32xi32, #tpu.memory_space<vmem>>
      %dma_wait3A_565 = tpu.memref_squeeze %dma_wait3A_564 : memref<1x32xi32, #tpu.memory_space<vmem>> -> memref<32xi32, #tpu.memory_space<vmem>>
      %dma_wait3A_566 = arith.constant 0 : i32
      %dma_wait3A_567 = arith.constant 0 : i32
      %dma_wait3A_568 = tpu.memref_slice %arg3[%dma_wait3A_566, %dma_wait3A_567] : memref<100000x128xf32, #tpu.memory_space<hbm>> -> memref<100000x128xf32, #tpu.memory_space<hbm>>
      tpu.wait_indirect_dma semaphore(%arg11 : memref<!tpu.dma_semaphore, #tpu.memory_space<semaphore_mem>>) src(%dma_wait3A_568 : memref<100000x128xf32, #tpu.memory_space<hbm>>) dst(%dma_wait3A_562 : memref<32x128xf32, #tpu.memory_space<vmem>>)
      %dma_wait3A_569 = arith.constant 3 : i32
      %dma_wait3A_570 = arith.constant 2 : i32
      %dma_wait3A_571 = arith.constant 0 : i32
      %dma_wait3A_572 = arith.constant 0 : i32
      %dma_wait3A_573 = tpu.memref_slice %arg6[%dma_wait3A_570, %dma_wait3A_571, %dma_wait3A_572] : memref<4x128x128xf32, #tpu.memory_space<vmem>> -> memref<1x128x128xf32, #tpu.memory_space<vmem>>
      %dma_wait3A_574 = tpu.memref_squeeze %dma_wait3A_573 : memref<1x128x128xf32, #tpu.memory_space<vmem>> -> memref<128x128xf32, #tpu.memory_space<vmem>>
      %dma_wait3A_575 = arith.constant 96 : i32
      %dma_wait3A_576 = arith.constant 0 : i32
      %dma_wait3A_577 = tpu.memref_slice %dma_wait3A_574[%dma_wait3A_575, %dma_wait3A_576] : memref<128x128xf32, #tpu.memory_space<vmem>> -> memref<32x128xf32, #tpu.memory_space<vmem>>
      %dma_wait3A_578 = arith.constant 0 : i32
      %dma_wait3A_579 = tpu.memref_slice %arg5[%dma_wait3A_569, %dma_wait3A_578] : memref<200x128xi32, #tpu.memory_space<vmem>> -> memref<1x32xi32, #tpu.memory_space<vmem>>
      %dma_wait3A_580 = tpu.memref_squeeze %dma_wait3A_579 : memref<1x32xi32, #tpu.memory_space<vmem>> -> memref<32xi32, #tpu.memory_space<vmem>>
      %dma_wait3A_581 = arith.constant 0 : i32
      %dma_wait3A_582 = arith.constant 0 : i32
      %dma_wait3A_583 = tpu.memref_slice %arg3[%dma_wait3A_581, %dma_wait3A_582] : memref<100000x128xf32, #tpu.memory_space<hbm>> -> memref<100000x128xf32, #tpu.memory_space<hbm>>
      tpu.wait_indirect_dma semaphore(%arg11 : memref<!tpu.dma_semaphore, #tpu.memory_space<semaphore_mem>>) src(%dma_wait3A_583 : memref<100000x128xf32, #tpu.memory_space<hbm>>) dst(%dma_wait3A_577 : memref<32x128xf32, #tpu.memory_space<vmem>>)
      %ge3A_584 = arith.constant 4 : i32
      %ge3A_585 = arith.cmpi sge, %add3A_516, %ge3A_584 : i32
      %convert_element_type3A_586 = arith.extui %ge3A_585 : i1 to i32
      %cond3A_587 = arith.constant 0 : i32
      %cond3A_588 = arith.cmpi ne, %convert_element_type3A_586, %cond3A_587 : i32
      scf.if %cond3A_588 {
        %dma_wait3A_775 = arith.constant 2 : i32
        %dma_wait3A_776 = arith.constant 2 : i32
        %dma_wait3A_777 = arith.constant 0 : i32
        %dma_wait3A_778 = arith.constant 0 : i32
        %dma_wait3A_779 = tpu.memref_slice %arg7[%dma_wait3A_775, %dma_wait3A_777, %dma_wait3A_778] : memref<4x32x128xf32, #tpu.memory_space<vmem>> -> memref<1x32x128xf32, #tpu.memory_space<vmem>>
        %dma_wait3A_780 = tpu.memref_squeeze %dma_wait3A_779 : memref<1x32x128xf32, #tpu.memory_space<vmem>> -> memref<32x128xf32, #tpu.memory_space<vmem>>
        %dma_wait3A_781 = arith.constant 0 : i32
        %dma_wait3A_782 = tpu.memref_slice %arg8[%dma_wait3A_776, %dma_wait3A_781] : memref<4x32xi32, #tpu.memory_space<vmem>> -> memref<1x32xi32, #tpu.memory_space<vmem>>
        %dma_wait3A_783 = tpu.memref_squeeze %dma_wait3A_782 : memref<1x32xi32, #tpu.memory_space<vmem>> -> memref<32xi32, #tpu.memory_space<vmem>>
        %dma_wait3A_784 = arith.constant 0 : i32
        %dma_wait3A_785 = arith.constant 0 : i32
        %dma_wait3A_786 = tpu.memref_slice %arg4[%dma_wait3A_784, %dma_wait3A_785] : memref<204800x128xf32, #tpu.memory_space<hbm>> -> memref<204800x128xf32, #tpu.memory_space<hbm>>
        tpu.wait_indirect_dma semaphore(%arg15 : memref<!tpu.dma_semaphore, #tpu.memory_space<semaphore_mem>>) src(%dma_wait3A_780 : memref<32x128xf32, #tpu.memory_space<vmem>>) dst(%dma_wait3A_786 : memref<204800x128xf32, #tpu.memory_space<hbm>>)
      } else {
      }
      %scan3A_589 = arith.constant 0 : i32
      %scan3A_590 = arith.constant 0 : i32
      %scan3A_591 = arith.constant 32 : i32
      %scan3A_592 = arith.addi %scan3A_590, %scan3A_591 : i32
      %scan3A_593 = arith.constant 2 : i32
      scf.for %scan3A_775 = %scan3A_590 to %scan3A_592 step %scan3A_593  : i32 {
        %add3A_776 = arith.constant 0 : i32
        %add3A_777 = arith.addi %add3A_776, %scan3A_775 : i32
        %get3A = arith.constant 2 : i32
        %get3A_778 = arith.index_cast %get3A : i32 to index
        %get3A_779 = arith.index_cast %add3A_777 : i32 to index
        %get3A_780 = arith.constant 0 : index
        %get3A_781 = tpu.vector_load %arg6[%get3A_778, %get3A_779, %get3A_780] {strides = array<i32>} : memref<4x128x128xf32, #tpu.memory_space<vmem>>, vector<1x1x16xf32>,
        %get3A_782 = vector.shape_cast %get3A_781 : vector<1x1x16xf32> to vector<16xf32>
        %add3A_783 = arith.constant 32 : i32
        %add3A_784 = arith.addi %add3A_783, %scan3A_775 : i32
        %get3A_785 = arith.constant 2 : i32
        %get3A_786 = arith.index_cast %get3A_785 : i32 to index
        %get3A_787 = arith.index_cast %add3A_784 : i32 to index
        %get3A_788 = arith.constant 0 : index
        %get3A_789 = tpu.vector_load %arg6[%get3A_786, %get3A_787, %get3A_788] {strides = array<i32>} : memref<4x128x128xf32, #tpu.memory_space<vmem>>, vector<1x1x16xf32>,
        %get3A_790 = vector.shape_cast %get3A_789 : vector<1x1x16xf32> to vector<16xf32>
        %add3A_791 = arith.constant 64 : i32
        %add3A_792 = arith.addi %add3A_791, %scan3A_775 : i32
        %get3A_793 = arith.constant 2 : i32
        %get3A_794 = arith.index_cast %get3A_793 : i32 to index
        %get3A_795 = arith.index_cast %add3A_792 : i32 to index
        %get3A_796 = arith.constant 0 : index
        %get3A_797 = tpu.vector_load %arg6[%get3A_794, %get3A_795, %get3A_796] {strides = array<i32>} : memref<4x128x128xf32, #tpu.memory_space<vmem>>, vector<1x1x16xf32>,
        %get3A_798 = vector.shape_cast %get3A_797 : vector<1x1x16xf32> to vector<16xf32>
        %add3A_799 = arith.constant 96 : i32
        %add3A_800 = arith.addi %add3A_799, %scan3A_775 : i32
        %get3A_801 = arith.constant 2 : i32
        %get3A_802 = arith.index_cast %get3A_801 : i32 to index
        %get3A_803 = arith.index_cast %add3A_800 : i32 to index
        %get3A_804 = arith.constant 0 : index
        %get3A_805 = tpu.vector_load %arg6[%get3A_802, %get3A_803, %get3A_804] {strides = array<i32>} : memref<4x128x128xf32, #tpu.memory_space<vmem>>, vector<1x1x16xf32>,
        %get3A_806 = vector.shape_cast %get3A_805 : vector<1x1x16xf32> to vector<16xf32>
        %add3A_807 = arith.constant 0 : i32
        %add3A_808 = arith.addi %add3A_807, %scan3A_775 : i32
        %get3A_809 = arith.constant 2 : i32
        %get3A_810 = arith.index_cast %get3A_809 : i32 to index
        %get3A_811 = arith.index_cast %add3A_808 : i32 to index
        %get3A_812 = arith.constant 16 : index
        %get3A_813 = tpu.vector_load %arg6[%get3A_810, %get3A_811, %get3A_812] {strides = array<i32>} : memref<4x128x128xf32, #tpu.memory_space<vmem>>, vector<1x1x16xf32>,
        %get3A_814 = vector.shape_cast %get3A_813 : vector<1x1x16xf32> to vector<16xf32>
        %add3A_815 = arith.constant 32 : i32
        %add3A_816 = arith.addi %add3A_815, %scan3A_775 : i32
        %get3A_817 = arith.constant 2 : i32
        %get3A_818 = arith.index_cast %get3A_817 : i32 to index
        %get3A_819 = arith.index_cast %add3A_816 : i32 to index
        %get3A_820 = arith.constant 16 : index
        %get3A_821 = tpu.vector_load %arg6[%get3A_818, %get3A_819, %get3A_820] {strides = array<i32>} : memref<4x128x128xf32, #tpu.memory_space<vmem>>, vector<1x1x16xf32>,
        %get3A_822 = vector.shape_cast %get3A_821 : vector<1x1x16xf32> to vector<16xf32>
        %add3A_823 = arith.constant 64 : i32
        %add3A_824 = arith.addi %add3A_823, %scan3A_775 : i32
        %get3A_825 = arith.constant 2 : i32
        %get3A_826 = arith.index_cast %get3A_825 : i32 to index
        %get3A_827 = arith.index_cast %add3A_824 : i32 to index
        %get3A_828 = arith.constant 16 : index
        %get3A_829 = tpu.vector_load %arg6[%get3A_826, %get3A_827, %get3A_828] {strides = array<i32>} : memref<4x128x128xf32, #tpu.memory_space<vmem>>, vector<1x1x16xf32>,
        %get3A_830 = vector.shape_cast %get3A_829 : vector<1x1x16xf32> to vector<16xf32>
        %add3A_831 = arith.constant 96 : i32
        %add3A_832 = arith.addi %add3A_831, %scan3A_775 : i32
        %get3A_833 = arith.constant 2 : i32
        %get3A_834 = arith.index_cast %get3A_833 : i32 to index
        %get3A_835 = arith.index_cast %add3A_832 : i32 to index
        %get3A_836 = arith.constant 16 : index
        %get3A_837 = tpu.vector_load %arg6[%get3A_834, %get3A_835, %get3A_836] {strides = array<i32>} : memref<4x128x128xf32, #tpu.memory_space<vmem>>, vector<1x1x16xf32>,
        %get3A_838 = vector.shape_cast %get3A_837 : vector<1x1x16xf32> to vector<16xf32>
        %add3A_839 = arith.constant 0 : i32
        %add3A_840 = arith.addi %add3A_839, %scan3A_775 : i32
        %get3A_841 = arith.constant 2 : i32
        %get3A_842 = arith.index_cast %get3A_841 : i32 to index
        %get3A_843 = arith.index_cast %add3A_840 : i32 to index
        %get3A_844 = arith.constant 32 : index
        %get3A_845 = tpu.vector_load %arg6[%get3A_842, %get3A_843, %get3A_844] {strides = array<i32>} : memref<4x128x128xf32, #tpu.memory_space<vmem>>, vector<1x1x16xf32>,
        %get3A_846 = vector.shape_cast %get3A_845 : vector<1x1x16xf32> to vector<16xf32>
        %add3A_847 = arith.constant 32 : i32
        %add3A_848 = arith.addi %add3A_847, %scan3A_775 : i32
        %get3A_849 = arith.constant 2 : i32
        %get3A_850 = arith.index_cast %get3A_849 : i32 to index
        %get3A_851 = arith.index_cast %add3A_848 : i32 to index
        %get3A_852 = arith.constant 32 : index
        %get3A_853 = tpu.vector_load %arg6[%get3A_850, %get3A_851, %get3A_852] {strides = array<i32>} : memref<4x128x128xf32, #tpu.memory_space<vmem>>, vector<1x1x16xf32>,
        %get3A_854 = vector.shape_cast %get3A_853 : vector<1x1x16xf32> to vector<16xf32>
        %add3A_855 = arith.constant 64 : i32
        %add3A_856 = arith.addi %add3A_855, %scan3A_775 : i32
        %get3A_857 = arith.constant 2 : i32
        %get3A_858 = arith.index_cast %get3A_857 : i32 to index
        %get3A_859 = arith.index_cast %add3A_856 : i32 to index
        %get3A_860 = arith.constant 32 : index
        %get3A_861 = tpu.vector_load %arg6[%get3A_858, %get3A_859, %get3A_860] {strides = array<i32>} : memref<4x128x128xf32, #tpu.memory_space<vmem>>, vector<1x1x16xf32>,
        %get3A_862 = vector.shape_cast %get3A_861 : vector<1x1x16xf32> to vector<16xf32>
        %add3A_863 = arith.constant 96 : i32
        %add3A_864 = arith.addi %add3A_863, %scan3A_775 : i32
        %get3A_865 = arith.constant 2 : i32
        %get3A_866 = arith.index_cast %get3A_865 : i32 to index
        %get3A_867 = arith.index_cast %add3A_864 : i32 to index
        %get3A_868 = arith.constant 32 : index
        %get3A_869 = tpu.vector_load %arg6[%get3A_866, %get3A_867, %get3A_868] {strides = array<i32>} : memref<4x128x128xf32, #tpu.memory_space<vmem>>, vector<1x1x16xf32>,
        %get3A_870 = vector.shape_cast %get3A_869 : vector<1x1x16xf32> to vector<16xf32>
        %add3A_871 = arith.constant 0 : i32
        %add3A_872 = arith.addi %add3A_871, %scan3A_775 : i32
        %get3A_873 = arith.constant 2 : i32
        %get3A_874 = arith.index_cast %get3A_873 : i32 to index
        %get3A_875 = arith.index_cast %add3A_872 : i32 to index
        %get3A_876 = arith.constant 48 : index
        %get3A_877 = tpu.vector_load %arg6[%get3A_874, %get3A_875, %get3A_876] {strides = array<i32>} : memref<4x128x128xf32, #tpu.memory_space<vmem>>, vector<1x1x16xf32>,
        %get3A_878 = vector.shape_cast %get3A_877 : vector<1x1x16xf32> to vector<16xf32>
        %add3A_879 = arith.constant 32 : i32
        %add3A_880 = arith.addi %add3A_879, %scan3A_775 : i32
        %get3A_881 = arith.constant 2 : i32
        %get3A_882 = arith.index_cast %get3A_881 : i32 to index
        %get3A_883 = arith.index_cast %add3A_880 : i32 to index
        %get3A_884 = arith.constant 48 : index
        %get3A_885 = tpu.vector_load %arg6[%get3A_882, %get3A_883, %get3A_884] {strides = array<i32>} : memref<4x128x128xf32, #tpu.memory_space<vmem>>, vector<1x1x16xf32>,
        %get3A_886 = vector.shape_cast %get3A_885 : vector<1x1x16xf32> to vector<16xf32>
        %add3A_887 = arith.constant 64 : i32
        %add3A_888 = arith.addi %add3A_887, %scan3A_775 : i32
        %get3A_889 = arith.constant 2 : i32
        %get3A_890 = arith.index_cast %get3A_889 : i32 to index
        %get3A_891 = arith.index_cast %add3A_888 : i32 to index
        %get3A_892 = arith.constant 48 : index
        %get3A_893 = tpu.vector_load %arg6[%get3A_890, %get3A_891, %get3A_892] {strides = array<i32>} : memref<4x128x128xf32, #tpu.memory_space<vmem>>, vector<1x1x16xf32>,
        %get3A_894 = vector.shape_cast %get3A_893 : vector<1x1x16xf32> to vector<16xf32>
        %add3A_895 = arith.constant 96 : i32
        %add3A_896 = arith.addi %add3A_895, %scan3A_775 : i32
        %get3A_897 = arith.constant 2 : i32
        %get3A_898 = arith.index_cast %get3A_897 : i32 to index
        %get3A_899 = arith.index_cast %add3A_896 : i32 to index
        %get3A_900 = arith.constant 48 : index
        %get3A_901 = tpu.vector_load %arg6[%get3A_898, %get3A_899, %get3A_900] {strides = array<i32>} : memref<4x128x128xf32, #tpu.memory_space<vmem>>, vector<1x1x16xf32>,
        %get3A_902 = vector.shape_cast %get3A_901 : vector<1x1x16xf32> to vector<16xf32>
        %add3A_903 = arith.addf %get3A_782, %get3A_790 : vector<16xf32>
        %add3A_904 = arith.addf %get3A_798, %get3A_806 : vector<16xf32>
        %add3A_905 = arith.addf %add3A_903, %add3A_904 : vector<16xf32>
        %swap3A_906 = arith.constant 2 : i32
        %swap3A_907 = arith.index_cast %swap3A_906 : i32 to index
        %swap3A_908 = arith.index_cast %scan3A_775 : i32 to index
        %swap3A_909 = arith.constant 0 : index
        %swap3A_910 = tpu.vector_load %arg7[%swap3A_907, %swap3A_908, %swap3A_909] {strides = array<i32>} : memref<4x32x128xf32, #tpu.memory_space<vmem>>, vector<1x1x16xf32>,
        %swap3A_911 = vector.shape_cast %swap3A_910 : vector<1x1x16xf32> to vector<16xf32>
        %swap3A_912 = vector.shape_cast %add3A_905 : vector<16xf32> to vector<1x1x16xf32>
        tpu.vector_store %arg7[%swap3A_907, %swap3A_908, %swap3A_909], %swap3A_912 {strides = array<i32>} : memref<4x32x128xf32, #tpu.memory_space<vmem>>, vector<1x1x16xf32>,
        %add3A_913 = arith.constant 0 : i32
        %add3A_914 = arith.addi %add3A_913, %scan3A_775 : i32
        %get3A_915 = arith.constant 2 : i32
        %get3A_916 = arith.index_cast %get3A_915 : i32 to index
        %get3A_917 = arith.index_cast %add3A_914 : i32 to index
        %get3A_918 = arith.constant 64 : index
        %get3A_919 = tpu.vector_load %arg6[%get3A_916, %get3A_917, %get3A_918] {strides = array<i32>} : memref<4x128x128xf32, #tpu.memory_space<vmem>>, vector<1x1x16xf32>,
        %get3A_920 = vector.shape_cast %get3A_919 : vector<1x1x16xf32> to vector<16xf32>
        %add3A_921 = arith.constant 32 : i32
        %add3A_922 = arith.addi %add3A_921, %scan3A_775 : i32
        %get3A_923 = arith.constant 2 : i32
        %get3A_924 = arith.index_cast %get3A_923 : i32 to index
        %get3A_925 = arith.index_cast %add3A_922 : i32 to index
        %get3A_926 = arith.constant 64 : index
        %get3A_927 = tpu.vector_load %arg6[%get3A_924, %get3A_925, %get3A_926] {strides = array<i32>} : memref<4x128x128xf32, #tpu.memory_space<vmem>>, vector<1x1x16xf32>,
        %get3A_928 = vector.shape_cast %get3A_927 : vector<1x1x16xf32> to vector<16xf32>
        %add3A_929 = arith.constant 64 : i32
        %add3A_930 = arith.addi %add3A_929, %scan3A_775 : i32
        %get3A_931 = arith.constant 2 : i32
        %get3A_932 = arith.index_cast %get3A_931 : i32 to index
        %get3A_933 = arith.index_cast %add3A_930 : i32 to index
        %get3A_934 = arith.constant 64 : index
        %get3A_935 = tpu.vector_load %arg6[%get3A_932, %get3A_933, %get3A_934] {strides = array<i32>} : memref<4x128x128xf32, #tpu.memory_space<vmem>>, vector<1x1x16xf32>,
        %get3A_936 = vector.shape_cast %get3A_935 : vector<1x1x16xf32> to vector<16xf32>
        %add3A_937 = arith.constant 96 : i32
        %add3A_938 = arith.addi %add3A_937, %scan3A_775 : i32
        %get3A_939 = arith.constant 2 : i32
        %get3A_940 = arith.index_cast %get3A_939 : i32 to index
        %get3A_941 = arith.index_cast %add3A_938 : i32 to index
        %get3A_942 = arith.constant 64 : index
        %get3A_943 = tpu.vector_load %arg6[%get3A_940, %get3A_941, %get3A_942] {strides = array<i32>} : memref<4x128x128xf32, #tpu.memory_space<vmem>>, vector<1x1x16xf32>,
        %get3A_944 = vector.shape_cast %get3A_943 : vector<1x1x16xf32> to vector<16xf32>
        %add3A_945 = arith.addf %get3A_814, %get3A_822 : vector<16xf32>
        %add3A_946 = arith.addf %get3A_830, %get3A_838 : vector<16xf32>
        %add3A_947 = arith.addf %add3A_945, %add3A_946 : vector<16xf32>
        %swap3A_948 = arith.constant 2 : i32
        %swap3A_949 = arith.index_cast %swap3A_948 : i32 to index
        %swap3A_950 = arith.index_cast %scan3A_775 : i32 to index
        %swap3A_951 = arith.constant 16 : index
        %swap3A_952 = tpu.vector_load %arg7[%swap3A_949, %swap3A_950, %swap3A_951] {strides = array<i32>} : memref<4x32x128xf32, #tpu.memory_space<vmem>>, vector<1x1x16xf32>,
        %swap3A_953 = vector.shape_cast %swap3A_952 : vector<1x1x16xf32> to vector<16xf32>
        %swap3A_954 = vector.shape_cast %add3A_947 : vector<16xf32> to vector<1x1x16xf32>
        tpu.vector_store %arg7[%swap3A_949, %swap3A_950, %swap3A_951], %swap3A_954 {strides = array<i32>} : memref<4x32x128xf32, #tpu.memory_space<vmem>>, vector<1x1x16xf32>,
        %add3A_955 = arith.constant 0 : i32
        %add3A_956 = arith.addi %add3A_955, %scan3A_775 : i32
        %get3A_957 = arith.constant 2 : i32
        %get3A_958 = arith.index_cast %get3A_957 : i32 to index
        %get3A_959 = arith.index_cast %add3A_956 : i32 to index
        %get3A_960 = arith.constant 80 : index
        %get3A_961 = tpu.vector_load %arg6[%get3A_958, %get3A_959, %get3A_960] {strides = array<i32>} : memref<4x128x128xf32, #tpu.memory_space<vmem>>, vector<1x1x16xf32>,
        %get3A_962 = vector.shape_cast %get3A_961 : vector<1x1x16xf32> to vector<16xf32>
        %add3A_963 = arith.constant 32 : i32
        %add3A_964 = arith.addi %add3A_963, %scan3A_775 : i32
        %get3A_965 = arith.constant 2 : i32
        %get3A_966 = arith.index_cast %get3A_965 : i32 to index
        %get3A_967 = arith.index_cast %add3A_964 : i32 to index
        %get3A_968 = arith.constant 80 : index
        %get3A_969 = tpu.vector_load %arg6[%get3A_966, %get3A_967, %get3A_968] {strides = array<i32>} : memref<4x128x128xf32, #tpu.memory_space<vmem>>, vector<1x1x16xf32>,
        %get3A_970 = vector.shape_cast %get3A_969 : vector<1x1x16xf32> to vector<16xf32>
        %add3A_971 = arith.constant 64 : i32
        %add3A_972 = arith.addi %add3A_971, %scan3A_775 : i32
        %get3A_973 = arith.constant 2 : i32
        %get3A_974 = arith.index_cast %get3A_973 : i32 to index
        %get3A_975 = arith.index_cast %add3A_972 : i32 to index
        %get3A_976 = arith.constant 80 : index
        %get3A_977 = tpu.vector_load %arg6[%get3A_974, %get3A_975, %get3A_976] {strides = array<i32>} : memref<4x128x128xf32, #tpu.memory_space<vmem>>, vector<1x1x16xf32>,
        %get3A_978 = vector.shape_cast %get3A_977 : vector<1x1x16xf32> to vector<16xf32>
        %add3A_979 = arith.constant 96 : i32
        %add3A_980 = arith.addi %add3A_979, %scan3A_775 : i32
        %get3A_981 = arith.constant 2 : i32
        %get3A_982 = arith.index_cast %get3A_981 : i32 to index
        %get3A_983 = arith.index_cast %add3A_980 : i32 to index
        %get3A_984 = arith.constant 80 : index
        %get3A_985 = tpu.vector_load %arg6[%get3A_982, %get3A_983, %get3A_984] {strides = array<i32>} : memref<4x128x128xf32, #tpu.memory_space<vmem>>, vector<1x1x16xf32>,
        %get3A_986 = vector.shape_cast %get3A_985 : vector<1x1x16xf32> to vector<16xf32>
        %add3A_987 = arith.addf %get3A_846, %get3A_854 : vector<16xf32>
        %add3A_988 = arith.addf %get3A_862, %get3A_870 : vector<16xf32>
        %add3A_989 = arith.addf %add3A_987, %add3A_988 : vector<16xf32>
        %swap3A_990 = arith.constant 2 : i32
        %swap3A_991 = arith.index_cast %swap3A_990 : i32 to index
        %swap3A_992 = arith.index_cast %scan3A_775 : i32 to index
        %swap3A_993 = arith.constant 32 : index
        %swap3A_994 = tpu.vector_load %arg7[%swap3A_991, %swap3A_992, %swap3A_993] {strides = array<i32>} : memref<4x32x128xf32, #tpu.memory_space<vmem>>, vector<1x1x16xf32>,
        %swap3A_995 = vector.shape_cast %swap3A_994 : vector<1x1x16xf32> to vector<16xf32>
        %swap3A_996 = vector.shape_cast %add3A_989 : vector<16xf32> to vector<1x1x16xf32>
        tpu.vector_store %arg7[%swap3A_991, %swap3A_992, %swap3A_993], %swap3A_996 {strides = array<i32>} : memref<4x32x128xf32, #tpu.memory_space<vmem>>, vector<1x1x16xf32>,
        %add3A_997 = arith.constant 0 : i32
        %add3A_998 = arith.addi %add3A_997, %scan3A_775 : i32
        %get3A_999 = arith.constant 2 : i32
        %get3A_1000 = arith.index_cast %get3A_999 : i32 to index
        %get3A_1001 = arith.index_cast %add3A_998 : i32 to index
        %get3A_1002 = arith.constant 96 : index
        %get3A_1003 = tpu.vector_load %arg6[%get3A_1000, %get3A_1001, %get3A_1002] {strides = array<i32>} : memref<4x128x128xf32, #tpu.memory_space<vmem>>, vector<1x1x16xf32>,
        %get3A_1004 = vector.shape_cast %get3A_1003 : vector<1x1x16xf32> to vector<16xf32>
        %add3A_1005 = arith.constant 32 : i32
        %add3A_1006 = arith.addi %add3A_1005, %scan3A_775 : i32
        %get3A_1007 = arith.constant 2 : i32
        %get3A_1008 = arith.index_cast %get3A_1007 : i32 to index
        %get3A_1009 = arith.index_cast %add3A_1006 : i32 to index
        %get3A_1010 = arith.constant 96 : index
        %get3A_1011 = tpu.vector_load %arg6[%get3A_1008, %get3A_1009, %get3A_1010] {strides = array<i32>} : memref<4x128x128xf32, #tpu.memory_space<vmem>>, vector<1x1x16xf32>,
        %get3A_1012 = vector.shape_cast %get3A_1011 : vector<1x1x16xf32> to vector<16xf32>
        %add3A_1013 = arith.constant 64 : i32
        %add3A_1014 = arith.addi %add3A_1013, %scan3A_775 : i32
        %get3A_1015 = arith.constant 2 : i32
        %get3A_1016 = arith.index_cast %get3A_1015 : i32 to index
        %get3A_1017 = arith.index_cast %add3A_1014 : i32 to index
        %get3A_1018 = arith.constant 96 : index
        %get3A_1019 = tpu.vector_load %arg6[%get3A_1016, %get3A_1017, %get3A_1018] {strides = array<i32>} : memref<4x128x128xf32, #tpu.memory_space<vmem>>, vector<1x1x16xf32>,
        %get3A_1020 = vector.shape_cast %get3A_1019 : vector<1x1x16xf32> to vector<16xf32>
        %add3A_1021 = arith.constant 96 : i32
        %add3A_1022 = arith.addi %add3A_1021, %scan3A_775 : i32
        %get3A_1023 = arith.constant 2 : i32
        %get3A_1024 = arith.index_cast %get3A_1023 : i32 to index
        %get3A_1025 = arith.index_cast %add3A_1022 : i32 to index
        %get3A_1026 = arith.constant 96 : index
        %get3A_1027 = tpu.vector_load %arg6[%get3A_1024, %get3A_1025, %get3A_1026] {strides = array<i32>} : memref<4x128x128xf32, #tpu.memory_space<vmem>>, vector<1x1x16xf32>,
        %get3A_1028 = vector.shape_cast %get3A_1027 : vector<1x1x16xf32> to vector<16xf32>
        %add3A_1029 = arith.addf %get3A_878, %get3A_886 : vector<16xf32>
        %add3A_1030 = arith.addf %get3A_894, %get3A_902 : vector<16xf32>
        %add3A_1031 = arith.addf %add3A_1029, %add3A_1030 : vector<16xf32>
        %swap3A_1032 = arith.constant 2 : i32
        %swap3A_1033 = arith.index_cast %swap3A_1032 : i32 to index
        %swap3A_1034 = arith.index_cast %scan3A_775 : i32 to index
        %swap3A_1035 = arith.constant 48 : index
        %swap3A_1036 = tpu.vector_load %arg7[%swap3A_1033, %swap3A_1034, %swap3A_1035] {strides = array<i32>} : memref<4x32x128xf32, #tpu.memory_space<vmem>>, vector<1x1x16xf32>,
        %swap3A_1037 = vector.shape_cast %swap3A_1036 : vector<1x1x16xf32> to vector<16xf32>
        %swap3A_1038 = vector.shape_cast %add3A_1031 : vector<16xf32> to vector<1x1x16xf32>
        tpu.vector_store %arg7[%swap3A_1033, %swap3A_1034, %swap3A_1035], %swap3A_1038 {strides = array<i32>} : memref<4x32x128xf32, #tpu.memory_space<vmem>>, vector<1x1x16xf32>,
        %add3A_1039 = arith.constant 0 : i32
        %add3A_1040 = arith.addi %add3A_1039, %scan3A_775 : i32
        %get3A_1041 = arith.constant 2 : i32
        %get3A_1042 = arith.index_cast %get3A_1041 : i32 to index
        %get3A_1043 = arith.index_cast %add3A_1040 : i32 to index
        %get3A_1044 = arith.constant 112 : index
        %get3A_1045 = tpu.vector_load %arg6[%get3A_1042, %get3A_1043, %get3A_1044] {strides = array<i32>} : memref<4x128x128xf32, #tpu.memory_space<vmem>>, vector<1x1x16xf32>,
        %get3A_1046 = vector.shape_cast %get3A_1045 : vector<1x1x16xf32> to vector<16xf32>
        %add3A_1047 = arith.constant 32 : i32
        %add3A_1048 = arith.addi %add3A_1047, %scan3A_775 : i32
        %get3A_1049 = arith.constant 2 : i32
        %get3A_1050 = arith.index_cast %get3A_1049 : i32 to index
        %get3A_1051 = arith.index_cast %add3A_1048 : i32 to index
        %get3A_1052 = arith.constant 112 : index
        %get3A_1053 = tpu.vector_load %arg6[%get3A_1050, %get3A_1051, %get3A_1052] {strides = array<i32>} : memref<4x128x128xf32, #tpu.memory_space<vmem>>, vector<1x1x16xf32>,
        %get3A_1054 = vector.shape_cast %get3A_1053 : vector<1x1x16xf32> to vector<16xf32>
        %add3A_1055 = arith.constant 64 : i32
        %add3A_1056 = arith.addi %add3A_1055, %scan3A_775 : i32
        %get3A_1057 = arith.constant 2 : i32
        %get3A_1058 = arith.index_cast %get3A_1057 : i32 to index
        %get3A_1059 = arith.index_cast %add3A_1056 : i32 to index
        %get3A_1060 = arith.constant 112 : index
        %get3A_1061 = tpu.vector_load %arg6[%get3A_1058, %get3A_1059, %get3A_1060] {strides = array<i32>} : memref<4x128x128xf32, #tpu.memory_space<vmem>>, vector<1x1x16xf32>,
        %get3A_1062 = vector.shape_cast %get3A_1061 : vector<1x1x16xf32> to vector<16xf32>
        %add3A_1063 = arith.constant 96 : i32
        %add3A_1064 = arith.addi %add3A_1063, %scan3A_775 : i32
        %get3A_1065 = arith.constant 2 : i32
        %get3A_1066 = arith.index_cast %get3A_1065 : i32 to index
        %get3A_1067 = arith.index_cast %add3A_1064 : i32 to index
        %get3A_1068 = arith.constant 112 : index
        %get3A_1069 = tpu.vector_load %arg6[%get3A_1066, %get3A_1067, %get3A_1068] {strides = array<i32>} : memref<4x128x128xf32, #tpu.memory_space<vmem>>, vector<1x1x16xf32>,
        %get3A_1070 = vector.shape_cast %get3A_1069 : vector<1x1x16xf32> to vector<16xf32>
        %add3A_1071 = arith.addf %get3A_920, %get3A_928 : vector<16xf32>
        %add3A_1072 = arith.addf %get3A_936, %get3A_944 : vector<16xf32>
        %add3A_1073 = arith.addf %add3A_1071, %add3A_1072 : vector<16xf32>
        %swap3A_1074 = arith.constant 2 : i32
        %swap3A_1075 = arith.index_cast %swap3A_1074 : i32 to index
        %swap3A_1076 = arith.index_cast %scan3A_775 : i32 to index
        %swap3A_1077 = arith.constant 64 : index
        %swap3A_1078 = tpu.vector_load %arg7[%swap3A_1075, %swap3A_1076, %swap3A_1077] {strides = array<i32>} : memref<4x32x128xf32, #tpu.memory_space<vmem>>, vector<1x1x16xf32>,
        %swap3A_1079 = vector.shape_cast %swap3A_1078 : vector<1x1x16xf32> to vector<16xf32>
        %swap3A_1080 = vector.shape_cast %add3A_1073 : vector<16xf32> to vector<1x1x16xf32>
        tpu.vector_store %arg7[%swap3A_1075, %swap3A_1076, %swap3A_1077], %swap3A_1080 {strides = array<i32>} : memref<4x32x128xf32, #tpu.memory_space<vmem>>, vector<1x1x16xf32>,
        %add3A_1081 = arith.addf %get3A_962, %get3A_970 : vector<16xf32>
        %add3A_1082 = arith.addf %get3A_978, %get3A_986 : vector<16xf32>
        %add3A_1083 = arith.addf %add3A_1081, %add3A_1082 : vector<16xf32>
        %swap3A_1084 = arith.constant 2 : i32
        %swap3A_1085 = arith.index_cast %swap3A_1084 : i32 to index
        %swap3A_1086 = arith.index_cast %scan3A_775 : i32 to index
        %swap3A_1087 = arith.constant 80 : index
        %swap3A_1088 = tpu.vector_load %arg7[%swap3A_1085, %swap3A_1086, %swap3A_1087] {strides = array<i32>} : memref<4x32x128xf32, #tpu.memory_space<vmem>>, vector<1x1x16xf32>,
        %swap3A_1089 = vector.shape_cast %swap3A_1088 : vector<1x1x16xf32> to vector<16xf32>
        %swap3A_1090 = vector.shape_cast %add3A_1083 : vector<16xf32> to vector<1x1x16xf32>
        tpu.vector_store %arg7[%swap3A_1085, %swap3A_1086, %swap3A_1087], %swap3A_1090 {strides = array<i32>} : memref<4x32x128xf32, #tpu.memory_space<vmem>>, vector<1x1x16xf32>,
        %add3A_1091 = arith.addf %get3A_1004, %get3A_1012 : vector<16xf32>
        %add3A_1092 = arith.addf %get3A_1020, %get3A_1028 : vector<16xf32>
        %add3A_1093 = arith.addf %add3A_1091, %add3A_1092 : vector<16xf32>
        %swap3A_1094 = arith.constant 2 : i32
        %swap3A_1095 = arith.index_cast %swap3A_1094 : i32 to index
        %swap3A_1096 = arith.index_cast %scan3A_775 : i32 to index
        %swap3A_1097 = arith.constant 96 : index
        %swap3A_1098 = tpu.vector_load %arg7[%swap3A_1095, %swap3A_1096, %swap3A_1097] {strides = array<i32>} : memref<4x32x128xf32, #tpu.memory_space<vmem>>, vector<1x1x16xf32>,
        %swap3A_1099 = vector.shape_cast %swap3A_1098 : vector<1x1x16xf32> to vector<16xf32>
        %swap3A_1100 = vector.shape_cast %add3A_1093 : vector<16xf32> to vector<1x1x16xf32>
        tpu.vector_store %arg7[%swap3A_1095, %swap3A_1096, %swap3A_1097], %swap3A_1100 {strides = array<i32>} : memref<4x32x128xf32, #tpu.memory_space<vmem>>, vector<1x1x16xf32>,
        %add3A_1101 = arith.addf %get3A_1046, %get3A_1054 : vector<16xf32>
        %add3A_1102 = arith.addf %get3A_1062, %get3A_1070 : vector<16xf32>
        %add3A_1103 = arith.addf %add3A_1101, %add3A_1102 : vector<16xf32>
        %swap3A_1104 = arith.constant 2 : i32
        %swap3A_1105 = arith.index_cast %swap3A_1104 : i32 to index
        %swap3A_1106 = arith.index_cast %scan3A_775 : i32 to index
        %swap3A_1107 = arith.constant 112 : index
        %swap3A_1108 = tpu.vector_load %arg7[%swap3A_1105, %swap3A_1106, %swap3A_1107] {strides = array<i32>} : memref<4x32x128xf32, #tpu.memory_space<vmem>>, vector<1x1x16xf32>,
        %swap3A_1109 = vector.shape_cast %swap3A_1108 : vector<1x1x16xf32> to vector<16xf32>
        %swap3A_1110 = vector.shape_cast %add3A_1103 : vector<16xf32> to vector<1x1x16xf32>
        tpu.vector_store %arg7[%swap3A_1105, %swap3A_1106, %swap3A_1107], %swap3A_1110 {strides = array<i32>} : memref<4x32x128xf32, #tpu.memory_space<vmem>>, vector<1x1x16xf32>,
        %scan3A_1111 = arith.constant 1 : i32
        %scan3A_1112 = arith.addi %scan3A_775, %scan3A_1111 : i32
        %add3A_1113 = arith.constant 0 : i32
        %add3A_1114 = arith.addi %add3A_1113, %scan3A_1112 : i32
        %get3A_1115 = arith.constant 2 : i32
        %get3A_1116 = arith.index_cast %get3A_1115 : i32 to index
        %get3A_1117 = arith.index_cast %add3A_1114 : i32 to index
        %get3A_1118 = arith.constant 0 : index
        %get3A_1119 = tpu.vector_load %arg6[%get3A_1116, %get3A_1117, %get3A_1118] {strides = array<i32>} : memref<4x128x128xf32, #tpu.memory_space<vmem>>, vector<1x1x16xf32>,
        %get3A_1120 = vector.shape_cast %get3A_1119 : vector<1x1x16xf32> to vector<16xf32>
        %add3A_1121 = arith.constant 32 : i32
        %add3A_1122 = arith.addi %add3A_1121, %scan3A_1112 : i32
        %get3A_1123 = arith.constant 2 : i32
        %get3A_1124 = arith.index_cast %get3A_1123 : i32 to index
        %get3A_1125 = arith.index_cast %add3A_1122 : i32 to index
        %get3A_1126 = arith.constant 0 : index
        %get3A_1127 = tpu.vector_load %arg6[%get3A_1124, %get3A_1125, %get3A_1126] {strides = array<i32>} : memref<4x128x128xf32, #tpu.memory_space<vmem>>, vector<1x1x16xf32>,
        %get3A_1128 = vector.shape_cast %get3A_1127 : vector<1x1x16xf32> to vector<16xf32>
        %add3A_1129 = arith.constant 64 : i32
        %add3A_1130 = arith.addi %add3A_1129, %scan3A_1112 : i32
        %get3A_1131 = arith.constant 2 : i32
        %get3A_1132 = arith.index_cast %get3A_1131 : i32 to index
        %get3A_1133 = arith.index_cast %add3A_1130 : i32 to index
        %get3A_1134 = arith.constant 0 : index
        %get3A_1135 = tpu.vector_load %arg6[%get3A_1132, %get3A_1133, %get3A_1134] {strides = array<i32>} : memref<4x128x128xf32, #tpu.memory_space<vmem>>, vector<1x1x16xf32>,
        %get3A_1136 = vector.shape_cast %get3A_1135 : vector<1x1x16xf32> to vector<16xf32>
        %add3A_1137 = arith.constant 96 : i32
        %add3A_1138 = arith.addi %add3A_1137, %scan3A_1112 : i32
        %get3A_1139 = arith.constant 2 : i32
        %get3A_1140 = arith.index_cast %get3A_1139 : i32 to index
        %get3A_1141 = arith.index_cast %add3A_1138 : i32 to index
        %get3A_1142 = arith.constant 0 : index
        %get3A_1143 = tpu.vector_load %arg6[%get3A_1140, %get3A_1141, %get3A_1142] {strides = array<i32>} : memref<4x128x128xf32, #tpu.memory_space<vmem>>, vector<1x1x16xf32>,
        %get3A_1144 = vector.shape_cast %get3A_1143 : vector<1x1x16xf32> to vector<16xf32>
        %add3A_1145 = arith.constant 0 : i32
        %add3A_1146 = arith.addi %add3A_1145, %scan3A_1112 : i32
        %get3A_1147 = arith.constant 2 : i32
        %get3A_1148 = arith.index_cast %get3A_1147 : i32 to index
        %get3A_1149 = arith.index_cast %add3A_1146 : i32 to index
        %get3A_1150 = arith.constant 16 : index
        %get3A_1151 = tpu.vector_load %arg6[%get3A_1148, %get3A_1149, %get3A_1150] {strides = array<i32>} : memref<4x128x128xf32, #tpu.memory_space<vmem>>, vector<1x1x16xf32>,
        %get3A_1152 = vector.shape_cast %get3A_1151 : vector<1x1x16xf32> to vector<16xf32>
        %add3A_1153 = arith.constant 32 : i32
        %add3A_1154 = arith.addi %add3A_1153, %scan3A_1112 : i32
        %get3A_1155 = arith.constant 2 : i32
        %get3A_1156 = arith.index_cast %get3A_1155 : i32 to index
        %get3A_1157 = arith.index_cast %add3A_1154 : i32 to index
        %get3A_1158 = arith.constant 16 : index
        %get3A_1159 = tpu.vector_load %arg6[%get3A_1156, %get3A_1157, %get3A_1158] {strides = array<i32>} : memref<4x128x128xf32, #tpu.memory_space<vmem>>, vector<1x1x16xf32>,
        %get3A_1160 = vector.shape_cast %get3A_1159 : vector<1x1x16xf32> to vector<16xf32>
        %add3A_1161 = arith.constant 64 : i32
        %add3A_1162 = arith.addi %add3A_1161, %scan3A_1112 : i32
        %get3A_1163 = arith.constant 2 : i32
        %get3A_1164 = arith.index_cast %get3A_1163 : i32 to index
        %get3A_1165 = arith.index_cast %add3A_1162 : i32 to index
        %get3A_1166 = arith.constant 16 : index
        %get3A_1167 = tpu.vector_load %arg6[%get3A_1164, %get3A_1165, %get3A_1166] {strides = array<i32>} : memref<4x128x128xf32, #tpu.memory_space<vmem>>, vector<1x1x16xf32>,
        %get3A_1168 = vector.shape_cast %get3A_1167 : vector<1x1x16xf32> to vector<16xf32>
        %add3A_1169 = arith.constant 96 : i32
        %add3A_1170 = arith.addi %add3A_1169, %scan3A_1112 : i32
        %get3A_1171 = arith.constant 2 : i32
        %get3A_1172 = arith.index_cast %get3A_1171 : i32 to index
        %get3A_1173 = arith.index_cast %add3A_1170 : i32 to index
        %get3A_1174 = arith.constant 16 : index
        %get3A_1175 = tpu.vector_load %arg6[%get3A_1172, %get3A_1173, %get3A_1174] {strides = array<i32>} : memref<4x128x128xf32, #tpu.memory_space<vmem>>, vector<1x1x16xf32>,
        %get3A_1176 = vector.shape_cast %get3A_1175 : vector<1x1x16xf32> to vector<16xf32>
        %add3A_1177 = arith.constant 0 : i32
        %add3A_1178 = arith.addi %add3A_1177, %scan3A_1112 : i32
        %get3A_1179 = arith.constant 2 : i32
        %get3A_1180 = arith.index_cast %get3A_1179 : i32 to index
        %get3A_1181 = arith.index_cast %add3A_1178 : i32 to index
        %get3A_1182 = arith.constant 32 : index
        %get3A_1183 = tpu.vector_load %arg6[%get3A_1180, %get3A_1181, %get3A_1182] {strides = array<i32>} : memref<4x128x128xf32, #tpu.memory_space<vmem>>, vector<1x1x16xf32>,
        %get3A_1184 = vector.shape_cast %get3A_1183 : vector<1x1x16xf32> to vector<16xf32>
        %add3A_1185 = arith.constant 32 : i32
        %add3A_1186 = arith.addi %add3A_1185, %scan3A_1112 : i32
        %get3A_1187 = arith.constant 2 : i32
        %get3A_1188 = arith.index_cast %get3A_1187 : i32 to index
        %get3A_1189 = arith.index_cast %add3A_1186 : i32 to index
        %get3A_1190 = arith.constant 32 : index
        %get3A_1191 = tpu.vector_load %arg6[%get3A_1188, %get3A_1189, %get3A_1190] {strides = array<i32>} : memref<4x128x128xf32, #tpu.memory_space<vmem>>, vector<1x1x16xf32>,
        %get3A_1192 = vector.shape_cast %get3A_1191 : vector<1x1x16xf32> to vector<16xf32>
        %add3A_1193 = arith.constant 64 : i32
        %add3A_1194 = arith.addi %add3A_1193, %scan3A_1112 : i32
        %get3A_1195 = arith.constant 2 : i32
        %get3A_1196 = arith.index_cast %get3A_1195 : i32 to index
        %get3A_1197 = arith.index_cast %add3A_1194 : i32 to index
        %get3A_1198 = arith.constant 32 : index
        %get3A_1199 = tpu.vector_load %arg6[%get3A_1196, %get3A_1197, %get3A_1198] {strides = array<i32>} : memref<4x128x128xf32, #tpu.memory_space<vmem>>, vector<1x1x16xf32>,
        %get3A_1200 = vector.shape_cast %get3A_1199 : vector<1x1x16xf32> to vector<16xf32>
        %add3A_1201 = arith.constant 96 : i32
        %add3A_1202 = arith.addi %add3A_1201, %scan3A_1112 : i32
        %get3A_1203 = arith.constant 2 : i32
        %get3A_1204 = arith.index_cast %get3A_1203 : i32 to index
        %get3A_1205 = arith.index_cast %add3A_1202 : i32 to index
        %get3A_1206 = arith.constant 32 : index
        %get3A_1207 = tpu.vector_load %arg6[%get3A_1204, %get3A_1205, %get3A_1206] {strides = array<i32>} : memref<4x128x128xf32, #tpu.memory_space<vmem>>, vector<1x1x16xf32>,
        %get3A_1208 = vector.shape_cast %get3A_1207 : vector<1x1x16xf32> to vector<16xf32>
        %add3A_1209 = arith.constant 0 : i32
        %add3A_1210 = arith.addi %add3A_1209, %scan3A_1112 : i32
        %get3A_1211 = arith.constant 2 : i32
        %get3A_1212 = arith.index_cast %get3A_1211 : i32 to index
        %get3A_1213 = arith.index_cast %add3A_1210 : i32 to index
        %get3A_1214 = arith.constant 48 : index
        %get3A_1215 = tpu.vector_load %arg6[%get3A_1212, %get3A_1213, %get3A_1214] {strides = array<i32>} : memref<4x128x128xf32, #tpu.memory_space<vmem>>, vector<1x1x16xf32>,
        %get3A_1216 = vector.shape_cast %get3A_1215 : vector<1x1x16xf32> to vector<16xf32>
        %add3A_1217 = arith.constant 32 : i32
        %add3A_1218 = arith.addi %add3A_1217, %scan3A_1112 : i32
        %get3A_1219 = arith.constant 2 : i32
        %get3A_1220 = arith.index_cast %get3A_1219 : i32 to index
        %get3A_1221 = arith.index_cast %add3A_1218 : i32 to index
        %get3A_1222 = arith.constant 48 : index
        %get3A_1223 = tpu.vector_load %arg6[%get3A_1220, %get3A_1221, %get3A_1222] {strides = array<i32>} : memref<4x128x128xf32, #tpu.memory_space<vmem>>, vector<1x1x16xf32>,
        %get3A_1224 = vector.shape_cast %get3A_1223 : vector<1x1x16xf32> to vector<16xf32>
        %add3A_1225 = arith.constant 64 : i32
        %add3A_1226 = arith.addi %add3A_1225, %scan3A_1112 : i32
        %get3A_1227 = arith.constant 2 : i32
        %get3A_1228 = arith.index_cast %get3A_1227 : i32 to index
        %get3A_1229 = arith.index_cast %add3A_1226 : i32 to index
        %get3A_1230 = arith.constant 48 : index
        %get3A_1231 = tpu.vector_load %arg6[%get3A_1228, %get3A_1229, %get3A_1230] {strides = array<i32>} : memref<4x128x128xf32, #tpu.memory_space<vmem>>, vector<1x1x16xf32>,
        %get3A_1232 = vector.shape_cast %get3A_1231 : vector<1x1x16xf32> to vector<16xf32>
        %add3A_1233 = arith.constant 96 : i32
        %add3A_1234 = arith.addi %add3A_1233, %scan3A_1112 : i32
        %get3A_1235 = arith.constant 2 : i32
        %get3A_1236 = arith.index_cast %get3A_1235 : i32 to index
        %get3A_1237 = arith.index_cast %add3A_1234 : i32 to index
        %get3A_1238 = arith.constant 48 : index
        %get3A_1239 = tpu.vector_load %arg6[%get3A_1236, %get3A_1237, %get3A_1238] {strides = array<i32>} : memref<4x128x128xf32, #tpu.memory_space<vmem>>, vector<1x1x16xf32>,
        %get3A_1240 = vector.shape_cast %get3A_1239 : vector<1x1x16xf32> to vector<16xf32>
        %add3A_1241 = arith.addf %get3A_1120, %get3A_1128 : vector<16xf32>
        %add3A_1242 = arith.addf %get3A_1136, %get3A_1144 : vector<16xf32>
        %add3A_1243 = arith.addf %add3A_1241, %add3A_1242 : vector<16xf32>
        %swap3A_1244 = arith.constant 2 : i32
        %swap3A_1245 = arith.index_cast %swap3A_1244 : i32 to index
        %swap3A_1246 = arith.index_cast %scan3A_1112 : i32 to index
        %swap3A_1247 = arith.constant 0 : index
        %swap3A_1248 = tpu.vector_load %arg7[%swap3A_1245, %swap3A_1246, %swap3A_1247] {strides = array<i32>} : memref<4x32x128xf32, #tpu.memory_space<vmem>>, vector<1x1x16xf32>,
        %swap3A_1249 = vector.shape_cast %swap3A_1248 : vector<1x1x16xf32> to vector<16xf32>
        %swap3A_1250 = vector.shape_cast %add3A_1243 : vector<16xf32> to vector<1x1x16xf32>
        tpu.vector_store %arg7[%swap3A_1245, %swap3A_1246, %swap3A_1247], %swap3A_1250 {strides = array<i32>} : memref<4x32x128xf32, #tpu.memory_space<vmem>>, vector<1x1x16xf32>,
        %add3A_1251 = arith.constant 0 : i32
        %add3A_1252 = arith.addi %add3A_1251, %scan3A_1112 : i32
        %get3A_1253 = arith.constant 2 : i32
        %get3A_1254 = arith.index_cast %get3A_1253 : i32 to index
        %get3A_1255 = arith.index_cast %add3A_1252 : i32 to index
        %get3A_1256 = arith.constant 64 : index
        %get3A_1257 = tpu.vector_load %arg6[%get3A_1254, %get3A_1255, %get3A_1256] {strides = array<i32>} : memref<4x128x128xf32, #tpu.memory_space<vmem>>, vector<1x1x16xf32>,
        %get3A_1258 = vector.shape_cast %get3A_1257 : vector<1x1x16xf32> to vector<16xf32>
        %add3A_1259 = arith.constant 32 : i32
        %add3A_1260 = arith.addi %add3A_1259, %scan3A_1112 : i32
        %get3A_1261 = arith.constant 2 : i32
        %get3A_1262 = arith.index_cast %get3A_1261 : i32 to index
        %get3A_1263 = arith.index_cast %add3A_1260 : i32 to index
        %get3A_1264 = arith.constant 64 : index
        %get3A_1265 = tpu.vector_load %arg6[%get3A_1262, %get3A_1263, %get3A_1264] {strides = array<i32>} : memref<4x128x128xf32, #tpu.memory_space<vmem>>, vector<1x1x16xf32>,
        %get3A_1266 = vector.shape_cast %get3A_1265 : vector<1x1x16xf32> to vector<16xf32>
        %add3A_1267 = arith.constant 64 : i32
        %add3A_1268 = arith.addi %add3A_1267, %scan3A_1112 : i32
        %get3A_1269 = arith.constant 2 : i32
        %get3A_1270 = arith.index_cast %get3A_1269 : i32 to index
        %get3A_1271 = arith.index_cast %add3A_1268 : i32 to index
        %get3A_1272 = arith.constant 64 : index
        %get3A_1273 = tpu.vector_load %arg6[%get3A_1270, %get3A_1271, %get3A_1272] {strides = array<i32>} : memref<4x128x128xf32, #tpu.memory_space<vmem>>, vector<1x1x16xf32>,
        %get3A_1274 = vector.shape_cast %get3A_1273 : vector<1x1x16xf32> to vector<16xf32>
        %add3A_1275 = arith.constant 96 : i32
        %add3A_1276 = arith.addi %add3A_1275, %scan3A_1112 : i32
        %get3A_1277 = arith.constant 2 : i32
        %get3A_1278 = arith.index_cast %get3A_1277 : i32 to index
        %get3A_1279 = arith.index_cast %add3A_1276 : i32 to index
        %get3A_1280 = arith.constant 64 : index
        %get3A_1281 = tpu.vector_load %arg6[%get3A_1278, %get3A_1279, %get3A_1280] {strides = array<i32>} : memref<4x128x128xf32, #tpu.memory_space<vmem>>, vector<1x1x16xf32>,
        %get3A_1282 = vector.shape_cast %get3A_1281 : vector<1x1x16xf32> to vector<16xf32>
        %add3A_1283 = arith.addf %get3A_1152, %get3A_1160 : vector<16xf32>
        %add3A_1284 = arith.addf %get3A_1168, %get3A_1176 : vector<16xf32>
        %add3A_1285 = arith.addf %add3A_1283, %add3A_1284 : vector<16xf32>
        %swap3A_1286 = arith.constant 2 : i32
        %swap3A_1287 = arith.index_cast %swap3A_1286 : i32 to index
        %swap3A_1288 = arith.index_cast %scan3A_1112 : i32 to index
        %swap3A_1289 = arith.constant 16 : index
        %swap3A_1290 = tpu.vector_load %arg7[%swap3A_1287, %swap3A_1288, %swap3A_1289] {strides = array<i32>} : memref<4x32x128xf32, #tpu.memory_space<vmem>>, vector<1x1x16xf32>,
        %swap3A_1291 = vector.shape_cast %swap3A_1290 : vector<1x1x16xf32> to vector<16xf32>
        %swap3A_1292 = vector.shape_cast %add3A_1285 : vector<16xf32> to vector<1x1x16xf32>
        tpu.vector_store %arg7[%swap3A_1287, %swap3A_1288, %swap3A_1289], %swap3A_1292 {strides = array<i32>} : memref<4x32x128xf32, #tpu.memory_space<vmem>>, vector<1x1x16xf32>,
        %add3A_1293 = arith.constant 0 : i32
        %add3A_1294 = arith.addi %add3A_1293, %scan3A_1112 : i32
        %get3A_1295 = arith.constant 2 : i32
        %get3A_1296 = arith.index_cast %get3A_1295 : i32 to index
        %get3A_1297 = arith.index_cast %add3A_1294 : i32 to index
        %get3A_1298 = arith.constant 80 : index
        %get3A_1299 = tpu.vector_load %arg6[%get3A_1296, %get3A_1297, %get3A_1298] {strides = array<i32>} : memref<4x128x128xf32, #tpu.memory_space<vmem>>, vector<1x1x16xf32>,
        %get3A_1300 = vector.shape_cast %get3A_1299 : vector<1x1x16xf32> to vector<16xf32>
        %add3A_1301 = arith.constant 32 : i32
        %add3A_1302 = arith.addi %add3A_1301, %scan3A_1112 : i32
        %get3A_1303 = arith.constant 2 : i32
        %get3A_1304 = arith.index_cast %get3A_1303 : i32 to index
        %get3A_1305 = arith.index_cast %add3A_1302 : i32 to index
        %get3A_1306 = arith.constant 80 : index
        %get3A_1307 = tpu.vector_load %arg6[%get3A_1304, %get3A_1305, %get3A_1306] {strides = array<i32>} : memref<4x128x128xf32, #tpu.memory_space<vmem>>, vector<1x1x16xf32>,
        %get3A_1308 = vector.shape_cast %get3A_1307 : vector<1x1x16xf32> to vector<16xf32>
        %add3A_1309 = arith.constant 64 : i32
        %add3A_1310 = arith.addi %add3A_1309, %scan3A_1112 : i32
        %get3A_1311 = arith.constant 2 : i32
        %get3A_1312 = arith.index_cast %get3A_1311 : i32 to index
        %get3A_1313 = arith.index_cast %add3A_1310 : i32 to index
        %get3A_1314 = arith.constant 80 : index
        %get3A_1315 = tpu.vector_load %arg6[%get3A_1312, %get3A_1313, %get3A_1314] {strides = array<i32>} : memref<4x128x128xf32, #tpu.memory_space<vmem>>, vector<1x1x16xf32>,
        %get3A_1316 = vector.shape_cast %get3A_1315 : vector<1x1x16xf32> to vector<16xf32>
        %add3A_1317 = arith.constant 96 : i32
        %add3A_1318 = arith.addi %add3A_1317, %scan3A_1112 : i32
        %get3A_1319 = arith.constant 2 : i32
        %get3A_1320 = arith.index_cast %get3A_1319 : i32 to index
        %get3A_1321 = arith.index_cast %add3A_1318 : i32 to index
        %get3A_1322 = arith.constant 80 : index
        %get3A_1323 = tpu.vector_load %arg6[%get3A_1320, %get3A_1321, %get3A_1322] {strides = array<i32>} : memref<4x128x128xf32, #tpu.memory_space<vmem>>, vector<1x1x16xf32>,
        %get3A_1324 = vector.shape_cast %get3A_1323 : vector<1x1x16xf32> to vector<16xf32>
        %add3A_1325 = arith.addf %get3A_1184, %get3A_1192 : vector<16xf32>
        %add3A_1326 = arith.addf %get3A_1200, %get3A_1208 : vector<16xf32>
        %add3A_1327 = arith.addf %add3A_1325, %add3A_1326 : vector<16xf32>
        %swap3A_1328 = arith.constant 2 : i32
        %swap3A_1329 = arith.index_cast %swap3A_1328 : i32 to index
        %swap3A_1330 = arith.index_cast %scan3A_1112 : i32 to index
        %swap3A_1331 = arith.constant 32 : index
        %swap3A_1332 = tpu.vector_load %arg7[%swap3A_1329, %swap3A_1330, %swap3A_1331] {strides = array<i32>} : memref<4x32x128xf32, #tpu.memory_space<vmem>>, vector<1x1x16xf32>,
        %swap3A_1333 = vector.shape_cast %swap3A_1332 : vector<1x1x16xf32> to vector<16xf32>
        %swap3A_1334 = vector.shape_cast %add3A_1327 : vector<16xf32> to vector<1x1x16xf32>
        tpu.vector_store %arg7[%swap3A_1329, %swap3A_1330, %swap3A_1331], %swap3A_1334 {strides = array<i32>} : memref<4x32x128xf32, #tpu.memory_space<vmem>>, vector<1x1x16xf32>,
        %add3A_1335 = arith.constant 0 : i32
        %add3A_1336 = arith.addi %add3A_1335, %scan3A_1112 : i32
        %get3A_1337 = arith.constant 2 : i32
        %get3A_1338 = arith.index_cast %get3A_1337 : i32 to index
        %get3A_1339 = arith.index_cast %add3A_1336 : i32 to index
        %get3A_1340 = arith.constant 96 : index
        %get3A_1341 = tpu.vector_load %arg6[%get3A_1338, %get3A_1339, %get3A_1340] {strides = array<i32>} : memref<4x128x128xf32, #tpu.memory_space<vmem>>, vector<1x1x16xf32>,
        %get3A_1342 = vector.shape_cast %get3A_1341 : vector<1x1x16xf32> to vector<16xf32>
        %add3A_1343 = arith.constant 32 : i32
        %add3A_1344 = arith.addi %add3A_1343, %scan3A_1112 : i32
        %get3A_1345 = arith.constant 2 : i32
        %get3A_1346 = arith.index_cast %get3A_1345 : i32 to index
        %get3A_1347 = arith.index_cast %add3A_1344 : i32 to index
        %get3A_1348 = arith.constant 96 : index
        %get3A_1349 = tpu.vector_load %arg6[%get3A_1346, %get3A_1347, %get3A_1348] {strides = array<i32>} : memref<4x128x128xf32, #tpu.memory_space<vmem>>, vector<1x1x16xf32>,
        %get3A_1350 = vector.shape_cast %get3A_1349 : vector<1x1x16xf32> to vector<16xf32>
        %add3A_1351 = arith.constant 64 : i32
        %add3A_1352 = arith.addi %add3A_1351, %scan3A_1112 : i32
        %get3A_1353 = arith.constant 2 : i32
        %get3A_1354 = arith.index_cast %get3A_1353 : i32 to index
        %get3A_1355 = arith.index_cast %add3A_1352 : i32 to index
        %get3A_1356 = arith.constant 96 : index
        %get3A_1357 = tpu.vector_load %arg6[%get3A_1354, %get3A_1355, %get3A_1356] {strides = array<i32>} : memref<4x128x128xf32, #tpu.memory_space<vmem>>, vector<1x1x16xf32>,
        %get3A_1358 = vector.shape_cast %get3A_1357 : vector<1x1x16xf32> to vector<16xf32>
        %add3A_1359 = arith.constant 96 : i32
        %add3A_1360 = arith.addi %add3A_1359, %scan3A_1112 : i32
        %get3A_1361 = arith.constant 2 : i32
        %get3A_1362 = arith.index_cast %get3A_1361 : i32 to index
        %get3A_1363 = arith.index_cast %add3A_1360 : i32 to index
        %get3A_1364 = arith.constant 96 : index
        %get3A_1365 = tpu.vector_load %arg6[%get3A_1362, %get3A_1363, %get3A_1364] {strides = array<i32>} : memref<4x128x128xf32, #tpu.memory_space<vmem>>, vector<1x1x16xf32>,
        %get3A_1366 = vector.shape_cast %get3A_1365 : vector<1x1x16xf32> to vector<16xf32>
        %add3A_1367 = arith.addf %get3A_1216, %get3A_1224 : vector<16xf32>
        %add3A_1368 = arith.addf %get3A_1232, %get3A_1240 : vector<16xf32>
        %add3A_1369 = arith.addf %add3A_1367, %add3A_1368 : vector<16xf32>
        %swap3A_1370 = arith.constant 2 : i32
        %swap3A_1371 = arith.index_cast %swap3A_1370 : i32 to index
        %swap3A_1372 = arith.index_cast %scan3A_1112 : i32 to index
        %swap3A_1373 = arith.constant 48 : index
        %swap3A_1374 = tpu.vector_load %arg7[%swap3A_1371, %swap3A_1372, %swap3A_1373] {strides = array<i32>} : memref<4x32x128xf32, #tpu.memory_space<vmem>>, vector<1x1x16xf32>,
        %swap3A_1375 = vector.shape_cast %swap3A_1374 : vector<1x1x16xf32> to vector<16xf32>
        %swap3A_1376 = vector.shape_cast %add3A_1369 : vector<16xf32> to vector<1x1x16xf32>
        tpu.vector_store %arg7[%swap3A_1371, %swap3A_1372, %swap3A_1373], %swap3A_1376 {strides = array<i32>} : memref<4x32x128xf32, #tpu.memory_space<vmem>>, vector<1x1x16xf32>,
        %add3A_1377 = arith.constant 0 : i32
        %add3A_1378 = arith.addi %add3A_1377, %scan3A_1112 : i32
        %get3A_1379 = arith.constant 2 : i32
        %get3A_1380 = arith.index_cast %get3A_1379 : i32 to index
        %get3A_1381 = arith.index_cast %add3A_1378 : i32 to index
        %get3A_1382 = arith.constant 112 : index
        %get3A_1383 = tpu.vector_load %arg6[%get3A_1380, %get3A_1381, %get3A_1382] {strides = array<i32>} : memref<4x128x128xf32, #tpu.memory_space<vmem>>, vector<1x1x16xf32>,
        %get3A_1384 = vector.shape_cast %get3A_1383 : vector<1x1x16xf32> to vector<16xf32>
        %add3A_1385 = arith.constant 32 : i32
        %add3A_1386 = arith.addi %add3A_1385, %scan3A_1112 : i32
        %get3A_1387 = arith.constant 2 : i32
        %get3A_1388 = arith.index_cast %get3A_1387 : i32 to index
        %get3A_1389 = arith.index_cast %add3A_1386 : i32 to index
        %get3A_1390 = arith.constant 112 : index
        %get3A_1391 = tpu.vector_load %arg6[%get3A_1388, %get3A_1389, %get3A_1390] {strides = array<i32>} : memref<4x128x128xf32, #tpu.memory_space<vmem>>, vector<1x1x16xf32>,
        %get3A_1392 = vector.shape_cast %get3A_1391 : vector<1x1x16xf32> to vector<16xf32>
        %add3A_1393 = arith.constant 64 : i32
        %add3A_1394 = arith.addi %add3A_1393, %scan3A_1112 : i32
        %get3A_1395 = arith.constant 2 : i32
        %get3A_1396 = arith.index_cast %get3A_1395 : i32 to index
        %get3A_1397 = arith.index_cast %add3A_1394 : i32 to index
        %get3A_1398 = arith.constant 112 : index
        %get3A_1399 = tpu.vector_load %arg6[%get3A_1396, %get3A_1397, %get3A_1398] {strides = array<i32>} : memref<4x128x128xf32, #tpu.memory_space<vmem>>, vector<1x1x16xf32>,
        %get3A_1400 = vector.shape_cast %get3A_1399 : vector<1x1x16xf32> to vector<16xf32>
        %add3A_1401 = arith.constant 96 : i32
        %add3A_1402 = arith.addi %add3A_1401, %scan3A_1112 : i32
        %get3A_1403 = arith.constant 2 : i32
        %get3A_1404 = arith.index_cast %get3A_1403 : i32 to index
        %get3A_1405 = arith.index_cast %add3A_1402 : i32 to index
        %get3A_1406 = arith.constant 112 : index
        %get3A_1407 = tpu.vector_load %arg6[%get3A_1404, %get3A_1405, %get3A_1406] {strides = array<i32>} : memref<4x128x128xf32, #tpu.memory_space<vmem>>, vector<1x1x16xf32>,
        %get3A_1408 = vector.shape_cast %get3A_1407 : vector<1x1x16xf32> to vector<16xf32>
        %add3A_1409 = arith.addf %get3A_1258, %get3A_1266 : vector<16xf32>
        %add3A_1410 = arith.addf %get3A_1274, %get3A_1282 : vector<16xf32>
        %add3A_1411 = arith.addf %add3A_1409, %add3A_1410 : vector<16xf32>
        %swap3A_1412 = arith.constant 2 : i32
        %swap3A_1413 = arith.index_cast %swap3A_1412 : i32 to index
        %swap3A_1414 = arith.index_cast %scan3A_1112 : i32 to index
        %swap3A_1415 = arith.constant 64 : index
        %swap3A_1416 = tpu.vector_load %arg7[%swap3A_1413, %swap3A_1414, %swap3A_1415] {strides = array<i32>} : memref<4x32x128xf32, #tpu.memory_space<vmem>>, vector<1x1x16xf32>,
        %swap3A_1417 = vector.shape_cast %swap3A_1416 : vector<1x1x16xf32> to vector<16xf32>
        %swap3A_1418 = vector.shape_cast %add3A_1411 : vector<16xf32> to vector<1x1x16xf32>
        tpu.vector_store %arg7[%swap3A_1413, %swap3A_1414, %swap3A_1415], %swap3A_1418 {strides = array<i32>} : memref<4x32x128xf32, #tpu.memory_space<vmem>>, vector<1x1x16xf32>,
        %add3A_1419 = arith.addf %get3A_1300, %get3A_1308 : vector<16xf32>
        %add3A_1420 = arith.addf %get3A_1316, %get3A_1324 : vector<16xf32>
        %add3A_1421 = arith.addf %add3A_1419, %add3A_1420 : vector<16xf32>
        %swap3A_1422 = arith.constant 2 : i32
        %swap3A_1423 = arith.index_cast %swap3A_1422 : i32 to index
        %swap3A_1424 = arith.index_cast %scan3A_1112 : i32 to index
        %swap3A_1425 = arith.constant 80 : index
        %swap3A_1426 = tpu.vector_load %arg7[%swap3A_1423, %swap3A_1424, %swap3A_1425] {strides = array<i32>} : memref<4x32x128xf32, #tpu.memory_space<vmem>>, vector<1x1x16xf32>,
        %swap3A_1427 = vector.shape_cast %swap3A_1426 : vector<1x1x16xf32> to vector<16xf32>
        %swap3A_1428 = vector.shape_cast %add3A_1421 : vector<16xf32> to vector<1x1x16xf32>
        tpu.vector_store %arg7[%swap3A_1423, %swap3A_1424, %swap3A_1425], %swap3A_1428 {strides = array<i32>} : memref<4x32x128xf32, #tpu.memory_space<vmem>>, vector<1x1x16xf32>,
        %add3A_1429 = arith.addf %get3A_1342, %get3A_1350 : vector<16xf32>
        %add3A_1430 = arith.addf %get3A_1358, %get3A_1366 : vector<16xf32>
        %add3A_1431 = arith.addf %add3A_1429, %add3A_1430 : vector<16xf32>
        %swap3A_1432 = arith.constant 2 : i32
        %swap3A_1433 = arith.index_cast %swap3A_1432 : i32 to index
        %swap3A_1434 = arith.index_cast %scan3A_1112 : i32 to index
        %swap3A_1435 = arith.constant 96 : index
        %swap3A_1436 = tpu.vector_load %arg7[%swap3A_1433, %swap3A_1434, %swap3A_1435] {strides = array<i32>} : memref<4x32x128xf32, #tpu.memory_space<vmem>>, vector<1x1x16xf32>,
        %swap3A_1437 = vector.shape_cast %swap3A_1436 : vector<1x1x16xf32> to vector<16xf32>
        %swap3A_1438 = vector.shape_cast %add3A_1431 : vector<16xf32> to vector<1x1x16xf32>
        tpu.vector_store %arg7[%swap3A_1433, %swap3A_1434, %swap3A_1435], %swap3A_1438 {strides = array<i32>} : memref<4x32x128xf32, #tpu.memory_space<vmem>>, vector<1x1x16xf32>,
        %add3A_1439 = arith.addf %get3A_1384, %get3A_1392 : vector<16xf32>
        %add3A_1440 = arith.addf %get3A_1400, %get3A_1408 : vector<16xf32>
        %add3A_1441 = arith.addf %add3A_1439, %add3A_1440 : vector<16xf32>
        %swap3A_1442 = arith.constant 2 : i32
        %swap3A_1443 = arith.index_cast %swap3A_1442 : i32 to index
        %swap3A_1444 = arith.index_cast %scan3A_1112 : i32 to index
        %swap3A_1445 = arith.constant 112 : index
        %swap3A_1446 = tpu.vector_load %arg7[%swap3A_1443, %swap3A_1444, %swap3A_1445] {strides = array<i32>} : memref<4x32x128xf32, #tpu.memory_space<vmem>>, vector<1x1x16xf32>,
        %swap3A_1447 = vector.shape_cast %swap3A_1446 : vector<1x1x16xf32> to vector<16xf32>
        %swap3A_1448 = vector.shape_cast %add3A_1441 : vector<16xf32> to vector<1x1x16xf32>
        tpu.vector_store %arg7[%swap3A_1443, %swap3A_1444, %swap3A_1445], %swap3A_1448 {strides = array<i32>} : memref<4x32x128xf32, #tpu.memory_space<vmem>>, vector<1x1x16xf32>,
      }
      %scan3A_594 = arith.constant 32 : i32
      %mul3A_595 = arith.constant 128 : i32
      %mul3A_596 = arith.muli %sub3A_256, %mul3A_595 : i32
      %add3A_597 = arith.constant 64 : i32
      %add3A_598 = arith.addi %mul3A_596, %add3A_597 : i32
      %mul3A_599 = arith.constant 200 : i32
      %mul3A_600 = arith.muli %add3A_598, %mul3A_599 : i32
      %add3A_601 = arith.addi %mul3A_600, %select_n3A : i32
      %iota3A_602 = tpu.iota {dimensions = array<i32: 0>} : vector<16xi32>
      %add3A_603 = arith.constant 0 : i32
      %add3A_604 = vector.broadcast %add3A_603 : i32 to vector<16xi32>
      %add3A_605 = arith.addi %add3A_604, %iota3A_602 : vector<16xi32>
      %mul3A_606 = arith.constant 200 : i32
      %mul3A_607 = vector.broadcast %mul3A_606 : i32 to vector<16xi32>
      %mul3A_608 = arith.muli %add3A_605, %mul3A_607 : vector<16xi32>
      %add3A_609 = vector.broadcast %add3A_601 : i32 to vector<16xi32>
      %add3A_610 = arith.addi %add3A_609, %mul3A_608 : vector<16xi32>
      %swap3A_611 = arith.constant 2 : i32
      %swap3A_612 = arith.index_cast %swap3A_611 : i32 to index
      %swap3A_613 = arith.constant 0 : index
      %swap3A_614 = tpu.vector_load %arg8[%swap3A_612, %swap3A_613] {strides = array<i32>} : memref<4x32xi32, #tpu.memory_space<vmem>>, vector<1x16xi32>,
      %swap3A_615 = vector.shape_cast %swap3A_614 : vector<1x16xi32> to vector<16xi32>
      %swap3A_616 = vector.shape_cast %add3A_610 : vector<16xi32> to vector<1x16xi32>
      tpu.vector_store %arg8[%swap3A_612, %swap3A_613], %swap3A_616 {strides = array<i32>} : memref<4x32xi32, #tpu.memory_space<vmem>>, vector<1x16xi32>,
      %iota3A_617 = tpu.iota {dimensions = array<i32: 0>} : vector<16xi32>
      %add3A_618 = arith.constant 16 : i32
      %add3A_619 = vector.broadcast %add3A_618 : i32 to vector<16xi32>
      %add3A_620 = arith.addi %add3A_619, %iota3A_617 : vector<16xi32>
      %mul3A_621 = arith.constant 200 : i32
      %mul3A_622 = vector.broadcast %mul3A_621 : i32 to vector<16xi32>
      %mul3A_623 = arith.muli %add3A_620, %mul3A_622 : vector<16xi32>
      %add3A_624 = vector.broadcast %add3A_601 : i32 to vector<16xi32>
      %add3A_625 = arith.addi %add3A_624, %mul3A_623 : vector<16xi32>
      %swap3A_626 = arith.constant 2 : i32
      %swap3A_627 = arith.index_cast %swap3A_626 : i32 to index
      %swap3A_628 = arith.constant 16 : index
      %swap3A_629 = tpu.vector_load %arg8[%swap3A_627, %swap3A_628] {strides = array<i32>} : memref<4x32xi32, #tpu.memory_space<vmem>>, vector<1x16xi32>,
      %swap3A_630 = vector.shape_cast %swap3A_629 : vector<1x16xi32> to vector<16xi32>
      %swap3A_631 = vector.shape_cast %add3A_625 : vector<16xi32> to vector<1x16xi32>
      tpu.vector_store %arg8[%swap3A_627, %swap3A_628], %swap3A_631 {strides = array<i32>} : memref<4x32xi32, #tpu.memory_space<vmem>>, vector<1x16xi32>,
      %dma_start3A_632 = arith.constant 2 : i32
      %dma_start3A_633 = arith.constant 2 : i32
      %dma_start3A_634 = arith.constant 0 : i32
      %dma_start3A_635 = arith.constant 0 : i32
      %dma_start3A_636 = tpu.memref_slice %arg7[%dma_start3A_632, %dma_start3A_634, %dma_start3A_635] : memref<4x32x128xf32, #tpu.memory_space<vmem>> -> memref<1x32x128xf32, #tpu.memory_space<vmem>>
      %dma_start3A_637 = tpu.memref_squeeze %dma_start3A_636 : memref<1x32x128xf32, #tpu.memory_space<vmem>> -> memref<32x128xf32, #tpu.memory_space<vmem>>
      %dma_start3A_638 = arith.constant 0 : i32
      %dma_start3A_639 = tpu.memref_slice %arg8[%dma_start3A_633, %dma_start3A_638] : memref<4x32xi32, #tpu.memory_space<vmem>> -> memref<1x32xi32, #tpu.memory_space<vmem>>
      %dma_start3A_640 = tpu.memref_squeeze %dma_start3A_639 : memref<1x32xi32, #tpu.memory_space<vmem>> -> memref<32xi32, #tpu.memory_space<vmem>>
      %dma_start3A_641 = arith.constant 0 : i32
      %dma_start3A_642 = arith.constant 0 : i32
      %dma_start3A_643 = tpu.memref_slice %arg4[%dma_start3A_641, %dma_start3A_642] : memref<204800x128xf32, #tpu.memory_space<hbm>> -> memref<204800x128xf32, #tpu.memory_space<hbm>>
      tpu.enqueue_indirect_dma source(%dma_start3A_637 : memref<32x128xf32, #tpu.memory_space<vmem>>) target(%dma_start3A_643 : memref<204800x128xf32, #tpu.memory_space<hbm>>) offsets(%dma_start3A_640 : memref<32xi32, #tpu.memory_space<vmem>>) semaphore(%arg15 : memref<!tpu.dma_semaphore, #tpu.memory_space<semaphore_mem>>)
      %mul3A_644 = arith.constant 4 : i32
      %mul3A_645 = arith.muli %scan3A_236, %mul3A_644 : i32
      %add3A_646 = arith.constant 3 : i32
      %add3A_647 = arith.addi %mul3A_645, %add3A_646 : i32
      %add3A_648 = arith.constant 1 : i32
      %add3A_649 = arith.addi %scan3A_236, %add3A_648 : i32
      %lt3A_650 = arith.constant 50 : i32
      %lt3A_651 = arith.cmpi slt, %add3A_649, %lt3A_650 : i32
      %convert_element_type3A_652 = arith.extui %lt3A_651 : i1 to i32
      %cond3A_653 = arith.constant 0 : i32
      %cond3A_654 = arith.cmpi ne, %convert_element_type3A_652, %cond3A_653 : i32
      scf.if %cond3A_654 {
        %mul3A_775 = arith.constant 4 : i32
        %mul3A_776 = arith.muli %add3A_649, %mul3A_775 : i32
        %add3A_777 = arith.constant 0 : i32
        %add3A_778 = arith.addi %mul3A_776, %add3A_777 : i32
        %dma_start3A_779 = arith.constant 2 : i32
        %dma_start3A_780 = arith.constant 0 : i32
        %dma_start3A_781 = arith.constant 0 : i32
        %dma_start3A_782 = tpu.memref_slice %arg6[%dma_start3A_779, %dma_start3A_780, %dma_start3A_781] : memref<4x128x128xf32, #tpu.memory_space<vmem>> -> memref<1x128x128xf32, #tpu.memory_space<vmem>>
        %dma_start3A_783 = tpu.memref_squeeze %dma_start3A_782 : memref<1x128x128xf32, #tpu.memory_space<vmem>> -> memref<128x128xf32, #tpu.memory_space<vmem>>
        %dma_start3A_784 = arith.constant 0 : i32
        %dma_start3A_785 = arith.constant 0 : i32
        %dma_start3A_786 = tpu.memref_slice %dma_start3A_783[%dma_start3A_784, %dma_start3A_785] : memref<128x128xf32, #tpu.memory_space<vmem>> -> memref<32x128xf32, #tpu.memory_space<vmem>>
        %dma_start3A_787 = arith.constant 64 : i32
        %dma_start3A_788 = tpu.memref_slice %arg5[%add3A_778, %dma_start3A_787] : memref<200x128xi32, #tpu.memory_space<vmem>> -> memref<1x32xi32, #tpu.memory_space<vmem>>
        %dma_start3A_789 = tpu.memref_squeeze %dma_start3A_788 : memref<1x32xi32, #tpu.memory_space<vmem>> -> memref<32xi32, #tpu.memory_space<vmem>>
        %dma_start3A_790 = arith.constant 0 : i32
        %dma_start3A_791 = arith.constant 0 : i32
        %dma_start3A_792 = tpu.memref_slice %arg3[%dma_start3A_790, %dma_start3A_791] : memref<100000x128xf32, #tpu.memory_space<hbm>> -> memref<100000x128xf32, #tpu.memory_space<hbm>>
        tpu.enqueue_indirect_dma source(%dma_start3A_792 : memref<100000x128xf32, #tpu.memory_space<hbm>>) target(%dma_start3A_786 : memref<32x128xf32, #tpu.memory_space<vmem>>) offsets(%dma_start3A_789 : memref<32xi32, #tpu.memory_space<vmem>>) semaphore(%arg11 : memref<!tpu.dma_semaphore, #tpu.memory_space<semaphore_mem>>)
        %mul3A_793 = arith.constant 4 : i32
        %mul3A_794 = arith.muli %add3A_649, %mul3A_793 : i32
        %add3A_795 = arith.constant 1 : i32
        %add3A_796 = arith.addi %mul3A_794, %add3A_795 : i32
        %dma_start3A_797 = arith.constant 2 : i32
        %dma_start3A_798 = arith.constant 0 : i32
        %dma_start3A_799 = arith.constant 0 : i32
        %dma_start3A_800 = tpu.memref_slice %arg6[%dma_start3A_797, %dma_start3A_798, %dma_start3A_799] : memref<4x128x128xf32, #tpu.memory_space<vmem>> -> memref<1x128x128xf32, #tpu.memory_space<vmem>>
        %dma_start3A_801 = tpu.memref_squeeze %dma_start3A_800 : memref<1x128x128xf32, #tpu.memory_space<vmem>> -> memref<128x128xf32, #tpu.memory_space<vmem>>
        %dma_start3A_802 = arith.constant 32 : i32
        %dma_start3A_803 = arith.constant 0 : i32
        %dma_start3A_804 = tpu.memref_slice %dma_start3A_801[%dma_start3A_802, %dma_start3A_803] : memref<128x128xf32, #tpu.memory_space<vmem>> -> memref<32x128xf32, #tpu.memory_space<vmem>>
        %dma_start3A_805 = arith.constant 64 : i32
        %dma_start3A_806 = tpu.memref_slice %arg5[%add3A_796, %dma_start3A_805] : memref<200x128xi32, #tpu.memory_space<vmem>> -> memref<1x32xi32, #tpu.memory_space<vmem>>
        %dma_start3A_807 = tpu.memref_squeeze %dma_start3A_806 : memref<1x32xi32, #tpu.memory_space<vmem>> -> memref<32xi32, #tpu.memory_space<vmem>>
        %dma_start3A_808 = arith.constant 0 : i32
        %dma_start3A_809 = arith.constant 0 : i32
        %dma_start3A_810 = tpu.memref_slice %arg3[%dma_start3A_808, %dma_start3A_809] : memref<100000x128xf32, #tpu.memory_space<hbm>> -> memref<100000x128xf32, #tpu.memory_space<hbm>>
        tpu.enqueue_indirect_dma source(%dma_start3A_810 : memref<100000x128xf32, #tpu.memory_space<hbm>>) target(%dma_start3A_804 : memref<32x128xf32, #tpu.memory_space<vmem>>) offsets(%dma_start3A_807 : memref<32xi32, #tpu.memory_space<vmem>>) semaphore(%arg11 : memref<!tpu.dma_semaphore, #tpu.memory_space<semaphore_mem>>)
        %mul3A_811 = arith.constant 4 : i32
        %mul3A_812 = arith.muli %add3A_649, %mul3A_811 : i32
        %add3A_813 = arith.constant 2 : i32
        %add3A_814 = arith.addi %mul3A_812, %add3A_813 : i32
        %dma_start3A_815 = arith.constant 2 : i32
        %dma_start3A_816 = arith.constant 0 : i32
        %dma_start3A_817 = arith.constant 0 : i32
        %dma_start3A_818 = tpu.memref_slice %arg6[%dma_start3A_815, %dma_start3A_816, %dma_start3A_817] : memref<4x128x128xf32, #tpu.memory_space<vmem>> -> memref<1x128x128xf32, #tpu.memory_space<vmem>>
        %dma_start3A_819 = tpu.memref_squeeze %dma_start3A_818 : memref<1x128x128xf32, #tpu.memory_space<vmem>> -> memref<128x128xf32, #tpu.memory_space<vmem>>
        %dma_start3A_820 = arith.constant 64 : i32
        %dma_start3A_821 = arith.constant 0 : i32
        %dma_start3A_822 = tpu.memref_slice %dma_start3A_819[%dma_start3A_820, %dma_start3A_821] : memref<128x128xf32, #tpu.memory_space<vmem>> -> memref<32x128xf32, #tpu.memory_space<vmem>>
        %dma_start3A_823 = arith.constant 64 : i32
        %dma_start3A_824 = tpu.memref_slice %arg5[%add3A_814, %dma_start3A_823] : memref<200x128xi32, #tpu.memory_space<vmem>> -> memref<1x32xi32, #tpu.memory_space<vmem>>
        %dma_start3A_825 = tpu.memref_squeeze %dma_start3A_824 : memref<1x32xi32, #tpu.memory_space<vmem>> -> memref<32xi32, #tpu.memory_space<vmem>>
        %dma_start3A_826 = arith.constant 0 : i32
        %dma_start3A_827 = arith.constant 0 : i32
        %dma_start3A_828 = tpu.memref_slice %arg3[%dma_start3A_826, %dma_start3A_827] : memref<100000x128xf32, #tpu.memory_space<hbm>> -> memref<100000x128xf32, #tpu.memory_space<hbm>>
        tpu.enqueue_indirect_dma source(%dma_start3A_828 : memref<100000x128xf32, #tpu.memory_space<hbm>>) target(%dma_start3A_822 : memref<32x128xf32, #tpu.memory_space<vmem>>) offsets(%dma_start3A_825 : memref<32xi32, #tpu.memory_space<vmem>>) semaphore(%arg11 : memref<!tpu.dma_semaphore, #tpu.memory_space<semaphore_mem>>)
        %mul3A_829 = arith.constant 4 : i32
        %mul3A_830 = arith.muli %add3A_649, %mul3A_829 : i32
        %add3A_831 = arith.constant 3 : i32
        %add3A_832 = arith.addi %mul3A_830, %add3A_831 : i32
        %dma_start3A_833 = arith.constant 2 : i32
        %dma_start3A_834 = arith.constant 0 : i32
        %dma_start3A_835 = arith.constant 0 : i32
        %dma_start3A_836 = tpu.memref_slice %arg6[%dma_start3A_833, %dma_start3A_834, %dma_start3A_835] : memref<4x128x128xf32, #tpu.memory_space<vmem>> -> memref<1x128x128xf32, #tpu.memory_space<vmem>>
        %dma_start3A_837 = tpu.memref_squeeze %dma_start3A_836 : memref<1x128x128xf32, #tpu.memory_space<vmem>> -> memref<128x128xf32, #tpu.memory_space<vmem>>
        %dma_start3A_838 = arith.constant 96 : i32
        %dma_start3A_839 = arith.constant 0 : i32
        %dma_start3A_840 = tpu.memref_slice %dma_start3A_837[%dma_start3A_838, %dma_start3A_839] : memref<128x128xf32, #tpu.memory_space<vmem>> -> memref<32x128xf32, #tpu.memory_space<vmem>>
        %dma_start3A_841 = arith.constant 64 : i32
        %dma_start3A_842 = tpu.memref_slice %arg5[%add3A_832, %dma_start3A_841] : memref<200x128xi32, #tpu.memory_space<vmem>> -> memref<1x32xi32, #tpu.memory_space<vmem>>
        %dma_start3A_843 = tpu.memref_squeeze %dma_start3A_842 : memref<1x32xi32, #tpu.memory_space<vmem>> -> memref<32xi32, #tpu.memory_space<vmem>>
        %dma_start3A_844 = arith.constant 0 : i32
        %dma_start3A_845 = arith.constant 0 : i32
        %dma_start3A_846 = tpu.memref_slice %arg3[%dma_start3A_844, %dma_start3A_845] : memref<100000x128xf32, #tpu.memory_space<hbm>> -> memref<100000x128xf32, #tpu.memory_space<hbm>>
        tpu.enqueue_indirect_dma source(%dma_start3A_846 : memref<100000x128xf32, #tpu.memory_space<hbm>>) target(%dma_start3A_840 : memref<32x128xf32, #tpu.memory_space<vmem>>) offsets(%dma_start3A_843 : memref<32xi32, #tpu.memory_space<vmem>>) semaphore(%arg11 : memref<!tpu.dma_semaphore, #tpu.memory_space<semaphore_mem>>)
      } else {
      }
      %dma_wait3A_655 = arith.constant 0 : i32
      %dma_wait3A_656 = arith.constant 3 : i32
      %dma_wait3A_657 = arith.constant 0 : i32
      %dma_wait3A_658 = arith.constant 0 : i32
      %dma_wait3A_659 = tpu.memref_slice %arg6[%dma_wait3A_656, %dma_wait3A_657, %dma_wait3A_658] : memref<4x128x128xf32, #tpu.memory_space<vmem>> -> memref<1x128x128xf32, #tpu.memory_space<vmem>>
      %dma_wait3A_660 = tpu.memref_squeeze %dma_wait3A_659 : memref<1x128x128xf32, #tpu.memory_space<vmem>> -> memref<128x128xf32, #tpu.memory_space<vmem>>
      %dma_wait3A_661 = arith.constant 0 : i32
      %dma_wait3A_662 = arith.constant 0 : i32
      %dma_wait3A_663 = tpu.memref_slice %dma_wait3A_660[%dma_wait3A_661, %dma_wait3A_662] : memref<128x128xf32, #tpu.memory_space<vmem>> -> memref<32x128xf32, #tpu.memory_space<vmem>>
      %dma_wait3A_664 = arith.constant 0 : i32
      %dma_wait3A_665 = tpu.memref_slice %arg5[%dma_wait3A_655, %dma_wait3A_664] : memref<200x128xi32, #tpu.memory_space<vmem>> -> memref<1x32xi32, #tpu.memory_space<vmem>>
      %dma_wait3A_666 = tpu.memref_squeeze %dma_wait3A_665 : memref<1x32xi32, #tpu.memory_space<vmem>> -> memref<32xi32, #tpu.memory_space<vmem>>
      %dma_wait3A_667 = arith.constant 0 : i32
      %dma_wait3A_668 = arith.constant 0 : i32
      %dma_wait3A_669 = tpu.memref_slice %arg3[%dma_wait3A_667, %dma_wait3A_668] : memref<100000x128xf32, #tpu.memory_space<hbm>> -> memref<100000x128xf32, #tpu.memory_space<hbm>>
      tpu.wait_indirect_dma semaphore(%arg12 : memref<!tpu.dma_semaphore, #tpu.memory_space<semaphore_mem>>) src(%dma_wait3A_669 : memref<100000x128xf32, #tpu.memory_space<hbm>>) dst(%dma_wait3A_663 : memref<32x128xf32, #tpu.memory_space<vmem>>)
      %dma_wait3A_670 = arith.constant 1 : i32
      %dma_wait3A_671 = arith.constant 3 : i32
      %dma_wait3A_672 = arith.constant 0 : i32
      %dma_wait3A_673 = arith.constant 0 : i32
      %dma_wait3A_674 = tpu.memref_slice %arg6[%dma_wait3A_671, %dma_wait3A_672, %dma_wait3A_673] : memref<4x128x128xf32, #tpu.memory_space<vmem>> -> memref<1x128x128xf32, #tpu.memory_space<vmem>>
      %dma_wait3A_675 = tpu.memref_squeeze %dma_wait3A_674 : memref<1x128x128xf32, #tpu.memory_space<vmem>> -> memref<128x128xf32, #tpu.memory_space<vmem>>
      %dma_wait3A_676 = arith.constant 32 : i32
      %dma_wait3A_677 = arith.constant 0 : i32
      %dma_wait3A_678 = tpu.memref_slice %dma_wait3A_675[%dma_wait3A_676, %dma_wait3A_677] : memref<128x128xf32, #tpu.memory_space<vmem>> -> memref<32x128xf32, #tpu.memory_space<vmem>>
      %dma_wait3A_679 = arith.constant 0 : i32
      %dma_wait3A_680 = tpu.memref_slice %arg5[%dma_wait3A_670, %dma_wait3A_679] : memref<200x128xi32, #tpu.memory_space<vmem>> -> memref<1x32xi32, #tpu.memory_space<vmem>>
      %dma_wait3A_681 = tpu.memref_squeeze %dma_wait3A_680 : memref<1x32xi32, #tpu.memory_space<vmem>> -> memref<32xi32, #tpu.memory_space<vmem>>
      %dma_wait3A_682 = arith.constant 0 : i32
      %dma_wait3A_683 = arith.constant 0 : i32
      %dma_wait3A_684 = tpu.memref_slice %arg3[%dma_wait3A_682, %dma_wait3A_683] : memref<100000x128xf32, #tpu.memory_space<hbm>> -> memref<100000x128xf32, #tpu.memory_space<hbm>>
      tpu.wait_indirect_dma semaphore(%arg12 : memref<!tpu.dma_semaphore, #tpu.memory_space<semaphore_mem>>) src(%dma_wait3A_684 : memref<100000x128xf32, #tpu.memory_space<hbm>>) dst(%dma_wait3A_678 : memref<32x128xf32, #tpu.memory_space<vmem>>)
      %dma_wait3A_685 = arith.constant 2 : i32
      %dma_wait3A_686 = arith.constant 3 : i32
      %dma_wait3A_687 = arith.constant 0 : i32
      %dma_wait3A_688 = arith.constant 0 : i32
      %dma_wait3A_689 = tpu.memref_slice %arg6[%dma_wait3A_686, %dma_wait3A_687, %dma_wait3A_688] : memref<4x128x128xf32, #tpu.memory_space<vmem>> -> memref<1x128x128xf32, #tpu.memory_space<vmem>>
      %dma_wait3A_690 = tpu.memref_squeeze %dma_wait3A_689 : memref<1x128x128xf32, #tpu.memory_space<vmem>> -> memref<128x128xf32, #tpu.memory_space<vmem>>
      %dma_wait3A_691 = arith.constant 64 : i32
      %dma_wait3A_692 = arith.constant 0 : i32
      %dma_wait3A_693 = tpu.memref_slice %dma_wait3A_690[%dma_wait3A_691, %dma_wait3A_692] : memref<128x128xf32, #tpu.memory_space<vmem>> -> memref<32x128xf32, #tpu.memory_space<vmem>>
      %dma_wait3A_694 = arith.constant 0 : i32
      %dma_wait3A_695 = tpu.memref_slice %arg5[%dma_wait3A_685, %dma_wait3A_694] : memref<200x128xi32, #tpu.memory_space<vmem>> -> memref<1x32xi32, #tpu.memory_space<vmem>>
      %dma_wait3A_696 = tpu.memref_squeeze %dma_wait3A_695 : memref<1x32xi32, #tpu.memory_space<vmem>> -> memref<32xi32, #tpu.memory_space<vmem>>
      %dma_wait3A_697 = arith.constant 0 : i32
      %dma_wait3A_698 = arith.constant 0 : i32
      %dma_wait3A_699 = tpu.memref_slice %arg3[%dma_wait3A_697, %dma_wait3A_698] : memref<100000x128xf32, #tpu.memory_space<hbm>> -> memref<100000x128xf32, #tpu.memory_space<hbm>>
      tpu.wait_indirect_dma semaphore(%arg12 : memref<!tpu.dma_semaphore, #tpu.memory_space<semaphore_mem>>) src(%dma_wait3A_699 : memref<100000x128xf32, #tpu.memory_space<hbm>>) dst(%dma_wait3A_693 : memref<32x128xf32, #tpu.memory_space<vmem>>)
      %dma_wait3A_700 = arith.constant 3 : i32
      %dma_wait3A_701 = arith.constant 3 : i32
      %dma_wait3A_702 = arith.constant 0 : i32
      %dma_wait3A_703 = arith.constant 0 : i32
      %dma_wait3A_704 = tpu.memref_slice %arg6[%dma_wait3A_701, %dma_wait3A_702, %dma_wait3A_703] : memref<4x128x128xf32, #tpu.memory_space<vmem>> -> memref<1x128x128xf32, #tpu.memory_space<vmem>>
      %dma_wait3A_705 = tpu.memref_squeeze %dma_wait3A_704 : memref<1x128x128xf32, #tpu.memory_space<vmem>> -> memref<128x128xf32, #tpu.memory_space<vmem>>
      %dma_wait3A_706 = arith.constant 96 : i32
      %dma_wait3A_707 = arith.constant 0 : i32
      %dma_wait3A_708 = tpu.memref_slice %dma_wait3A_705[%dma_wait3A_706, %dma_wait3A_707] : memref<128x128xf32, #tpu.memory_space<vmem>> -> memref<32x128xf32, #tpu.memory_space<vmem>>
      %dma_wait3A_709 = arith.constant 0 : i32
      %dma_wait3A_710 = tpu.memref_slice %arg5[%dma_wait3A_700, %dma_wait3A_709] : memref<200x128xi32, #tpu.memory_space<vmem>> -> memref<1x32xi32, #tpu.memory_space<vmem>>
      %dma_wait3A_711 = tpu.memref_squeeze %dma_wait3A_710 : memref<1x32xi32, #tpu.memory_space<vmem>> -> memref<32xi32, #tpu.memory_space<vmem>>
      %dma_wait3A_712 = arith.constant 0 : i32
      %dma_wait3A_713 = arith.constant 0 : i32
      %dma_wait3A_714 = tpu.memref_slice %arg3[%dma_wait3A_712, %dma_wait3A_713] : memref<100000x128xf32, #tpu.memory_space<hbm>> -> memref<100000x128xf32, #tpu.memory_space<hbm>>
      tpu.wait_indirect_dma semaphore(%arg12 : memref<!tpu.dma_semaphore, #tpu.memory_space<semaphore_mem>>) src(%dma_wait3A_714 : memref<100000x128xf32, #tpu.memory_space<hbm>>) dst(%dma_wait3A_708 : memref<32x128xf32, #tpu.memory_space<vmem>>)
      %ge3A_715 = arith.constant 4 : i32
      %ge3A_716 = arith.cmpi sge, %add3A_647, %ge3A_715 : i32
      %convert_element_type3A_717 = arith.extui %ge3A_716 : i1 to i32
      %cond3A_718 = arith.constant 0 : i32
      %cond3A_719 = arith.cmpi ne, %convert_element_type3A_717, %cond3A_718 : i32
      scf.if %cond3A_719 {
        %dma_wait3A_775 = arith.constant 3 : i32
        %dma_wait3A_776 = arith.constant 3 : i32
        %dma_wait3A_777 = arith.constant 0 : i32
        %dma_wait3A_778 = arith.constant 0 : i32
        %dma_wait3A_779 = tpu.memref_slice %arg7[%dma_wait3A_775, %dma_wait3A_777, %dma_wait3A_778] : memref<4x32x128xf32, #tpu.memory_space<vmem>> -> memref<1x32x128xf32, #tpu.memory_space<vmem>>
        %dma_wait3A_780 = tpu.memref_squeeze %dma_wait3A_779 : memref<1x32x128xf32, #tpu.memory_space<vmem>> -> memref<32x128xf32, #tpu.memory_space<vmem>>
        %dma_wait3A_781 = arith.constant 0 : i32
        %dma_wait3A_782 = tpu.memref_slice %arg8[%dma_wait3A_776, %dma_wait3A_781] : memref<4x32xi32, #tpu.memory_space<vmem>> -> memref<1x32xi32, #tpu.memory_space<vmem>>
        %dma_wait3A_783 = tpu.memref_squeeze %dma_wait3A_782 : memref<1x32xi32, #tpu.memory_space<vmem>> -> memref<32xi32, #tpu.memory_space<vmem>>
        %dma_wait3A_784 = arith.constant 0 : i32
        %dma_wait3A_785 = arith.constant 0 : i32
        %dma_wait3A_786 = tpu.memref_slice %arg4[%dma_wait3A_784, %dma_wait3A_785] : memref<204800x128xf32, #tpu.memory_space<hbm>> -> memref<204800x128xf32, #tpu.memory_space<hbm>>
        tpu.wait_indirect_dma semaphore(%arg16 : memref<!tpu.dma_semaphore, #tpu.memory_space<semaphore_mem>>) src(%dma_wait3A_780 : memref<32x128xf32, #tpu.memory_space<vmem>>) dst(%dma_wait3A_786 : memref<204800x128xf32, #tpu.memory_space<hbm>>)
      } else {
      }
      %scan3A_720 = arith.constant 0 : i32
      %scan3A_721 = arith.constant 0 : i32
      %scan3A_722 = arith.constant 32 : i32
      %scan3A_723 = arith.addi %scan3A_721, %scan3A_722 : i32
      %scan3A_724 = arith.constant 2 : i32
      scf.for %scan3A_775 = %scan3A_721 to %scan3A_723 step %scan3A_724  : i32 {
        %add3A_776 = arith.constant 0 : i32
        %add3A_777 = arith.addi %add3A_776, %scan3A_775 : i32
        %get3A = arith.constant 3 : i32
        %get3A_778 = arith.index_cast %get3A : i32 to index
        %get3A_779 = arith.index_cast %add3A_777 : i32 to index
        %get3A_780 = arith.constant 0 : index
        %get3A_781 = tpu.vector_load %arg6[%get3A_778, %get3A_779, %get3A_780] {strides = array<i32>} : memref<4x128x128xf32, #tpu.memory_space<vmem>>, vector<1x1x16xf32>,
        %get3A_782 = vector.shape_cast %get3A_781 : vector<1x1x16xf32> to vector<16xf32>
        %add3A_783 = arith.constant 32 : i32
        %add3A_784 = arith.addi %add3A_783, %scan3A_775 : i32
        %get3A_785 = arith.constant 3 : i32
        %get3A_786 = arith.index_cast %get3A_785 : i32 to index
        %get3A_787 = arith.index_cast %add3A_784 : i32 to index
        %get3A_788 = arith.constant 0 : index
        %get3A_789 = tpu.vector_load %arg6[%get3A_786, %get3A_787, %get3A_788] {strides = array<i32>} : memref<4x128x128xf32, #tpu.memory_space<vmem>>, vector<1x1x16xf32>,
        %get3A_790 = vector.shape_cast %get3A_789 : vector<1x1x16xf32> to vector<16xf32>
        %add3A_791 = arith.constant 64 : i32
        %add3A_792 = arith.addi %add3A_791, %scan3A_775 : i32
        %get3A_793 = arith.constant 3 : i32
        %get3A_794 = arith.index_cast %get3A_793 : i32 to index
        %get3A_795 = arith.index_cast %add3A_792 : i32 to index
        %get3A_796 = arith.constant 0 : index
        %get3A_797 = tpu.vector_load %arg6[%get3A_794, %get3A_795, %get3A_796] {strides = array<i32>} : memref<4x128x128xf32, #tpu.memory_space<vmem>>, vector<1x1x16xf32>,
        %get3A_798 = vector.shape_cast %get3A_797 : vector<1x1x16xf32> to vector<16xf32>
        %add3A_799 = arith.constant 96 : i32
        %add3A_800 = arith.addi %add3A_799, %scan3A_775 : i32
        %get3A_801 = arith.constant 3 : i32
        %get3A_802 = arith.index_cast %get3A_801 : i32 to index
        %get3A_803 = arith.index_cast %add3A_800 : i32 to index
        %get3A_804 = arith.constant 0 : index
        %get3A_805 = tpu.vector_load %arg6[%get3A_802, %get3A_803, %get3A_804] {strides = array<i32>} : memref<4x128x128xf32, #tpu.memory_space<vmem>>, vector<1x1x16xf32>,
        %get3A_806 = vector.shape_cast %get3A_805 : vector<1x1x16xf32> to vector<16xf32>
        %add3A_807 = arith.constant 0 : i32
        %add3A_808 = arith.addi %add3A_807, %scan3A_775 : i32
        %get3A_809 = arith.constant 3 : i32
        %get3A_810 = arith.index_cast %get3A_809 : i32 to index
        %get3A_811 = arith.index_cast %add3A_808 : i32 to index
        %get3A_812 = arith.constant 16 : index
        %get3A_813 = tpu.vector_load %arg6[%get3A_810, %get3A_811, %get3A_812] {strides = array<i32>} : memref<4x128x128xf32, #tpu.memory_space<vmem>>, vector<1x1x16xf32>,
        %get3A_814 = vector.shape_cast %get3A_813 : vector<1x1x16xf32> to vector<16xf32>
        %add3A_815 = arith.constant 32 : i32
        %add3A_816 = arith.addi %add3A_815, %scan3A_775 : i32
        %get3A_817 = arith.constant 3 : i32
        %get3A_818 = arith.index_cast %get3A_817 : i32 to index
        %get3A_819 = arith.index_cast %add3A_816 : i32 to index
        %get3A_820 = arith.constant 16 : index
        %get3A_821 = tpu.vector_load %arg6[%get3A_818, %get3A_819, %get3A_820] {strides = array<i32>} : memref<4x128x128xf32, #tpu.memory_space<vmem>>, vector<1x1x16xf32>,
        %get3A_822 = vector.shape_cast %get3A_821 : vector<1x1x16xf32> to vector<16xf32>
        %add3A_823 = arith.constant 64 : i32
        %add3A_824 = arith.addi %add3A_823, %scan3A_775 : i32
        %get3A_825 = arith.constant 3 : i32
        %get3A_826 = arith.index_cast %get3A_825 : i32 to index
        %get3A_827 = arith.index_cast %add3A_824 : i32 to index
        %get3A_828 = arith.constant 16 : index
        %get3A_829 = tpu.vector_load %arg6[%get3A_826, %get3A_827, %get3A_828] {strides = array<i32>} : memref<4x128x128xf32, #tpu.memory_space<vmem>>, vector<1x1x16xf32>,
        %get3A_830 = vector.shape_cast %get3A_829 : vector<1x1x16xf32> to vector<16xf32>
        %add3A_831 = arith.constant 96 : i32
        %add3A_832 = arith.addi %add3A_831, %scan3A_775 : i32
        %get3A_833 = arith.constant 3 : i32
        %get3A_834 = arith.index_cast %get3A_833 : i32 to index
        %get3A_835 = arith.index_cast %add3A_832 : i32 to index
        %get3A_836 = arith.constant 16 : index
        %get3A_837 = tpu.vector_load %arg6[%get3A_834, %get3A_835, %get3A_836] {strides = array<i32>} : memref<4x128x128xf32, #tpu.memory_space<vmem>>, vector<1x1x16xf32>,
        %get3A_838 = vector.shape_cast %get3A_837 : vector<1x1x16xf32> to vector<16xf32>
        %add3A_839 = arith.constant 0 : i32
        %add3A_840 = arith.addi %add3A_839, %scan3A_775 : i32
        %get3A_841 = arith.constant 3 : i32
        %get3A_842 = arith.index_cast %get3A_841 : i32 to index
        %get3A_843 = arith.index_cast %add3A_840 : i32 to index
        %get3A_844 = arith.constant 32 : index
        %get3A_845 = tpu.vector_load %arg6[%get3A_842, %get3A_843, %get3A_844] {strides = array<i32>} : memref<4x128x128xf32, #tpu.memory_space<vmem>>, vector<1x1x16xf32>,
        %get3A_846 = vector.shape_cast %get3A_845 : vector<1x1x16xf32> to vector<16xf32>
        %add3A_847 = arith.constant 32 : i32
        %add3A_848 = arith.addi %add3A_847, %scan3A_775 : i32
        %get3A_849 = arith.constant 3 : i32
        %get3A_850 = arith.index_cast %get3A_849 : i32 to index
        %get3A_851 = arith.index_cast %add3A_848 : i32 to index
        %get3A_852 = arith.constant 32 : index
        %get3A_853 = tpu.vector_load %arg6[%get3A_850, %get3A_851, %get3A_852] {strides = array<i32>} : memref<4x128x128xf32, #tpu.memory_space<vmem>>, vector<1x1x16xf32>,
        %get3A_854 = vector.shape_cast %get3A_853 : vector<1x1x16xf32> to vector<16xf32>
        %add3A_855 = arith.constant 64 : i32
        %add3A_856 = arith.addi %add3A_855, %scan3A_775 : i32
        %get3A_857 = arith.constant 3 : i32
        %get3A_858 = arith.index_cast %get3A_857 : i32 to index
        %get3A_859 = arith.index_cast %add3A_856 : i32 to index
        %get3A_860 = arith.constant 32 : index
        %get3A_861 = tpu.vector_load %arg6[%get3A_858, %get3A_859, %get3A_860] {strides = array<i32>} : memref<4x128x128xf32, #tpu.memory_space<vmem>>, vector<1x1x16xf32>,
        %get3A_862 = vector.shape_cast %get3A_861 : vector<1x1x16xf32> to vector<16xf32>
        %add3A_863 = arith.constant 96 : i32
        %add3A_864 = arith.addi %add3A_863, %scan3A_775 : i32
        %get3A_865 = arith.constant 3 : i32
        %get3A_866 = arith.index_cast %get3A_865 : i32 to index
        %get3A_867 = arith.index_cast %add3A_864 : i32 to index
        %get3A_868 = arith.constant 32 : index
        %get3A_869 = tpu.vector_load %arg6[%get3A_866, %get3A_867, %get3A_868] {strides = array<i32>} : memref<4x128x128xf32, #tpu.memory_space<vmem>>, vector<1x1x16xf32>,
        %get3A_870 = vector.shape_cast %get3A_869 : vector<1x1x16xf32> to vector<16xf32>
        %add3A_871 = arith.constant 0 : i32
        %add3A_872 = arith.addi %add3A_871, %scan3A_775 : i32
        %get3A_873 = arith.constant 3 : i32
        %get3A_874 = arith.index_cast %get3A_873 : i32 to index
        %get3A_875 = arith.index_cast %add3A_872 : i32 to index
        %get3A_876 = arith.constant 48 : index
        %get3A_877 = tpu.vector_load %arg6[%get3A_874, %get3A_875, %get3A_876] {strides = array<i32>} : memref<4x128x128xf32, #tpu.memory_space<vmem>>, vector<1x1x16xf32>,
        %get3A_878 = vector.shape_cast %get3A_877 : vector<1x1x16xf32> to vector<16xf32>
        %add3A_879 = arith.constant 32 : i32
        %add3A_880 = arith.addi %add3A_879, %scan3A_775 : i32
        %get3A_881 = arith.constant 3 : i32
        %get3A_882 = arith.index_cast %get3A_881 : i32 to index
        %get3A_883 = arith.index_cast %add3A_880 : i32 to index
        %get3A_884 = arith.constant 48 : index
        %get3A_885 = tpu.vector_load %arg6[%get3A_882, %get3A_883, %get3A_884] {strides = array<i32>} : memref<4x128x128xf32, #tpu.memory_space<vmem>>, vector<1x1x16xf32>,
        %get3A_886 = vector.shape_cast %get3A_885 : vector<1x1x16xf32> to vector<16xf32>
        %add3A_887 = arith.constant 64 : i32
        %add3A_888 = arith.addi %add3A_887, %scan3A_775 : i32
        %get3A_889 = arith.constant 3 : i32
        %get3A_890 = arith.index_cast %get3A_889 : i32 to index
        %get3A_891 = arith.index_cast %add3A_888 : i32 to index
        %get3A_892 = arith.constant 48 : index
        %get3A_893 = tpu.vector_load %arg6[%get3A_890, %get3A_891, %get3A_892] {strides = array<i32>} : memref<4x128x128xf32, #tpu.memory_space<vmem>>, vector<1x1x16xf32>,
        %get3A_894 = vector.shape_cast %get3A_893 : vector<1x1x16xf32> to vector<16xf32>
        %add3A_895 = arith.constant 96 : i32
        %add3A_896 = arith.addi %add3A_895, %scan3A_775 : i32
        %get3A_897 = arith.constant 3 : i32
        %get3A_898 = arith.index_cast %get3A_897 : i32 to index
        %get3A_899 = arith.index_cast %add3A_896 : i32 to index
        %get3A_900 = arith.constant 48 : index
        %get3A_901 = tpu.vector_load %arg6[%get3A_898, %get3A_899, %get3A_900] {strides = array<i32>} : memref<4x128x128xf32, #tpu.memory_space<vmem>>, vector<1x1x16xf32>,
        %get3A_902 = vector.shape_cast %get3A_901 : vector<1x1x16xf32> to vector<16xf32>
        %add3A_903 = arith.addf %get3A_782, %get3A_790 : vector<16xf32>
        %add3A_904 = arith.addf %get3A_798, %get3A_806 : vector<16xf32>
        %add3A_905 = arith.addf %add3A_903, %add3A_904 : vector<16xf32>
        %swap3A_906 = arith.constant 3 : i32
        %swap3A_907 = arith.index_cast %swap3A_906 : i32 to index
        %swap3A_908 = arith.index_cast %scan3A_775 : i32 to index
        %swap3A_909 = arith.constant 0 : index
        %swap3A_910 = tpu.vector_load %arg7[%swap3A_907, %swap3A_908, %swap3A_909] {strides = array<i32>} : memref<4x32x128xf32, #tpu.memory_space<vmem>>, vector<1x1x16xf32>,
        %swap3A_911 = vector.shape_cast %swap3A_910 : vector<1x1x16xf32> to vector<16xf32>
        %swap3A_912 = vector.shape_cast %add3A_905 : vector<16xf32> to vector<1x1x16xf32>
        tpu.vector_store %arg7[%swap3A_907, %swap3A_908, %swap3A_909], %swap3A_912 {strides = array<i32>} : memref<4x32x128xf32, #tpu.memory_space<vmem>>, vector<1x1x16xf32>,
        %add3A_913 = arith.constant 0 : i32
        %add3A_914 = arith.addi %add3A_913, %scan3A_775 : i32
        %get3A_915 = arith.constant 3 : i32
        %get3A_916 = arith.index_cast %get3A_915 : i32 to index
        %get3A_917 = arith.index_cast %add3A_914 : i32 to index
        %get3A_918 = arith.constant 64 : index
        %get3A_919 = tpu.vector_load %arg6[%get3A_916, %get3A_917, %get3A_918] {strides = array<i32>} : memref<4x128x128xf32, #tpu.memory_space<vmem>>, vector<1x1x16xf32>,
        %get3A_920 = vector.shape_cast %get3A_919 : vector<1x1x16xf32> to vector<16xf32>
        %add3A_921 = arith.constant 32 : i32
        %add3A_922 = arith.addi %add3A_921, %scan3A_775 : i32
        %get3A_923 = arith.constant 3 : i32
        %get3A_924 = arith.index_cast %get3A_923 : i32 to index
        %get3A_925 = arith.index_cast %add3A_922 : i32 to index
        %get3A_926 = arith.constant 64 : index
        %get3A_927 = tpu.vector_load %arg6[%get3A_924, %get3A_925, %get3A_926] {strides = array<i32>} : memref<4x128x128xf32, #tpu.memory_space<vmem>>, vector<1x1x16xf32>,
        %get3A_928 = vector.shape_cast %get3A_927 : vector<1x1x16xf32> to vector<16xf32>
        %add3A_929 = arith.constant 64 : i32
        %add3A_930 = arith.addi %add3A_929, %scan3A_775 : i32
        %get3A_931 = arith.constant 3 : i32
        %get3A_932 = arith.index_cast %get3A_931 : i32 to index
        %get3A_933 = arith.index_cast %add3A_930 : i32 to index
        %get3A_934 = arith.constant 64 : index
        %get3A_935 = tpu.vector_load %arg6[%get3A_932, %get3A_933, %get3A_934] {strides = array<i32>} : memref<4x128x128xf32, #tpu.memory_space<vmem>>, vector<1x1x16xf32>,
        %get3A_936 = vector.shape_cast %get3A_935 : vector<1x1x16xf32> to vector<16xf32>
        %add3A_937 = arith.constant 96 : i32
        %add3A_938 = arith.addi %add3A_937, %scan3A_775 : i32
        %get3A_939 = arith.constant 3 : i32
        %get3A_940 = arith.index_cast %get3A_939 : i32 to index
        %get3A_941 = arith.index_cast %add3A_938 : i32 to index
        %get3A_942 = arith.constant 64 : index
        %get3A_943 = tpu.vector_load %arg6[%get3A_940, %get3A_941, %get3A_942] {strides = array<i32>} : memref<4x128x128xf32, #tpu.memory_space<vmem>>, vector<1x1x16xf32>,
        %get3A_944 = vector.shape_cast %get3A_943 : vector<1x1x16xf32> to vector<16xf32>
        %add3A_945 = arith.addf %get3A_814, %get3A_822 : vector<16xf32>
        %add3A_946 = arith.addf %get3A_830, %get3A_838 : vector<16xf32>
        %add3A_947 = arith.addf %add3A_945, %add3A_946 : vector<16xf32>
        %swap3A_948 = arith.constant 3 : i32
        %swap3A_949 = arith.index_cast %swap3A_948 : i32 to index
        %swap3A_950 = arith.index_cast %scan3A_775 : i32 to index
        %swap3A_951 = arith.constant 16 : index
        %swap3A_952 = tpu.vector_load %arg7[%swap3A_949, %swap3A_950, %swap3A_951] {strides = array<i32>} : memref<4x32x128xf32, #tpu.memory_space<vmem>>, vector<1x1x16xf32>,
        %swap3A_953 = vector.shape_cast %swap3A_952 : vector<1x1x16xf32> to vector<16xf32>
        %swap3A_954 = vector.shape_cast %add3A_947 : vector<16xf32> to vector<1x1x16xf32>
        tpu.vector_store %arg7[%swap3A_949, %swap3A_950, %swap3A_951], %swap3A_954 {strides = array<i32>} : memref<4x32x128xf32, #tpu.memory_space<vmem>>, vector<1x1x16xf32>,
        %add3A_955 = arith.constant 0 : i32
        %add3A_956 = arith.addi %add3A_955, %scan3A_775 : i32
        %get3A_957 = arith.constant 3 : i32
        %get3A_958 = arith.index_cast %get3A_957 : i32 to index
        %get3A_959 = arith.index_cast %add3A_956 : i32 to index
        %get3A_960 = arith.constant 80 : index
        %get3A_961 = tpu.vector_load %arg6[%get3A_958, %get3A_959, %get3A_960] {strides = array<i32>} : memref<4x128x128xf32, #tpu.memory_space<vmem>>, vector<1x1x16xf32>,
        %get3A_962 = vector.shape_cast %get3A_961 : vector<1x1x16xf32> to vector<16xf32>
        %add3A_963 = arith.constant 32 : i32
        %add3A_964 = arith.addi %add3A_963, %scan3A_775 : i32
        %get3A_965 = arith.constant 3 : i32
        %get3A_966 = arith.index_cast %get3A_965 : i32 to index
        %get3A_967 = arith.index_cast %add3A_964 : i32 to index
        %get3A_968 = arith.constant 80 : index
        %get3A_969 = tpu.vector_load %arg6[%get3A_966, %get3A_967, %get3A_968] {strides = array<i32>} : memref<4x128x128xf32, #tpu.memory_space<vmem>>, vector<1x1x16xf32>,
        %get3A_970 = vector.shape_cast %get3A_969 : vector<1x1x16xf32> to vector<16xf32>
        %add3A_971 = arith.constant 64 : i32
        %add3A_972 = arith.addi %add3A_971, %scan3A_775 : i32
        %get3A_973 = arith.constant 3 : i32
        %get3A_974 = arith.index_cast %get3A_973 : i32 to index
        %get3A_975 = arith.index_cast %add3A_972 : i32 to index
        %get3A_976 = arith.constant 80 : index
        %get3A_977 = tpu.vector_load %arg6[%get3A_974, %get3A_975, %get3A_976] {strides = array<i32>} : memref<4x128x128xf32, #tpu.memory_space<vmem>>, vector<1x1x16xf32>,
        %get3A_978 = vector.shape_cast %get3A_977 : vector<1x1x16xf32> to vector<16xf32>
        %add3A_979 = arith.constant 96 : i32
        %add3A_980 = arith.addi %add3A_979, %scan3A_775 : i32
        %get3A_981 = arith.constant 3 : i32
        %get3A_982 = arith.index_cast %get3A_981 : i32 to index
        %get3A_983 = arith.index_cast %add3A_980 : i32 to index
        %get3A_984 = arith.constant 80 : index
        %get3A_985 = tpu.vector_load %arg6[%get3A_982, %get3A_983, %get3A_984] {strides = array<i32>} : memref<4x128x128xf32, #tpu.memory_space<vmem>>, vector<1x1x16xf32>,
        %get3A_986 = vector.shape_cast %get3A_985 : vector<1x1x16xf32> to vector<16xf32>
        %add3A_987 = arith.addf %get3A_846, %get3A_854 : vector<16xf32>
        %add3A_988 = arith.addf %get3A_862, %get3A_870 : vector<16xf32>
        %add3A_989 = arith.addf %add3A_987, %add3A_988 : vector<16xf32>
        %swap3A_990 = arith.constant 3 : i32
        %swap3A_991 = arith.index_cast %swap3A_990 : i32 to index
        %swap3A_992 = arith.index_cast %scan3A_775 : i32 to index
        %swap3A_993 = arith.constant 32 : index
        %swap3A_994 = tpu.vector_load %arg7[%swap3A_991, %swap3A_992, %swap3A_993] {strides = array<i32>} : memref<4x32x128xf32, #tpu.memory_space<vmem>>, vector<1x1x16xf32>,
        %swap3A_995 = vector.shape_cast %swap3A_994 : vector<1x1x16xf32> to vector<16xf32>
        %swap3A_996 = vector.shape_cast %add3A_989 : vector<16xf32> to vector<1x1x16xf32>
        tpu.vector_store %arg7[%swap3A_991, %swap3A_992, %swap3A_993], %swap3A_996 {strides = array<i32>} : memref<4x32x128xf32, #tpu.memory_space<vmem>>, vector<1x1x16xf32>,
        %add3A_997 = arith.constant 0 : i32
        %add3A_998 = arith.addi %add3A_997, %scan3A_775 : i32
        %get3A_999 = arith.constant 3 : i32
        %get3A_1000 = arith.index_cast %get3A_999 : i32 to index
        %get3A_1001 = arith.index_cast %add3A_998 : i32 to index
        %get3A_1002 = arith.constant 96 : index
        %get3A_1003 = tpu.vector_load %arg6[%get3A_1000, %get3A_1001, %get3A_1002] {strides = array<i32>} : memref<4x128x128xf32, #tpu.memory_space<vmem>>, vector<1x1x16xf32>,
        %get3A_1004 = vector.shape_cast %get3A_1003 : vector<1x1x16xf32> to vector<16xf32>
        %add3A_1005 = arith.constant 32 : i32
        %add3A_1006 = arith.addi %add3A_1005, %scan3A_775 : i32
        %get3A_1007 = arith.constant 3 : i32
        %get3A_1008 = arith.index_cast %get3A_1007 : i32 to index
        %get3A_1009 = arith.index_cast %add3A_1006 : i32 to index
        %get3A_1010 = arith.constant 96 : index
        %get3A_1011 = tpu.vector_load %arg6[%get3A_1008, %get3A_1009, %get3A_1010] {strides = array<i32>} : memref<4x128x128xf32, #tpu.memory_space<vmem>>, vector<1x1x16xf32>,
        %get3A_1012 = vector.shape_cast %get3A_1011 : vector<1x1x16xf32> to vector<16xf32>
        %add3A_1013 = arith.constant 64 : i32
        %add3A_1014 = arith.addi %add3A_1013, %scan3A_775 : i32
        %get3A_1015 = arith.constant 3 : i32
        %get3A_1016 = arith.index_cast %get3A_1015 : i32 to index
        %get3A_1017 = arith.index_cast %add3A_1014 : i32 to index
        %get3A_1018 = arith.constant 96 : index
        %get3A_1019 = tpu.vector_load %arg6[%get3A_1016, %get3A_1017, %get3A_1018] {strides = array<i32>} : memref<4x128x128xf32, #tpu.memory_space<vmem>>, vector<1x1x16xf32>,
        %get3A_1020 = vector.shape_cast %get3A_1019 : vector<1x1x16xf32> to vector<16xf32>
        %add3A_1021 = arith.constant 96 : i32
        %add3A_1022 = arith.addi %add3A_1021, %scan3A_775 : i32
        %get3A_1023 = arith.constant 3 : i32
        %get3A_1024 = arith.index_cast %get3A_1023 : i32 to index
        %get3A_1025 = arith.index_cast %add3A_1022 : i32 to index
        %get3A_1026 = arith.constant 96 : index
        %get3A_1027 = tpu.vector_load %arg6[%get3A_1024, %get3A_1025, %get3A_1026] {strides = array<i32>} : memref<4x128x128xf32, #tpu.memory_space<vmem>>, vector<1x1x16xf32>,
        %get3A_1028 = vector.shape_cast %get3A_1027 : vector<1x1x16xf32> to vector<16xf32>
        %add3A_1029 = arith.addf %get3A_878, %get3A_886 : vector<16xf32>
        %add3A_1030 = arith.addf %get3A_894, %get3A_902 : vector<16xf32>
        %add3A_1031 = arith.addf %add3A_1029, %add3A_1030 : vector<16xf32>
        %swap3A_1032 = arith.constant 3 : i32
        %swap3A_1033 = arith.index_cast %swap3A_1032 : i32 to index
        %swap3A_1034 = arith.index_cast %scan3A_775 : i32 to index
        %swap3A_1035 = arith.constant 48 : index
        %swap3A_1036 = tpu.vector_load %arg7[%swap3A_1033, %swap3A_1034, %swap3A_1035] {strides = array<i32>} : memref<4x32x128xf32, #tpu.memory_space<vmem>>, vector<1x1x16xf32>,
        %swap3A_1037 = vector.shape_cast %swap3A_1036 : vector<1x1x16xf32> to vector<16xf32>
        %swap3A_1038 = vector.shape_cast %add3A_1031 : vector<16xf32> to vector<1x1x16xf32>
        tpu.vector_store %arg7[%swap3A_1033, %swap3A_1034, %swap3A_1035], %swap3A_1038 {strides = array<i32>} : memref<4x32x128xf32, #tpu.memory_space<vmem>>, vector<1x1x16xf32>,
        %add3A_1039 = arith.constant 0 : i32
        %add3A_1040 = arith.addi %add3A_1039, %scan3A_775 : i32
        %get3A_1041 = arith.constant 3 : i32
        %get3A_1042 = arith.index_cast %get3A_1041 : i32 to index
        %get3A_1043 = arith.index_cast %add3A_1040 : i32 to index
        %get3A_1044 = arith.constant 112 : index
        %get3A_1045 = tpu.vector_load %arg6[%get3A_1042, %get3A_1043, %get3A_1044] {strides = array<i32>} : memref<4x128x128xf32, #tpu.memory_space<vmem>>, vector<1x1x16xf32>,
        %get3A_1046 = vector.shape_cast %get3A_1045 : vector<1x1x16xf32> to vector<16xf32>
        %add3A_1047 = arith.constant 32 : i32
        %add3A_1048 = arith.addi %add3A_1047, %scan3A_775 : i32
        %get3A_1049 = arith.constant 3 : i32
        %get3A_1050 = arith.index_cast %get3A_1049 : i32 to index
        %get3A_1051 = arith.index_cast %add3A_1048 : i32 to index
        %get3A_1052 = arith.constant 112 : index
        %get3A_1053 = tpu.vector_load %arg6[%get3A_1050, %get3A_1051, %get3A_1052] {strides = array<i32>} : memref<4x128x128xf32, #tpu.memory_space<vmem>>, vector<1x1x16xf32>,
        %get3A_1054 = vector.shape_cast %get3A_1053 : vector<1x1x16xf32> to vector<16xf32>
        %add3A_1055 = arith.constant 64 : i32
        %add3A_1056 = arith.addi %add3A_1055, %scan3A_775 : i32
        %get3A_1057 = arith.constant 3 : i32
        %get3A_1058 = arith.index_cast %get3A_1057 : i32 to index
        %get3A_1059 = arith.index_cast %add3A_1056 : i32 to index
        %get3A_1060 = arith.constant 112 : index
        %get3A_1061 = tpu.vector_load %arg6[%get3A_1058, %get3A_1059, %get3A_1060] {strides = array<i32>} : memref<4x128x128xf32, #tpu.memory_space<vmem>>, vector<1x1x16xf32>,
        %get3A_1062 = vector.shape_cast %get3A_1061 : vector<1x1x16xf32> to vector<16xf32>
        %add3A_1063 = arith.constant 96 : i32
        %add3A_1064 = arith.addi %add3A_1063, %scan3A_775 : i32
        %get3A_1065 = arith.constant 3 : i32
        %get3A_1066 = arith.index_cast %get3A_1065 : i32 to index
        %get3A_1067 = arith.index_cast %add3A_1064 : i32 to index
        %get3A_1068 = arith.constant 112 : index
        %get3A_1069 = tpu.vector_load %arg6[%get3A_1066, %get3A_1067, %get3A_1068] {strides = array<i32>} : memref<4x128x128xf32, #tpu.memory_space<vmem>>, vector<1x1x16xf32>,
        %get3A_1070 = vector.shape_cast %get3A_1069 : vector<1x1x16xf32> to vector<16xf32>
        %add3A_1071 = arith.addf %get3A_920, %get3A_928 : vector<16xf32>
        %add3A_1072 = arith.addf %get3A_936, %get3A_944 : vector<16xf32>
        %add3A_1073 = arith.addf %add3A_1071, %add3A_1072 : vector<16xf32>
        %swap3A_1074 = arith.constant 3 : i32
        %swap3A_1075 = arith.index_cast %swap3A_1074 : i32 to index
        %swap3A_1076 = arith.index_cast %scan3A_775 : i32 to index
        %swap3A_1077 = arith.constant 64 : index
        %swap3A_1078 = tpu.vector_load %arg7[%swap3A_1075, %swap3A_1076, %swap3A_1077] {strides = array<i32>} : memref<4x32x128xf32, #tpu.memory_space<vmem>>, vector<1x1x16xf32>,
        %swap3A_1079 = vector.shape_cast %swap3A_1078 : vector<1x1x16xf32> to vector<16xf32>
        %swap3A_1080 = vector.shape_cast %add3A_1073 : vector<16xf32> to vector<1x1x16xf32>
        tpu.vector_store %arg7[%swap3A_1075, %swap3A_1076, %swap3A_1077], %swap3A_1080 {strides = array<i32>} : memref<4x32x128xf32, #tpu.memory_space<vmem>>, vector<1x1x16xf32>,
        %add3A_1081 = arith.addf %get3A_962, %get3A_970 : vector<16xf32>
        %add3A_1082 = arith.addf %get3A_978, %get3A_986 : vector<16xf32>
        %add3A_1083 = arith.addf %add3A_1081, %add3A_1082 : vector<16xf32>
        %swap3A_1084 = arith.constant 3 : i32
        %swap3A_1085 = arith.index_cast %swap3A_1084 : i32 to index
        %swap3A_1086 = arith.index_cast %scan3A_775 : i32 to index
        %swap3A_1087 = arith.constant 80 : index
        %swap3A_1088 = tpu.vector_load %arg7[%swap3A_1085, %swap3A_1086, %swap3A_1087] {strides = array<i32>} : memref<4x32x128xf32, #tpu.memory_space<vmem>>, vector<1x1x16xf32>,
        %swap3A_1089 = vector.shape_cast %swap3A_1088 : vector<1x1x16xf32> to vector<16xf32>
        %swap3A_1090 = vector.shape_cast %add3A_1083 : vector<16xf32> to vector<1x1x16xf32>
        tpu.vector_store %arg7[%swap3A_1085, %swap3A_1086, %swap3A_1087], %swap3A_1090 {strides = array<i32>} : memref<4x32x128xf32, #tpu.memory_space<vmem>>, vector<1x1x16xf32>,
        %add3A_1091 = arith.addf %get3A_1004, %get3A_1012 : vector<16xf32>
        %add3A_1092 = arith.addf %get3A_1020, %get3A_1028 : vector<16xf32>
        %add3A_1093 = arith.addf %add3A_1091, %add3A_1092 : vector<16xf32>
        %swap3A_1094 = arith.constant 3 : i32
        %swap3A_1095 = arith.index_cast %swap3A_1094 : i32 to index
        %swap3A_1096 = arith.index_cast %scan3A_775 : i32 to index
        %swap3A_1097 = arith.constant 96 : index
        %swap3A_1098 = tpu.vector_load %arg7[%swap3A_1095, %swap3A_1096, %swap3A_1097] {strides = array<i32>} : memref<4x32x128xf32, #tpu.memory_space<vmem>>, vector<1x1x16xf32>,
        %swap3A_1099 = vector.shape_cast %swap3A_1098 : vector<1x1x16xf32> to vector<16xf32>
        %swap3A_1100 = vector.shape_cast %add3A_1093 : vector<16xf32> to vector<1x1x16xf32>
        tpu.vector_store %arg7[%swap3A_1095, %swap3A_1096, %swap3A_1097], %swap3A_1100 {strides = array<i32>} : memref<4x32x128xf32, #tpu.memory_space<vmem>>, vector<1x1x16xf32>,
        %add3A_1101 = arith.addf %get3A_1046, %get3A_1054 : vector<16xf32>
        %add3A_1102 = arith.addf %get3A_1062, %get3A_1070 : vector<16xf32>
        %add3A_1103 = arith.addf %add3A_1101, %add3A_1102 : vector<16xf32>
        %swap3A_1104 = arith.constant 3 : i32
        %swap3A_1105 = arith.index_cast %swap3A_1104 : i32 to index
        %swap3A_1106 = arith.index_cast %scan3A_775 : i32 to index
        %swap3A_1107 = arith.constant 112 : index
        %swap3A_1108 = tpu.vector_load %arg7[%swap3A_1105, %swap3A_1106, %swap3A_1107] {strides = array<i32>} : memref<4x32x128xf32, #tpu.memory_space<vmem>>, vector<1x1x16xf32>,
        %swap3A_1109 = vector.shape_cast %swap3A_1108 : vector<1x1x16xf32> to vector<16xf32>
        %swap3A_1110 = vector.shape_cast %add3A_1103 : vector<16xf32> to vector<1x1x16xf32>
        tpu.vector_store %arg7[%swap3A_1105, %swap3A_1106, %swap3A_1107], %swap3A_1110 {strides = array<i32>} : memref<4x32x128xf32, #tpu.memory_space<vmem>>, vector<1x1x16xf32>,
        %scan3A_1111 = arith.constant 1 : i32
        %scan3A_1112 = arith.addi %scan3A_775, %scan3A_1111 : i32
        %add3A_1113 = arith.constant 0 : i32
        %add3A_1114 = arith.addi %add3A_1113, %scan3A_1112 : i32
        %get3A_1115 = arith.constant 3 : i32
        %get3A_1116 = arith.index_cast %get3A_1115 : i32 to index
        %get3A_1117 = arith.index_cast %add3A_1114 : i32 to index
        %get3A_1118 = arith.constant 0 : index
        %get3A_1119 = tpu.vector_load %arg6[%get3A_1116, %get3A_1117, %get3A_1118] {strides = array<i32>} : memref<4x128x128xf32, #tpu.memory_space<vmem>>, vector<1x1x16xf32>,
        %get3A_1120 = vector.shape_cast %get3A_1119 : vector<1x1x16xf32> to vector<16xf32>
        %add3A_1121 = arith.constant 32 : i32
        %add3A_1122 = arith.addi %add3A_1121, %scan3A_1112 : i32
        %get3A_1123 = arith.constant 3 : i32
        %get3A_1124 = arith.index_cast %get3A_1123 : i32 to index
        %get3A_1125 = arith.index_cast %add3A_1122 : i32 to index
        %get3A_1126 = arith.constant 0 : index
        %get3A_1127 = tpu.vector_load %arg6[%get3A_1124, %get3A_1125, %get3A_1126] {strides = array<i32>} : memref<4x128x128xf32, #tpu.memory_space<vmem>>, vector<1x1x16xf32>,
        %get3A_1128 = vector.shape_cast %get3A_1127 : vector<1x1x16xf32> to vector<16xf32>
        %add3A_1129 = arith.constant 64 : i32
        %add3A_1130 = arith.addi %add3A_1129, %scan3A_1112 : i32
        %get3A_1131 = arith.constant 3 : i32
        %get3A_1132 = arith.index_cast %get3A_1131 : i32 to index
        %get3A_1133 = arith.index_cast %add3A_1130 : i32 to index
        %get3A_1134 = arith.constant 0 : index
        %get3A_1135 = tpu.vector_load %arg6[%get3A_1132, %get3A_1133, %get3A_1134] {strides = array<i32>} : memref<4x128x128xf32, #tpu.memory_space<vmem>>, vector<1x1x16xf32>,
        %get3A_1136 = vector.shape_cast %get3A_1135 : vector<1x1x16xf32> to vector<16xf32>
        %add3A_1137 = arith.constant 96 : i32
        %add3A_1138 = arith.addi %add3A_1137, %scan3A_1112 : i32
        %get3A_1139 = arith.constant 3 : i32
        %get3A_1140 = arith.index_cast %get3A_1139 : i32 to index
        %get3A_1141 = arith.index_cast %add3A_1138 : i32 to index
        %get3A_1142 = arith.constant 0 : index
        %get3A_1143 = tpu.vector_load %arg6[%get3A_1140, %get3A_1141, %get3A_1142] {strides = array<i32>} : memref<4x128x128xf32, #tpu.memory_space<vmem>>, vector<1x1x16xf32>,
        %get3A_1144 = vector.shape_cast %get3A_1143 : vector<1x1x16xf32> to vector<16xf32>
        %add3A_1145 = arith.constant 0 : i32
        %add3A_1146 = arith.addi %add3A_1145, %scan3A_1112 : i32
        %get3A_1147 = arith.constant 3 : i32
        %get3A_1148 = arith.index_cast %get3A_1147 : i32 to index
        %get3A_1149 = arith.index_cast %add3A_1146 : i32 to index
        %get3A_1150 = arith.constant 16 : index
        %get3A_1151 = tpu.vector_load %arg6[%get3A_1148, %get3A_1149, %get3A_1150] {strides = array<i32>} : memref<4x128x128xf32, #tpu.memory_space<vmem>>, vector<1x1x16xf32>,
        %get3A_1152 = vector.shape_cast %get3A_1151 : vector<1x1x16xf32> to vector<16xf32>
        %add3A_1153 = arith.constant 32 : i32
        %add3A_1154 = arith.addi %add3A_1153, %scan3A_1112 : i32
        %get3A_1155 = arith.constant 3 : i32
        %get3A_1156 = arith.index_cast %get3A_1155 : i32 to index
        %get3A_1157 = arith.index_cast %add3A_1154 : i32 to index
        %get3A_1158 = arith.constant 16 : index
        %get3A_1159 = tpu.vector_load %arg6[%get3A_1156, %get3A_1157, %get3A_1158] {strides = array<i32>} : memref<4x128x128xf32, #tpu.memory_space<vmem>>, vector<1x1x16xf32>,
        %get3A_1160 = vector.shape_cast %get3A_1159 : vector<1x1x16xf32> to vector<16xf32>
        %add3A_1161 = arith.constant 64 : i32
        %add3A_1162 = arith.addi %add3A_1161, %scan3A_1112 : i32
        %get3A_1163 = arith.constant 3 : i32
        %get3A_1164 = arith.index_cast %get3A_1163 : i32 to index
        %get3A_1165 = arith.index_cast %add3A_1162 : i32 to index
        %get3A_1166 = arith.constant 16 : index
        %get3A_1167 = tpu.vector_load %arg6[%get3A_1164, %get3A_1165, %get3A_1166] {strides = array<i32>} : memref<4x128x128xf32, #tpu.memory_space<vmem>>, vector<1x1x16xf32>,
        %get3A_1168 = vector.shape_cast %get3A_1167 : vector<1x1x16xf32> to vector<16xf32>
        %add3A_1169 = arith.constant 96 : i32
        %add3A_1170 = arith.addi %add3A_1169, %scan3A_1112 : i32
        %get3A_1171 = arith.constant 3 : i32
        %get3A_1172 = arith.index_cast %get3A_1171 : i32 to index
        %get3A_1173 = arith.index_cast %add3A_1170 : i32 to index
        %get3A_1174 = arith.constant 16 : index
        %get3A_1175 = tpu.vector_load %arg6[%get3A_1172, %get3A_1173, %get3A_1174] {strides = array<i32>} : memref<4x128x128xf32, #tpu.memory_space<vmem>>, vector<1x1x16xf32>,
        %get3A_1176 = vector.shape_cast %get3A_1175 : vector<1x1x16xf32> to vector<16xf32>
        %add3A_1177 = arith.constant 0 : i32
        %add3A_1178 = arith.addi %add3A_1177, %scan3A_1112 : i32
        %get3A_1179 = arith.constant 3 : i32
        %get3A_1180 = arith.index_cast %get3A_1179 : i32 to index
        %get3A_1181 = arith.index_cast %add3A_1178 : i32 to index
        %get3A_1182 = arith.constant 32 : index
        %get3A_1183 = tpu.vector_load %arg6[%get3A_1180, %get3A_1181, %get3A_1182] {strides = array<i32>} : memref<4x128x128xf32, #tpu.memory_space<vmem>>, vector<1x1x16xf32>,
        %get3A_1184 = vector.shape_cast %get3A_1183 : vector<1x1x16xf32> to vector<16xf32>
        %add3A_1185 = arith.constant 32 : i32
        %add3A_1186 = arith.addi %add3A_1185, %scan3A_1112 : i32
        %get3A_1187 = arith.constant 3 : i32
        %get3A_1188 = arith.index_cast %get3A_1187 : i32 to index
        %get3A_1189 = arith.index_cast %add3A_1186 : i32 to index
        %get3A_1190 = arith.constant 32 : index
        %get3A_1191 = tpu.vector_load %arg6[%get3A_1188, %get3A_1189, %get3A_1190] {strides = array<i32>} : memref<4x128x128xf32, #tpu.memory_space<vmem>>, vector<1x1x16xf32>,
        %get3A_1192 = vector.shape_cast %get3A_1191 : vector<1x1x16xf32> to vector<16xf32>
        %add3A_1193 = arith.constant 64 : i32
        %add3A_1194 = arith.addi %add3A_1193, %scan3A_1112 : i32
        %get3A_1195 = arith.constant 3 : i32
        %get3A_1196 = arith.index_cast %get3A_1195 : i32 to index
        %get3A_1197 = arith.index_cast %add3A_1194 : i32 to index
        %get3A_1198 = arith.constant 32 : index
        %get3A_1199 = tpu.vector_load %arg6[%get3A_1196, %get3A_1197, %get3A_1198] {strides = array<i32>} : memref<4x128x128xf32, #tpu.memory_space<vmem>>, vector<1x1x16xf32>,
        %get3A_1200 = vector.shape_cast %get3A_1199 : vector<1x1x16xf32> to vector<16xf32>
        %add3A_1201 = arith.constant 96 : i32
        %add3A_1202 = arith.addi %add3A_1201, %scan3A_1112 : i32
        %get3A_1203 = arith.constant 3 : i32
        %get3A_1204 = arith.index_cast %get3A_1203 : i32 to index
        %get3A_1205 = arith.index_cast %add3A_1202 : i32 to index
        %get3A_1206 = arith.constant 32 : index
        %get3A_1207 = tpu.vector_load %arg6[%get3A_1204, %get3A_1205, %get3A_1206] {strides = array<i32>} : memref<4x128x128xf32, #tpu.memory_space<vmem>>, vector<1x1x16xf32>,
        %get3A_1208 = vector.shape_cast %get3A_1207 : vector<1x1x16xf32> to vector<16xf32>
        %add3A_1209 = arith.constant 0 : i32
        %add3A_1210 = arith.addi %add3A_1209, %scan3A_1112 : i32
        %get3A_1211 = arith.constant 3 : i32
        %get3A_1212 = arith.index_cast %get3A_1211 : i32 to index
        %get3A_1213 = arith.index_cast %add3A_1210 : i32 to index
        %get3A_1214 = arith.constant 48 : index
        %get3A_1215 = tpu.vector_load %arg6[%get3A_1212, %get3A_1213, %get3A_1214] {strides = array<i32>} : memref<4x128x128xf32, #tpu.memory_space<vmem>>, vector<1x1x16xf32>,
        %get3A_1216 = vector.shape_cast %get3A_1215 : vector<1x1x16xf32> to vector<16xf32>
        %add3A_1217 = arith.constant 32 : i32
        %add3A_1218 = arith.addi %add3A_1217, %scan3A_1112 : i32
        %get3A_1219 = arith.constant 3 : i32
        %get3A_1220 = arith.index_cast %get3A_1219 : i32 to index
        %get3A_1221 = arith.index_cast %add3A_1218 : i32 to index
        %get3A_1222 = arith.constant 48 : index
        %get3A_1223 = tpu.vector_load %arg6[%get3A_1220, %get3A_1221, %get3A_1222] {strides = array<i32>} : memref<4x128x128xf32, #tpu.memory_space<vmem>>, vector<1x1x16xf32>,
        %get3A_1224 = vector.shape_cast %get3A_1223 : vector<1x1x16xf32> to vector<16xf32>
        %add3A_1225 = arith.constant 64 : i32
        %add3A_1226 = arith.addi %add3A_1225, %scan3A_1112 : i32
        %get3A_1227 = arith.constant 3 : i32
        %get3A_1228 = arith.index_cast %get3A_1227 : i32 to index
        %get3A_1229 = arith.index_cast %add3A_1226 : i32 to index
        %get3A_1230 = arith.constant 48 : index
        %get3A_1231 = tpu.vector_load %arg6[%get3A_1228, %get3A_1229, %get3A_1230] {strides = array<i32>} : memref<4x128x128xf32, #tpu.memory_space<vmem>>, vector<1x1x16xf32>,
        %get3A_1232 = vector.shape_cast %get3A_1231 : vector<1x1x16xf32> to vector<16xf32>
        %add3A_1233 = arith.constant 96 : i32
        %add3A_1234 = arith.addi %add3A_1233, %scan3A_1112 : i32
        %get3A_1235 = arith.constant 3 : i32
        %get3A_1236 = arith.index_cast %get3A_1235 : i32 to index
        %get3A_1237 = arith.index_cast %add3A_1234 : i32 to index
        %get3A_1238 = arith.constant 48 : index
        %get3A_1239 = tpu.vector_load %arg6[%get3A_1236, %get3A_1237, %get3A_1238] {strides = array<i32>} : memref<4x128x128xf32, #tpu.memory_space<vmem>>, vector<1x1x16xf32>,
        %get3A_1240 = vector.shape_cast %get3A_1239 : vector<1x1x16xf32> to vector<16xf32>
        %add3A_1241 = arith.addf %get3A_1120, %get3A_1128 : vector<16xf32>
        %add3A_1242 = arith.addf %get3A_1136, %get3A_1144 : vector<16xf32>
        %add3A_1243 = arith.addf %add3A_1241, %add3A_1242 : vector<16xf32>
        %swap3A_1244 = arith.constant 3 : i32
        %swap3A_1245 = arith.index_cast %swap3A_1244 : i32 to index
        %swap3A_1246 = arith.index_cast %scan3A_1112 : i32 to index
        %swap3A_1247 = arith.constant 0 : index
        %swap3A_1248 = tpu.vector_load %arg7[%swap3A_1245, %swap3A_1246, %swap3A_1247] {strides = array<i32>} : memref<4x32x128xf32, #tpu.memory_space<vmem>>, vector<1x1x16xf32>,
        %swap3A_1249 = vector.shape_cast %swap3A_1248 : vector<1x1x16xf32> to vector<16xf32>
        %swap3A_1250 = vector.shape_cast %add3A_1243 : vector<16xf32> to vector<1x1x16xf32>
        tpu.vector_store %arg7[%swap3A_1245, %swap3A_1246, %swap3A_1247], %swap3A_1250 {strides = array<i32>} : memref<4x32x128xf32, #tpu.memory_space<vmem>>, vector<1x1x16xf32>,
        %add3A_1251 = arith.constant 0 : i32
        %add3A_1252 = arith.addi %add3A_1251, %scan3A_1112 : i32
        %get3A_1253 = arith.constant 3 : i32
        %get3A_1254 = arith.index_cast %get3A_1253 : i32 to index
        %get3A_1255 = arith.index_cast %add3A_1252 : i32 to index
        %get3A_1256 = arith.constant 64 : index
        %get3A_1257 = tpu.vector_load %arg6[%get3A_1254, %get3A_1255, %get3A_1256] {strides = array<i32>} : memref<4x128x128xf32, #tpu.memory_space<vmem>>, vector<1x1x16xf32>,
        %get3A_1258 = vector.shape_cast %get3A_1257 : vector<1x1x16xf32> to vector<16xf32>
        %add3A_1259 = arith.constant 32 : i32
        %add3A_1260 = arith.addi %add3A_1259, %scan3A_1112 : i32
        %get3A_1261 = arith.constant 3 : i32
        %get3A_1262 = arith.index_cast %get3A_1261 : i32 to index
        %get3A_1263 = arith.index_cast %add3A_1260 : i32 to index
        %get3A_1264 = arith.constant 64 : index
        %get3A_1265 = tpu.vector_load %arg6[%get3A_1262, %get3A_1263, %get3A_1264] {strides = array<i32>} : memref<4x128x128xf32, #tpu.memory_space<vmem>>, vector<1x1x16xf32>,
        %get3A_1266 = vector.shape_cast %get3A_1265 : vector<1x1x16xf32> to vector<16xf32>
        %add3A_1267 = arith.constant 64 : i32
        %add3A_1268 = arith.addi %add3A_1267, %scan3A_1112 : i32
        %get3A_1269 = arith.constant 3 : i32
        %get3A_1270 = arith.index_cast %get3A_1269 : i32 to index
        %get3A_1271 = arith.index_cast %add3A_1268 : i32 to index
        %get3A_1272 = arith.constant 64 : index
        %get3A_1273 = tpu.vector_load %arg6[%get3A_1270, %get3A_1271, %get3A_1272] {strides = array<i32>} : memref<4x128x128xf32, #tpu.memory_space<vmem>>, vector<1x1x16xf32>,
        %get3A_1274 = vector.shape_cast %get3A_1273 : vector<1x1x16xf32> to vector<16xf32>
        %add3A_1275 = arith.constant 96 : i32
        %add3A_1276 = arith.addi %add3A_1275, %scan3A_1112 : i32
        %get3A_1277 = arith.constant 3 : i32
        %get3A_1278 = arith.index_cast %get3A_1277 : i32 to index
        %get3A_1279 = arith.index_cast %add3A_1276 : i32 to index
        %get3A_1280 = arith.constant 64 : index
        %get3A_1281 = tpu.vector_load %arg6[%get3A_1278, %get3A_1279, %get3A_1280] {strides = array<i32>} : memref<4x128x128xf32, #tpu.memory_space<vmem>>, vector<1x1x16xf32>,
        %get3A_1282 = vector.shape_cast %get3A_1281 : vector<1x1x16xf32> to vector<16xf32>
        %add3A_1283 = arith.addf %get3A_1152, %get3A_1160 : vector<16xf32>
        %add3A_1284 = arith.addf %get3A_1168, %get3A_1176 : vector<16xf32>
        %add3A_1285 = arith.addf %add3A_1283, %add3A_1284 : vector<16xf32>
        %swap3A_1286 = arith.constant 3 : i32
        %swap3A_1287 = arith.index_cast %swap3A_1286 : i32 to index
        %swap3A_1288 = arith.index_cast %scan3A_1112 : i32 to index
        %swap3A_1289 = arith.constant 16 : index
        %swap3A_1290 = tpu.vector_load %arg7[%swap3A_1287, %swap3A_1288, %swap3A_1289] {strides = array<i32>} : memref<4x32x128xf32, #tpu.memory_space<vmem>>, vector<1x1x16xf32>,
        %swap3A_1291 = vector.shape_cast %swap3A_1290 : vector<1x1x16xf32> to vector<16xf32>
        %swap3A_1292 = vector.shape_cast %add3A_1285 : vector<16xf32> to vector<1x1x16xf32>
        tpu.vector_store %arg7[%swap3A_1287, %swap3A_1288, %swap3A_1289], %swap3A_1292 {strides = array<i32>} : memref<4x32x128xf32, #tpu.memory_space<vmem>>, vector<1x1x16xf32>,
        %add3A_1293 = arith.constant 0 : i32
        %add3A_1294 = arith.addi %add3A_1293, %scan3A_1112 : i32
        %get3A_1295 = arith.constant 3 : i32
        %get3A_1296 = arith.index_cast %get3A_1295 : i32 to index
        %get3A_1297 = arith.index_cast %add3A_1294 : i32 to index
        %get3A_1298 = arith.constant 80 : index
        %get3A_1299 = tpu.vector_load %arg6[%get3A_1296, %get3A_1297, %get3A_1298] {strides = array<i32>} : memref<4x128x128xf32, #tpu.memory_space<vmem>>, vector<1x1x16xf32>,
        %get3A_1300 = vector.shape_cast %get3A_1299 : vector<1x1x16xf32> to vector<16xf32>
        %add3A_1301 = arith.constant 32 : i32
        %add3A_1302 = arith.addi %add3A_1301, %scan3A_1112 : i32
        %get3A_1303 = arith.constant 3 : i32
        %get3A_1304 = arith.index_cast %get3A_1303 : i32 to index
        %get3A_1305 = arith.index_cast %add3A_1302 : i32 to index
        %get3A_1306 = arith.constant 80 : index
        %get3A_1307 = tpu.vector_load %arg6[%get3A_1304, %get3A_1305, %get3A_1306] {strides = array<i32>} : memref<4x128x128xf32, #tpu.memory_space<vmem>>, vector<1x1x16xf32>,
        %get3A_1308 = vector.shape_cast %get3A_1307 : vector<1x1x16xf32> to vector<16xf32>
        %add3A_1309 = arith.constant 64 : i32
        %add3A_1310 = arith.addi %add3A_1309, %scan3A_1112 : i32
        %get3A_1311 = arith.constant 3 : i32
        %get3A_1312 = arith.index_cast %get3A_1311 : i32 to index
        %get3A_1313 = arith.index_cast %add3A_1310 : i32 to index
        %get3A_1314 = arith.constant 80 : index
        %get3A_1315 = tpu.vector_load %arg6[%get3A_1312, %get3A_1313, %get3A_1314] {strides = array<i32>} : memref<4x128x128xf32, #tpu.memory_space<vmem>>, vector<1x1x16xf32>,
        %get3A_1316 = vector.shape_cast %get3A_1315 : vector<1x1x16xf32> to vector<16xf32>
        %add3A_1317 = arith.constant 96 : i32
        %add3A_1318 = arith.addi %add3A_1317, %scan3A_1112 : i32
        %get3A_1319 = arith.constant 3 : i32
        %get3A_1320 = arith.index_cast %get3A_1319 : i32 to index
        %get3A_1321 = arith.index_cast %add3A_1318 : i32 to index
        %get3A_1322 = arith.constant 80 : index
        %get3A_1323 = tpu.vector_load %arg6[%get3A_1320, %get3A_1321, %get3A_1322] {strides = array<i32>} : memref<4x128x128xf32, #tpu.memory_space<vmem>>, vector<1x1x16xf32>,
        %get3A_1324 = vector.shape_cast %get3A_1323 : vector<1x1x16xf32> to vector<16xf32>
        %add3A_1325 = arith.addf %get3A_1184, %get3A_1192 : vector<16xf32>
        %add3A_1326 = arith.addf %get3A_1200, %get3A_1208 : vector<16xf32>
        %add3A_1327 = arith.addf %add3A_1325, %add3A_1326 : vector<16xf32>
        %swap3A_1328 = arith.constant 3 : i32
        %swap3A_1329 = arith.index_cast %swap3A_1328 : i32 to index
        %swap3A_1330 = arith.index_cast %scan3A_1112 : i32 to index
        %swap3A_1331 = arith.constant 32 : index
        %swap3A_1332 = tpu.vector_load %arg7[%swap3A_1329, %swap3A_1330, %swap3A_1331] {strides = array<i32>} : memref<4x32x128xf32, #tpu.memory_space<vmem>>, vector<1x1x16xf32>,
        %swap3A_1333 = vector.shape_cast %swap3A_1332 : vector<1x1x16xf32> to vector<16xf32>
        %swap3A_1334 = vector.shape_cast %add3A_1327 : vector<16xf32> to vector<1x1x16xf32>
        tpu.vector_store %arg7[%swap3A_1329, %swap3A_1330, %swap3A_1331], %swap3A_1334 {strides = array<i32>} : memref<4x32x128xf32, #tpu.memory_space<vmem>>, vector<1x1x16xf32>,
        %add3A_1335 = arith.constant 0 : i32
        %add3A_1336 = arith.addi %add3A_1335, %scan3A_1112 : i32
        %get3A_1337 = arith.constant 3 : i32
        %get3A_1338 = arith.index_cast %get3A_1337 : i32 to index
        %get3A_1339 = arith.index_cast %add3A_1336 : i32 to index
        %get3A_1340 = arith.constant 96 : index
        %get3A_1341 = tpu.vector_load %arg6[%get3A_1338, %get3A_1339, %get3A_1340] {strides = array<i32>} : memref<4x128x128xf32, #tpu.memory_space<vmem>>, vector<1x1x16xf32>,
        %get3A_1342 = vector.shape_cast %get3A_1341 : vector<1x1x16xf32> to vector<16xf32>
        %add3A_1343 = arith.constant 32 : i32
        %add3A_1344 = arith.addi %add3A_1343, %scan3A_1112 : i32
        %get3A_1345 = arith.constant 3 : i32
        %get3A_1346 = arith.index_cast %get3A_1345 : i32 to index
        %get3A_1347 = arith.index_cast %add3A_1344 : i32 to index
        %get3A_1348 = arith.constant 96 : index
        %get3A_1349 = tpu.vector_load %arg6[%get3A_1346, %get3A_1347, %get3A_1348] {strides = array<i32>} : memref<4x128x128xf32, #tpu.memory_space<vmem>>, vector<1x1x16xf32>,
        %get3A_1350 = vector.shape_cast %get3A_1349 : vector<1x1x16xf32> to vector<16xf32>
        %add3A_1351 = arith.constant 64 : i32
        %add3A_1352 = arith.addi %add3A_1351, %scan3A_1112 : i32
        %get3A_1353 = arith.constant 3 : i32
        %get3A_1354 = arith.index_cast %get3A_1353 : i32 to index
        %get3A_1355 = arith.index_cast %add3A_1352 : i32 to index
        %get3A_1356 = arith.constant 96 : index
        %get3A_1357 = tpu.vector_load %arg6[%get3A_1354, %get3A_1355, %get3A_1356] {strides = array<i32>} : memref<4x128x128xf32, #tpu.memory_space<vmem>>, vector<1x1x16xf32>,
        %get3A_1358 = vector.shape_cast %get3A_1357 : vector<1x1x16xf32> to vector<16xf32>
        %add3A_1359 = arith.constant 96 : i32
        %add3A_1360 = arith.addi %add3A_1359, %scan3A_1112 : i32
        %get3A_1361 = arith.constant 3 : i32
        %get3A_1362 = arith.index_cast %get3A_1361 : i32 to index
        %get3A_1363 = arith.index_cast %add3A_1360 : i32 to index
        %get3A_1364 = arith.constant 96 : index
        %get3A_1365 = tpu.vector_load %arg6[%get3A_1362, %get3A_1363, %get3A_1364] {strides = array<i32>} : memref<4x128x128xf32, #tpu.memory_space<vmem>>, vector<1x1x16xf32>,
        %get3A_1366 = vector.shape_cast %get3A_1365 : vector<1x1x16xf32> to vector<16xf32>
        %add3A_1367 = arith.addf %get3A_1216, %get3A_1224 : vector<16xf32>
        %add3A_1368 = arith.addf %get3A_1232, %get3A_1240 : vector<16xf32>
        %add3A_1369 = arith.addf %add3A_1367, %add3A_1368 : vector<16xf32>
        %swap3A_1370 = arith.constant 3 : i32
        %swap3A_1371 = arith.index_cast %swap3A_1370 : i32 to index
        %swap3A_1372 = arith.index_cast %scan3A_1112 : i32 to index
        %swap3A_1373 = arith.constant 48 : index
        %swap3A_1374 = tpu.vector_load %arg7[%swap3A_1371, %swap3A_1372, %swap3A_1373] {strides = array<i32>} : memref<4x32x128xf32, #tpu.memory_space<vmem>>, vector<1x1x16xf32>,
        %swap3A_1375 = vector.shape_cast %swap3A_1374 : vector<1x1x16xf32> to vector<16xf32>
        %swap3A_1376 = vector.shape_cast %add3A_1369 : vector<16xf32> to vector<1x1x16xf32>
        tpu.vector_store %arg7[%swap3A_1371, %swap3A_1372, %swap3A_1373], %swap3A_1376 {strides = array<i32>} : memref<4x32x128xf32, #tpu.memory_space<vmem>>, vector<1x1x16xf32>,
        %add3A_1377 = arith.constant 0 : i32
        %add3A_1378 = arith.addi %add3A_1377, %scan3A_1112 : i32
        %get3A_1379 = arith.constant 3 : i32
        %get3A_1380 = arith.index_cast %get3A_1379 : i32 to index
        %get3A_1381 = arith.index_cast %add3A_1378 : i32 to index
        %get3A_1382 = arith.constant 112 : index
        %get3A_1383 = tpu.vector_load %arg6[%get3A_1380, %get3A_1381, %get3A_1382] {strides = array<i32>} : memref<4x128x128xf32, #tpu.memory_space<vmem>>, vector<1x1x16xf32>,
        %get3A_1384 = vector.shape_cast %get3A_1383 : vector<1x1x16xf32> to vector<16xf32>
        %add3A_1385 = arith.constant 32 : i32
        %add3A_1386 = arith.addi %add3A_1385, %scan3A_1112 : i32
        %get3A_1387 = arith.constant 3 : i32
        %get3A_1388 = arith.index_cast %get3A_1387 : i32 to index
        %get3A_1389 = arith.index_cast %add3A_1386 : i32 to index
        %get3A_1390 = arith.constant 112 : index
        %get3A_1391 = tpu.vector_load %arg6[%get3A_1388, %get3A_1389, %get3A_1390] {strides = array<i32>} : memref<4x128x128xf32, #tpu.memory_space<vmem>>, vector<1x1x16xf32>,
        %get3A_1392 = vector.shape_cast %get3A_1391 : vector<1x1x16xf32> to vector<16xf32>
        %add3A_1393 = arith.constant 64 : i32
        %add3A_1394 = arith.addi %add3A_1393, %scan3A_1112 : i32
        %get3A_1395 = arith.constant 3 : i32
        %get3A_1396 = arith.index_cast %get3A_1395 : i32 to index
        %get3A_1397 = arith.index_cast %add3A_1394 : i32 to index
        %get3A_1398 = arith.constant 112 : index
        %get3A_1399 = tpu.vector_load %arg6[%get3A_1396, %get3A_1397, %get3A_1398] {strides = array<i32>} : memref<4x128x128xf32, #tpu.memory_space<vmem>>, vector<1x1x16xf32>,
        %get3A_1400 = vector.shape_cast %get3A_1399 : vector<1x1x16xf32> to vector<16xf32>
        %add3A_1401 = arith.constant 96 : i32
        %add3A_1402 = arith.addi %add3A_1401, %scan3A_1112 : i32
        %get3A_1403 = arith.constant 3 : i32
        %get3A_1404 = arith.index_cast %get3A_1403 : i32 to index
        %get3A_1405 = arith.index_cast %add3A_1402 : i32 to index
        %get3A_1406 = arith.constant 112 : index
        %get3A_1407 = tpu.vector_load %arg6[%get3A_1404, %get3A_1405, %get3A_1406] {strides = array<i32>} : memref<4x128x128xf32, #tpu.memory_space<vmem>>, vector<1x1x16xf32>,
        %get3A_1408 = vector.shape_cast %get3A_1407 : vector<1x1x16xf32> to vector<16xf32>
        %add3A_1409 = arith.addf %get3A_1258, %get3A_1266 : vector<16xf32>
        %add3A_1410 = arith.addf %get3A_1274, %get3A_1282 : vector<16xf32>
        %add3A_1411 = arith.addf %add3A_1409, %add3A_1410 : vector<16xf32>
        %swap3A_1412 = arith.constant 3 : i32
        %swap3A_1413 = arith.index_cast %swap3A_1412 : i32 to index
        %swap3A_1414 = arith.index_cast %scan3A_1112 : i32 to index
        %swap3A_1415 = arith.constant 64 : index
        %swap3A_1416 = tpu.vector_load %arg7[%swap3A_1413, %swap3A_1414, %swap3A_1415] {strides = array<i32>} : memref<4x32x128xf32, #tpu.memory_space<vmem>>, vector<1x1x16xf32>,
        %swap3A_1417 = vector.shape_cast %swap3A_1416 : vector<1x1x16xf32> to vector<16xf32>
        %swap3A_1418 = vector.shape_cast %add3A_1411 : vector<16xf32> to vector<1x1x16xf32>
        tpu.vector_store %arg7[%swap3A_1413, %swap3A_1414, %swap3A_1415], %swap3A_1418 {strides = array<i32>} : memref<4x32x128xf32, #tpu.memory_space<vmem>>, vector<1x1x16xf32>,
        %add3A_1419 = arith.addf %get3A_1300, %get3A_1308 : vector<16xf32>
        %add3A_1420 = arith.addf %get3A_1316, %get3A_1324 : vector<16xf32>
        %add3A_1421 = arith.addf %add3A_1419, %add3A_1420 : vector<16xf32>
        %swap3A_1422 = arith.constant 3 : i32
        %swap3A_1423 = arith.index_cast %swap3A_1422 : i32 to index
        %swap3A_1424 = arith.index_cast %scan3A_1112 : i32 to index
        %swap3A_1425 = arith.constant 80 : index
        %swap3A_1426 = tpu.vector_load %arg7[%swap3A_1423, %swap3A_1424, %swap3A_1425] {strides = array<i32>} : memref<4x32x128xf32, #tpu.memory_space<vmem>>, vector<1x1x16xf32>,
        %swap3A_1427 = vector.shape_cast %swap3A_1426 : vector<1x1x16xf32> to vector<16xf32>
        %swap3A_1428 = vector.shape_cast %add3A_1421 : vector<16xf32> to vector<1x1x16xf32>
        tpu.vector_store %arg7[%swap3A_1423, %swap3A_1424, %swap3A_1425], %swap3A_1428 {strides = array<i32>} : memref<4x32x128xf32, #tpu.memory_space<vmem>>, vector<1x1x16xf32>,
        %add3A_1429 = arith.addf %get3A_1342, %get3A_1350 : vector<16xf32>
        %add3A_1430 = arith.addf %get3A_1358, %get3A_1366 : vector<16xf32>
        %add3A_1431 = arith.addf %add3A_1429, %add3A_1430 : vector<16xf32>
        %swap3A_1432 = arith.constant 3 : i32
        %swap3A_1433 = arith.index_cast %swap3A_1432 : i32 to index
        %swap3A_1434 = arith.index_cast %scan3A_1112 : i32 to index
        %swap3A_1435 = arith.constant 96 : index
        %swap3A_1436 = tpu.vector_load %arg7[%swap3A_1433, %swap3A_1434, %swap3A_1435] {strides = array<i32>} : memref<4x32x128xf32, #tpu.memory_space<vmem>>, vector<1x1x16xf32>,
        %swap3A_1437 = vector.shape_cast %swap3A_1436 : vector<1x1x16xf32> to vector<16xf32>
        %swap3A_1438 = vector.shape_cast %add3A_1431 : vector<16xf32> to vector<1x1x16xf32>
        tpu.vector_store %arg7[%swap3A_1433, %swap3A_1434, %swap3A_1435], %swap3A_1438 {strides = array<i32>} : memref<4x32x128xf32, #tpu.memory_space<vmem>>, vector<1x1x16xf32>,
        %add3A_1439 = arith.addf %get3A_1384, %get3A_1392 : vector<16xf32>
        %add3A_1440 = arith.addf %get3A_1400, %get3A_1408 : vector<16xf32>
        %add3A_1441 = arith.addf %add3A_1439, %add3A_1440 : vector<16xf32>
        %swap3A_1442 = arith.constant 3 : i32
        %swap3A_1443 = arith.index_cast %swap3A_1442 : i32 to index
        %swap3A_1444 = arith.index_cast %scan3A_1112 : i32 to index
        %swap3A_1445 = arith.constant 112 : index
        %swap3A_1446 = tpu.vector_load %arg7[%swap3A_1443, %swap3A_1444, %swap3A_1445] {strides = array<i32>} : memref<4x32x128xf32, #tpu.memory_space<vmem>>, vector<1x1x16xf32>,
        %swap3A_1447 = vector.shape_cast %swap3A_1446 : vector<1x1x16xf32> to vector<16xf32>
        %swap3A_1448 = vector.shape_cast %add3A_1441 : vector<16xf32> to vector<1x1x16xf32>
        tpu.vector_store %arg7[%swap3A_1443, %swap3A_1444, %swap3A_1445], %swap3A_1448 {strides = array<i32>} : memref<4x32x128xf32, #tpu.memory_space<vmem>>, vector<1x1x16xf32>,
      }
      %scan3A_725 = arith.constant 32 : i32
      %mul3A_726 = arith.constant 128 : i32
      %mul3A_727 = arith.muli %sub3A_256, %mul3A_726 : i32
      %add3A_728 = arith.constant 96 : i32
      %add3A_729 = arith.addi %mul3A_727, %add3A_728 : i32
      %mul3A_730 = arith.constant 200 : i32
      %mul3A_731 = arith.muli %add3A_729, %mul3A_730 : i32
      %add3A_732 = arith.addi %mul3A_731, %select_n3A : i32
      %iota3A_733 = tpu.iota {dimensions = array<i32: 0>} : vector<16xi32>
      %add3A_734 = arith.constant 0 : i32
      %add3A_735 = vector.broadcast %add3A_734 : i32 to vector<16xi32>
      %add3A_736 = arith.addi %add3A_735, %iota3A_733 : vector<16xi32>
      %mul3A_737 = arith.constant 200 : i32
      %mul3A_738 = vector.broadcast %mul3A_737 : i32 to vector<16xi32>
      %mul3A_739 = arith.muli %add3A_736, %mul3A_738 : vector<16xi32>
      %add3A_740 = vector.broadcast %add3A_732 : i32 to vector<16xi32>
      %add3A_741 = arith.addi %add3A_740, %mul3A_739 : vector<16xi32>
      %swap3A_742 = arith.constant 3 : i32
      %swap3A_743 = arith.index_cast %swap3A_742 : i32 to index
      %swap3A_744 = arith.constant 0 : index
      %swap3A_745 = tpu.vector_load %arg8[%swap3A_743, %swap3A_744] {strides = array<i32>} : memref<4x32xi32, #tpu.memory_space<vmem>>, vector<1x16xi32>,
      %swap3A_746 = vector.shape_cast %swap3A_745 : vector<1x16xi32> to vector<16xi32>
      %swap3A_747 = vector.shape_cast %add3A_741 : vector<16xi32> to vector<1x16xi32>
      tpu.vector_store %arg8[%swap3A_743, %swap3A_744], %swap3A_747 {strides = array<i32>} : memref<4x32xi32, #tpu.memory_space<vmem>>, vector<1x16xi32>,
      %iota3A_748 = tpu.iota {dimensions = array<i32: 0>} : vector<16xi32>
      %add3A_749 = arith.constant 16 : i32
      %add3A_750 = vector.broadcast %add3A_749 : i32 to vector<16xi32>
      %add3A_751 = arith.addi %add3A_750, %iota3A_748 : vector<16xi32>
      %mul3A_752 = arith.constant 200 : i32
      %mul3A_753 = vector.broadcast %mul3A_752 : i32 to vector<16xi32>
      %mul3A_754 = arith.muli %add3A_751, %mul3A_753 : vector<16xi32>
      %add3A_755 = vector.broadcast %add3A_732 : i32 to vector<16xi32>
      %add3A_756 = arith.addi %add3A_755, %mul3A_754 : vector<16xi32>
      %swap3A_757 = arith.constant 3 : i32
      %swap3A_758 = arith.index_cast %swap3A_757 : i32 to index
      %swap3A_759 = arith.constant 16 : index
      %swap3A_760 = tpu.vector_load %arg8[%swap3A_758, %swap3A_759] {strides = array<i32>} : memref<4x32xi32, #tpu.memory_space<vmem>>, vector<1x16xi32>,
      %swap3A_761 = vector.shape_cast %swap3A_760 : vector<1x16xi32> to vector<16xi32>
      %swap3A_762 = vector.shape_cast %add3A_756 : vector<16xi32> to vector<1x16xi32>
      tpu.vector_store %arg8[%swap3A_758, %swap3A_759], %swap3A_762 {strides = array<i32>} : memref<4x32xi32, #tpu.memory_space<vmem>>, vector<1x16xi32>,
      %dma_start3A_763 = arith.constant 3 : i32
      %dma_start3A_764 = arith.constant 3 : i32
      %dma_start3A_765 = arith.constant 0 : i32
      %dma_start3A_766 = arith.constant 0 : i32
      %dma_start3A_767 = tpu.memref_slice %arg7[%dma_start3A_763, %dma_start3A_765, %dma_start3A_766] : memref<4x32x128xf32, #tpu.memory_space<vmem>> -> memref<1x32x128xf32, #tpu.memory_space<vmem>>
      %dma_start3A_768 = tpu.memref_squeeze %dma_start3A_767 : memref<1x32x128xf32, #tpu.memory_space<vmem>> -> memref<32x128xf32, #tpu.memory_space<vmem>>
      %dma_start3A_769 = arith.constant 0 : i32
      %dma_start3A_770 = tpu.memref_slice %arg8[%dma_start3A_764, %dma_start3A_769] : memref<4x32xi32, #tpu.memory_space<vmem>> -> memref<1x32xi32, #tpu.memory_space<vmem>>
      %dma_start3A_771 = tpu.memref_squeeze %dma_start3A_770 : memref<1x32xi32, #tpu.memory_space<vmem>> -> memref<32xi32, #tpu.memory_space<vmem>>
      %dma_start3A_772 = arith.constant 0 : i32
      %dma_start3A_773 = arith.constant 0 : i32
      %dma_start3A_774 = tpu.memref_slice %arg4[%dma_start3A_772, %dma_start3A_773] : memref<204800x128xf32, #tpu.memory_space<hbm>> -> memref<204800x128xf32, #tpu.memory_space<hbm>>
      tpu.enqueue_indirect_dma source(%dma_start3A_768 : memref<32x128xf32, #tpu.memory_space<vmem>>) target(%dma_start3A_774 : memref<204800x128xf32, #tpu.memory_space<hbm>>) offsets(%dma_start3A_771 : memref<32xi32, #tpu.memory_space<vmem>>) semaphore(%arg16 : memref<!tpu.dma_semaphore, #tpu.memory_space<semaphore_mem>>)
    }
    %scan3A_188 = arith.constant 50 : i32
    %dma_wait3A = arith.constant 0 : i32
    %dma_wait3A_189 = arith.constant 0 : i32
    %dma_wait3A_190 = arith.constant 0 : i32
    %dma_wait3A_191 = arith.constant 0 : i32
    %dma_wait3A_192 = tpu.memref_slice %arg7[%dma_wait3A, %dma_wait3A_190, %dma_wait3A_191] : memref<4x32x128xf32, #tpu.memory_space<vmem>> -> memref<1x32x128xf32, #tpu.memory_space<vmem>>
    %dma_wait3A_193 = tpu.memref_squeeze %dma_wait3A_192 : memref<1x32x128xf32, #tpu.memory_space<vmem>> -> memref<32x128xf32, #tpu.memory_space<vmem>>
    %dma_wait3A_194 = arith.constant 0 : i32
    %dma_wait3A_195 = tpu.memref_slice %arg8[%dma_wait3A_189, %dma_wait3A_194] : memref<4x32xi32, #tpu.memory_space<vmem>> -> memref<1x32xi32, #tpu.memory_space<vmem>>
    %dma_wait3A_196 = tpu.memref_squeeze %dma_wait3A_195 : memref<1x32xi32, #tpu.memory_space<vmem>> -> memref<32xi32, #tpu.memory_space<vmem>>
    %dma_wait3A_197 = arith.constant 0 : i32
    %dma_wait3A_198 = arith.constant 0 : i32
    %dma_wait3A_199 = tpu.memref_slice %arg4[%dma_wait3A_197, %dma_wait3A_198] : memref<204800x128xf32, #tpu.memory_space<hbm>> -> memref<204800x128xf32, #tpu.memory_space<hbm>>
    tpu.wait_indirect_dma semaphore(%arg13 : memref<!tpu.dma_semaphore, #tpu.memory_space<semaphore_mem>>) src(%dma_wait3A_193 : memref<32x128xf32, #tpu.memory_space<vmem>>) dst(%dma_wait3A_199 : memref<204800x128xf32, #tpu.memory_space<hbm>>)
    %dma_wait3A_200 = arith.constant 1 : i32
    %dma_wait3A_201 = arith.constant 1 : i32
    %dma_wait3A_202 = arith.constant 0 : i32
    %dma_wait3A_203 = arith.constant 0 : i32
    %dma_wait3A_204 = tpu.memref_slice %arg7[%dma_wait3A_200, %dma_wait3A_202, %dma_wait3A_203] : memref<4x32x128xf32, #tpu.memory_space<vmem>> -> memref<1x32x128xf32, #tpu.memory_space<vmem>>
    %dma_wait3A_205 = tpu.memref_squeeze %dma_wait3A_204 : memref<1x32x128xf32, #tpu.memory_space<vmem>> -> memref<32x128xf32, #tpu.memory_space<vmem>>
    %dma_wait3A_206 = arith.constant 0 : i32
    %dma_wait3A_207 = tpu.memref_slice %arg8[%dma_wait3A_201, %dma_wait3A_206] : memref<4x32xi32, #tpu.memory_space<vmem>> -> memref<1x32xi32, #tpu.memory_space<vmem>>
    %dma_wait3A_208 = tpu.memref_squeeze %dma_wait3A_207 : memref<1x32xi32, #tpu.memory_space<vmem>> -> memref<32xi32, #tpu.memory_space<vmem>>
    %dma_wait3A_209 = arith.constant 0 : i32
    %dma_wait3A_210 = arith.constant 0 : i32
    %dma_wait3A_211 = tpu.memref_slice %arg4[%dma_wait3A_209, %dma_wait3A_210] : memref<204800x128xf32, #tpu.memory_space<hbm>> -> memref<204800x128xf32, #tpu.memory_space<hbm>>
    tpu.wait_indirect_dma semaphore(%arg14 : memref<!tpu.dma_semaphore, #tpu.memory_space<semaphore_mem>>) src(%dma_wait3A_205 : memref<32x128xf32, #tpu.memory_space<vmem>>) dst(%dma_wait3A_211 : memref<204800x128xf32, #tpu.memory_space<hbm>>)
    %dma_wait3A_212 = arith.constant 2 : i32
    %dma_wait3A_213 = arith.constant 2 : i32
    %dma_wait3A_214 = arith.constant 0 : i32
    %dma_wait3A_215 = arith.constant 0 : i32
    %dma_wait3A_216 = tpu.memref_slice %arg7[%dma_wait3A_212, %dma_wait3A_214, %dma_wait3A_215] : memref<4x32x128xf32, #tpu.memory_space<vmem>> -> memref<1x32x128xf32, #tpu.memory_space<vmem>>
    %dma_wait3A_217 = tpu.memref_squeeze %dma_wait3A_216 : memref<1x32x128xf32, #tpu.memory_space<vmem>> -> memref<32x128xf32, #tpu.memory_space<vmem>>
    %dma_wait3A_218 = arith.constant 0 : i32
    %dma_wait3A_219 = tpu.memref_slice %arg8[%dma_wait3A_213, %dma_wait3A_218] : memref<4x32xi32, #tpu.memory_space<vmem>> -> memref<1x32xi32, #tpu.memory_space<vmem>>
    %dma_wait3A_220 = tpu.memref_squeeze %dma_wait3A_219 : memref<1x32xi32, #tpu.memory_space<vmem>> -> memref<32xi32, #tpu.memory_space<vmem>>
    %dma_wait3A_221 = arith.constant 0 : i32
    %dma_wait3A_222 = arith.constant 0 : i32
    %dma_wait3A_223 = tpu.memref_slice %arg4[%dma_wait3A_221, %dma_wait3A_222] : memref<204800x128xf32, #tpu.memory_space<hbm>> -> memref<204800x128xf32, #tpu.memory_space<hbm>>
    tpu.wait_indirect_dma semaphore(%arg15 : memref<!tpu.dma_semaphore, #tpu.memory_space<semaphore_mem>>) src(%dma_wait3A_217 : memref<32x128xf32, #tpu.memory_space<vmem>>) dst(%dma_wait3A_223 : memref<204800x128xf32, #tpu.memory_space<hbm>>)
    %dma_wait3A_224 = arith.constant 3 : i32
    %dma_wait3A_225 = arith.constant 3 : i32
    %dma_wait3A_226 = arith.constant 0 : i32
    %dma_wait3A_227 = arith.constant 0 : i32
    %dma_wait3A_228 = tpu.memref_slice %arg7[%dma_wait3A_224, %dma_wait3A_226, %dma_wait3A_227] : memref<4x32x128xf32, #tpu.memory_space<vmem>> -> memref<1x32x128xf32, #tpu.memory_space<vmem>>
    %dma_wait3A_229 = tpu.memref_squeeze %dma_wait3A_228 : memref<1x32x128xf32, #tpu.memory_space<vmem>> -> memref<32x128xf32, #tpu.memory_space<vmem>>
    %dma_wait3A_230 = arith.constant 0 : i32
    %dma_wait3A_231 = tpu.memref_slice %arg8[%dma_wait3A_225, %dma_wait3A_230] : memref<4x32xi32, #tpu.memory_space<vmem>> -> memref<1x32xi32, #tpu.memory_space<vmem>>
    %dma_wait3A_232 = tpu.memref_squeeze %dma_wait3A_231 : memref<1x32xi32, #tpu.memory_space<vmem>> -> memref<32xi32, #tpu.memory_space<vmem>>
    %dma_wait3A_233 = arith.constant 0 : i32
    %dma_wait3A_234 = arith.constant 0 : i32
    %dma_wait3A_235 = tpu.memref_slice %arg4[%dma_wait3A_233, %dma_wait3A_234] : memref<204800x128xf32, #tpu.memory_space<hbm>> -> memref<204800x128xf32, #tpu.memory_space<hbm>>
    tpu.wait_indirect_dma semaphore(%arg16 : memref<!tpu.dma_semaphore, #tpu.memory_space<semaphore_mem>>) src(%dma_wait3A_229 : memref<32x128xf32, #tpu.memory_space<vmem>>) dst(%dma_wait3A_235 : memref<204800x128xf32, #tpu.memory_space<hbm>>)
    return
  }
}

</mosaic_0001>

<sc_bundles>
// kernel: kernel.3.cloned.1.call-start
scs
__scs_entry_jumppad:
0x0: {  	(pc) =	sbr.rel $0x88, $3  }
0x1: {  	(tag) =	ssettag $0x0;
	lr =	simm.s32 $0x1  }
0x2: {  	[smem:$0x3F9F] =	sst lr;
	_ =	strace $0xD0000000  }
0x3: {  	_ = 	snop  }
0x4: {  	_ = 	snop  }
0x5: {  	_ = 	snop  }
0x6: {  	_ = 	snop  }
0x7: {  	_ = 	snop  }
__scs_overlays_trampoline_lowered:
0x8: {  	[smem:$0x3FAE] =	sst s0  }
0x9: {  	[smem:$0x3FAF] =	sst s1  }
0xa: {  	[smem:$0x3FB0] =	sst s2  }
0xb: {  	[smem:$0x3FB1] =	sst s3  }
0xc: {  	[smem:$0x3FB2] =	sst s4  }
0xd: {  	[smem:$0x3FB3] =	sst s5  }
0xe: {  	[smem:$0x3FB4] =	sst s6  }
0xf: {  	[smem:$0x3FB5] =	sst s7  }
0x10: {  	[smem:$0x3FB6] =	sst s8  }
0x11: {  	[smem:$0x3FB7] =	sst s9;
	s0 =	simm.s32 @!p0 $0x0  }
0x12: {  	s1 =	sld [smem:$0x3F9D];
	s0 =	simm.s32 @p0 $0x1  }
0x13: {  	[smem:$0x3FB8] =	sst s0;
	s0 =	simm.s32 @!p1 $0x0  }
0x14: {  	s2 =	sld [smem:$0x3F9C];
	s0 =	simm.s32 @p1 $0x1  }
0x15: {  	[smem:$0x3FB9] =	sst s0;
	s0 =	simm.s32 @!p2 $0x0  }
0x16: {  	s3 =	sld [smem:$0x3FDB];
	s0 =	simm.s32 @p2 $0x1  }
0x17: {  	s4 =	simm.s32 $0x1BF5;
	[smem:$0x3FBB] =	sst s0  }
0x18: {  	s0 =	sld [smem:$0x3F9E];
	_ =	swait.ge [sflag:s4], $0x0  }
0x19: {  	s7 =	sld [smem:$0x3F9F]  }
0x1a: {  	s8 =	sadd.s32 $0xFFFFE003, lr  }
0x1b: {  	s9 =	sadd.s32 $0xFFFFFEF7, lr;
	s5 =	simm.s32 $0xFFFFFFFF;
	p2 =	slt.u32 s8, $0xFFFFF086  }
0x1c: {  	p1 =	slt.u32 s9, $0xF7A;
	s5 =	simm.s32 @!p2 $0x0  }
0x1d: {  	s5 =	simm.s32 @p1 $0x1;
	p0 =	seq.s32 s7, s2  }
0x1e: {  	s7 =	smul.u32 @!p0 $0xF7A, s2;
	p2 =	seq.s32 @!p0 s5, $0x0  }
0x1f: {  	s9 =	smul.u32 $0xF7A, s1;
	s8 =	simm.s32 @!p0 $0x1BF5;
	p2 =	por !p2, p0  }
0x20: {  	[sflag:s8] =	ssyncset.s32 @!p0 $0xFFFFF086;
	s6 =	sadd.s32 @!p0 s3, s7;
	s7 =	simm.s32 @!p0 $0x108  }
0x21: {  	s3 =	sadd.s32 s3, s9;
	s6 =	sadd.s32 @!p0 $0x88, s6;
	s7 =	simm.s32 @p2 $0x1082  }
0x22: {  	[simem:s7], [sflag:s8] =	dma.local @!p0 [hbm:s6], $0xF7A  }
0x23: {  	s9 =	sor.u32 $0xD0000000, s2;
	s6 =	simm.s32 $0x108;
	_ =	swait.ge @!p0 [sflag:s8], $0x0  }
0x24: {  	s3 =	sadd.s32 $0x88, s3;
	s6 =	simm.s32 @!p1 $0x1082;
	[sflag:s4] =	ssyncset.s32 $0xFFFFF086  }
0x25: {  	[simem:s6], [sflag:s4] =	dma.local [hbm:s3], $0xF7A  }
0x26: {  	[smem:$0x3F9F] =	sst s1;
	(tag) =	ssettag s2;
	_ =	strace s9  }
0x27: {  	s1 =	sld [smem:$0x3FAF]  }
0x28: {  	s2 =	sld [smem:$0x3FB0]  }
0x29: {  	s4 =	sld [smem:$0x3FB2]  }
0x2a: {  	p0 =	seq.s32 s5, $0x0;
	s5 =	sld [smem:$0x3FB3]  }
0x2b: {  	s6 =	sld [smem:$0x3FB4]  }
0x2c: {  	s7 =	sld [smem:$0x3FB5]  }
0x2d: {  	s3 =	simm.s32 $0x108;
	s8 =	sld [smem:$0x3FB6]  }
0x2e: {  	s3 =	simm.s32 @!p0 $0x1082;
	s9 =	sld [smem:$0x3FB7]  }
0x2f: {  	lr =	sadd.s32 s0, s3;
	s0 =	sld [smem:$0x3FAE]  }
0x30: {  	s3 =	sld [smem:$0x3FB1]  }
0x31: {  	[smem:$0x3FBA] =	sst s10  }
0x32: {  	s10 =	sld [smem:$0x3FB8];
	_ =	sdelay $0x3  }
0x33: {  	p0 =	seq.s32 s10, $0x1;
	s10 =	sld [smem:$0x3FBA];
	_ =	sdelay $0x3  }
0x34: {  	[smem:$0x3FBA] =	sst s10  }
0x35: {  	s10 =	sld [smem:$0x3FB9];
	_ =	sdelay $0x3  }
0x36: {  	p1 =	seq.s32 s10, $0x1;
	s10 =	sld [smem:$0x3FBA];
	_ =	sdelay $0x3  }
0x37: {  	[smem:$0x3FBA] =	sst s10  }
0x38: {  	s10 =	sld [smem:$0x3FBB]  }
0x39: {  	_ = 	snop;
	(pc) =	sbr.ind lr, $3  }
0x3a: {  	_ = 	snop  }
0x3b: {  	_ = 	snop  }
0x3c: {  	p2 =	seq.s32 s10, $0x1;
	s10 =	sld [smem:$0x3FBA]  }
0x3d: {  	_ =	shalt  }
0x3e: {  	_ =	shalt  }
0x3f: {  	_ =	shalt  }
0x40: {  	_ =	shalt  }
0x41: {  	_ =	shalt  }
0x42: {  	_ =	shalt  }
0x43: {  	_ =	shalt  }
0x44: {  	_ =	shalt  }
0x45: {  	_ =	shalt  }
0x46: {  	_ =	shalt  }
0x47: {  	_ =	shalt  }
0x48: {  	_ =	shalt  }
0x49: {  	_ =	shalt  }
0x4a: {  	_ =	shalt  }
0x4b: {  	_ =	shalt  }
0x4c: {  	_ =	shalt  }
0x4d: {  	_ =	shalt  }
0x4e: {  	_ =	shalt  }
0x4f: {  	_ =	shalt  }
0x50: {  	_ =	shalt  }
0x51: {  	_ =	shalt  }
0x52: {  	_ =	shalt  }
0x53: {  	_ =	shalt  }
0x54: {  	_ =	shalt  }
0x55: {  	_ =	shalt  }
0x56: {  	_ =	shalt  }
0x57: {  	_ =	shalt  }
0x58: {  	_ =	shalt  }
0x59: {  	_ =	shalt  }
0x5a: {  	_ =	shalt  }
0x5b: {  	_ =	shalt  }
0x5c: {  	_ =	shalt  }
0x5d: {  	_ =	shalt  }
0x5e: {  	_ =	shalt  }
0x5f: {  	_ =	shalt  }
0x60: {  	_ =	shalt  }
0x61: {  	_ =	shalt  }
0x62: {  	_ =	shalt  }
0x63: {  	_ =	shalt  }
0x64: {  	_ =	shalt  }
0x65: {  	_ =	shalt  }
0x66: {  	_ =	shalt  }
0x67: {  	_ =	shalt  }
0x68: {  	_ =	shalt  }
0x69: {  	_ =	shalt  }
0x6a: {  	_ =	shalt  }
0x6b: {  	_ =	shalt  }
0x6c: {  	_ =	shalt  }
0x6d: {  	_ =	shalt  }
0x6e: {  	_ =	shalt  }
0x6f: {  	_ =	shalt  }
0x70: {  	_ =	shalt  }
0x71: {  	_ =	shalt  }
0x72: {  	_ =	shalt  }
0x73: {  	_ =	shalt  }
0x74: {  	_ =	shalt  }
0x75: {  	_ =	shalt  }
0x76: {  	_ =	shalt  }
0x77: {  	_ =	shalt  }
0x78: {  	_ =	shalt  }
0x79: {  	_ =	shalt  }
0x7a: {  	_ =	shalt  }
0x7b: {  	_ =	shalt  }
0x7c: {  	_ =	shalt  }
0x7d: {  	_ =	shalt  }
0x7e: {  	_ =	shalt  }
0x7f: {  	_ =	shalt  }
0x80: {  	_ =	shalt  }
0x81: {  	_ =	shalt  }
0x82: {  	_ =	shalt  }
0x83: {  	_ =	shalt  }
0x84: {  	_ =	shalt  }
0x85: {  	_ =	shalt  }
0x86: {  	_ =	shalt  }
0x87: {  	_ =	shalt  }
.Lfunc_end0:
.L_simem_size_0:
called_computation_lowered:
.L_overlay_start_0:
0x88: {  	s2 =	sld [smem:$0x3FD9]  }
0x89: {  	s3 =	sld [smem:$0x3FFE];
	_ =	sdelay $0x1  }
0x8a: {  	s1 =	srdreg.scid  }
0x8b: {  	s0 =	sand.u32 $0x1, s1  }
0x8c: {  	s18 =	sshll.u32 s0, $0xA;
	s2 =	sadd.s32 s3, s2  }
0x8d: {  	s2 =	sadd.s32 s2, s18  }
0x8e: {  	[smem:$0x3FC6] =	sst s2  }
0x8f: {  	_ = 	snop  }
0x90: {  	s2 =	sld [smem:$0x3FC9]  }
0x91: {  	s19 =	sld [smem:$0x3FC8]  }
0x92: {  	s4 =	sld [smem:$0x3FD0];
	(tm) =	ssettm $0x1  }
0x93: {  	s5 =	sld [smem:$0x3FFB];
	_ =	sdelay $0x3  }
0x94: {  	_ =	strace s5  }
0x95: {  	s5 =	sld [smem:$0x3FFC];
	_ =	sdelay $0x3  }
0x96: {  	_ =	strace s5  }
0x97: {  	s5 =	sld [smem:$0x3FFD];
	_ =	sdelay $0x3  }
0x98: {  	_ =	strace s5  }
0x99: {  	_ =	strace $0x8FFFFFFF  }
0x9a: {  	s20 =	sld [smem:$0x3FDB];
	_ =	sdelay $0x1  }
0x9b: {  	s6 =	simm.s32 $_scs_section_size  }
0x9c: {  	s7 =	simm.s32 $_size__tile_overlayer_lowered;
	s8 =	simm.s32 $_tile_overlayer_lowered  }
0x9d: {  	s23 =	simm.s32 $0x1BFF;
	s22 =	sshll.u32 s8, $0x1;
	s5 =	sadd.s32 s6, s20  }
0x9e: {  	s9 =	simm.s32 $0x0;
	s21 =	sshll.u32 s7, $0x1;
	s7 =	sadd.s32 s22, s5  }
0x9f: {  	[timem:s9], [sflag:s23] =	dma.local [hbm:s7], s21  }
0xa0: {  	_ =	swait.ge [sflag:s23], s21  }
0xa1: {  	s6 =	ssub.s32 $0x0, s21;
	[sflag:s23] =	ssyncset.done $0x0  }
0xa2: {  	[sflag:s23] =	ssyncadd.s32 s6;
	_ =	sdelay $0x1  }
0xa3: {  	s24 =	simm.s32 $0x1B8B  }
0xa4: {  	_ =	swait.ge [sflag:s24], $0x1  }
0xa5: {  	[sflag:s24] =	ssyncset.done $0x0  }
0xa6: {  	s25 =	simm.s32 $0x1B8E;
	[sflag:s24] =	ssyncadd.s32 $0xFFFFFFFF  }
0xa7: {  	s26 =	simm.s32 $execute0_lowered;
	[smem:$0x3FD2] =	sst s25  }
0xa8: {  	s6 =	sshll.u32 s26, $0x1;
	_ =	strace $0x80000046;
	[dreg:$0x1] =	wrdreg $0xFFFFFFFF  }
0xa9: {  	s28 =	simm.s32 $_size_execute0_lowered;
	s5 =	sadd.s32 s5, s6;
	[dreg:$0x0] =	wrdreg $0x0  }
0xaa: {  	s6 =	sshll.u32 s28, $0x1;
	[dreg:$0x2] =	wrdreg s5  }
0xab: {  	[dreg:$0x3] =	wrdreg s6  }
0xac: {  	[dreg:$0x4] =	wrdreg $0xC0  }
0xad: {  	_ =	task [dreg:s9], $0x5FFFF  }
0xae: {  	[dreg:$0x1] =	wrdreg $0xFFFFFFFF  }
0xaf: {  	[dreg:$0x0] =	wrdreg $0x60  }
0xb0: {  	[dreg:$0x2] =	wrdreg s2  }
0xb1: {  	[dreg:$0x3] =	wrdreg s19  }
0xb2: {  	[dreg:$0x4] =	wrdreg s4  }
0xb3: {  	[dreg:$0x5] =	wrdreg $0x9  }
0xb4: {  	_ =	task.clear_ibuf [dreg:s9], $0x6FFFF;
	_ =	strace $0x90000046  }
0xb5: {  	s29 =	simm.s32 $0x9;
	_ =	strace $0x80000048  }
0xb6: {  	_ =	swait.ge [sflag:s29], $0x1  }
0xb7: {  	[sflag:s29] =	ssyncadd.s32 $0xFFFFFFFF  }
0xb8: {  	_ =	strace $0x90000048  }
0xb9: {  	_ =	sfence  }
0xba: {  	s30 =	sld [smem:$0x0];
	_ =	sdelay $0x2  }
0xbb: {  	s31 =	sshll.u32 s1, $0xD;
	s1 =	sshrl.u32 s1, $0x2  }
0xbc: {  	s3 =	sand.u32 $0x4000, s31;
	s1 =	sadd.s32 s1, s30  }
0xbd: {  	s0 =	sor.u32 s3, s0;
	s1 =	sshll.u32 s1, $0x11  }
0xbe: {  	s0 =	sor.u32 s1, s0  }
0xbf: {  	s0 =	sadd.s32 $0x8F2B, s0  }
0xc0: {  	[sflag:s0] =	ssyncadd.remote.s32 $0x1  }
0xc1: {  	_ =	sfence.sel $0xFFFF  }
0xc2: {  	[dreg:$0x0] =	wrdreg $0xFFFFFFFF;
	(pc) =	sbr.abs _section_cstart, $3  }
0xc3: {  	[dreg:$0x1] =	wrdreg $0xFFFFFFFF  }
0xc4: {  	_ =	task.clear_ibuf [dreg:s9], $0x2FFFF;
	_ =	strace $0x9FFFFFFF  }
0xc5: {  	(tm) =	ssettm $0x7FFFFFFF  }
tec
execute0_lowered:
.L_overlay_start_1:
0x0: {  	(tag) =	ssettag $0x1  }
0x1: {  	s0 =	rddreg [dreg:$0x0]  }
0x2: {  	s2 =	rddreg [dreg:$0x1]  }
0x3: {  	s3 =	rddreg [dreg:$0x2]  }
0x4: {  	s1 =	srdreg.scid;
	s4 =	stileid.u32;
	s6 =	simm.s32 $0x0  }
0x5: {  	s9 =	simm.s32 $0x20;
	s10 =	simm.s32 $0x13400;
	s11 =	simm.s32 $0x14400  }
0x6: {  	s12 =	simm.s32 $0x15400;
	s13 =	simm.s32 $0x1;
	s14 =	simm.s32 $0x1A400  }
0x7: {  	s15 =	simm.s32 $0x16400;
	s16 =	simm.s32 $0x2;
	s17 =	simm.s32 $0x1A480  }
0x8: {  	s18 =	simm.s32 $0x17400;
	s19 =	simm.s32 $0x3;
	s20 =	simm.s32 $0x1A500  }
0x9: {  	s21 =	simm.s32 $0x18400;
	s1 =	sand.u32 $0x1, s1;
	s4 =	sshll.u32 s4, $0x1  }
0xa: {  	s22 =	simm.s32 $0x4;
	s5 =	ssub.s32 $0x2, s1;
	s1 =	sor.u32 s1, s4  }
0xb: {  	s23 =	simm.s32 $0x1A580;
	s24 =	simm.s32 $0x19400;
	s28 =	smul.u32 $0xC80, s1  }
0xc: {  	v0 =	vlaneseq.u32;
	s29 =	simm.s32 $0x8;
	s30 =	simm.s32 $0x0;
	s26 =	sshrl.u32 s5, $0x1  }
0xd: {  	[smem:$0x7FF] =	sst s6;
	v0 =	vmul.u32 $0xC8, v0;
	s4 =	ssub.s32 s5, s26;
	s0 =	sadd.s32 s0, s28  }
0xe: {  	_ =	strace $0x80000047;
	s31 =	smax.u32 s4, $0x1;
	[dreg:$0x4] =	wrdreg s0  }
0xf: {  	s6 =	smul.u32 $0x32, s1;
	s1 =	simm.s32 $0x12400;
	v1 =	vadd.s32 $0xC80, v0;
	[dreg:$0x5] =	wrdreg s31  }
.LBB2_1:
0x10: {  	s0 =	simm.s32 $0x0;
	s4 =	rddreg [dreg:$0x4];
	s31 =	simm.s32 $0x9  }
0x11: {  	[tilespmem:s0], [sflag:$0x9] =	stream.linear.gather [hbm4b:s4+s0], $0x6400, $0x38;
	[tilespmem:$0x1A600] =	vst v63  }
0x12: {  	_ =	swait.ge [sflag:s31], $0x6400  }
0x13: {  	[sflag:s31] =	ssyncset.done $0x0  }
0x14: {  	s5 =	simm.s32 $0x6400;
	[sflag:s31] =	ssyncadd.s32 $0xFFFF9C00  }
0x15: {  	[tilespmem:s5], [sflag:$0x1] =	stream.indirect.gather [hbm4b:s2+s9], $0x80, s0, s9, $0xb8;
	[tilespmem:$0x1A600] =	vst v63  }
0x16: {  	s7 =	simm.s32 $0x80;
	s8 =	simm.s32 $0x7400  }
0x17: {  	[tilespmem:s8], [sflag:$0x1] =	stream.indirect.gather [hbm4b:s2+s9], $0x80, s7, s9, $0xb8;
	[tilespmem:$0x1A600] =	vst v63  }
0x18: {  	s25 =	simm.s32 $0x100;
	s26 =	simm.s32 $0x8400  }
0x19: {  	[tilespmem:s26], [sflag:$0x1] =	stream.indirect.gather [hbm4b:s2+s9], $0x80, s25, s9, $0xb8;
	[tilespmem:$0x1A600] =	vst v63  }
0x1a: {  	s28 =	simm.s32 $0x180;
	s31 =	simm.s32 $0x9400  }
0x1b: {  	[tilespmem:s31], [sflag:$0x1] =	stream.indirect.gather [hbm4b:s2+s9], $0x80, s28, s9, $0xb8;
	[tilespmem:$0x1A600] =	vst v63  }
0x1c: {  	s5 =	simm.s32 $0xA400  }
0x1d: {  	[tilespmem:s5], [sflag:$0x2] =	stream.indirect.gather [hbm4b:s2+s9], $0x80, s9, s9, $0xb8;
	[tilespmem:$0x1A600] =	vst v63  }
0x1e: {  	s7 =	simm.s32 $0xA0;
	s8 =	simm.s32 $0xB400  }
0x1f: {  	[tilespmem:s8], [sflag:$0x2] =	stream.indirect.gather [hbm4b:s2+s9], $0x80, s7, s9, $0xb8;
	[tilespmem:$0x1A600] =	vst v63  }
0x20: {  	s25 =	simm.s32 $0x120;
	s26 =	simm.s32 $0xC400  }
0x21: {  	[tilespmem:s26], [sflag:$0x2] =	stream.indirect.gather [hbm4b:s2+s9], $0x80, s25, s9, $0xb8;
	[tilespmem:$0x1A600] =	vst v63  }
0x22: {  	s28 =	simm.s32 $0x1A0;
	s31 =	simm.s32 $0xD400  }
0x23: {  	[tilespmem:s31], [sflag:$0x2] =	stream.indirect.gather [hbm4b:s2+s9], $0x80, s28, s9, $0xb8;
	[tilespmem:$0x1A600] =	vst v63  }
0x24: {  	s4 =	simm.s32 $0x40;
	s5 =	simm.s32 $0xE400  }
0x25: {  	[tilespmem:s5], [sflag:$0x3] =	stream.indirect.gather [hbm4b:s2+s9], $0x80, s4, s9, $0xb8;
	[tilespmem:$0x1A600] =	vst v63  }
0x26: {  	s7 =	simm.s32 $0xC0;
	s8 =	simm.s32 $0xF400  }
0x27: {  	[tilespmem:s8], [sflag:$0x3] =	stream.indirect.gather [hbm4b:s2+s9], $0x80, s7, s9, $0xb8;
	[tilespmem:$0x1A600] =	vst v63  }
0x28: {  	s25 =	simm.s32 $0x140;
	s26 =	simm.s32 $0x10400  }
0x29: {  	[tilespmem:s26], [sflag:$0x3] =	stream.indirect.gather [hbm4b:s2+s9], $0x80, s25, s9, $0xb8;
	[tilespmem:$0x1A600] =	vst v63  }
0x2a: {  	s28 =	simm.s32 $0x1C0;
	s31 =	simm.s32 $0x11400;
	s4 =	simm.s32 $0x0  }
0x2b: {  	[tilespmem:s31], [sflag:$0x3] =	stream.indirect.gather [hbm4b:s2+s9], $0x80, s28, s9, $0xb8;
	[tilespmem:$0x1A600] =	vst v63  }
.LBB2_2:
0x2c: {  	s0 =	sshll.u32 s4, $0x9  }
0x2d: {  	s0 =	sand.u32 $0x3FFFFE00, s0  }
0x2e: {  	s5 =	sor.u32 $0x60, s0  }
0x2f: {  	[tilespmem:s1], [sflag:$0x4] =	stream.indirect.gather [hbm4b:s2+s9], $0x80, s5, s9, $0xb8;
	[tilespmem:$0x1A600] =	vst v63  }
0x30: {  	s26 =	sor.u32 $0xE0, s0  }
0x31: {  	[tilespmem:s10], [sflag:$0x4] =	stream.indirect.gather [hbm4b:s2+s9], $0x80, s26, s9, $0xb8;
	[tilespmem:$0x1A600] =	vst v63  }
0x32: {  	s28 =	sor.u32 $0x160, s0  }
0x33: {  	[tilespmem:s11], [sflag:$0x4] =	stream.indirect.gather [hbm4b:s2+s9], $0x80, s28, s9, $0xb8;
	[tilespmem:$0x1A600] =	vst v63  }
0x34: {  	s0 =	sor.u32 $0x1E0, s0  }
0x35: {  	[tilespmem:s12], [sflag:$0x4] =	stream.indirect.gather [hbm4b:s2+s9], $0x80, s0, s9, $0xb8;
	[tilespmem:$0x1A600] =	vst v63  }
0x36: {  	_ =	swait.ge [sflag:s13], $0x1000  }
0x37: {  	[sflag:s13] =	ssyncset.done $0x0  }
0x38: {  	[sflag:s13] =	ssyncadd.s32 $0xFFFFF000  }
0x39: {  	_ =	swait.ge [sflag:s13], $0x1000  }
0x3a: {  	[sflag:s13] =	ssyncset.done $0x0  }
0x3b: {  	[sflag:s13] =	ssyncadd.s32 $0xFFFFF000  }
0x3c: {  	_ =	swait.ge [sflag:s13], $0x1000  }
0x3d: {  	[sflag:s13] =	ssyncset.done $0x0  }
0x3e: {  	[sflag:s13] =	ssyncadd.s32 $0xFFFFF000  }
0x3f: {  	_ =	swait.ge [sflag:s13], $0x1000  }
0x40: {  	p0 =	seq.s32 s4, $0x0;
	[sflag:s13] =	ssyncset.done $0x0  }
0x41: {  	s7 =	simm.s32 @!p0 $0x5;
	[sflag:s13] =	ssyncadd.s32 $0xFFFFF000  }
0x42: {  	s31 =	sadd.s32 s6, s4;
	s8 =	simm.s32 $0x8400;
	_ =	swait.ge @!p0 [sflag:s7], $0x1000  }
0x43: {  	s25 =	simm.s32 $0x16480;
	s5 =	sand.u32 $0x7, s31;
	[sflag:s7] =	ssyncset.done @!p0 $0x0  }
0x44: {  	s0 =	sshrl.u32 s31, $0x3;
	[sflag:s7] =	ssyncadd.s32 @!p0 $0xFFFFF000;
	s7 =	simm.s32 $0xFFFFFFFE  }
.LBB2_3:
0x45: {  	v2 =	vld [tilespmem:s8+$0xFFFFE000]  }
0x46: {  	v3 =	vld [tilespmem:s8+$0xFFFFF000]  }
0x47: {  	v4 =	vld [tilespmem:s8+$0x0]  }
0x48: {  	v5 =	vld [tilespmem:s8+$0x1000]  }
0x49: {  	v6 =	vld [tilespmem:s8+$0xFFFFE010]  }
0x4a: {  	v7 =	vld [tilespmem:s8+$0xFFFFF010]  }
0x4b: {  	v8 =	vld [tilespmem:s8+$0x10]  }
0x4c: {  	v9 =	vld [tilespmem:s8+$0x1010]  }
0x4d: {  	v10 =	vld [tilespmem:s8+$0xFFFFE020]  }
0x4e: {  	v11 =	vld [tilespmem:s8+$0xFFFFF020]  }
0x4f: {  	v12 =	vld [tilespmem:s8+$0x20]  }
0x50: {  	v13 =	vld [tilespmem:s8+$0x1020];
	v2 =	vadd.f32 v3, v2;
	v3 =	vadd.f32 v5, v4  }
0x51: {  	v14 =	vld [tilespmem:s8+$0xFFFFE030]  }
0x52: {  	v21 =	vld [tilespmem:s8+$0xFFFFF030];
	v2 =	vadd.f32 v3, v2  }
0x53: {  	v22 =	vld [tilespmem:s8+$0x30]  }
0x54: {  	v6 =	vadd.f32 v7, v6;
	v23 =	vadd.f32 v9, v8;
	v3 =	vld [tilespmem:s8+$0x1030];
	[tilespmem:s25+$0xFFFFFF80] =	vst v2  }
0x55: {  	v2 =	vld [tilespmem:s8+$0xFFFFE040]  }
0x56: {  	v6 =	vadd.f32 v23, v6;
	v24 =	vld [tilespmem:s8+$0xFFFFF040]  }
0x57: {  	v25 =	vld [tilespmem:s8+$0x40]  }
0x58: {  	v10 =	vadd.f32 v11, v10;
	v27 =	vadd.f32 v13, v12;
	v26 =	vld [tilespmem:s8+$0x1040];
	[tilespmem:s25+$0xFFFFFF90] =	vst v6  }
0x59: {  	v6 =	vld [tilespmem:s8+$0xFFFFE050]  }
0x5a: {  	v10 =	vadd.f32 v27, v10;
	v28 =	vld [tilespmem:s8+$0xFFFFF050]  }
0x5b: {  	v29 =	vld [tilespmem:s8+$0x50]  }
0x5c: {  	v4 =	vadd.f32 v21, v14;
	v30 =	vld [tilespmem:s8+$0x1050];
	[tilespmem:s25+$0xFFFFFFA0] =	vst v10;
	v3 =	vadd.f32 v3, v22  }
0x5d: {  	v10 =	vld [tilespmem:s8+$0xFFFFE060]  }
0x5e: {  	v31 =	vld [tilespmem:s8+$0xFFFFF060];
	v3 =	vadd.f32 v3, v4  }
0x5f: {  	v32 =	vld [tilespmem:s8+$0x60]  }
0x60: {  	v33 =	vld [tilespmem:s8+$0x1060];
	[tilespmem:s25+$0xFFFFFFB0] =	vst v3  }
0x61: {  	v3 =	vld [tilespmem:s8+$0xFFFFE070]  }
0x62: {  	v15 =	vld [tilespmem:s8+$0xFFFFF070]  }
0x63: {  	v16 =	vld [tilespmem:s8+$0x70]  }
0x64: {  	v17 =	vld [tilespmem:s8+$0x1070]  }
0x65: {  	v2 =	vadd.f32 v24, v2;
	v7 =	vadd.f32 v26, v25  }
0x66: {  	v6 =	vadd.f32 v28, v6;
	v34 =	vadd.f32 v30, v29  }
0x67: {  	v2 =	vadd.f32 v7, v2;
	v5 =	vadd.f32 v31, v10  }
0x68: {  	v4 =	vadd.f32 v33, v32;
	v6 =	vadd.f32 v34, v6  }
0x69: {  	v3 =	vadd.f32 v15, v3;
	v35 =	vadd.f32 v17, v16  }
0x6a: {  	[tilespmem:s25+$0xFFFFFFC0] =	vst v2;
	v2 =	vadd.f32 v4, v5  }
0x6b: {  	[tilespmem:s25+$0xFFFFFFD0] =	vst v6;
	v3 =	vadd.f32 v35, v3  }
0x6c: {  	[tilespmem:s25+$0xFFFFFFE0] =	vst v2  }
0x6d: {  	[tilespmem:s25+$0xFFFFFFF0] =	vst v3  }
0x6e: {  	v2 =	vld [tilespmem:s8+$0xFFFFE080]  }
0x6f: {  	v3 =	vld [tilespmem:s8+$0xFFFFF080]  }
0x70: {  	v36 =	vld [tilespmem:s8+$0x80]  }
0x71: {  	v37 =	vld [tilespmem:s8+$0x1080]  }
0x72: {  	v6 =	vld [tilespmem:s8+$0xFFFFE090]  }
0x73: {  	v38 =	vld [tilespmem:s8+$0xFFFFF090]  }
0x74: {  	v39 =	vld [tilespmem:s8+$0x90]  }
0x75: {  	v40 =	vld [tilespmem:s8+$0x1090]  }
0x76: {  	v41 =	vld [tilespmem:s8+$0xFFFFE0A0]  }
0x77: {  	v42 =	vld [tilespmem:s8+$0xFFFFF0A0]  }
0x78: {  	v43 =	vld [tilespmem:s8+$0xA0]  }
0x79: {  	v44 =	vld [tilespmem:s8+$0x10A0];
	v2 =	vadd.f32 v3, v2;
	v3 =	vadd.f32 v37, v36  }
0x7a: {  	v45 =	vld [tilespmem:s8+$0xFFFFE0B0]  }
0x7b: {  	v46 =	vld [tilespmem:s8+$0xFFFFF0B0];
	v2 =	vadd.f32 v3, v2  }
0x7c: {  	v47 =	vld [tilespmem:s8+$0xB0]  }
0x7d: {  	v6 =	vadd.f32 v38, v6;
	v48 =	vadd.f32 v40, v39;
	v3 =	vld [tilespmem:s8+$0x10B0];
	[tilespmem:s25+$0x0] =	vst v2  }
0x7e: {  	v2 =	vld [tilespmem:s8+$0xFFFFE0C0]  }
0x7f: {  	v6 =	vadd.f32 v48, v6;
	v49 =	vld [tilespmem:s8+$0xFFFFF0C0]  }
0x80: {  	v50 =	vld [tilespmem:s8+$0xC0]  }
0x81: {  	v10 =	vadd.f32 v42, v41;
	v52 =	vadd.f32 v44, v43;
	v51 =	vld [tilespmem:s8+$0x10C0];
	[tilespmem:s25+$0x10] =	vst v6  }
0x82: {  	v6 =	vld [tilespmem:s8+$0xFFFFE0D0]  }
0x83: {  	v10 =	vadd.f32 v52, v10;
	v53 =	vld [tilespmem:s8+$0xFFFFF0D0]  }
0x84: {  	v54 =	vld [tilespmem:s8+$0xD0]  }
0x85: {  	v4 =	vadd.f32 v46, v45;
	v55 =	vld [tilespmem:s8+$0x10D0];
	[tilespmem:s25+$0x20] =	vst v10;
	v3 =	vadd.f32 v3, v47  }
0x86: {  	v10 =	vld [tilespmem:s8+$0xFFFFE0E0]  }
0x87: {  	v56 =	vld [tilespmem:s8+$0xFFFFF0E0];
	v3 =	vadd.f32 v3, v4  }
0x88: {  	v57 =	vld [tilespmem:s8+$0xE0]  }
0x89: {  	v58 =	vld [tilespmem:s8+$0x10E0];
	[tilespmem:s25+$0x30] =	vst v3  }
0x8a: {  	v3 =	vld [tilespmem:s8+$0xFFFFE0F0]  }
0x8b: {  	v59 =	vld [tilespmem:s8+$0xFFFFF0F0]  }
0x8c: {  	v60 =	vld [tilespmem:s8+$0xF0]  }
0x8d: {  	v61 =	vld [tilespmem:s8+$0x10F0]  }
0x8e: {  	v2 =	vadd.f32 v49, v2;
	v7 =	vadd.f32 v51, v50  }
0x8f: {  	v6 =	vadd.f32 v53, v6;
	v62 =	vadd.f32 v55, v54  }
0x90: {  	s7 =	sadd.s32 $0x2, s7;
	v2 =	vadd.f32 v7, v2;
	v5 =	vadd.f32 v56, v10  }
0x91: {  	p1 =	slt.u32 s7, $0x1E;
	v4 =	vadd.f32 v58, v57;
	v6 =	vadd.f32 v62, v6  }
.Ltmp0:
0x92: {  	v3 =	vadd.f32 v59, v3;
	v63 =	vadd.f32 v61, v60;
	(pc) =	sbr.rel @p1 .LBB2_3-.Ltmp0, $4  }
0x93: {  	[tilespmem:s25+$0x40] =	vst v2;
	v2 =	vadd.f32 v4, v5  }
0x94: {  	[tilespmem:s25+$0x50] =	vst v6;
	v3 =	vadd.f32 v63, v3  }
0x95: {  	[tilespmem:s25+$0x60] =	vst v2  }
0x96: {  	s8 =	sadd.s32 $0x100, s8;
	[tilespmem:s25+$0x70] =	vst v3;
	s25 =	sadd.s32 $0x100, s25  }
0x97: {  	s5 =	smul.u32 $0x6400, s5;
	_ =	sdelay $0x1  }
0x98: {  	s7 =	sor.u32 s0, s5  }
0x99: {  	v2 =	vadd.s32 s7, v0  }
0x9a: {  	s31 =	sadd.s32 $0x1, s4;
	p1 =	seq.s32 s4, $0x31;
	[tilespmem:$0x1A400] =	vst v2;
	v2 =	vadd.s32 s7, v1  }
0x9b: {  	s4 =	sshll.u32 @!p1 s31, $0x9;
	[tilespmem:$0x1A410] =	vst v2  }
0x9c: {  	[hbm4b:s3+s9] =	stream.indirect.scatter [tilespmem:s15], [sflag:$0x5], $0x80, s14, s9, $0xb8;
	[tilespmem:$0x1A600] =	vst v63  }
0x9d: {  	s8 =	simm.s32 @!p1 $0x6400;
	s4 =	sand.u32 @!p1 $0x3FFFFE00, s4;
	s7 =	simm.s32 @!p1 $0x20  }
0x9e: {  	[tilespmem:s8], [sflag:$0x1] =	stream.indirect.gather @!p1 [hbm4b:s2+s7], $0x80, s4, s7, $0xb8;
	[tilespmem:$0x1A600] =	vst v63  }
0x9f: {  	s25 =	simm.s32 @!p1 $0x7400;
	s8 =	sor.u32 @!p1 $0x80, s4  }
0xa0: {  	[tilespmem:s25], [sflag:$0x1] =	stream.indirect.gather @!p1 [hbm4b:s2+s7], $0x80, s8, s7, $0xb8;
	[tilespmem:$0x1A600] =	vst v63  }
0xa1: {  	s8 =	sor.u32 @!p1 $0x100, s4;
	s25 =	simm.s32 @!p1 $0x8400  }
0xa2: {  	[tilespmem:s25], [sflag:$0x1] =	stream.indirect.gather @!p1 [hbm4b:s2+s7], $0x80, s8, s7, $0xb8;
	[tilespmem:$0x1A600] =	vst v63  }
0xa3: {  	s8 =	sor.u32 @!p1 $0x180, s4;
	s25 =	simm.s32 @!p1 $0x9400  }
0xa4: {  	[tilespmem:s25], [sflag:$0x1] =	stream.indirect.gather @!p1 [hbm4b:s2+s7], $0x80, s8, s7, $0xb8;
	[tilespmem:$0x1A600] =	vst v63  }
0xa5: {  	_ =	swait.ge [sflag:s16], $0x1000  }
0xa6: {  	[sflag:s16] =	ssyncset.done $0x0  }
0xa7: {  	[sflag:s16] =	ssyncadd.s32 $0xFFFFF000  }
0xa8: {  	_ =	swait.ge [sflag:s16], $0x1000  }
0xa9: {  	[sflag:s16] =	ssyncset.done $0x0  }
0xaa: {  	[sflag:s16] =	ssyncadd.s32 $0xFFFFF000  }
0xab: {  	_ =	swait.ge [sflag:s16], $0x1000  }
0xac: {  	[sflag:s16] =	ssyncset.done $0x0  }
0xad: {  	[sflag:s16] =	ssyncadd.s32 $0xFFFFF000  }
0xae: {  	_ =	swait.ge [sflag:s16], $0x1000  }
0xaf: {  	[sflag:s16] =	ssyncset.done $0x0  }
0xb0: {  	s7 =	simm.s32 @!p0 $0x6;
	[sflag:s16] =	ssyncadd.s32 $0xFFFFF000  }
0xb1: {  	_ =	swait.ge @!p0 [sflag:s7], $0x1000  }
0xb2: {  	[sflag:s7] =	ssyncset.done @!p0 $0x0  }
0xb3: {  	s8 =	simm.s32 $0x0;
	[sflag:s7] =	ssyncadd.s32 @!p0 $0xFFFFF000  }
0xb4: {  	v2 =	vld [tilespmem:s8+$0xA4F0]  }
0xb5: {  	v3 =	vld [tilespmem:s8+$0xB4F0]  }
0xb6: {  	v4 =	vld [tilespmem:s8+$0xC4F0]  }
0xb7: {  	v5 =	vld [tilespmem:s8+$0xD4F0]  }
0xb8: {  	v6 =	vld [tilespmem:s8+$0xA400]  }
0xb9: {  	v7 =	vld [tilespmem:s8+$0xB400]  }
0xba: {  	v8 =	vld [tilespmem:s8+$0xC400]  }
0xbb: {  	v9 =	vld [tilespmem:s8+$0xD400]  }
0xbc: {  	v10 =	vld [tilespmem:s8+$0xA410]  }
0xbd: {  	v11 =	vld [tilespmem:s8+$0xA420];
	v2 =	vadd.f32 v3, v2;
	v3 =	vadd.f32 v5, v4  }
0xbe: {  	v4 =	vld [tilespmem:s8+$0xB410]  }
0xbf: {  	v5 =	vld [tilespmem:s8+$0xC410];
	v2 =	vadd.f32 v3, v2  }
0xc0: {  	v3 =	vld [tilespmem:s8+$0xD410]  }
0xc1: {  	[tilespmem:s8+$0x174F0] =	vst v2;
	v2 =	vadd.f32 v7, v6;
	v6 =	vadd.f32 v9, v8;
	v7 =	vld [tilespmem:s8+$0xB420]  }
0xc2: {  	v8 =	vld [tilespmem:s8+$0xC420]  }
0xc3: {  	v9 =	vld [tilespmem:s8+$0xA430];
	v2 =	vadd.f32 v6, v2  }
0xc4: {  	v6 =	vld [tilespmem:s8+$0xD420]  }
0xc5: {  	v3 =	vadd.f32 v3, v5;
	v5 =	vld [tilespmem:s8+$0xC430];
	[tilespmem:s8+$0x17400] =	vst v2;
	v2 =	vadd.f32 v4, v10  }
0xc6: {  	v4 =	vld [tilespmem:s8+$0xB430]  }
0xc7: {  	v10 =	vld [tilespmem:s8+$0xA440];
	v2 =	vadd.f32 v3, v2  }
0xc8: {  	v3 =	vld [tilespmem:s8+$0xD430]  }
0xc9: {  	v6 =	vadd.f32 v6, v8;
	v8 =	vld [tilespmem:s8+$0xC440];
	[tilespmem:s8+$0x17410] =	vst v2;
	v2 =	vadd.f32 v7, v11  }
0xca: {  	v7 =	vld [tilespmem:s8+$0xB440]  }
0xcb: {  	v11 =	vld [tilespmem:s8+$0xA450];
	v2 =	vadd.f32 v6, v2  }
0xcc: {  	v6 =	vld [tilespmem:s8+$0xD440]  }
0xcd: {  	v3 =	vadd.f32 v3, v5;
	v5 =	vld [tilespmem:s8+$0xC450];
	[tilespmem:s8+$0x17420] =	vst v2;
	v2 =	vadd.f32 v4, v9  }
0xce: {  	v4 =	vld [tilespmem:s8+$0xB450]  }
0xcf: {  	v9 =	vld [tilespmem:s8+$0xA460];
	v2 =	vadd.f32 v3, v2  }
0xd0: {  	v3 =	vld [tilespmem:s8+$0xD450]  }
0xd1: {  	v6 =	vadd.f32 v6, v8;
	v8 =	vld [tilespmem:s8+$0xC460];
	[tilespmem:s8+$0x17430] =	vst v2;
	v2 =	vadd.f32 v7, v10  }
0xd2: {  	v7 =	vld [tilespmem:s8+$0xB460]  }
0xd3: {  	v10 =	vld [tilespmem:s8+$0xA470];
	v2 =	vadd.f32 v6, v2  }
0xd4: {  	v6 =	vld [tilespmem:s8+$0xD460]  }
0xd5: {  	v4 =	vadd.f32 v4, v11;
	v11 =	vld [tilespmem:s8+$0xA4B0];
	[tilespmem:s8+$0x17440] =	vst v2;
	v2 =	vadd.f32 v3, v5  }
0xd6: {  	v3 =	vld [tilespmem:s8+$0xB470]  }
0xd7: {  	v5 =	vld [tilespmem:s8+$0xC470];
	v2 =	vadd.f32 v2, v4  }
0xd8: {  	v4 =	vld [tilespmem:s8+$0xD470]  }
0xd9: {  	v6 =	vadd.f32 v6, v8;
	v8 =	vld [tilespmem:s8+$0xB480];
	[tilespmem:s8+$0x17450] =	vst v2;
	v2 =	vadd.f32 v7, v9  }
0xda: {  	v7 =	vld [tilespmem:s8+$0xA480]  }
0xdb: {  	v9 =	vld [tilespmem:s8+$0xD480];
	v2 =	vadd.f32 v6, v2  }
0xdc: {  	v6 =	vld [tilespmem:s8+$0xC480]  }
0xdd: {  	[tilespmem:s8+$0x17460] =	vst v2;
	v2 =	vadd.f32 v3, v10;
	v3 =	vadd.f32 v4, v5;
	v4 =	vld [tilespmem:s8+$0xA490]  }
0xde: {  	v5 =	vld [tilespmem:s8+$0xB490]  }
0xdf: {  	v10 =	vld [tilespmem:s8+$0xD490]  }
0xe0: {  	v7 =	vadd.f32 v8, v7;
	v8 =	vld [tilespmem:s8+$0xB4A0]  }
0xe1: {  	v2 =	vadd.f32 v3, v2;
	v3 =	vld [tilespmem:s8+$0xC490]  }
0xe2: {  	v6 =	vadd.f32 v9, v6;
	v9 =	vld [tilespmem:s8+$0xC4A0]  }
0xe3: {  	[tilespmem:s8+$0x17470] =	vst v2;
	v2 =	vld [tilespmem:s8+$0xA4A0]  }
0xe4: {  	v6 =	vadd.f32 v6, v7;
	v7 =	vld [tilespmem:s8+$0xD4A0]  }
0xe5: {  	v4 =	vadd.f32 v5, v4;
	v5 =	vld [tilespmem:s8+$0xB4B0]  }
0xe6: {  	[tilespmem:s8+$0x17480] =	vst v6;
	v3 =	vadd.f32 v10, v3;
	v6 =	vld [tilespmem:s8+$0xC4B0]  }
0xe7: {  	v10 =	vld [tilespmem:s8+$0xA4C0]  }
0xe8: {  	v3 =	vadd.f32 v3, v4;
	v4 =	vld [tilespmem:s8+$0xD4B0]  }
0xe9: {  	v2 =	vadd.f32 v8, v2;
	v8 =	vld [tilespmem:s8+$0xC4C0]  }
0xea: {  	[tilespmem:s8+$0x17490] =	vst v3;
	v3 =	vadd.f32 v7, v9;
	v7 =	vld [tilespmem:s8+$0xB4C0]  }
0xeb: {  	v9 =	vld [tilespmem:s8+$0xD4C0]  }
0xec: {  	v12 =	vld [tilespmem:s8+$0xA4D0];
	v2 =	vadd.f32 v3, v2  }
0xed: {  	v3 =	vadd.f32 v5, v11;
	v11 =	vld [tilespmem:s8+$0xB4D0];
	v4 =	vadd.f32 v4, v6  }
0xee: {  	v5 =	vld [tilespmem:s8+$0xD4D0]  }
0xef: {  	[tilespmem:s8+$0x174A0] =	vst v2;
	v2 =	vld [tilespmem:s8+$0xC4D0];
	v4 =	vadd.f32 v4, v3  }
0xf0: {  	v6 =	vld [tilespmem:s8+$0xB4E0];
	v7 =	vadd.f32 v7, v10;
	v8 =	vadd.f32 v9, v8  }
0xf1: {  	v3 =	vld [tilespmem:s8+$0xA4E0]  }
0xf2: {  	s25 =	simm.s32 $0x400;
	s7 =	simm.s32 $0x0;
	[tilespmem:s8+$0x174B0] =	vst v4;
	v4 =	vld [tilespmem:s8+$0xC4E0];
	v8 =	vadd.f32 v8, v7;
	v7 =	vadd.f32 v11, v12  }
.LBB2_5:
0xf3: {  	s26 =	sshra.s32 s25, $0x2;
	v9 =	vld [tilespmem:s8+$0xD4E0]  }
0xf4: {  	v10 =	vld [tilespmem:s26+$0xA4F0];
	[tilespmem:s8+$0x174C0] =	vst v8;
	v2 =	vadd.f32 v5, v2  }
0xf5: {  	v5 =	vld [tilespmem:s26+$0xB4F0]  }
0xf6: {  	s7 =	sadd.s32 $0x2, s7;
	v8 =	vld [tilespmem:s26+$0xC4F0];
	v2 =	vadd.f32 v2, v7;
	v3 =	vadd.f32 v6, v3  }
0xf7: {  	p2 =	slt.u32 s7, $0x1E;
	v6 =	vld [tilespmem:s26+$0xD4F0]  }
0xf8: {  	v7 =	vld [tilespmem:s26+$0xA400];
	[tilespmem:s8+$0x174D0] =	vst v2;
	v2 =	vadd.f32 v9, v4  }
0xf9: {  	v4 =	vld [tilespmem:s26+$0xB400]  }
0xfa: {  	v9 =	vld [tilespmem:s26+$0xC400];
	v2 =	vadd.f32 v2, v3  }
0xfb: {  	v3 =	vld [tilespmem:s26+$0xD400]  }
0xfc: {  	v5 =	vadd.f32 v5, v10;
	v11 =	vld [tilespmem:s26+$0xA410];
	v6 =	vadd.f32 v6, v8;
	[tilespmem:s8+$0x174E0] =	vst v2;
	s8 =	smov.u32 s26  }
0xfd: {  	v2 =	vld [tilespmem:s8+$0xB410]  }
0xfe: {  	v8 =	vld [tilespmem:s8+$0xC410];
	v4 =	vadd.f32 v4, v7;
	v5 =	vadd.f32 v6, v5  }
0xff: {  	v6 =	vld [tilespmem:s8+$0xD410]  }
0x100: {  	v7 =	vld [tilespmem:s8+$0xA420];
	v3 =	vadd.f32 v3, v9;
	[tilespmem:s8+$0x174F0] =	vst v5  }
0x101: {  	v5 =	vld [tilespmem:s8+$0xB420]  }
0x102: {  	v9 =	vld [tilespmem:s8+$0xC420];
	v3 =	vadd.f32 v3, v4;
	v2 =	vadd.f32 v2, v11  }
0x103: {  	v4 =	vld [tilespmem:s8+$0xD420]  }
0x104: {  	v10 =	vld [tilespmem:s8+$0xA430];
	[tilespmem:s8+$0x17400] =	vst v3;
	v3 =	vadd.f32 v6, v8  }
0x105: {  	v6 =	vld [tilespmem:s8+$0xB430]  }
0x106: {  	v8 =	vld [tilespmem:s8+$0xC430];
	v2 =	vadd.f32 v3, v2;
	v3 =	vadd.f32 v5, v7  }
0x107: {  	v5 =	vld [tilespmem:s8+$0xD430]  }
0x108: {  	v7 =	vld [tilespmem:s8+$0xA440];
	[tilespmem:s8+$0x17410] =	vst v2;
	v2 =	vadd.f32 v4, v9  }
0x109: {  	v4 =	vld [tilespmem:s8+$0xB440]  }
0x10a: {  	v9 =	vld [tilespmem:s8+$0xC440];
	v2 =	vadd.f32 v2, v3;
	v3 =	vadd.f32 v6, v10  }
0x10b: {  	v6 =	vld [tilespmem:s8+$0xD440]  }
0x10c: {  	v10 =	vld [tilespmem:s8+$0xA450];
	[tilespmem:s8+$0x17420] =	vst v2;
	v2 =	vadd.f32 v5, v8  }
0x10d: {  	v5 =	vld [tilespmem:s8+$0xB450]  }
0x10e: {  	v8 =	vld [tilespmem:s8+$0xC450];
	v2 =	vadd.f32 v2, v3;
	v3 =	vadd.f32 v4, v7  }
0x10f: {  	v4 =	vld [tilespmem:s8+$0xD450]  }
0x110: {  	v7 =	vld [tilespmem:s8+$0xA460];
	[tilespmem:s8+$0x17430] =	vst v2;
	v2 =	vadd.f32 v6, v9  }
0x111: {  	v6 =	vld [tilespmem:s8+$0xB460]  }
0x112: {  	v9 =	vld [tilespmem:s8+$0xC460];
	v2 =	vadd.f32 v2, v3;
	v3 =	vadd.f32 v5, v10  }
0x113: {  	v5 =	vld [tilespmem:s8+$0xD460]  }
0x114: {  	v10 =	vld [tilespmem:s8+$0xA470];
	[tilespmem:s8+$0x17440] =	vst v2;
	v2 =	vadd.f32 v4, v8  }
0x115: {  	v4 =	vld [tilespmem:s8+$0xB470]  }
0x116: {  	v8 =	vld [tilespmem:s8+$0xC470];
	v2 =	vadd.f32 v2, v3;
	v3 =	vadd.f32 v6, v7  }
0x117: {  	v6 =	vld [tilespmem:s8+$0xD470]  }
0x118: {  	[tilespmem:s8+$0x17450] =	vst v2;
	v2 =	vadd.f32 v5, v9;
	v5 =	vld [tilespmem:s8+$0xA480]  }
0x119: {  	v7 =	vld [tilespmem:s8+$0xB480]  }
0x11a: {  	v2 =	vadd.f32 v2, v3;
	v3 =	vadd.f32 v4, v10;
	v4 =	vld [tilespmem:s8+$0xC480]  }
0x11b: {  	v9 =	vld [tilespmem:s8+$0xD480]  }
0x11c: {  	[tilespmem:s8+$0x17460] =	vst v2;
	v2 =	vadd.f32 v6, v8;
	v6 =	vld [tilespmem:s8+$0xA490]  }
0x11d: {  	v8 =	vld [tilespmem:s8+$0xB490]  }
0x11e: {  	v2 =	vadd.f32 v2, v3;
	v3 =	vld [tilespmem:s8+$0xC490];
	v5 =	vadd.f32 v7, v5  }
0x11f: {  	v7 =	vld [tilespmem:s8+$0xD490]  }
0x120: {  	[tilespmem:s8+$0x17470] =	vst v2;
	v2 =	vld [tilespmem:s8+$0xA4A0];
	v4 =	vadd.f32 v9, v4  }
0x121: {  	v9 =	vld [tilespmem:s8+$0xB4A0]  }
0x122: {  	v10 =	vld [tilespmem:s8+$0xC4A0];
	v4 =	vadd.f32 v4, v5;
	v5 =	vadd.f32 v8, v6  }
0x123: {  	v6 =	vld [tilespmem:s8+$0xD4A0]  }
0x124: {  	v8 =	vld [tilespmem:s8+$0xA4B0];
	[tilespmem:s8+$0x17480] =	vst v4;
	v3 =	vadd.f32 v7, v3  }
0x125: {  	v4 =	vld [tilespmem:s8+$0xB4B0]  }
0x126: {  	v7 =	vld [tilespmem:s8+$0xC4B0];
	v3 =	vadd.f32 v3, v5;
	v2 =	vadd.f32 v9, v2  }
0x127: {  	v5 =	vld [tilespmem:s8+$0xD4B0]  }
0x128: {  	v9 =	vld [tilespmem:s8+$0xA4C0];
	[tilespmem:s8+$0x17490] =	vst v3;
	v3 =	vadd.f32 v6, v10  }
0x129: {  	v6 =	vld [tilespmem:s8+$0xB4C0]  }
0x12a: {  	v10 =	vld [tilespmem:s8+$0xC4C0];
	v2 =	vadd.f32 v3, v2;
	v3 =	vadd.f32 v4, v8  }
0x12b: {  	v4 =	vld [tilespmem:s8+$0xD4C0]  }
0x12c: {  	v11 =	vld [tilespmem:s8+$0xA4D0];
	[tilespmem:s8+$0x174A0] =	vst v2;
	v5 =	vadd.f32 v5, v7  }
0x12d: {  	v7 =	vld [tilespmem:s8+$0xB4D0]  }
.Ltmp1:
0x12e: {  	v2 =	vld [tilespmem:s8+$0xC4D0];
	v8 =	vadd.f32 v5, v3;
	v9 =	vadd.f32 v6, v9;
	(pc) =	sbr.rel @p2 .LBB2_5-.Ltmp1, $4  }
0x12f: {  	v5 =	vld [tilespmem:s8+$0xD4D0]  }
0x130: {  	v3 =	vld [tilespmem:s8+$0xA4E0];
	[tilespmem:s8+$0x174B0] =	vst v8;
	v8 =	vadd.f32 v4, v10  }
0x131: {  	v6 =	vld [tilespmem:s8+$0xB4E0]  }
0x132: {  	s25 =	sadd.s32 $0x400, s25;
	v4 =	vld [tilespmem:s8+$0xC4E0];
	v8 =	vadd.f32 v8, v9;
	v7 =	vadd.f32 v7, v11  }
0x133: {  	v9 =	vld [tilespmem:s8+$0xD4E0];
	_ =	sdelay $0x3  }
0x134: {  	v2 =	vadd.f32 v5, v2  }
0x135: {  	v3 =	vadd.f32 v6, v3;
	v4 =	vadd.f32 v9, v4  }
0x136: {  	v2 =	vadd.f32 v2, v7  }
0x137: {  	s7 =	sadd.s32 s5, s0;
	[tilespmem:s8+$0x174C0] =	vst v8;
	v3 =	vadd.f32 v4, v3  }
0x138: {  	s25 =	sadd.s32 $0x1900, s7;
	[tilespmem:s8+$0x174D0] =	vst v2  }
0x139: {  	v2 =	vadd.s32 s25, v0;
	[tilespmem:s8+$0x174E0] =	vst v3  }
0x13a: {  	[tilespmem:$0x1A480] =	vst v2;
	v2 =	vadd.s32 s25, v1  }
0x13b: {  	[tilespmem:$0x1A490] =	vst v2  }
0x13c: {  	[hbm4b:s3+s9] =	stream.indirect.scatter [tilespmem:s18], [sflag:$0x6], $0x80, s17, s9, $0xb8;
	[tilespmem:$0x1A600] =	vst v63  }
0x13d: {  	s26 =	simm.s32 @!p1 $0xA400;
	s8 =	sor.u32 @!p1 $0x20, s4;
	s25 =	simm.s32 @!p1 $0x20  }
0x13e: {  	[tilespmem:s26], [sflag:$0x2] =	stream.indirect.gather @!p1 [hbm4b:s2+s25], $0x80, s8, s25, $0xb8;
	[tilespmem:$0x1A600] =	vst v63  }
0x13f: {  	s8 =	sor.u32 @!p1 $0xA0, s4;
	s26 =	simm.s32 @!p1 $0xB400  }
0x140: {  	[tilespmem:s26], [sflag:$0x2] =	stream.indirect.gather @!p1 [hbm4b:s2+s25], $0x80, s8, s25, $0xb8;
	[tilespmem:$0x1A600] =	vst v63  }
0x141: {  	s8 =	sor.u32 @!p1 $0x120, s4;
	s26 =	simm.s32 @!p1 $0xC400  }
0x142: {  	[tilespmem:s26], [sflag:$0x2] =	stream.indirect.gather @!p1 [hbm4b:s2+s25], $0x80, s8, s25, $0xb8;
	[tilespmem:$0x1A600] =	vst v63  }
0x143: {  	s8 =	sor.u32 @!p1 $0x1A0, s4;
	s26 =	simm.s32 @!p1 $0xD400  }
0x144: {  	[tilespmem:s26], [sflag:$0x2] =	stream.indirect.gather @!p1 [hbm4b:s2+s25], $0x80, s8, s25, $0xb8;
	[tilespmem:$0x1A600] =	vst v63  }
0x145: {  	_ =	swait.ge [sflag:s19], $0x1000  }
0x146: {  	[sflag:s19] =	ssyncset.done $0x0  }
0x147: {  	[sflag:s19] =	ssyncadd.s32 $0xFFFFF000  }
0x148: {  	_ =	swait.ge [sflag:s19], $0x1000  }
0x149: {  	[sflag:s19] =	ssyncset.done $0x0  }
0x14a: {  	[sflag:s19] =	ssyncadd.s32 $0xFFFFF000  }
0x14b: {  	_ =	swait.ge [sflag:s19], $0x1000  }
0x14c: {  	[sflag:s19] =	ssyncset.done $0x0  }
0x14d: {  	[sflag:s19] =	ssyncadd.s32 $0xFFFFF000  }
0x14e: {  	_ =	swait.ge [sflag:s19], $0x1000  }
0x14f: {  	[sflag:s19] =	ssyncset.done $0x0  }
0x150: {  	s8 =	simm.s32 @!p0 $0x7;
	[sflag:s19] =	ssyncadd.s32 $0xFFFFF000  }
0x151: {  	_ =	swait.ge @!p0 [sflag:s8], $0x1000  }
0x152: {  	[sflag:s8] =	ssyncset.done @!p0 $0x0  }
0x153: {  	[sflag:s8] =	ssyncadd.s32 @!p0 $0xFFFFF000;
	s8 =	simm.s32 $0x0  }
0x154: {  	v2 =	vld [tilespmem:s8+$0xE4F0]  }
0x155: {  	v3 =	vld [tilespmem:s8+$0xF4F0]  }
0x156: {  	v4 =	vld [tilespmem:s8+$0x104F0]  }
0x157: {  	v5 =	vld [tilespmem:s8+$0x114F0]  }
0x158: {  	v6 =	vld [tilespmem:s8+$0xE400]  }
0x159: {  	v7 =	vld [tilespmem:s8+$0xF400]  }
0x15a: {  	v8 =	vld [tilespmem:s8+$0x10400]  }
0x15b: {  	v9 =	vld [tilespmem:s8+$0x11400]  }
0x15c: {  	v10 =	vld [tilespmem:s8+$0xE410]  }
0x15d: {  	v11 =	vld [tilespmem:s8+$0xE420];
	v2 =	vadd.f32 v3, v2;
	v3 =	vadd.f32 v5, v4  }
0x15e: {  	v4 =	vld [tilespmem:s8+$0xF410]  }
0x15f: {  	v5 =	vld [tilespmem:s8+$0x10410];
	v2 =	vadd.f32 v3, v2  }
0x160: {  	v3 =	vld [tilespmem:s8+$0x11410]  }
0x161: {  	[tilespmem:s8+$0x184F0] =	vst v2;
	v2 =	vadd.f32 v7, v6;
	v6 =	vadd.f32 v9, v8;
	v7 =	vld [tilespmem:s8+$0xF420]  }
0x162: {  	v8 =	vld [tilespmem:s8+$0x10420]  }
0x163: {  	v9 =	vld [tilespmem:s8+$0xE430];
	v2 =	vadd.f32 v6, v2  }
0x164: {  	v6 =	vld [tilespmem:s8+$0x11420]  }
0x165: {  	v3 =	vadd.f32 v3, v5;
	v5 =	vld [tilespmem:s8+$0x10430];
	[tilespmem:s8+$0x18400] =	vst v2;
	v2 =	vadd.f32 v4, v10  }
0x166: {  	v4 =	vld [tilespmem:s8+$0xF430]  }
0x167: {  	v10 =	vld [tilespmem:s8+$0xE440];
	v2 =	vadd.f32 v3, v2  }
0x168: {  	v3 =	vld [tilespmem:s8+$0x11430]  }
0x169: {  	v6 =	vadd.f32 v6, v8;
	v8 =	vld [tilespmem:s8+$0x10440];
	[tilespmem:s8+$0x18410] =	vst v2;
	v2 =	vadd.f32 v7, v11  }
0x16a: {  	v7 =	vld [tilespmem:s8+$0xF440]  }
0x16b: {  	v11 =	vld [tilespmem:s8+$0xE450];
	v2 =	vadd.f32 v6, v2  }
0x16c: {  	v6 =	vld [tilespmem:s8+$0x11440]  }
0x16d: {  	v3 =	vadd.f32 v3, v5;
	v5 =	vld [tilespmem:s8+$0x10450];
	[tilespmem:s8+$0x18420] =	vst v2;
	v2 =	vadd.f32 v4, v9  }
0x16e: {  	v4 =	vld [tilespmem:s8+$0xF450]  }
0x16f: {  	v9 =	vld [tilespmem:s8+$0xE460];
	v2 =	vadd.f32 v3, v2  }
0x170: {  	v3 =	vld [tilespmem:s8+$0x11450]  }
0x171: {  	v6 =	vadd.f32 v6, v8;
	v8 =	vld [tilespmem:s8+$0x10460];
	[tilespmem:s8+$0x18430] =	vst v2;
	v2 =	vadd.f32 v7, v10  }
0x172: {  	v7 =	vld [tilespmem:s8+$0xF460]  }
0x173: {  	v10 =	vld [tilespmem:s8+$0xE470];
	v2 =	vadd.f32 v6, v2  }
0x174: {  	v6 =	vld [tilespmem:s8+$0x11460]  }
0x175: {  	v4 =	vadd.f32 v4, v11;
	v11 =	vld [tilespmem:s8+$0xE4B0];
	[tilespmem:s8+$0x18440] =	vst v2;
	v2 =	vadd.f32 v3, v5  }
0x176: {  	v3 =	vld [tilespmem:s8+$0xF470]  }
0x177: {  	v5 =	vld [tilespmem:s8+$0x10470];
	v2 =	vadd.f32 v2, v4  }
0x178: {  	v4 =	vld [tilespmem:s8+$0x11470]  }
0x179: {  	v6 =	vadd.f32 v6, v8;
	v8 =	vld [tilespmem:s8+$0xF480];
	[tilespmem:s8+$0x18450] =	vst v2;
	v2 =	vadd.f32 v7, v9  }
0x17a: {  	v7 =	vld [tilespmem:s8+$0xE480]  }
0x17b: {  	v9 =	vld [tilespmem:s8+$0x11480];
	v2 =	vadd.f32 v6, v2  }
0x17c: {  	v6 =	vld [tilespmem:s8+$0x10480]  }
0x17d: {  	[tilespmem:s8+$0x18460] =	vst v2;
	v2 =	vadd.f32 v3, v10;
	v3 =	vadd.f32 v4, v5;
	v4 =	vld [tilespmem:s8+$0xE490]  }
0x17e: {  	v5 =	vld [tilespmem:s8+$0xF490]  }
0x17f: {  	v10 =	vld [tilespmem:s8+$0x11490]  }
0x180: {  	v7 =	vadd.f32 v8, v7;
	v8 =	vld [tilespmem:s8+$0xF4A0]  }
0x181: {  	v2 =	vadd.f32 v3, v2;
	v3 =	vld [tilespmem:s8+$0x10490]  }
0x182: {  	v6 =	vadd.f32 v9, v6;
	v9 =	vld [tilespmem:s8+$0x104A0]  }
0x183: {  	[tilespmem:s8+$0x18470] =	vst v2;
	v2 =	vld [tilespmem:s8+$0xE4A0]  }
0x184: {  	v6 =	vadd.f32 v6, v7;
	v7 =	vld [tilespmem:s8+$0x114A0]  }
0x185: {  	v4 =	vadd.f32 v5, v4;
	v5 =	vld [tilespmem:s8+$0xF4B0]  }
0x186: {  	[tilespmem:s8+$0x18480] =	vst v6;
	v3 =	vadd.f32 v10, v3;
	v6 =	vld [tilespmem:s8+$0x104B0]  }
0x187: {  	v10 =	vld [tilespmem:s8+$0xE4C0]  }
0x188: {  	v3 =	vadd.f32 v3, v4;
	v4 =	vld [tilespmem:s8+$0x114B0]  }
0x189: {  	v2 =	vadd.f32 v8, v2;
	v8 =	vld [tilespmem:s8+$0x104C0]  }
0x18a: {  	[tilespmem:s8+$0x18490] =	vst v3;
	v3 =	vadd.f32 v7, v9;
	v7 =	vld [tilespmem:s8+$0xF4C0]  }
0x18b: {  	v9 =	vld [tilespmem:s8+$0x114C0]  }
0x18c: {  	v12 =	vld [tilespmem:s8+$0xE4D0];
	v2 =	vadd.f32 v3, v2  }
0x18d: {  	v3 =	vadd.f32 v5, v11;
	v11 =	vld [tilespmem:s8+$0xF4D0];
	v4 =	vadd.f32 v4, v6  }
0x18e: {  	v5 =	vld [tilespmem:s8+$0x114D0]  }
0x18f: {  	[tilespmem:s8+$0x184A0] =	vst v2;
	v2 =	vld [tilespmem:s8+$0x104D0];
	v4 =	vadd.f32 v4, v3  }
0x190: {  	v6 =	vld [tilespmem:s8+$0xF4E0];
	v7 =	vadd.f32 v7, v10;
	v8 =	vadd.f32 v9, v8  }
0x191: {  	v3 =	vld [tilespmem:s8+$0xE4E0]  }
0x192: {  	s25 =	simm.s32 $0x0;
	s26 =	simm.s32 $0x400;
	[tilespmem:s8+$0x184B0] =	vst v4;
	v4 =	vld [tilespmem:s8+$0x104E0];
	v8 =	vadd.f32 v8, v7;
	v7 =	vadd.f32 v11, v12  }
.LBB2_7:
0x193: {  	s28 =	sshra.s32 s26, $0x2;
	v9 =	vld [tilespmem:s8+$0x114E0]  }
0x194: {  	v10 =	vld [tilespmem:s28+$0xE4F0];
	[tilespmem:s8+$0x184C0] =	vst v8;
	v2 =	vadd.f32 v5, v2  }
0x195: {  	v5 =	vld [tilespmem:s28+$0xF4F0]  }
0x196: {  	s25 =	sadd.s32 $0x2, s25;
	v8 =	vld [tilespmem:s28+$0x104F0];
	v2 =	vadd.f32 v2, v7;
	v3 =	vadd.f32 v6, v3  }
0x197: {  	p2 =	slt.u32 s25, $0x1E;
	v6 =	vld [tilespmem:s28+$0x114F0]  }
0x198: {  	v7 =	vld [tilespmem:s28+$0xE400];
	[tilespmem:s8+$0x184D0] =	vst v2;
	v2 =	vadd.f32 v9, v4  }
0x199: {  	v4 =	vld [tilespmem:s28+$0xF400]  }
0x19a: {  	v9 =	vld [tilespmem:s28+$0x10400];
	v2 =	vadd.f32 v2, v3  }
0x19b: {  	v3 =	vld [tilespmem:s28+$0x11400]  }
0x19c: {  	v5 =	vadd.f32 v5, v10;
	v11 =	vld [tilespmem:s28+$0xE410];
	v6 =	vadd.f32 v6, v8;
	[tilespmem:s8+$0x184E0] =	vst v2;
	s8 =	smov.u32 s28  }
0x19d: {  	v2 =	vld [tilespmem:s8+$0xF410]  }
0x19e: {  	v8 =	vld [tilespmem:s8+$0x10410];
	v4 =	vadd.f32 v4, v7;
	v5 =	vadd.f32 v6, v5  }
0x19f: {  	v6 =	vld [tilespmem:s8+$0x11410]  }
0x1a0: {  	v7 =	vld [tilespmem:s8+$0xE420];
	v3 =	vadd.f32 v3, v9;
	[tilespmem:s8+$0x184F0] =	vst v5  }
0x1a1: {  	v5 =	vld [tilespmem:s8+$0xF420]  }
0x1a2: {  	v9 =	vld [tilespmem:s8+$0x10420];
	v3 =	vadd.f32 v3, v4;
	v2 =	vadd.f32 v2, v11  }
0x1a3: {  	v4 =	vld [tilespmem:s8+$0x11420]  }
0x1a4: {  	v10 =	vld [tilespmem:s8+$0xE430];
	[tilespmem:s8+$0x18400] =	vst v3;
	v3 =	vadd.f32 v6, v8  }
0x1a5: {  	v6 =	vld [tilespmem:s8+$0xF430]  }
0x1a6: {  	v8 =	vld [tilespmem:s8+$0x10430];
	v2 =	vadd.f32 v3, v2;
	v3 =	vadd.f32 v5, v7  }
0x1a7: {  	v5 =	vld [tilespmem:s8+$0x11430]  }
0x1a8: {  	v7 =	vld [tilespmem:s8+$0xE440];
	[tilespmem:s8+$0x18410] =	vst v2;
	v2 =	vadd.f32 v4, v9  }
0x1a9: {  	v4 =	vld [tilespmem:s8+$0xF440]  }
0x1aa: {  	v9 =	vld [tilespmem:s8+$0x10440];
	v2 =	vadd.f32 v2, v3;
	v3 =	vadd.f32 v6, v10  }
0x1ab: {  	v6 =	vld [tilespmem:s8+$0x11440]  }
0x1ac: {  	v10 =	vld [tilespmem:s8+$0xE450];
	[tilespmem:s8+$0x18420] =	vst v2;
	v2 =	vadd.f32 v5, v8  }
0x1ad: {  	v5 =	vld [tilespmem:s8+$0xF450]  }
0x1ae: {  	v8 =	vld [tilespmem:s8+$0x10450];
	v2 =	vadd.f32 v2, v3;
	v3 =	vadd.f32 v4, v7  }
0x1af: {  	v4 =	vld [tilespmem:s8+$0x11450]  }
0x1b0: {  	v7 =	vld [tilespmem:s8+$0xE460];
	[tilespmem:s8+$0x18430] =	vst v2;
	v2 =	vadd.f32 v6, v9  }
0x1b1: {  	v6 =	vld [tilespmem:s8+$0xF460]  }
0x1b2: {  	v9 =	vld [tilespmem:s8+$0x10460];
	v2 =	vadd.f32 v2, v3;
	v3 =	vadd.f32 v5, v10  }
0x1b3: {  	v5 =	vld [tilespmem:s8+$0x11460]  }
0x1b4: {  	v10 =	vld [tilespmem:s8+$0xE470];
	[tilespmem:s8+$0x18440] =	vst v2;
	v2 =	vadd.f32 v4, v8  }
0x1b5: {  	v4 =	vld [tilespmem:s8+$0xF470]  }
0x1b6: {  	v8 =	vld [tilespmem:s8+$0x10470];
	v2 =	vadd.f32 v2, v3;
	v3 =	vadd.f32 v6, v7  }
0x1b7: {  	v6 =	vld [tilespmem:s8+$0x11470]  }
0x1b8: {  	[tilespmem:s8+$0x18450] =	vst v2;
	v2 =	vadd.f32 v5, v9;
	v5 =	vld [tilespmem:s8+$0xE480]  }
0x1b9: {  	v7 =	vld [tilespmem:s8+$0xF480]  }
0x1ba: {  	v2 =	vadd.f32 v2, v3;
	v3 =	vadd.f32 v4, v10;
	v4 =	vld [tilespmem:s8+$0x10480]  }
0x1bb: {  	v9 =	vld [tilespmem:s8+$0x11480]  }
0x1bc: {  	[tilespmem:s8+$0x18460] =	vst v2;
	v2 =	vadd.f32 v6, v8;
	v6 =	vld [tilespmem:s8+$0xE490]  }
0x1bd: {  	v8 =	vld [tilespmem:s8+$0xF490]  }
0x1be: {  	v2 =	vadd.f32 v2, v3;
	v3 =	vld [tilespmem:s8+$0x10490];
	v5 =	vadd.f32 v7, v5  }
0x1bf: {  	v7 =	vld [tilespmem:s8+$0x11490]  }
0x1c0: {  	[tilespmem:s8+$0x18470] =	vst v2;
	v2 =	vld [tilespmem:s8+$0xE4A0];
	v4 =	vadd.f32 v9, v4  }
0x1c1: {  	v9 =	vld [tilespmem:s8+$0xF4A0]  }
0x1c2: {  	v10 =	vld [tilespmem:s8+$0x104A0];
	v4 =	vadd.f32 v4, v5;
	v5 =	vadd.f32 v8, v6  }
0x1c3: {  	v6 =	vld [tilespmem:s8+$0x114A0]  }
0x1c4: {  	v8 =	vld [tilespmem:s8+$0xE4B0];
	[tilespmem:s8+$0x18480] =	vst v4;
	v3 =	vadd.f32 v7, v3  }
0x1c5: {  	v4 =	vld [tilespmem:s8+$0xF4B0]  }
0x1c6: {  	v7 =	vld [tilespmem:s8+$0x104B0];
	v3 =	vadd.f32 v3, v5;
	v2 =	vadd.f32 v9, v2  }
0x1c7: {  	v5 =	vld [tilespmem:s8+$0x114B0]  }
0x1c8: {  	v9 =	vld [tilespmem:s8+$0xE4C0];
	[tilespmem:s8+$0x18490] =	vst v3;
	v3 =	vadd.f32 v6, v10  }
0x1c9: {  	v6 =	vld [tilespmem:s8+$0xF4C0]  }
0x1ca: {  	v10 =	vld [tilespmem:s8+$0x104C0];
	v2 =	vadd.f32 v3, v2;
	v3 =	vadd.f32 v4, v8  }
0x1cb: {  	v4 =	vld [tilespmem:s8+$0x114C0]  }
0x1cc: {  	v11 =	vld [tilespmem:s8+$0xE4D0];
	[tilespmem:s8+$0x184A0] =	vst v2;
	v5 =	vadd.f32 v5, v7  }
0x1cd: {  	v7 =	vld [tilespmem:s8+$0xF4D0]  }
.Ltmp2:
0x1ce: {  	v2 =	vld [tilespmem:s8+$0x104D0];
	v8 =	vadd.f32 v5, v3;
	v9 =	vadd.f32 v6, v9;
	(pc) =	sbr.rel @p2 .LBB2_7-.Ltmp2, $4  }
0x1cf: {  	v5 =	vld [tilespmem:s8+$0x114D0]  }
0x1d0: {  	v3 =	vld [tilespmem:s8+$0xE4E0];
	[tilespmem:s8+$0x184B0] =	vst v8;
	v8 =	vadd.f32 v4, v10  }
0x1d1: {  	v6 =	vld [tilespmem:s8+$0xF4E0]  }
0x1d2: {  	s26 =	sadd.s32 $0x400, s26;
	v4 =	vld [tilespmem:s8+$0x104E0];
	v8 =	vadd.f32 v8, v9;
	v7 =	vadd.f32 v7, v11  }
0x1d3: {  	v9 =	vld [tilespmem:s8+$0x114E0];
	_ =	sdelay $0x3  }
0x1d4: {  	v2 =	vadd.f32 v5, v2  }
0x1d5: {  	v3 =	vadd.f32 v6, v3;
	v4 =	vadd.f32 v9, v4  }
0x1d6: {  	v2 =	vadd.f32 v2, v7  }
0x1d7: {  	s0 =	sadd.s32 s0, s5;
	[tilespmem:s8+$0x184C0] =	vst v8;
	v3 =	vadd.f32 v4, v3  }
0x1d8: {  	s0 =	sadd.s32 $0x3200, s0;
	[tilespmem:s8+$0x184D0] =	vst v2  }
0x1d9: {  	v2 =	vadd.s32 s0, v0;
	[tilespmem:s8+$0x184E0] =	vst v3  }
0x1da: {  	[tilespmem:$0x1A500] =	vst v2;
	v2 =	vadd.s32 s0, v1  }
0x1db: {  	[tilespmem:$0x1A510] =	vst v2  }
0x1dc: {  	[hbm4b:s3+s9] =	stream.indirect.scatter [tilespmem:s21], [sflag:$0x7], $0x80, s20, s9, $0xb8;
	[tilespmem:$0x1A600] =	vst v63  }
0x1dd: {  	s5 =	simm.s32 @!p1 $0x20;
	s8 =	simm.s32 @!p1 $0xE400;
	s0 =	sor.u32 @!p1 $0x40, s4  }
0x1de: {  	[tilespmem:s8], [sflag:$0x3] =	stream.indirect.gather @!p1 [hbm4b:s2+s5], $0x80, s0, s5, $0xb8;
	[tilespmem:$0x1A600] =	vst v63  }
0x1df: {  	s0 =	sor.u32 @!p1 $0xC0, s4;
	s8 =	simm.s32 @!p1 $0xF400  }
0x1e0: {  	[tilespmem:s8], [sflag:$0x3] =	stream.indirect.gather @!p1 [hbm4b:s2+s5], $0x80, s0, s5, $0xb8;
	[tilespmem:$0x1A600] =	vst v63  }
0x1e1: {  	s0 =	sor.u32 @!p1 $0x140, s4;
	s8 =	simm.s32 @!p1 $0x10400  }
0x1e2: {  	[tilespmem:s8], [sflag:$0x3] =	stream.indirect.gather @!p1 [hbm4b:s2+s5], $0x80, s0, s5, $0xb8;
	[tilespmem:$0x1A600] =	vst v63  }
0x1e3: {  	s0 =	sor.u32 @!p1 $0x1C0, s4;
	s4 =	simm.s32 @!p1 $0x11400  }
0x1e4: {  	[tilespmem:s4], [sflag:$0x3] =	stream.indirect.gather @!p1 [hbm4b:s2+s5], $0x80, s0, s5, $0xb8;
	[tilespmem:$0x1A600] =	vst v63  }
0x1e5: {  	_ =	swait.ge [sflag:s22], $0x1000  }
0x1e6: {  	[sflag:s22] =	ssyncset.done $0x0  }
0x1e7: {  	[sflag:s22] =	ssyncadd.s32 $0xFFFFF000  }
0x1e8: {  	_ =	swait.ge [sflag:s22], $0x1000  }
0x1e9: {  	[sflag:s22] =	ssyncset.done $0x0  }
0x1ea: {  	[sflag:s22] =	ssyncadd.s32 $0xFFFFF000  }
0x1eb: {  	_ =	swait.ge [sflag:s22], $0x1000  }
0x1ec: {  	[sflag:s22] =	ssyncset.done $0x0  }
0x1ed: {  	[sflag:s22] =	ssyncadd.s32 $0xFFFFF000  }
0x1ee: {  	_ =	swait.ge [sflag:s22], $0x1000  }
0x1ef: {  	[sflag:s22] =	ssyncset.done $0x0  }
0x1f0: {  	s0 =	simm.s32 @!p0 $0x8;
	[sflag:s22] =	ssyncadd.s32 $0xFFFFF000  }
0x1f1: {  	_ =	swait.ge @!p0 [sflag:s0], $0x1000  }
0x1f2: {  	[sflag:s0] =	ssyncset.done @!p0 $0x0  }
0x1f3: {  	[sflag:s0] =	ssyncadd.s32 @!p0 $0xFFFFF000;
	s0 =	simm.s32 $0x0  }
0x1f4: {  	v2 =	vld [tilespmem:s0+$0x124F0]  }
0x1f5: {  	v3 =	vld [tilespmem:s0+$0x134F0]  }
0x1f6: {  	v4 =	vld [tilespmem:s0+$0x144F0]  }
0x1f7: {  	v5 =	vld [tilespmem:s0+$0x154F0]  }
0x1f8: {  	v6 =	vld [tilespmem:s0+$0x12400]  }
0x1f9: {  	v7 =	vld [tilespmem:s0+$0x13400]  }
0x1fa: {  	v8 =	vld [tilespmem:s0+$0x14400]  }
0x1fb: {  	v9 =	vld [tilespmem:s0+$0x15400]  }
0x1fc: {  	v10 =	vld [tilespmem:s0+$0x12410]  }
0x1fd: {  	v11 =	vld [tilespmem:s0+$0x12420];
	v2 =	vadd.f32 v3, v2;
	v3 =	vadd.f32 v5, v4  }
0x1fe: {  	v4 =	vld [tilespmem:s0+$0x13410]  }
0x1ff: {  	v5 =	vld [tilespmem:s0+$0x14410];
	v2 =	vadd.f32 v3, v2  }
0x200: {  	v3 =	vld [tilespmem:s0+$0x15410]  }
0x201: {  	[tilespmem:s0+$0x194F0] =	vst v2;
	v2 =	vadd.f32 v7, v6;
	v6 =	vadd.f32 v9, v8;
	v7 =	vld [tilespmem:s0+$0x13420]  }
0x202: {  	v8 =	vld [tilespmem:s0+$0x14420]  }
0x203: {  	v9 =	vld [tilespmem:s0+$0x12430];
	v2 =	vadd.f32 v6, v2  }
0x204: {  	v6 =	vld [tilespmem:s0+$0x15420]  }
0x205: {  	v3 =	vadd.f32 v3, v5;
	v5 =	vld [tilespmem:s0+$0x14430];
	[tilespmem:s0+$0x19400] =	vst v2;
	v2 =	vadd.f32 v4, v10  }
0x206: {  	v4 =	vld [tilespmem:s0+$0x13430]  }
0x207: {  	v10 =	vld [tilespmem:s0+$0x12440];
	v2 =	vadd.f32 v3, v2  }
0x208: {  	v3 =	vld [tilespmem:s0+$0x15430]  }
0x209: {  	v6 =	vadd.f32 v6, v8;
	v8 =	vld [tilespmem:s0+$0x14440];
	[tilespmem:s0+$0x19410] =	vst v2;
	v2 =	vadd.f32 v7, v11  }
0x20a: {  	v7 =	vld [tilespmem:s0+$0x13440]  }
0x20b: {  	v11 =	vld [tilespmem:s0+$0x12450];
	v2 =	vadd.f32 v6, v2  }
0x20c: {  	v6 =	vld [tilespmem:s0+$0x15440]  }
0x20d: {  	v3 =	vadd.f32 v3, v5;
	v5 =	vld [tilespmem:s0+$0x14450];
	[tilespmem:s0+$0x19420] =	vst v2;
	v2 =	vadd.f32 v4, v9  }
0x20e: {  	v4 =	vld [tilespmem:s0+$0x13450]  }
0x20f: {  	v9 =	vld [tilespmem:s0+$0x12460];
	v2 =	vadd.f32 v3, v2  }
0x210: {  	v3 =	vld [tilespmem:s0+$0x15450]  }
0x211: {  	v6 =	vadd.f32 v6, v8;
	v8 =	vld [tilespmem:s0+$0x14460];
	[tilespmem:s0+$0x19430] =	vst v2;
	v2 =	vadd.f32 v7, v10  }
0x212: {  	v7 =	vld [tilespmem:s0+$0x13460]  }
0x213: {  	v10 =	vld [tilespmem:s0+$0x12470];
	v2 =	vadd.f32 v6, v2  }
0x214: {  	v6 =	vld [tilespmem:s0+$0x15460]  }
0x215: {  	v4 =	vadd.f32 v4, v11;
	v11 =	vld [tilespmem:s0+$0x124B0];
	[tilespmem:s0+$0x19440] =	vst v2;
	v2 =	vadd.f32 v3, v5  }
0x216: {  	v3 =	vld [tilespmem:s0+$0x13470]  }
0x217: {  	v5 =	vld [tilespmem:s0+$0x14470];
	v2 =	vadd.f32 v2, v4  }
0x218: {  	v4 =	vld [tilespmem:s0+$0x15470]  }
0x219: {  	v6 =	vadd.f32 v6, v8;
	v8 =	vld [tilespmem:s0+$0x13480];
	[tilespmem:s0+$0x19450] =	vst v2;
	v2 =	vadd.f32 v7, v9  }
0x21a: {  	v7 =	vld [tilespmem:s0+$0x12480]  }
0x21b: {  	v9 =	vld [tilespmem:s0+$0x15480];
	v2 =	vadd.f32 v6, v2  }
0x21c: {  	v6 =	vld [tilespmem:s0+$0x14480]  }
0x21d: {  	[tilespmem:s0+$0x19460] =	vst v2;
	v2 =	vadd.f32 v3, v10;
	v3 =	vadd.f32 v4, v5;
	v4 =	vld [tilespmem:s0+$0x12490]  }
0x21e: {  	v5 =	vld [tilespmem:s0+$0x13490]  }
0x21f: {  	v10 =	vld [tilespmem:s0+$0x15490]  }
0x220: {  	v7 =	vadd.f32 v8, v7;
	v8 =	vld [tilespmem:s0+$0x134A0]  }
0x221: {  	v2 =	vadd.f32 v3, v2;
	v3 =	vld [tilespmem:s0+$0x14490]  }
0x222: {  	v6 =	vadd.f32 v9, v6;
	v9 =	vld [tilespmem:s0+$0x144A0]  }
0x223: {  	[tilespmem:s0+$0x19470] =	vst v2;
	v2 =	vld [tilespmem:s0+$0x124A0]  }
0x224: {  	v6 =	vadd.f32 v6, v7;
	v7 =	vld [tilespmem:s0+$0x154A0]  }
0x225: {  	v4 =	vadd.f32 v5, v4;
	v5 =	vld [tilespmem:s0+$0x134B0]  }
0x226: {  	[tilespmem:s0+$0x19480] =	vst v6;
	v3 =	vadd.f32 v10, v3;
	v6 =	vld [tilespmem:s0+$0x144B0]  }
0x227: {  	v10 =	vld [tilespmem:s0+$0x124C0]  }
0x228: {  	v3 =	vadd.f32 v3, v4;
	v4 =	vld [tilespmem:s0+$0x154B0]  }
0x229: {  	v2 =	vadd.f32 v8, v2;
	v8 =	vld [tilespmem:s0+$0x144C0]  }
0x22a: {  	[tilespmem:s0+$0x19490] =	vst v3;
	v3 =	vadd.f32 v7, v9;
	v7 =	vld [tilespmem:s0+$0x134C0]  }
0x22b: {  	v9 =	vld [tilespmem:s0+$0x154C0]  }
0x22c: {  	v12 =	vld [tilespmem:s0+$0x124D0];
	v2 =	vadd.f32 v3, v2  }
0x22d: {  	v3 =	vadd.f32 v5, v11;
	v11 =	vld [tilespmem:s0+$0x134D0];
	v4 =	vadd.f32 v4, v6  }
0x22e: {  	v5 =	vld [tilespmem:s0+$0x154D0]  }
0x22f: {  	[tilespmem:s0+$0x194A0] =	vst v2;
	v2 =	vld [tilespmem:s0+$0x144D0];
	v4 =	vadd.f32 v4, v3  }
0x230: {  	v6 =	vld [tilespmem:s0+$0x134E0];
	v7 =	vadd.f32 v7, v10;
	v8 =	vadd.f32 v9, v8  }
0x231: {  	v3 =	vld [tilespmem:s0+$0x124E0]  }
0x232: {  	s4 =	simm.s32 $0x0;
	s5 =	simm.s32 $0x400;
	[tilespmem:s0+$0x194B0] =	vst v4;
	v4 =	vld [tilespmem:s0+$0x144E0];
	v8 =	vadd.f32 v8, v7;
	v7 =	vadd.f32 v11, v12  }
.LBB2_9:
0x233: {  	s8 =	sshra.s32 s5, $0x2;
	v9 =	vld [tilespmem:s0+$0x154E0]  }
0x234: {  	v10 =	vld [tilespmem:s8+$0x124F0];
	[tilespmem:s0+$0x194C0] =	vst v8;
	v2 =	vadd.f32 v5, v2  }
0x235: {  	v5 =	vld [tilespmem:s8+$0x134F0]  }
0x236: {  	s4 =	sadd.s32 $0x2, s4;
	v8 =	vld [tilespmem:s8+$0x144F0];
	v2 =	vadd.f32 v2, v7;
	v3 =	vadd.f32 v6, v3  }
0x237: {  	p0 =	slt.u32 s4, $0x1E;
	v6 =	vld [tilespmem:s8+$0x154F0]  }
0x238: {  	v7 =	vld [tilespmem:s8+$0x12400];
	[tilespmem:s0+$0x194D0] =	vst v2;
	v2 =	vadd.f32 v9, v4  }
0x239: {  	v4 =	vld [tilespmem:s8+$0x13400]  }
0x23a: {  	v9 =	vld [tilespmem:s8+$0x14400];
	v2 =	vadd.f32 v2, v3  }
0x23b: {  	v3 =	vld [tilespmem:s8+$0x15400]  }
0x23c: {  	v5 =	vadd.f32 v5, v10;
	v11 =	vld [tilespmem:s8+$0x12410];
	v6 =	vadd.f32 v6, v8;
	[tilespmem:s0+$0x194E0] =	vst v2;
	s0 =	smov.u32 s8  }
0x23d: {  	v2 =	vld [tilespmem:s0+$0x13410]  }
0x23e: {  	v8 =	vld [tilespmem:s0+$0x14410];
	v4 =	vadd.f32 v4, v7;
	v5 =	vadd.f32 v6, v5  }
0x23f: {  	v6 =	vld [tilespmem:s0+$0x15410]  }
0x240: {  	v7 =	vld [tilespmem:s0+$0x12420];
	v3 =	vadd.f32 v3, v9;
	[tilespmem:s0+$0x194F0] =	vst v5  }
0x241: {  	v5 =	vld [tilespmem:s0+$0x13420]  }
0x242: {  	v9 =	vld [tilespmem:s0+$0x14420];
	v3 =	vadd.f32 v3, v4;
	v2 =	vadd.f32 v2, v11  }
0x243: {  	v4 =	vld [tilespmem:s0+$0x15420]  }
0x244: {  	v10 =	vld [tilespmem:s0+$0x12430];
	[tilespmem:s0+$0x19400] =	vst v3;
	v3 =	vadd.f32 v6, v8  }
0x245: {  	v6 =	vld [tilespmem:s0+$0x13430]  }
0x246: {  	v8 =	vld [tilespmem:s0+$0x14430];
	v2 =	vadd.f32 v3, v2;
	v3 =	vadd.f32 v5, v7  }
0x247: {  	v5 =	vld [tilespmem:s0+$0x15430]  }
0x248: {  	v7 =	vld [tilespmem:s0+$0x12440];
	[tilespmem:s0+$0x19410] =	vst v2;
	v2 =	vadd.f32 v4, v9  }
0x249: {  	v4 =	vld [tilespmem:s0+$0x13440]  }
0x24a: {  	v9 =	vld [tilespmem:s0+$0x14440];
	v2 =	vadd.f32 v2, v3;
	v3 =	vadd.f32 v6, v10  }
0x24b: {  	v6 =	vld [tilespmem:s0+$0x15440]  }
0x24c: {  	v10 =	vld [tilespmem:s0+$0x12450];
	[tilespmem:s0+$0x19420] =	vst v2;
	v2 =	vadd.f32 v5, v8  }
0x24d: {  	v5 =	vld [tilespmem:s0+$0x13450]  }
0x24e: {  	v8 =	vld [tilespmem:s0+$0x14450];
	v2 =	vadd.f32 v2, v3;
	v3 =	vadd.f32 v4, v7  }
0x24f: {  	v4 =	vld [tilespmem:s0+$0x15450]  }
0x250: {  	v7 =	vld [tilespmem:s0+$0x12460];
	[tilespmem:s0+$0x19430] =	vst v2;
	v2 =	vadd.f32 v6, v9  }
0x251: {  	v6 =	vld [tilespmem:s0+$0x13460]  }
0x252: {  	v9 =	vld [tilespmem:s0+$0x14460];
	v2 =	vadd.f32 v2, v3;
	v3 =	vadd.f32 v5, v10  }
0x253: {  	v5 =	vld [tilespmem:s0+$0x15460]  }
0x254: {  	v10 =	vld [tilespmem:s0+$0x12470];
	[tilespmem:s0+$0x19440] =	vst v2;
	v2 =	vadd.f32 v4, v8  }
0x255: {  	v4 =	vld [tilespmem:s0+$0x13470]  }
0x256: {  	v8 =	vld [tilespmem:s0+$0x14470];
	v2 =	vadd.f32 v2, v3;
	v3 =	vadd.f32 v6, v7  }
0x257: {  	v6 =	vld [tilespmem:s0+$0x15470]  }
0x258: {  	[tilespmem:s0+$0x19450] =	vst v2;
	v2 =	vadd.f32 v5, v9;
	v5 =	vld [tilespmem:s0+$0x12480]  }
0x259: {  	v7 =	vld [tilespmem:s0+$0x13480]  }
0x25a: {  	v2 =	vadd.f32 v2, v3;
	v3 =	vadd.f32 v4, v10;
	v4 =	vld [tilespmem:s0+$0x14480]  }
0x25b: {  	v9 =	vld [tilespmem:s0+$0x15480]  }
0x25c: {  	[tilespmem:s0+$0x19460] =	vst v2;
	v2 =	vadd.f32 v6, v8;
	v6 =	vld [tilespmem:s0+$0x12490]  }
0x25d: {  	v8 =	vld [tilespmem:s0+$0x13490]  }
0x25e: {  	v2 =	vadd.f32 v2, v3;
	v3 =	vld [tilespmem:s0+$0x14490];
	v5 =	vadd.f32 v7, v5  }
0x25f: {  	v7 =	vld [tilespmem:s0+$0x15490]  }
0x260: {  	[tilespmem:s0+$0x19470] =	vst v2;
	v2 =	vld [tilespmem:s0+$0x124A0];
	v4 =	vadd.f32 v9, v4  }
0x261: {  	v9 =	vld [tilespmem:s0+$0x134A0]  }
0x262: {  	v10 =	vld [tilespmem:s0+$0x144A0];
	v4 =	vadd.f32 v4, v5;
	v5 =	vadd.f32 v8, v6  }
0x263: {  	v6 =	vld [tilespmem:s0+$0x154A0]  }
0x264: {  	v8 =	vld [tilespmem:s0+$0x124B0];
	[tilespmem:s0+$0x19480] =	vst v4;
	v3 =	vadd.f32 v7, v3  }
0x265: {  	v4 =	vld [tilespmem:s0+$0x134B0]  }
0x266: {  	v7 =	vld [tilespmem:s0+$0x144B0];
	v3 =	vadd.f32 v3, v5;
	v2 =	vadd.f32 v9, v2  }
0x267: {  	v5 =	vld [tilespmem:s0+$0x154B0]  }
0x268: {  	v9 =	vld [tilespmem:s0+$0x124C0];
	[tilespmem:s0+$0x19490] =	vst v3;
	v3 =	vadd.f32 v6, v10  }
0x269: {  	v6 =	vld [tilespmem:s0+$0x134C0]  }
0x26a: {  	v10 =	vld [tilespmem:s0+$0x144C0];
	v2 =	vadd.f32 v3, v2;
	v3 =	vadd.f32 v4, v8  }
0x26b: {  	v4 =	vld [tilespmem:s0+$0x154C0]  }
0x26c: {  	v11 =	vld [tilespmem:s0+$0x124D0];
	[tilespmem:s0+$0x194A0] =	vst v2;
	v5 =	vadd.f32 v5, v7  }
0x26d: {  	v7 =	vld [tilespmem:s0+$0x134D0]  }
.Ltmp3:
0x26e: {  	v2 =	vld [tilespmem:s0+$0x144D0];
	v8 =	vadd.f32 v5, v3;
	v9 =	vadd.f32 v6, v9;
	(pc) =	sbr.rel @p0 .LBB2_9-.Ltmp3, $4  }
0x26f: {  	v5 =	vld [tilespmem:s0+$0x154D0]  }
0x270: {  	v3 =	vld [tilespmem:s0+$0x124E0];
	[tilespmem:s0+$0x194B0] =	vst v8;
	v8 =	vadd.f32 v4, v10  }
0x271: {  	v6 =	vld [tilespmem:s0+$0x134E0]  }
0x272: {  	s5 =	sadd.s32 $0x400, s5;
	v4 =	vld [tilespmem:s0+$0x144E0];
	v8 =	vadd.f32 v8, v9;
	v7 =	vadd.f32 v7, v11  }
0x273: {  	v9 =	vld [tilespmem:s0+$0x154E0];
	_ =	sdelay $0x3  }
0x274: {  	v2 =	vadd.f32 v5, v2  }
0x275: {  	v3 =	vadd.f32 v6, v3;
	v4 =	vadd.f32 v9, v4  }
0x276: {  	v2 =	vadd.f32 v2, v7  }
0x277: {  	p0 =	sne.s32 s31, $0x32;
	[tilespmem:s0+$0x194C0] =	vst v8;
	v3 =	vadd.f32 v4, v3  }
.Ltmp4:
0x278: {  	s4 =	sadd.s32 $0x4B00, s7;
	[tilespmem:s0+$0x194D0] =	vst v2;
	(pc) =	sbr.rel @p0 .LBB2_2-.Ltmp4, $4  }
0x279: {  	v2 =	vadd.s32 s4, v0;
	[tilespmem:s0+$0x194E0] =	vst v3  }
0x27a: {  	[tilespmem:$0x1A580] =	vst v2;
	v2 =	vadd.s32 s4, v1  }
0x27b: {  	s4 =	smov.u32 s31;
	[tilespmem:$0x1A590] =	vst v2  }
0x27c: {  	[hbm4b:s3+s9] =	stream.indirect.scatter [tilespmem:s24], [sflag:$0x8], $0x80, s23, s9, $0xb8;
	[tilespmem:$0x1A600] =	vst v63  }
0x27d: {  	s0 =	simm.s32 $0x5  }
0x27e: {  	_ =	swait.ge [sflag:s0], $0x1000  }
0x27f: {  	[sflag:s0] =	ssyncset.done $0x0  }
0x280: {  	s26 =	simm.s32 $0x6;
	[sflag:s0] =	ssyncadd.s32 $0xFFFFF000  }
0x281: {  	_ =	swait.ge [sflag:s26], $0x1000  }
0x282: {  	[sflag:s26] =	ssyncset.done $0x0  }
0x283: {  	s28 =	simm.s32 $0x7;
	[sflag:s26] =	ssyncadd.s32 $0xFFFFF000  }
0x284: {  	_ =	swait.ge [sflag:s28], $0x1000  }
0x285: {  	[sflag:s28] =	ssyncset.done $0x0  }
0x286: {  	[sflag:s28] =	ssyncadd.s32 $0xFFFFF000  }
0x287: {  	_ =	swait.ge [sflag:s29], $0x1000  }
0x288: {  	s30 =	sadd.s32 $0x1, s30;
	s31 =	rddreg [dreg:$0x5]  }
0x289: {  	p0 =	sne.s32 s30, s31  }
.Ltmp5:
0x28a: {  	_ = 	snop;
	(pc) =	sbr.rel @p0 .LBB2_1-.Ltmp5, $3  }
0x28b: {  	_ =	sdelay $0x1  }
0x28c: {  	[sflag:s29] =	ssyncset.done $0x0  }
0x28d: {  	[sflag:s29] =	ssyncadd.s32 $0xFFFFF000  }
0x28e: {  	_ =	sfence.sel $0x180000  }
0x28f: {  	[bflag:$0x0] =	sbarrier.arrive $0xFFFF  }
0x290: {  	_ =	strace $0x90000047  }
0x291: {  	s0 =	stileid.u32;
	[bflag:$0x2] =	sbarrier.arrive $0xFFFF  }
0x292: {  	p0 =	sne.s32 s0, $0x0;
	s0 =	rddreg [dreg:$0x3]  }
0x293: {  	s0 =	sadd.s32 @!p0 $0x100000, s0  }
0x294: {  	[sflag:s0] =	ssyncadd.tile.s32 @!p0 $0x1;
	_ =	shalt  }
.Lfunc_end2:
_tile_overlayer_lowered:
.L_overlay_start_2:
0x295: {  	(tag) =	ssettag $0x2  }
0x296: {  	s0 =	rddreg [dreg:$0x0];
	s2 =	stileid.u32  }
0x297: {  	s1 =	rddreg [dreg:$0x1];
	p0 =	sne.s32 s2, $0x0  }
0x298: {  	s3 =	rddreg [dreg:$0x2];
	[bflag:$0x3] =	sbarrier.arrive $0xFFFF;
	s2 =	simm.s32 @!p0 $0x1C09  }
0x299: {  	[timem:s3], [sflag:s2] =	dma.local @!p0 [hbm:s0], s1  }
0x29a: {  	s0 =	simm.s32 @!p0 $0x9  }
0x29b: {  	_ =	swait.ge @!p0 [sflag:s0], s1  }
0x29c: {  	s1 =	ssub.s32 @!p0 $0x0, s1;
	[sflag:s0] =	ssyncset.done @!p0 $0x0  }
0x29d: {  	[sflag:s0] =	ssyncadd.s32 @!p0 s1  }
0x29e: {  	[bflag:$0x3] =	sbarrier.arrive $0xFFFF  }
0x29f: {  	_ =	shalt  }

</sc_bundles>
